<compile_context>
chip_gen: v7x
topology: tpu7x:2x2x1
jax: 0.10.2.dev20260603
libtpu: 0.0.44.dev20260713+nightly
codegen_flags: <defaults>
</compile_context>

<pallas_src>
import functools

import jax
import jax.numpy as jnp
from jax import lax
from jax.experimental import pallas as pl
from jax.experimental.pallas import tpu as pltpu
from jax.experimental.pallas import tpu_sc as plsc

N = 10000
E = 320000
D = 128
DE = 16
H = 128
G = 64

_info = plsc.get_sparse_core_info()
NC = _info.num_cores
NS = _info.num_subcores
NW = NC * NS
EPW = E // NW
CH = 40
NCHUNK = EPW // CH
CHS = 80
NCHS = EPW // CHS
ZR = 40
WTILES = 10
RPS = N // WTILES

_mesh = plsc.VectorSubcoreMesh(core_axis_name="c", subcore_axis_name="s")


def _tables_body(x_ref, wd_ref, ws_ref, b_ref, td_ref, ts_ref):
    xb = x_ref[...].astype(jnp.bfloat16)
    td_ref[...] = (
        jnp.dot(xb, wd_ref[...].astype(jnp.bfloat16),
                preferred_element_type=jnp.float32) + b_ref[...]
    )
    ts_ref[...] = jnp.dot(
        xb, ws_ref[...].astype(jnp.bfloat16),
        preferred_element_type=jnp.float32,
    )


def _tables(x, wd, wsr, bcat):
    bm = 1000
    return pl.pallas_call(
        _tables_body,
        grid=(N // bm,),
        in_specs=[
            pl.BlockSpec((bm, D), lambda i: (i, 0)),
            pl.BlockSpec((D, 2 * D), lambda i: (0, 0)),
            pl.BlockSpec((D, 2 * D), lambda i: (0, 0)),
            pl.BlockSpec((1, 2 * D), lambda i: (0, 0)),
        ],
        out_specs=[
            pl.BlockSpec((bm, 2 * D), lambda i: (i, 0)),
            pl.BlockSpec((bm, 2 * D), lambda i: (i, 0)),
        ],
        out_shape=[
            jax.ShapeDtypeStruct((N, 2 * D), jnp.float32),
            jax.ShapeDtypeStruct((N, 2 * D), jnp.float32),
        ],
    )(x, wd, wsr, bcat)


NBUF = 3
AHEAD = 2
NCMAIN = NCHUNK - (NCHUNK % NBUF)


@functools.partial(
    pl.kernel,
    out_type=jax.ShapeDtypeStruct((E, 2 * D), jnp.float32),
    mesh=_mesh,
    scratch_types=[
        pltpu.VMEM((NCHUNK, CH), jnp.int32),
        pltpu.VMEM((NCHUNK, CH), jnp.int32),
        pltpu.VMEM((NBUF, CH, 2 * D), jnp.float32),
        pltpu.VMEM((NBUF, CH, 2 * D), jnp.float32),
        pltpu.SemaphoreType.DMA((NBUF,)),
        pltpu.SemaphoreType.DMA((NBUF,)),
    ],
)
def _gather_k(td_hbm, ts_hbm, dst_hbm, src_hbm, g_hbm, idxd, idxs,
              bufd, bufs, sg, sw):
    wid = lax.axis_index("s") * NC + lax.axis_index("c")
    pltpu.sync_copy(dst_hbm.at[wid], idxd)
    pltpu.sync_copy(src_hbm.at[wid], idxs)
    base = wid * EPW

    def gathers(c, slot):
        return (
            pltpu.make_async_copy(td_hbm.at[idxd.at[c]], bufd.at[slot],
                                  sg.at[slot]),
            pltpu.make_async_copy(ts_hbm.at[idxs.at[c]], bufs.at[slot],
                                  sg.at[slot]),
        )

    def write(c, slot):
        rows = pl.ds(base + c * CH, CH)
        return pltpu.make_async_copy(bufd.at[slot], g_hbm.at[rows],
                                     sw.at[slot])

    def add_into(slot):
        def add_row(r, _):
            for j in range(2 * D // 16):
                sl = pl.ds(j * 16, 16)
                bufd[slot, r, sl] = bufd[slot, r, sl] + bufs[slot, r, sl]
            return 0

        lax.fori_loop(0, CH, add_row, 0, unroll=2)

    for i in range(AHEAD):
        ga, gb = gathers(i, i)
        ga.start()
        gb.start()

    def outer(cc, _):
        for i in range(NBUF):
            c = cc * NBUF + i
            ga, gb = gathers(c, i)
            ga.wait()
            gb.wait()
            add_into(i)
            write(c, i).start()
            j = (i + AHEAD) % NBUF
            cn = c + AHEAD

            @pl.when(cn >= NBUF)
            def _drain():
                write(cn - NBUF, j).wait()

            @pl.when(cn < NCMAIN)
            def _prefetch():
                na, nb = gathers(cn, j)
                na.start()
                nb.start()
        return 0

    lax.fori_loop(0, NCMAIN // NBUF, outer, 0)
    for k in range(NBUF - AHEAD):
        c = NCMAIN - (NBUF - AHEAD) + k
        write(c, c % NBUF).wait()
    for t in range(NCHUNK - NCMAIN):
        c = NCMAIN + t
        ga, gb = gathers(c, t)
        ga.start()
        gb.start()
        ga.wait()
        gb.wait()
        add_into(t)
        write(c, t).start()
        write(c, t).wait()


def _zz_body(g_ref, ea_ref, we_ref, zz_ref):
    ew = jnp.dot(ea_ref[...].astype(jnp.bfloat16),
                 we_ref[...].astype(jnp.bfloat16),
                 preferred_element_type=jnp.float32)
    zz_ref[...] = g_ref[...] + ew


def _edge_zz(g, ea, we):
    bm = 4000
    return pl.pallas_call(
        _zz_body,
        grid=(E // bm,),
        in_specs=[
            pl.BlockSpec((bm, 2 * D), lambda i: (i, 0)),
            pl.BlockSpec((bm, DE), lambda i: (i, 0)),
            pl.BlockSpec((DE, 2 * D), lambda i: (0, 0)),
        ],
        out_specs=pl.BlockSpec((bm, 2 * D), lambda i: (i, 0)),
        out_shape=jax.ShapeDtypeStruct((E, 2 * D), jnp.float32),
    )(g, ea, we)


@functools.partial(
    pl.kernel,
    out_type=jax.ShapeDtypeStruct((NC, N, D), jnp.float32),
    mesh=_mesh,
    scratch_types=[
        pltpu.VMEM((NCHS, CHS), jnp.int32),
        pltpu.VMEM((CHS, D), jnp.float32),
        pltpu.VMEM((ZR, D), jnp.float32),
        pltpu.VMEM_SHARED((N, D), jnp.float32),
        pltpu.SemaphoreType.DMA,
    ],
)
def _scatter_k(msg_hbm, dst_hbm, aggp_hbm, idxd, mbuf, zbuf, aggsh, sem):
    cid = lax.axis_index("c")
    sid = lax.axis_index("s")
    wid = sid * NC + cid

    def zrow(i, _):
        for j in range(D // 16):
            zbuf[i, pl.ds(j * 16, 16)] = jnp.zeros((16,), jnp.float32)
        return 0

    lax.fori_loop(0, ZR, zrow, 0)

    @pl.when(sid < WTILES)
    def _init():
        for t in range(RPS // ZR):
            pltpu.sync_copy(zbuf, aggsh.at[pl.ds(sid * RPS + t * ZR, ZR)])

    plsc.subcore_barrier()

    pltpu.sync_copy(dst_hbm.at[wid], idxd)

    def chunk(c, _):
        pltpu.sync_copy(msg_hbm.at[pl.ds(wid * EPW + c * CHS, CHS)], mbuf)
        pltpu.sync_copy(mbuf, aggsh.at[idxd.at[c]], add=True)
        return 0

    lax.fori_loop(0, NCHS, chunk, 0)
    plsc.subcore_barrier()

    @pl.when(sid < WTILES)
    def _writeout():
        pltpu.sync_copy(
            aggsh.at[pl.ds(sid * RPS, RPS)],
            aggp_hbm.at[cid, pl.ds(sid * RPS, RPS)],
        )


def _head1_body(h_ref, w1_ref, b1_ref, z_ref):
    z_ref[...] = (
        jnp.dot(h_ref[...].astype(jnp.bfloat16),
                w1_ref[...].astype(jnp.bfloat16),
                preferred_element_type=jnp.float32) + b1_ref[...]
    )


def _head1(h, w1, b1):
    return pl.pallas_call(
        _head1_body,
        out_shape=jax.ShapeDtypeStruct((N, H), jnp.float32),
    )(h, w1, b1)


def _head2_body(h2_ref, b_ref, w2_ref, b2_ref, out_ref):
    oh = (
        b_ref[...] == lax.broadcasted_iota(jnp.int32, (N, G), 1)
    ).astype(jnp.float32)
    pooled = lax.dot_general(
        oh, h2_ref[...], (((0,), (0,)), ((), ())),
        preferred_element_type=jnp.float32,
        precision=lax.Precision.HIGHEST,
    )
    out = jnp.dot(pooled.astype(jnp.bfloat16), w2_ref[...].astype(jnp.bfloat16),
                  preferred_element_type=jnp.float32)
    out_ref[...] = jnp.maximum(out + b2_ref[...], 0.0)


def _head2(h2, batch2d, w2, b2):
    return pl.pallas_call(
        _head2_body,
        out_shape=jax.ShapeDtypeStruct((G, 1), jnp.float32),
    )(h2, batch2d, w2, b2)


def kernel(x, edge_index, edge_attr, batch, Wf, bf, Ws, bs, W1, b1, W2, b2):
    src = edge_index[0]
    dst = edge_index[1]
    wd = jnp.concatenate([Wf[:D], Ws[:D]], axis=1)
    wsr = jnp.concatenate([Wf[D : 2 * D], Ws[D : 2 * D]], axis=1)
    we = jnp.concatenate([Wf[2 * D :], Ws[2 * D :]], axis=1)
    bcat = jnp.concatenate([bf, bs]).reshape(1, 2 * D)
    td, ts = _tables(x, wd, wsr, bcat)
    dst3 = dst.reshape(NW, NCHUNK, CH)
    src3 = src.reshape(NW, NCHUNK, CH)
    g = _gather_k(td, ts, dst3, src3)
    zz = _edge_zz(g, edge_attr, we)
    msg = jax.nn.sigmoid(zz[:, :D]) * jax.nn.softplus(zz[:, D:])
    aggp = _scatter_k(msg, dst.reshape(NW, NCHS, CHS))
    h = jax.nn.sigmoid(x + aggp[0] + aggp[1])
    z2 = _head1(h, W1, b1.reshape(1, H))
    h2 = jax.nn.sigmoid(z2)
    return _head2(h2, batch.reshape(N, 1), W2, b2.reshape(1, 1))

# --- scband reference (transcript-rebuilt; emitter-appended) ---
"""Pipeline reference for scband-polyhedron-model-59158879535845 (READ-ONLY COPY).

The authoritative reference and input builder live on the scoring server;
editing this copy changes nothing except your own understanding.
"""

import jax, jax.numpy as jnp
import numpy as np

N = 10000
E = 320000
D = 128
DE = 16
H = 128
G = 64


def setup_inputs(seed: int = 0) -> dict:
    key = jax.random.key(seed)
    ks = jax.random.split(key, 10)
    x = jax.random.normal(ks[0], (N, D), dtype=jnp.float32)
    edge_index = jax.random.randint(ks[1], (2, E), 0, N, dtype=jnp.int32)
    edge_attr = jax.random.normal(ks[2], (E, DE), dtype=jnp.float32)
    batch = jnp.sort(jax.random.randint(ks[3], (N,), 0, G, dtype=jnp.int32))
    Wf = jax.random.normal(ks[4], (2 * D + DE, D), dtype=jnp.float32) * 0.05
    bf = jnp.zeros((D,), dtype=jnp.float32)
    Ws = jax.random.normal(ks[5], (2 * D + DE, D), dtype=jnp.float32) * 0.05
    bs = jnp.zeros((D,), dtype=jnp.float32)
    W1 = jax.random.normal(ks[6], (D, H), dtype=jnp.float32) * 0.05
    b1 = jnp.zeros((H,), dtype=jnp.float32)
    W2 = jax.random.normal(ks[7], (H, 1), dtype=jnp.float32) * 0.05
    b2 = jnp.zeros((1,), dtype=jnp.float32)
    return {"x": x, "edge_index": edge_index, "edge_attr": edge_attr, "batch": batch,
            "Wf": Wf, "bf": bf, "Ws": Ws, "bs": bs,
            "W1": W1, "b1": b1, "W2": W2, "b2": b2}


def reference(x, edge_index, edge_attr, batch, Wf, bf, Ws, bs, W1, b1, W2, b2):
    # PyG CGConv (aggr='add'): x_i' = x_i + sum_{j->i} sigmoid(z W_f + b_f) * softplus(z W_s + b_s)
    # with z = [x_i, x_j, e_ij]; edge_index[0]=source j, edge_index[1]=target i
    src = edge_index[0]
    dst = edge_index[1]
    z = jnp.concatenate([jnp.take(x, dst, axis=0), jnp.take(x, src, axis=0), edge_attr], axis=-1)
    msg = jax.nn.sigmoid(z @ Wf + bf) * jax.nn.softplus(z @ Ws + bs)
    agg = jax.ops.segment_sum(msg, dst, num_segments=N)
    h = x + agg
    # forward(): sigmoid -> linear_1 -> sigmoid -> global_add_pool -> out_layer -> relu
    h = jax.nn.sigmoid(h)
    h = h @ W1 + b1
    h = jax.nn.sigmoid(h)
    pooled = jax.ops.segment_sum(h, batch, num_segments=G)
    out = pooled @ W2 + b2
    out = jax.nn.relu(out)
    return out

if __name__ == "__main__":
    import jax
    _d = setup_inputs()
    print(jax.jit(kernel)(*tuple(_d.values())))

</pallas_src>

<mosaic_0001>
#map = affine_map<(d0, d1) -> (0, 0)>
#map1 = affine_map<(d0, d1) -> (0, 0, 0)>
module attributes {stable_mosaic.version = 14 : i64} {
  func.func @_gather_k(%arg0: i32, %arg1: i32, %arg2: memref<10000x256xf32, #tpu.memory_space<hbm>>, %arg3: memref<10000x256xf32, #tpu.memory_space<hbm>>, %arg4: memref<32x250x40xi32, #tpu.memory_space<hbm>>, %arg5: memref<32x250x40xi32, #tpu.memory_space<hbm>>, %arg6: memref<320000x256xf32, #tpu.memory_space<hbm>>, %arg7: memref<250x40xi32, #tpu.memory_space<vmem>>, %arg8: memref<250x40xi32, #tpu.memory_space<vmem>>, %arg9: memref<3x40x256xf32, #tpu.memory_space<vmem>>, %arg10: memref<3x40x256xf32, #tpu.memory_space<vmem>>, %arg11: memref<3x!tpu.dma_semaphore, #tpu.memory_space<semaphore_mem>>, %arg12: memref<3x!tpu.dma_semaphore, #tpu.memory_space<semaphore_mem>>) attributes {dimension_semantics = [#tpu.dimension_semantics<core_parallel>, #tpu.dimension_semantics<subcore_parallel>], iteration_bounds = array<i64: 2, 16>, scalar_prefetch = 0 : i64, scratch_operands = 6 : i64, tpu.core_type = #tpu.core_type<sc_vector_subcore>, window_params = [{transform_indices = #map}, {transform_indices = #map}, {transform_indices = #map1}, {transform_indices = #map1}, {transform_indices = #map}]} {
    %mul3A = arith.constant 2 : i32
    %mul3A_0 = arith.muli %arg1, %mul3A : i32
    %add3A = arith.addi %mul3A_0, %arg0 : i32
    "tpu.region"() ({
      %run_scoped3A = tpu.sem_alloc : memref<!tpu.dma_semaphore, #tpu.memory_space<semaphore_mem>>
      %dma_start3A_188 = arith.constant 0 : i32
      %dma_start3A_189 = arith.constant 0 : i32
      %dma_start3A_190 = tpu.memref_slice %arg4[%add3A, %dma_start3A_188, %dma_start3A_189] : memref<32x250x40xi32, #tpu.memory_space<hbm>> -> memref<1x250x40xi32, #tpu.memory_space<hbm>>
      %dma_start3A_191 = tpu.memref_squeeze %dma_start3A_190 : memref<1x250x40xi32, #tpu.memory_space<hbm>> -> memref<250x40xi32, #tpu.memory_space<hbm>>
      %dma_start3A_192 = arith.constant 0 : i32
      %dma_start3A_193 = arith.constant 0 : i32
      %dma_start3A_194 = tpu.memref_slice %arg4[%add3A, %dma_start3A_192, %dma_start3A_193] : memref<32x250x40xi32, #tpu.memory_space<hbm>> -> memref<1x250x40xi32, #tpu.memory_space<hbm>>
      %dma_start3A_195 = tpu.memref_squeeze %dma_start3A_194 : memref<1x250x40xi32, #tpu.memory_space<hbm>> -> memref<250x40xi32, #tpu.memory_space<hbm>>
      tpu.enqueue_dma source(%dma_start3A_195 : memref<250x40xi32, #tpu.memory_space<hbm>>) target(%arg7 : memref<250x40xi32, #tpu.memory_space<vmem>>) target_semaphore(%run_scoped3A : memref<!tpu.dma_semaphore, #tpu.memory_space<semaphore_mem>>)
      %dma_wait3A_196 = arith.constant 0 : i32
      %dma_wait3A_197 = arith.constant 0 : i32
      %dma_wait3A_198 = tpu.memref_slice %arg4[%add3A, %dma_wait3A_196, %dma_wait3A_197] : memref<32x250x40xi32, #tpu.memory_space<hbm>> -> memref<1x250x40xi32, #tpu.memory_space<hbm>>
      %dma_wait3A_199 = tpu.memref_squeeze %dma_wait3A_198 : memref<1x250x40xi32, #tpu.memory_space<hbm>> -> memref<250x40xi32, #tpu.memory_space<hbm>>
      %dma_wait3A_200 = arith.constant 0 : i32
      %dma_wait3A_201 = arith.constant 0 : i32
      %dma_wait3A_202 = tpu.memref_slice %arg4[%add3A, %dma_wait3A_200, %dma_wait3A_201] : memref<32x250x40xi32, #tpu.memory_space<hbm>> -> memref<1x250x40xi32, #tpu.memory_space<hbm>>
      %dma_wait3A_203 = tpu.memref_squeeze %dma_wait3A_202 : memref<1x250x40xi32, #tpu.memory_space<hbm>> -> memref<250x40xi32, #tpu.memory_space<hbm>>
      tpu.wait_dma2 semaphore(%run_scoped3A : memref<!tpu.dma_semaphore, #tpu.memory_space<semaphore_mem>>) src(%dma_wait3A_203 : memref<250x40xi32, #tpu.memory_space<hbm>>) dst(%arg7 : memref<250x40xi32, #tpu.memory_space<vmem>>)
      tpu.yield
    }) : () -> ()
    "tpu.region"() ({
      %run_scoped3A = tpu.sem_alloc : memref<!tpu.dma_semaphore, #tpu.memory_space<semaphore_mem>>
      %dma_start3A_188 = arith.constant 0 : i32
      %dma_start3A_189 = arith.constant 0 : i32
      %dma_start3A_190 = tpu.memref_slice %arg5[%add3A, %dma_start3A_188, %dma_start3A_189] : memref<32x250x40xi32, #tpu.memory_space<hbm>> -> memref<1x250x40xi32, #tpu.memory_space<hbm>>
      %dma_start3A_191 = tpu.memref_squeeze %dma_start3A_190 : memref<1x250x40xi32, #tpu.memory_space<hbm>> -> memref<250x40xi32, #tpu.memory_space<hbm>>
      %dma_start3A_192 = arith.constant 0 : i32
      %dma_start3A_193 = arith.constant 0 : i32
      %dma_start3A_194 = tpu.memref_slice %arg5[%add3A, %dma_start3A_192, %dma_start3A_193] : memref<32x250x40xi32, #tpu.memory_space<hbm>> -> memref<1x250x40xi32, #tpu.memory_space<hbm>>
      %dma_start3A_195 = tpu.memref_squeeze %dma_start3A_194 : memref<1x250x40xi32, #tpu.memory_space<hbm>> -> memref<250x40xi32, #tpu.memory_space<hbm>>
      tpu.enqueue_dma source(%dma_start3A_195 : memref<250x40xi32, #tpu.memory_space<hbm>>) target(%arg8 : memref<250x40xi32, #tpu.memory_space<vmem>>) target_semaphore(%run_scoped3A : memref<!tpu.dma_semaphore, #tpu.memory_space<semaphore_mem>>)
      %dma_wait3A_196 = arith.constant 0 : i32
      %dma_wait3A_197 = arith.constant 0 : i32
      %dma_wait3A_198 = tpu.memref_slice %arg5[%add3A, %dma_wait3A_196, %dma_wait3A_197] : memref<32x250x40xi32, #tpu.memory_space<hbm>> -> memref<1x250x40xi32, #tpu.memory_space<hbm>>
      %dma_wait3A_199 = tpu.memref_squeeze %dma_wait3A_198 : memref<1x250x40xi32, #tpu.memory_space<hbm>> -> memref<250x40xi32, #tpu.memory_space<hbm>>
      %dma_wait3A_200 = arith.constant 0 : i32
      %dma_wait3A_201 = arith.constant 0 : i32
      %dma_wait3A_202 = tpu.memref_slice %arg5[%add3A, %dma_wait3A_200, %dma_wait3A_201] : memref<32x250x40xi32, #tpu.memory_space<hbm>> -> memref<1x250x40xi32, #tpu.memory_space<hbm>>
      %dma_wait3A_203 = tpu.memref_squeeze %dma_wait3A_202 : memref<1x250x40xi32, #tpu.memory_space<hbm>> -> memref<250x40xi32, #tpu.memory_space<hbm>>
      tpu.wait_dma2 semaphore(%run_scoped3A : memref<!tpu.dma_semaphore, #tpu.memory_space<semaphore_mem>>) src(%dma_wait3A_203 : memref<250x40xi32, #tpu.memory_space<hbm>>) dst(%arg8 : memref<250x40xi32, #tpu.memory_space<vmem>>)
      tpu.yield
    }) : () -> ()
    %mul3A_1 = arith.constant 10000 : i32
    %mul3A_2 = arith.muli %add3A, %mul3A_1 : i32
    %dma_start3A = arith.constant 0 : i32
    %dma_start3A_3 = arith.constant 0 : i32
    %dma_start3A_4 = arith.constant 0 : i32
    %dma_start3A_5 = arith.constant 0 : i32
    %dma_start3A_6 = arith.constant 0 : i32
    %dma_start3A_7 = tpu.memref_slice %arg9[%dma_start3A_3, %dma_start3A_5, %dma_start3A_6] : memref<3x40x256xf32, #tpu.memory_space<vmem>> -> memref<1x40x256xf32, #tpu.memory_space<vmem>>
    %dma_start3A_8 = tpu.memref_squeeze %dma_start3A_7 : memref<1x40x256xf32, #tpu.memory_space<vmem>> -> memref<40x256xf32, #tpu.memory_space<vmem>>
    %dma_start3A_9 = arith.constant 0 : i32
    %dma_start3A_10 = tpu.memref_slice %arg7[%dma_start3A, %dma_start3A_9] : memref<250x40xi32, #tpu.memory_space<vmem>> -> memref<1x40xi32, #tpu.memory_space<vmem>>
    %dma_start3A_11 = tpu.memref_squeeze %dma_start3A_10 : memref<1x40xi32, #tpu.memory_space<vmem>> -> memref<40xi32, #tpu.memory_space<vmem>>
    %dma_start3A_12 = arith.constant 0 : i32
    %dma_start3A_13 = arith.constant 0 : i32
    %dma_start3A_14 = tpu.memref_slice %arg2[%dma_start3A_12, %dma_start3A_13] : memref<10000x256xf32, #tpu.memory_space<hbm>> -> memref<10000x256xf32, #tpu.memory_space<hbm>>
    %dma_start3A_15 = tpu.memref_slice %arg11[%dma_start3A_4] : memref<3x!tpu.dma_semaphore, #tpu.memory_space<semaphore_mem>> -> memref<1x!tpu.dma_semaphore, #tpu.memory_space<semaphore_mem>>
    %dma_start3A_16 = tpu.memref_squeeze %dma_start3A_15 : memref<1x!tpu.dma_semaphore, #tpu.memory_space<semaphore_mem>> -> memref<!tpu.dma_semaphore, #tpu.memory_space<semaphore_mem>>
    tpu.enqueue_indirect_dma source(%dma_start3A_14 : memref<10000x256xf32, #tpu.memory_space<hbm>>) target(%dma_start3A_8 : memref<40x256xf32, #tpu.memory_space<vmem>>) offsets(%dma_start3A_11 : memref<40xi32, #tpu.memory_space<vmem>>) semaphore(%dma_start3A_16 : memref<!tpu.dma_semaphore, #tpu.memory_space<semaphore_mem>>)
    %dma_start3A_17 = arith.constant 0 : i32
    %dma_start3A_18 = arith.constant 0 : i32
    %dma_start3A_19 = arith.constant 0 : i32
    %dma_start3A_20 = arith.constant 0 : i32
    %dma_start3A_21 = arith.constant 0 : i32
    %dma_start3A_22 = tpu.memref_slice %arg10[%dma_start3A_18, %dma_start3A_20, %dma_start3A_21] : memref<3x40x256xf32, #tpu.memory_space<vmem>> -> memref<1x40x256xf32, #tpu.memory_space<vmem>>
    %dma_start3A_23 = tpu.memref_squeeze %dma_start3A_22 : memref<1x40x256xf32, #tpu.memory_space<vmem>> -> memref<40x256xf32, #tpu.memory_space<vmem>>
    %dma_start3A_24 = arith.constant 0 : i32
    %dma_start3A_25 = tpu.memref_slice %arg8[%dma_start3A_17, %dma_start3A_24] : memref<250x40xi32, #tpu.memory_space<vmem>> -> memref<1x40xi32, #tpu.memory_space<vmem>>
    %dma_start3A_26 = tpu.memref_squeeze %dma_start3A_25 : memref<1x40xi32, #tpu.memory_space<vmem>> -> memref<40xi32, #tpu.memory_space<vmem>>
    %dma_start3A_27 = arith.constant 0 : i32
    %dma_start3A_28 = arith.constant 0 : i32
    %dma_start3A_29 = tpu.memref_slice %arg3[%dma_start3A_27, %dma_start3A_28] : memref<10000x256xf32, #tpu.memory_space<hbm>> -> memref<10000x256xf32, #tpu.memory_space<hbm>>
    %dma_start3A_30 = tpu.memref_slice %arg11[%dma_start3A_19] : memref<3x!tpu.dma_semaphore, #tpu.memory_space<semaphore_mem>> -> memref<1x!tpu.dma_semaphore, #tpu.memory_space<semaphore_mem>>
    %dma_start3A_31 = tpu.memref_squeeze %dma_start3A_30 : memref<1x!tpu.dma_semaphore, #tpu.memory_space<semaphore_mem>> -> memref<!tpu.dma_semaphore, #tpu.memory_space<semaphore_mem>>
    tpu.enqueue_indirect_dma source(%dma_start3A_29 : memref<10000x256xf32, #tpu.memory_space<hbm>>) target(%dma_start3A_23 : memref<40x256xf32, #tpu.memory_space<vmem>>) offsets(%dma_start3A_26 : memref<40xi32, #tpu.memory_space<vmem>>) semaphore(%dma_start3A_31 : memref<!tpu.dma_semaphore, #tpu.memory_space<semaphore_mem>>)
    %dma_start3A_32 = arith.constant 1 : i32
    %dma_start3A_33 = arith.constant 1 : i32
    %dma_start3A_34 = arith.constant 1 : i32
    %dma_start3A_35 = arith.constant 0 : i32
    %dma_start3A_36 = arith.constant 0 : i32
    %dma_start3A_37 = tpu.memref_slice %arg9[%dma_start3A_33, %dma_start3A_35, %dma_start3A_36] : memref<3x40x256xf32, #tpu.memory_space<vmem>> -> memref<1x40x256xf32, #tpu.memory_space<vmem>>
    %dma_start3A_38 = tpu.memref_squeeze %dma_start3A_37 : memref<1x40x256xf32, #tpu.memory_space<vmem>> -> memref<40x256xf32, #tpu.memory_space<vmem>>
    %dma_start3A_39 = arith.constant 0 : i32
    %dma_start3A_40 = tpu.memref_slice %arg7[%dma_start3A_32, %dma_start3A_39] : memref<250x40xi32, #tpu.memory_space<vmem>> -> memref<1x40xi32, #tpu.memory_space<vmem>>
    %dma_start3A_41 = tpu.memref_squeeze %dma_start3A_40 : memref<1x40xi32, #tpu.memory_space<vmem>> -> memref<40xi32, #tpu.memory_space<vmem>>
    %dma_start3A_42 = arith.constant 0 : i32
    %dma_start3A_43 = arith.constant 0 : i32
    %dma_start3A_44 = tpu.memref_slice %arg2[%dma_start3A_42, %dma_start3A_43] : memref<10000x256xf32, #tpu.memory_space<hbm>> -> memref<10000x256xf32, #tpu.memory_space<hbm>>
    %dma_start3A_45 = tpu.memref_slice %arg11[%dma_start3A_34] : memref<3x!tpu.dma_semaphore, #tpu.memory_space<semaphore_mem>> -> memref<1x!tpu.dma_semaphore, #tpu.memory_space<semaphore_mem>>
    %dma_start3A_46 = tpu.memref_squeeze %dma_start3A_45 : memref<1x!tpu.dma_semaphore, #tpu.memory_space<semaphore_mem>> -> memref<!tpu.dma_semaphore, #tpu.memory_space<semaphore_mem>>
    tpu.enqueue_indirect_dma source(%dma_start3A_44 : memref<10000x256xf32, #tpu.memory_space<hbm>>) target(%dma_start3A_38 : memref<40x256xf32, #tpu.memory_space<vmem>>) offsets(%dma_start3A_41 : memref<40xi32, #tpu.memory_space<vmem>>) semaphore(%dma_start3A_46 : memref<!tpu.dma_semaphore, #tpu.memory_space<semaphore_mem>>)
    %dma_start3A_47 = arith.constant 1 : i32
    %dma_start3A_48 = arith.constant 1 : i32
    %dma_start3A_49 = arith.constant 1 : i32
    %dma_start3A_50 = arith.constant 0 : i32
    %dma_start3A_51 = arith.constant 0 : i32
    %dma_start3A_52 = tpu.memref_slice %arg10[%dma_start3A_48, %dma_start3A_50, %dma_start3A_51] : memref<3x40x256xf32, #tpu.memory_space<vmem>> -> memref<1x40x256xf32, #tpu.memory_space<vmem>>
    %dma_start3A_53 = tpu.memref_squeeze %dma_start3A_52 : memref<1x40x256xf32, #tpu.memory_space<vmem>> -> memref<40x256xf32, #tpu.memory_space<vmem>>
    %dma_start3A_54 = arith.constant 0 : i32
    %dma_start3A_55 = tpu.memref_slice %arg8[%dma_start3A_47, %dma_start3A_54] : memref<250x40xi32, #tpu.memory_space<vmem>> -> memref<1x40xi32, #tpu.memory_space<vmem>>
    %dma_start3A_56 = tpu.memref_squeeze %dma_start3A_55 : memref<1x40xi32, #tpu.memory_space<vmem>> -> memref<40xi32, #tpu.memory_space<vmem>>
    %dma_start3A_57 = arith.constant 0 : i32
    %dma_start3A_58 = arith.constant 0 : i32
    %dma_start3A_59 = tpu.memref_slice %arg3[%dma_start3A_57, %dma_start3A_58] : memref<10000x256xf32, #tpu.memory_space<hbm>> -> memref<10000x256xf32, #tpu.memory_space<hbm>>
    %dma_start3A_60 = tpu.memref_slice %arg11[%dma_start3A_49] : memref<3x!tpu.dma_semaphore, #tpu.memory_space<semaphore_mem>> -> memref<1x!tpu.dma_semaphore, #tpu.memory_space<semaphore_mem>>
    %dma_start3A_61 = tpu.memref_squeeze %dma_start3A_60 : memref<1x!tpu.dma_semaphore, #tpu.memory_space<semaphore_mem>> -> memref<!tpu.dma_semaphore, #tpu.memory_space<semaphore_mem>>
    tpu.enqueue_indirect_dma source(%dma_start3A_59 : memref<10000x256xf32, #tpu.memory_space<hbm>>) target(%dma_start3A_53 : memref<40x256xf32, #tpu.memory_space<vmem>>) offsets(%dma_start3A_56 : memref<40xi32, #tpu.memory_space<vmem>>) semaphore(%dma_start3A_61 : memref<!tpu.dma_semaphore, #tpu.memory_space<semaphore_mem>>)
    %scan3A = arith.constant 0 : i32
    %scan3A_62 = arith.constant 0 : i32
    %scan3A_63 = arith.constant 83 : i32
    %scan3A_64 = arith.addi %scan3A_62, %scan3A_63 : i32
    %scan3A_65 = arith.constant 1 : i32
    %scan3A_66 = scf.for %scan3A_188 = %scan3A_62 to %scan3A_64 step %scan3A_65 iter_args(%scan3A_189 = %scan3A) -> (i32)  : i32 {
      %mul3A_190 = arith.constant 3 : i32
      %mul3A_191 = arith.muli %scan3A_188, %mul3A_190 : i32
      %add3A_192 = arith.constant 0 : i32
      %add3A_193 = arith.addi %mul3A_191, %add3A_192 : i32
      %dma_wait3A_194 = arith.constant 0 : i32
      %dma_wait3A_195 = arith.constant 0 : i32
      %dma_wait3A_196 = arith.constant 0 : i32
      %dma_wait3A_197 = arith.constant 0 : i32
      %dma_wait3A_198 = tpu.memref_slice %arg9[%dma_wait3A_194, %dma_wait3A_196, %dma_wait3A_197] : memref<3x40x256xf32, #tpu.memory_space<vmem>> -> memref<1x40x256xf32, #tpu.memory_space<vmem>>
      %dma_wait3A_199 = tpu.memref_squeeze %dma_wait3A_198 : memref<1x40x256xf32, #tpu.memory_space<vmem>> -> memref<40x256xf32, #tpu.memory_space<vmem>>
      %dma_wait3A_200 = arith.constant 0 : i32
      %dma_wait3A_201 = tpu.memref_slice %arg7[%add3A_193, %dma_wait3A_200] : memref<250x40xi32, #tpu.memory_space<vmem>> -> memref<1x40xi32, #tpu.memory_space<vmem>>
      %dma_wait3A_202 = tpu.memref_squeeze %dma_wait3A_201 : memref<1x40xi32, #tpu.memory_space<vmem>> -> memref<40xi32, #tpu.memory_space<vmem>>
      %dma_wait3A_203 = arith.constant 0 : i32
      %dma_wait3A_204 = arith.constant 0 : i32
      %dma_wait3A_205 = tpu.memref_slice %arg2[%dma_wait3A_203, %dma_wait3A_204] : memref<10000x256xf32, #tpu.memory_space<hbm>> -> memref<10000x256xf32, #tpu.memory_space<hbm>>
      %dma_wait3A_206 = tpu.memref_slice %arg11[%dma_wait3A_195] : memref<3x!tpu.dma_semaphore, #tpu.memory_space<semaphore_mem>> -> memref<1x!tpu.dma_semaphore, #tpu.memory_space<semaphore_mem>>
      %dma_wait3A_207 = tpu.memref_squeeze %dma_wait3A_206 : memref<1x!tpu.dma_semaphore, #tpu.memory_space<semaphore_mem>> -> memref<!tpu.dma_semaphore, #tpu.memory_space<semaphore_mem>>
      tpu.wait_indirect_dma semaphore(%dma_wait3A_207 : memref<!tpu.dma_semaphore, #tpu.memory_space<semaphore_mem>>) src(%dma_wait3A_205 : memref<10000x256xf32, #tpu.memory_space<hbm>>) dst(%dma_wait3A_199 : memref<40x256xf32, #tpu.memory_space<vmem>>)
      %dma_wait3A_208 = arith.constant 0 : i32
      %dma_wait3A_209 = arith.constant 0 : i32
      %dma_wait3A_210 = arith.constant 0 : i32
      %dma_wait3A_211 = arith.constant 0 : i32
      %dma_wait3A_212 = tpu.memref_slice %arg10[%dma_wait3A_208, %dma_wait3A_210, %dma_wait3A_211] : memref<3x40x256xf32, #tpu.memory_space<vmem>> -> memref<1x40x256xf32, #tpu.memory_space<vmem>>
      %dma_wait3A_213 = tpu.memref_squeeze %dma_wait3A_212 : memref<1x40x256xf32, #tpu.memory_space<vmem>> -> memref<40x256xf32, #tpu.memory_space<vmem>>
      %dma_wait3A_214 = arith.constant 0 : i32
      %dma_wait3A_215 = tpu.memref_slice %arg8[%add3A_193, %dma_wait3A_214] : memref<250x40xi32, #tpu.memory_space<vmem>> -> memref<1x40xi32, #tpu.memory_space<vmem>>
      %dma_wait3A_216 = tpu.memref_squeeze %dma_wait3A_215 : memref<1x40xi32, #tpu.memory_space<vmem>> -> memref<40xi32, #tpu.memory_space<vmem>>
      %dma_wait3A_217 = arith.constant 0 : i32
      %dma_wait3A_218 = arith.constant 0 : i32
      %dma_wait3A_219 = tpu.memref_slice %arg3[%dma_wait3A_217, %dma_wait3A_218] : memref<10000x256xf32, #tpu.memory_space<hbm>> -> memref<10000x256xf32, #tpu.memory_space<hbm>>
      %dma_wait3A_220 = tpu.memref_slice %arg11[%dma_wait3A_209] : memref<3x!tpu.dma_semaphore, #tpu.memory_space<semaphore_mem>> -> memref<1x!tpu.dma_semaphore, #tpu.memory_space<semaphore_mem>>
      %dma_wait3A_221 = tpu.memref_squeeze %dma_wait3A_220 : memref<1x!tpu.dma_semaphore, #tpu.memory_space<semaphore_mem>> -> memref<!tpu.dma_semaphore, #tpu.memory_space<semaphore_mem>>
      tpu.wait_indirect_dma semaphore(%dma_wait3A_221 : memref<!tpu.dma_semaphore, #tpu.memory_space<semaphore_mem>>) src(%dma_wait3A_219 : memref<10000x256xf32, #tpu.memory_space<hbm>>) dst(%dma_wait3A_213 : memref<40x256xf32, #tpu.memory_space<vmem>>)
      %scan3A_222 = arith.constant 0 : i32
      %scan3A_223 = arith.constant 0 : i32
      %scan3A_224 = arith.constant 40 : i32
      %scan3A_225 = arith.addi %scan3A_223, %scan3A_224 : i32
      %scan3A_226 = arith.constant 2 : i32
      %scan3A_227 = scf.for %scan3A_397 = %scan3A_223 to %scan3A_225 step %scan3A_226 iter_args(%scan3A_398 = %scan3A_222) -> (i32)  : i32 {
        %get3A = arith.constant 0 : i32
        %get3A_399 = arith.index_cast %get3A : i32 to index
        %get3A_400 = arith.index_cast %scan3A_397 : i32 to index
        %get3A_401 = arith.constant 0 : index
        %get3A_402 = tpu.vector_load %arg9[%get3A_399, %get3A_400, %get3A_401] {strides = array<i32>} : memref<3x40x256xf32, #tpu.memory_space<vmem>>, vector<1x1x16xf32>,
        %get3A_403 = vector.shape_cast %get3A_402 : vector<1x1x16xf32> to vector<16xf32>
        %get3A_404 = arith.constant 0 : i32
        %get3A_405 = arith.index_cast %get3A_404 : i32 to index
        %get3A_406 = arith.index_cast %scan3A_397 : i32 to index
        %get3A_407 = arith.constant 0 : index
        %get3A_408 = tpu.vector_load %arg10[%get3A_405, %get3A_406, %get3A_407] {strides = array<i32>} : memref<3x40x256xf32, #tpu.memory_space<vmem>>, vector<1x1x16xf32>,
        %get3A_409 = vector.shape_cast %get3A_408 : vector<1x1x16xf32> to vector<16xf32>
        %add3A_410 = arith.addf %get3A_403, %get3A_409 : vector<16xf32>
        %swap3A = arith.constant 0 : i32
        %swap3A_411 = arith.index_cast %swap3A : i32 to index
        %swap3A_412 = arith.index_cast %scan3A_397 : i32 to index
        %swap3A_413 = arith.constant 0 : index
        %swap3A_414 = tpu.vector_load %arg9[%swap3A_411, %swap3A_412, %swap3A_413] {strides = array<i32>} : memref<3x40x256xf32, #tpu.memory_space<vmem>>, vector<1x1x16xf32>,
        %swap3A_415 = vector.shape_cast %swap3A_414 : vector<1x1x16xf32> to vector<16xf32>
        %swap3A_416 = vector.shape_cast %add3A_410 : vector<16xf32> to vector<1x1x16xf32>
        tpu.vector_store %arg9[%swap3A_411, %swap3A_412, %swap3A_413], %swap3A_416 {strides = array<i32>} : memref<3x40x256xf32, #tpu.memory_space<vmem>>, vector<1x1x16xf32>,
        %get3A_417 = arith.constant 0 : i32
        %get3A_418 = arith.index_cast %get3A_417 : i32 to index
        %get3A_419 = arith.index_cast %scan3A_397 : i32 to index
        %get3A_420 = arith.constant 16 : index
        %get3A_421 = tpu.vector_load %arg9[%get3A_418, %get3A_419, %get3A_420] {strides = array<i32>} : memref<3x40x256xf32, #tpu.memory_space<vmem>>, vector<1x1x16xf32>,
        %get3A_422 = vector.shape_cast %get3A_421 : vector<1x1x16xf32> to vector<16xf32>
        %get3A_423 = arith.constant 0 : i32
        %get3A_424 = arith.index_cast %get3A_423 : i32 to index
        %get3A_425 = arith.index_cast %scan3A_397 : i32 to index
        %get3A_426 = arith.constant 16 : index
        %get3A_427 = tpu.vector_load %arg10[%get3A_424, %get3A_425, %get3A_426] {strides = array<i32>} : memref<3x40x256xf32, #tpu.memory_space<vmem>>, vector<1x1x16xf32>,
        %get3A_428 = vector.shape_cast %get3A_427 : vector<1x1x16xf32> to vector<16xf32>
        %add3A_429 = arith.addf %get3A_422, %get3A_428 : vector<16xf32>
        %swap3A_430 = arith.constant 0 : i32
        %swap3A_431 = arith.index_cast %swap3A_430 : i32 to index
        %swap3A_432 = arith.index_cast %scan3A_397 : i32 to index
        %swap3A_433 = arith.constant 16 : index
        %swap3A_434 = tpu.vector_load %arg9[%swap3A_431, %swap3A_432, %swap3A_433] {strides = array<i32>} : memref<3x40x256xf32, #tpu.memory_space<vmem>>, vector<1x1x16xf32>,
        %swap3A_435 = vector.shape_cast %swap3A_434 : vector<1x1x16xf32> to vector<16xf32>
        %swap3A_436 = vector.shape_cast %add3A_429 : vector<16xf32> to vector<1x1x16xf32>
        tpu.vector_store %arg9[%swap3A_431, %swap3A_432, %swap3A_433], %swap3A_436 {strides = array<i32>} : memref<3x40x256xf32, #tpu.memory_space<vmem>>, vector<1x1x16xf32>,
        %get3A_437 = arith.constant 0 : i32
        %get3A_438 = arith.index_cast %get3A_437 : i32 to index
        %get3A_439 = arith.index_cast %scan3A_397 : i32 to index
        %get3A_440 = arith.constant 32 : index
        %get3A_441 = tpu.vector_load %arg9[%get3A_438, %get3A_439, %get3A_440] {strides = array<i32>} : memref<3x40x256xf32, #tpu.memory_space<vmem>>, vector<1x1x16xf32>,
        %get3A_442 = vector.shape_cast %get3A_441 : vector<1x1x16xf32> to vector<16xf32>
        %get3A_443 = arith.constant 0 : i32
        %get3A_444 = arith.index_cast %get3A_443 : i32 to index
        %get3A_445 = arith.index_cast %scan3A_397 : i32 to index
        %get3A_446 = arith.constant 32 : index
        %get3A_447 = tpu.vector_load %arg10[%get3A_444, %get3A_445, %get3A_446] {strides = array<i32>} : memref<3x40x256xf32, #tpu.memory_space<vmem>>, vector<1x1x16xf32>,
        %get3A_448 = vector.shape_cast %get3A_447 : vector<1x1x16xf32> to vector<16xf32>
        %add3A_449 = arith.addf %get3A_442, %get3A_448 : vector<16xf32>
        %swap3A_450 = arith.constant 0 : i32
        %swap3A_451 = arith.index_cast %swap3A_450 : i32 to index
        %swap3A_452 = arith.index_cast %scan3A_397 : i32 to index
        %swap3A_453 = arith.constant 32 : index
        %swap3A_454 = tpu.vector_load %arg9[%swap3A_451, %swap3A_452, %swap3A_453] {strides = array<i32>} : memref<3x40x256xf32, #tpu.memory_space<vmem>>, vector<1x1x16xf32>,
        %swap3A_455 = vector.shape_cast %swap3A_454 : vector<1x1x16xf32> to vector<16xf32>
        %swap3A_456 = vector.shape_cast %add3A_449 : vector<16xf32> to vector<1x1x16xf32>
        tpu.vector_store %arg9[%swap3A_451, %swap3A_452, %swap3A_453], %swap3A_456 {strides = array<i32>} : memref<3x40x256xf32, #tpu.memory_space<vmem>>, vector<1x1x16xf32>,
        %get3A_457 = arith.constant 0 : i32
        %get3A_458 = arith.index_cast %get3A_457 : i32 to index
        %get3A_459 = arith.index_cast %scan3A_397 : i32 to index
        %get3A_460 = arith.constant 48 : index
        %get3A_461 = tpu.vector_load %arg9[%get3A_458, %get3A_459, %get3A_460] {strides = array<i32>} : memref<3x40x256xf32, #tpu.memory_space<vmem>>, vector<1x1x16xf32>,
        %get3A_462 = vector.shape_cast %get3A_461 : vector<1x1x16xf32> to vector<16xf32>
        %get3A_463 = arith.constant 0 : i32
        %get3A_464 = arith.index_cast %get3A_463 : i32 to index
        %get3A_465 = arith.index_cast %scan3A_397 : i32 to index
        %get3A_466 = arith.constant 48 : index
        %get3A_467 = tpu.vector_load %arg10[%get3A_464, %get3A_465, %get3A_466] {strides = array<i32>} : memref<3x40x256xf32, #tpu.memory_space<vmem>>, vector<1x1x16xf32>,
        %get3A_468 = vector.shape_cast %get3A_467 : vector<1x1x16xf32> to vector<16xf32>
        %add3A_469 = arith.addf %get3A_462, %get3A_468 : vector<16xf32>
        %swap3A_470 = arith.constant 0 : i32
        %swap3A_471 = arith.index_cast %swap3A_470 : i32 to index
        %swap3A_472 = arith.index_cast %scan3A_397 : i32 to index
        %swap3A_473 = arith.constant 48 : index
        %swap3A_474 = tpu.vector_load %arg9[%swap3A_471, %swap3A_472, %swap3A_473] {strides = array<i32>} : memref<3x40x256xf32, #tpu.memory_space<vmem>>, vector<1x1x16xf32>,
        %swap3A_475 = vector.shape_cast %swap3A_474 : vector<1x1x16xf32> to vector<16xf32>
        %swap3A_476 = vector.shape_cast %add3A_469 : vector<16xf32> to vector<1x1x16xf32>
        tpu.vector_store %arg9[%swap3A_471, %swap3A_472, %swap3A_473], %swap3A_476 {strides = array<i32>} : memref<3x40x256xf32, #tpu.memory_space<vmem>>, vector<1x1x16xf32>,
        %get3A_477 = arith.constant 0 : i32
        %get3A_478 = arith.index_cast %get3A_477 : i32 to index
        %get3A_479 = arith.index_cast %scan3A_397 : i32 to index
        %get3A_480 = arith.constant 64 : index
        %get3A_481 = tpu.vector_load %arg9[%get3A_478, %get3A_479, %get3A_480] {strides = array<i32>} : memref<3x40x256xf32, #tpu.memory_space<vmem>>, vector<1x1x16xf32>,
        %get3A_482 = vector.shape_cast %get3A_481 : vector<1x1x16xf32> to vector<16xf32>
        %get3A_483 = arith.constant 0 : i32
        %get3A_484 = arith.index_cast %get3A_483 : i32 to index
        %get3A_485 = arith.index_cast %scan3A_397 : i32 to index
        %get3A_486 = arith.constant 64 : index
        %get3A_487 = tpu.vector_load %arg10[%get3A_484, %get3A_485, %get3A_486] {strides = array<i32>} : memref<3x40x256xf32, #tpu.memory_space<vmem>>, vector<1x1x16xf32>,
        %get3A_488 = vector.shape_cast %get3A_487 : vector<1x1x16xf32> to vector<16xf32>
        %add3A_489 = arith.addf %get3A_482, %get3A_488 : vector<16xf32>
        %swap3A_490 = arith.constant 0 : i32
        %swap3A_491 = arith.index_cast %swap3A_490 : i32 to index
        %swap3A_492 = arith.index_cast %scan3A_397 : i32 to index
        %swap3A_493 = arith.constant 64 : index
        %swap3A_494 = tpu.vector_load %arg9[%swap3A_491, %swap3A_492, %swap3A_493] {strides = array<i32>} : memref<3x40x256xf32, #tpu.memory_space<vmem>>, vector<1x1x16xf32>,
        %swap3A_495 = vector.shape_cast %swap3A_494 : vector<1x1x16xf32> to vector<16xf32>
        %swap3A_496 = vector.shape_cast %add3A_489 : vector<16xf32> to vector<1x1x16xf32>
        tpu.vector_store %arg9[%swap3A_491, %swap3A_492, %swap3A_493], %swap3A_496 {strides = array<i32>} : memref<3x40x256xf32, #tpu.memory_space<vmem>>, vector<1x1x16xf32>,
        %get3A_497 = arith.constant 0 : i32
        %get3A_498 = arith.index_cast %get3A_497 : i32 to index
        %get3A_499 = arith.index_cast %scan3A_397 : i32 to index
        %get3A_500 = arith.constant 80 : index
        %get3A_501 = tpu.vector_load %arg9[%get3A_498, %get3A_499, %get3A_500] {strides = array<i32>} : memref<3x40x256xf32, #tpu.memory_space<vmem>>, vector<1x1x16xf32>,
        %get3A_502 = vector.shape_cast %get3A_501 : vector<1x1x16xf32> to vector<16xf32>
        %get3A_503 = arith.constant 0 : i32
        %get3A_504 = arith.index_cast %get3A_503 : i32 to index
        %get3A_505 = arith.index_cast %scan3A_397 : i32 to index
        %get3A_506 = arith.constant 80 : index
        %get3A_507 = tpu.vector_load %arg10[%get3A_504, %get3A_505, %get3A_506] {strides = array<i32>} : memref<3x40x256xf32, #tpu.memory_space<vmem>>, vector<1x1x16xf32>,
        %get3A_508 = vector.shape_cast %get3A_507 : vector<1x1x16xf32> to vector<16xf32>
        %add3A_509 = arith.addf %get3A_502, %get3A_508 : vector<16xf32>
        %swap3A_510 = arith.constant 0 : i32
        %swap3A_511 = arith.index_cast %swap3A_510 : i32 to index
        %swap3A_512 = arith.index_cast %scan3A_397 : i32 to index
        %swap3A_513 = arith.constant 80 : index
        %swap3A_514 = tpu.vector_load %arg9[%swap3A_511, %swap3A_512, %swap3A_513] {strides = array<i32>} : memref<3x40x256xf32, #tpu.memory_space<vmem>>, vector<1x1x16xf32>,
        %swap3A_515 = vector.shape_cast %swap3A_514 : vector<1x1x16xf32> to vector<16xf32>
        %swap3A_516 = vector.shape_cast %add3A_509 : vector<16xf32> to vector<1x1x16xf32>
        tpu.vector_store %arg9[%swap3A_511, %swap3A_512, %swap3A_513], %swap3A_516 {strides = array<i32>} : memref<3x40x256xf32, #tpu.memory_space<vmem>>, vector<1x1x16xf32>,
        %get3A_517 = arith.constant 0 : i32
        %get3A_518 = arith.index_cast %get3A_517 : i32 to index
        %get3A_519 = arith.index_cast %scan3A_397 : i32 to index
        %get3A_520 = arith.constant 96 : index
        %get3A_521 = tpu.vector_load %arg9[%get3A_518, %get3A_519, %get3A_520] {strides = array<i32>} : memref<3x40x256xf32, #tpu.memory_space<vmem>>, vector<1x1x16xf32>,
        %get3A_522 = vector.shape_cast %get3A_521 : vector<1x1x16xf32> to vector<16xf32>
        %get3A_523 = arith.constant 0 : i32
        %get3A_524 = arith.index_cast %get3A_523 : i32 to index
        %get3A_525 = arith.index_cast %scan3A_397 : i32 to index
        %get3A_526 = arith.constant 96 : index
        %get3A_527 = tpu.vector_load %arg10[%get3A_524, %get3A_525, %get3A_526] {strides = array<i32>} : memref<3x40x256xf32, #tpu.memory_space<vmem>>, vector<1x1x16xf32>,
        %get3A_528 = vector.shape_cast %get3A_527 : vector<1x1x16xf32> to vector<16xf32>
        %add3A_529 = arith.addf %get3A_522, %get3A_528 : vector<16xf32>
        %swap3A_530 = arith.constant 0 : i32
        %swap3A_531 = arith.index_cast %swap3A_530 : i32 to index
        %swap3A_532 = arith.index_cast %scan3A_397 : i32 to index
        %swap3A_533 = arith.constant 96 : index
        %swap3A_534 = tpu.vector_load %arg9[%swap3A_531, %swap3A_532, %swap3A_533] {strides = array<i32>} : memref<3x40x256xf32, #tpu.memory_space<vmem>>, vector<1x1x16xf32>,
        %swap3A_535 = vector.shape_cast %swap3A_534 : vector<1x1x16xf32> to vector<16xf32>
        %swap3A_536 = vector.shape_cast %add3A_529 : vector<16xf32> to vector<1x1x16xf32>
        tpu.vector_store %arg9[%swap3A_531, %swap3A_532, %swap3A_533], %swap3A_536 {strides = array<i32>} : memref<3x40x256xf32, #tpu.memory_space<vmem>>, vector<1x1x16xf32>,
        %get3A_537 = arith.constant 0 : i32
        %get3A_538 = arith.index_cast %get3A_537 : i32 to index
        %get3A_539 = arith.index_cast %scan3A_397 : i32 to index
        %get3A_540 = arith.constant 112 : index
        %get3A_541 = tpu.vector_load %arg9[%get3A_538, %get3A_539, %get3A_540] {strides = array<i32>} : memref<3x40x256xf32, #tpu.memory_space<vmem>>, vector<1x1x16xf32>,
        %get3A_542 = vector.shape_cast %get3A_541 : vector<1x1x16xf32> to vector<16xf32>
        %get3A_543 = arith.constant 0 : i32
        %get3A_544 = arith.index_cast %get3A_543 : i32 to index
        %get3A_545 = arith.index_cast %scan3A_397 : i32 to index
        %get3A_546 = arith.constant 112 : index
        %get3A_547 = tpu.vector_load %arg10[%get3A_544, %get3A_545, %get3A_546] {strides = array<i32>} : memref<3x40x256xf32, #tpu.memory_space<vmem>>, vector<1x1x16xf32>,
        %get3A_548 = vector.shape_cast %get3A_547 : vector<1x1x16xf32> to vector<16xf32>
        %add3A_549 = arith.addf %get3A_542, %get3A_548 : vector<16xf32>
        %swap3A_550 = arith.constant 0 : i32
        %swap3A_551 = arith.index_cast %swap3A_550 : i32 to index
        %swap3A_552 = arith.index_cast %scan3A_397 : i32 to index
        %swap3A_553 = arith.constant 112 : index
        %swap3A_554 = tpu.vector_load %arg9[%swap3A_551, %swap3A_552, %swap3A_553] {strides = array<i32>} : memref<3x40x256xf32, #tpu.memory_space<vmem>>, vector<1x1x16xf32>,
        %swap3A_555 = vector.shape_cast %swap3A_554 : vector<1x1x16xf32> to vector<16xf32>
        %swap3A_556 = vector.shape_cast %add3A_549 : vector<16xf32> to vector<1x1x16xf32>
        tpu.vector_store %arg9[%swap3A_551, %swap3A_552, %swap3A_553], %swap3A_556 {strides = array<i32>} : memref<3x40x256xf32, #tpu.memory_space<vmem>>, vector<1x1x16xf32>,
        %get3A_557 = arith.constant 0 : i32
        %get3A_558 = arith.index_cast %get3A_557 : i32 to index
        %get3A_559 = arith.index_cast %scan3A_397 : i32 to index
        %get3A_560 = arith.constant 128 : index
        %get3A_561 = tpu.vector_load %arg9[%get3A_558, %get3A_559, %get3A_560] {strides = array<i32>} : memref<3x40x256xf32, #tpu.memory_space<vmem>>, vector<1x1x16xf32>,
        %get3A_562 = vector.shape_cast %get3A_561 : vector<1x1x16xf32> to vector<16xf32>
        %get3A_563 = arith.constant 0 : i32
        %get3A_564 = arith.index_cast %get3A_563 : i32 to index
        %get3A_565 = arith.index_cast %scan3A_397 : i32 to index
        %get3A_566 = arith.constant 128 : index
        %get3A_567 = tpu.vector_load %arg10[%get3A_564, %get3A_565, %get3A_566] {strides = array<i32>} : memref<3x40x256xf32, #tpu.memory_space<vmem>>, vector<1x1x16xf32>,
        %get3A_568 = vector.shape_cast %get3A_567 : vector<1x1x16xf32> to vector<16xf32>
        %add3A_569 = arith.addf %get3A_562, %get3A_568 : vector<16xf32>
        %swap3A_570 = arith.constant 0 : i32
        %swap3A_571 = arith.index_cast %swap3A_570 : i32 to index
        %swap3A_572 = arith.index_cast %scan3A_397 : i32 to index
        %swap3A_573 = arith.constant 128 : index
        %swap3A_574 = tpu.vector_load %arg9[%swap3A_571, %swap3A_572, %swap3A_573] {strides = array<i32>} : memref<3x40x256xf32, #tpu.memory_space<vmem>>, vector<1x1x16xf32>,
        %swap3A_575 = vector.shape_cast %swap3A_574 : vector<1x1x16xf32> to vector<16xf32>
        %swap3A_576 = vector.shape_cast %add3A_569 : vector<16xf32> to vector<1x1x16xf32>
        tpu.vector_store %arg9[%swap3A_571, %swap3A_572, %swap3A_573], %swap3A_576 {strides = array<i32>} : memref<3x40x256xf32, #tpu.memory_space<vmem>>, vector<1x1x16xf32>,
        %get3A_577 = arith.constant 0 : i32
        %get3A_578 = arith.index_cast %get3A_577 : i32 to index
        %get3A_579 = arith.index_cast %scan3A_397 : i32 to index
        %get3A_580 = arith.constant 144 : index
        %get3A_581 = tpu.vector_load %arg9[%get3A_578, %get3A_579, %get3A_580] {strides = array<i32>} : memref<3x40x256xf32, #tpu.memory_space<vmem>>, vector<1x1x16xf32>,
        %get3A_582 = vector.shape_cast %get3A_581 : vector<1x1x16xf32> to vector<16xf32>
        %get3A_583 = arith.constant 0 : i32
        %get3A_584 = arith.index_cast %get3A_583 : i32 to index
        %get3A_585 = arith.index_cast %scan3A_397 : i32 to index
        %get3A_586 = arith.constant 144 : index
        %get3A_587 = tpu.vector_load %arg10[%get3A_584, %get3A_585, %get3A_586] {strides = array<i32>} : memref<3x40x256xf32, #tpu.memory_space<vmem>>, vector<1x1x16xf32>,
        %get3A_588 = vector.shape_cast %get3A_587 : vector<1x1x16xf32> to vector<16xf32>
        %add3A_589 = arith.addf %get3A_582, %get3A_588 : vector<16xf32>
        %swap3A_590 = arith.constant 0 : i32
        %swap3A_591 = arith.index_cast %swap3A_590 : i32 to index
        %swap3A_592 = arith.index_cast %scan3A_397 : i32 to index
        %swap3A_593 = arith.constant 144 : index
        %swap3A_594 = tpu.vector_load %arg9[%swap3A_591, %swap3A_592, %swap3A_593] {strides = array<i32>} : memref<3x40x256xf32, #tpu.memory_space<vmem>>, vector<1x1x16xf32>,
        %swap3A_595 = vector.shape_cast %swap3A_594 : vector<1x1x16xf32> to vector<16xf32>
        %swap3A_596 = vector.shape_cast %add3A_589 : vector<16xf32> to vector<1x1x16xf32>
        tpu.vector_store %arg9[%swap3A_591, %swap3A_592, %swap3A_593], %swap3A_596 {strides = array<i32>} : memref<3x40x256xf32, #tpu.memory_space<vmem>>, vector<1x1x16xf32>,
        %get3A_597 = arith.constant 0 : i32
        %get3A_598 = arith.index_cast %get3A_597 : i32 to index
        %get3A_599 = arith.index_cast %scan3A_397 : i32 to index
        %get3A_600 = arith.constant 160 : index
        %get3A_601 = tpu.vector_load %arg9[%get3A_598, %get3A_599, %get3A_600] {strides = array<i32>} : memref<3x40x256xf32, #tpu.memory_space<vmem>>, vector<1x1x16xf32>,
        %get3A_602 = vector.shape_cast %get3A_601 : vector<1x1x16xf32> to vector<16xf32>
        %get3A_603 = arith.constant 0 : i32
        %get3A_604 = arith.index_cast %get3A_603 : i32 to index
        %get3A_605 = arith.index_cast %scan3A_397 : i32 to index
        %get3A_606 = arith.constant 160 : index
        %get3A_607 = tpu.vector_load %arg10[%get3A_604, %get3A_605, %get3A_606] {strides = array<i32>} : memref<3x40x256xf32, #tpu.memory_space<vmem>>, vector<1x1x16xf32>,
        %get3A_608 = vector.shape_cast %get3A_607 : vector<1x1x16xf32> to vector<16xf32>
        %add3A_609 = arith.addf %get3A_602, %get3A_608 : vector<16xf32>
        %swap3A_610 = arith.constant 0 : i32
        %swap3A_611 = arith.index_cast %swap3A_610 : i32 to index
        %swap3A_612 = arith.index_cast %scan3A_397 : i32 to index
        %swap3A_613 = arith.constant 160 : index
        %swap3A_614 = tpu.vector_load %arg9[%swap3A_611, %swap3A_612, %swap3A_613] {strides = array<i32>} : memref<3x40x256xf32, #tpu.memory_space<vmem>>, vector<1x1x16xf32>,
        %swap3A_615 = vector.shape_cast %swap3A_614 : vector<1x1x16xf32> to vector<16xf32>
        %swap3A_616 = vector.shape_cast %add3A_609 : vector<16xf32> to vector<1x1x16xf32>
        tpu.vector_store %arg9[%swap3A_611, %swap3A_612, %swap3A_613], %swap3A_616 {strides = array<i32>} : memref<3x40x256xf32, #tpu.memory_space<vmem>>, vector<1x1x16xf32>,
        %get3A_617 = arith.constant 0 : i32
        %get3A_618 = arith.index_cast %get3A_617 : i32 to index
        %get3A_619 = arith.index_cast %scan3A_397 : i32 to index
        %get3A_620 = arith.constant 176 : index
        %get3A_621 = tpu.vector_load %arg9[%get3A_618, %get3A_619, %get3A_620] {strides = array<i32>} : memref<3x40x256xf32, #tpu.memory_space<vmem>>, vector<1x1x16xf32>,
        %get3A_622 = vector.shape_cast %get3A_621 : vector<1x1x16xf32> to vector<16xf32>
        %get3A_623 = arith.constant 0 : i32
        %get3A_624 = arith.index_cast %get3A_623 : i32 to index
        %get3A_625 = arith.index_cast %scan3A_397 : i32 to index
        %get3A_626 = arith.constant 176 : index
        %get3A_627 = tpu.vector_load %arg10[%get3A_624, %get3A_625, %get3A_626] {strides = array<i32>} : memref<3x40x256xf32, #tpu.memory_space<vmem>>, vector<1x1x16xf32>,
        %get3A_628 = vector.shape_cast %get3A_627 : vector<1x1x16xf32> to vector<16xf32>
        %add3A_629 = arith.addf %get3A_622, %get3A_628 : vector<16xf32>
        %swap3A_630 = arith.constant 0 : i32
        %swap3A_631 = arith.index_cast %swap3A_630 : i32 to index
        %swap3A_632 = arith.index_cast %scan3A_397 : i32 to index
        %swap3A_633 = arith.constant 176 : index
        %swap3A_634 = tpu.vector_load %arg9[%swap3A_631, %swap3A_632, %swap3A_633] {strides = array<i32>} : memref<3x40x256xf32, #tpu.memory_space<vmem>>, vector<1x1x16xf32>,
        %swap3A_635 = vector.shape_cast %swap3A_634 : vector<1x1x16xf32> to vector<16xf32>
        %swap3A_636 = vector.shape_cast %add3A_629 : vector<16xf32> to vector<1x1x16xf32>
        tpu.vector_store %arg9[%swap3A_631, %swap3A_632, %swap3A_633], %swap3A_636 {strides = array<i32>} : memref<3x40x256xf32, #tpu.memory_space<vmem>>, vector<1x1x16xf32>,
        %get3A_637 = arith.constant 0 : i32
        %get3A_638 = arith.index_cast %get3A_637 : i32 to index
        %get3A_639 = arith.index_cast %scan3A_397 : i32 to index
        %get3A_640 = arith.constant 192 : index
        %get3A_641 = tpu.vector_load %arg9[%get3A_638, %get3A_639, %get3A_640] {strides = array<i32>} : memref<3x40x256xf32, #tpu.memory_space<vmem>>, vector<1x1x16xf32>,
        %get3A_642 = vector.shape_cast %get3A_641 : vector<1x1x16xf32> to vector<16xf32>
        %get3A_643 = arith.constant 0 : i32
        %get3A_644 = arith.index_cast %get3A_643 : i32 to index
        %get3A_645 = arith.index_cast %scan3A_397 : i32 to index
        %get3A_646 = arith.constant 192 : index
        %get3A_647 = tpu.vector_load %arg10[%get3A_644, %get3A_645, %get3A_646] {strides = array<i32>} : memref<3x40x256xf32, #tpu.memory_space<vmem>>, vector<1x1x16xf32>,
        %get3A_648 = vector.shape_cast %get3A_647 : vector<1x1x16xf32> to vector<16xf32>
        %add3A_649 = arith.addf %get3A_642, %get3A_648 : vector<16xf32>
        %swap3A_650 = arith.constant 0 : i32
        %swap3A_651 = arith.index_cast %swap3A_650 : i32 to index
        %swap3A_652 = arith.index_cast %scan3A_397 : i32 to index
        %swap3A_653 = arith.constant 192 : index
        %swap3A_654 = tpu.vector_load %arg9[%swap3A_651, %swap3A_652, %swap3A_653] {strides = array<i32>} : memref<3x40x256xf32, #tpu.memory_space<vmem>>, vector<1x1x16xf32>,
        %swap3A_655 = vector.shape_cast %swap3A_654 : vector<1x1x16xf32> to vector<16xf32>
        %swap3A_656 = vector.shape_cast %add3A_649 : vector<16xf32> to vector<1x1x16xf32>
        tpu.vector_store %arg9[%swap3A_651, %swap3A_652, %swap3A_653], %swap3A_656 {strides = array<i32>} : memref<3x40x256xf32, #tpu.memory_space<vmem>>, vector<1x1x16xf32>,
        %get3A_657 = arith.constant 0 : i32
        %get3A_658 = arith.index_cast %get3A_657 : i32 to index
        %get3A_659 = arith.index_cast %scan3A_397 : i32 to index
        %get3A_660 = arith.constant 208 : index
        %get3A_661 = tpu.vector_load %arg9[%get3A_658, %get3A_659, %get3A_660] {strides = array<i32>} : memref<3x40x256xf32, #tpu.memory_space<vmem>>, vector<1x1x16xf32>,
        %get3A_662 = vector.shape_cast %get3A_661 : vector<1x1x16xf32> to vector<16xf32>
        %get3A_663 = arith.constant 0 : i32
        %get3A_664 = arith.index_cast %get3A_663 : i32 to index
        %get3A_665 = arith.index_cast %scan3A_397 : i32 to index
        %get3A_666 = arith.constant 208 : index
        %get3A_667 = tpu.vector_load %arg10[%get3A_664, %get3A_665, %get3A_666] {strides = array<i32>} : memref<3x40x256xf32, #tpu.memory_space<vmem>>, vector<1x1x16xf32>,
        %get3A_668 = vector.shape_cast %get3A_667 : vector<1x1x16xf32> to vector<16xf32>
        %add3A_669 = arith.addf %get3A_662, %get3A_668 : vector<16xf32>
        %swap3A_670 = arith.constant 0 : i32
        %swap3A_671 = arith.index_cast %swap3A_670 : i32 to index
        %swap3A_672 = arith.index_cast %scan3A_397 : i32 to index
        %swap3A_673 = arith.constant 208 : index
        %swap3A_674 = tpu.vector_load %arg9[%swap3A_671, %swap3A_672, %swap3A_673] {strides = array<i32>} : memref<3x40x256xf32, #tpu.memory_space<vmem>>, vector<1x1x16xf32>,
        %swap3A_675 = vector.shape_cast %swap3A_674 : vector<1x1x16xf32> to vector<16xf32>
        %swap3A_676 = vector.shape_cast %add3A_669 : vector<16xf32> to vector<1x1x16xf32>
        tpu.vector_store %arg9[%swap3A_671, %swap3A_672, %swap3A_673], %swap3A_676 {strides = array<i32>} : memref<3x40x256xf32, #tpu.memory_space<vmem>>, vector<1x1x16xf32>,
        %get3A_677 = arith.constant 0 : i32
        %get3A_678 = arith.index_cast %get3A_677 : i32 to index
        %get3A_679 = arith.index_cast %scan3A_397 : i32 to index
        %get3A_680 = arith.constant 224 : index
        %get3A_681 = tpu.vector_load %arg9[%get3A_678, %get3A_679, %get3A_680] {strides = array<i32>} : memref<3x40x256xf32, #tpu.memory_space<vmem>>, vector<1x1x16xf32>,
        %get3A_682 = vector.shape_cast %get3A_681 : vector<1x1x16xf32> to vector<16xf32>
        %get3A_683 = arith.constant 0 : i32
        %get3A_684 = arith.index_cast %get3A_683 : i32 to index
        %get3A_685 = arith.index_cast %scan3A_397 : i32 to index
        %get3A_686 = arith.constant 224 : index
        %get3A_687 = tpu.vector_load %arg10[%get3A_684, %get3A_685, %get3A_686] {strides = array<i32>} : memref<3x40x256xf32, #tpu.memory_space<vmem>>, vector<1x1x16xf32>,
        %get3A_688 = vector.shape_cast %get3A_687 : vector<1x1x16xf32> to vector<16xf32>
        %add3A_689 = arith.addf %get3A_682, %get3A_688 : vector<16xf32>
        %swap3A_690 = arith.constant 0 : i32
        %swap3A_691 = arith.index_cast %swap3A_690 : i32 to index
        %swap3A_692 = arith.index_cast %scan3A_397 : i32 to index
        %swap3A_693 = arith.constant 224 : index
        %swap3A_694 = tpu.vector_load %arg9[%swap3A_691, %swap3A_692, %swap3A_693] {strides = array<i32>} : memref<3x40x256xf32, #tpu.memory_space<vmem>>, vector<1x1x16xf32>,
        %swap3A_695 = vector.shape_cast %swap3A_694 : vector<1x1x16xf32> to vector<16xf32>
        %swap3A_696 = vector.shape_cast %add3A_689 : vector<16xf32> to vector<1x1x16xf32>
        tpu.vector_store %arg9[%swap3A_691, %swap3A_692, %swap3A_693], %swap3A_696 {strides = array<i32>} : memref<3x40x256xf32, #tpu.memory_space<vmem>>, vector<1x1x16xf32>,
        %get3A_697 = arith.constant 0 : i32
        %get3A_698 = arith.index_cast %get3A_697 : i32 to index
        %get3A_699 = arith.index_cast %scan3A_397 : i32 to index
        %get3A_700 = arith.constant 240 : index
        %get3A_701 = tpu.vector_load %arg9[%get3A_698, %get3A_699, %get3A_700] {strides = array<i32>} : memref<3x40x256xf32, #tpu.memory_space<vmem>>, vector<1x1x16xf32>,
        %get3A_702 = vector.shape_cast %get3A_701 : vector<1x1x16xf32> to vector<16xf32>
        %get3A_703 = arith.constant 0 : i32
        %get3A_704 = arith.index_cast %get3A_703 : i32 to index
        %get3A_705 = arith.index_cast %scan3A_397 : i32 to index
        %get3A_706 = arith.constant 240 : index
        %get3A_707 = tpu.vector_load %arg10[%get3A_704, %get3A_705, %get3A_706] {strides = array<i32>} : memref<3x40x256xf32, #tpu.memory_space<vmem>>, vector<1x1x16xf32>,
        %get3A_708 = vector.shape_cast %get3A_707 : vector<1x1x16xf32> to vector<16xf32>
        %add3A_709 = arith.addf %get3A_702, %get3A_708 : vector<16xf32>
        %swap3A_710 = arith.constant 0 : i32
        %swap3A_711 = arith.index_cast %swap3A_710 : i32 to index
        %swap3A_712 = arith.index_cast %scan3A_397 : i32 to index
        %swap3A_713 = arith.constant 240 : index
        %swap3A_714 = tpu.vector_load %arg9[%swap3A_711, %swap3A_712, %swap3A_713] {strides = array<i32>} : memref<3x40x256xf32, #tpu.memory_space<vmem>>, vector<1x1x16xf32>,
        %swap3A_715 = vector.shape_cast %swap3A_714 : vector<1x1x16xf32> to vector<16xf32>
        %swap3A_716 = vector.shape_cast %add3A_709 : vector<16xf32> to vector<1x1x16xf32>
        tpu.vector_store %arg9[%swap3A_711, %swap3A_712, %swap3A_713], %swap3A_716 {strides = array<i32>} : memref<3x40x256xf32, #tpu.memory_space<vmem>>, vector<1x1x16xf32>,
        %scan3A_717 = arith.constant 0 : i32
        %scan3A_718 = arith.constant 1 : i32
        %scan3A_719 = arith.addi %scan3A_397, %scan3A_718 : i32
        %get3A_720 = arith.constant 0 : i32
        %get3A_721 = arith.index_cast %get3A_720 : i32 to index
        %get3A_722 = arith.index_cast %scan3A_719 : i32 to index
        %get3A_723 = arith.constant 0 : index
        %get3A_724 = tpu.vector_load %arg9[%get3A_721, %get3A_722, %get3A_723] {strides = array<i32>} : memref<3x40x256xf32, #tpu.memory_space<vmem>>, vector<1x1x16xf32>,
        %get3A_725 = vector.shape_cast %get3A_724 : vector<1x1x16xf32> to vector<16xf32>
        %get3A_726 = arith.constant 0 : i32
        %get3A_727 = arith.index_cast %get3A_726 : i32 to index
        %get3A_728 = arith.index_cast %scan3A_719 : i32 to index
        %get3A_729 = arith.constant 0 : index
        %get3A_730 = tpu.vector_load %arg10[%get3A_727, %get3A_728, %get3A_729] {strides = array<i32>} : memref<3x40x256xf32, #tpu.memory_space<vmem>>, vector<1x1x16xf32>,
        %get3A_731 = vector.shape_cast %get3A_730 : vector<1x1x16xf32> to vector<16xf32>
        %add3A_732 = arith.addf %get3A_725, %get3A_731 : vector<16xf32>
        %swap3A_733 = arith.constant 0 : i32
        %swap3A_734 = arith.index_cast %swap3A_733 : i32 to index
        %swap3A_735 = arith.index_cast %scan3A_719 : i32 to index
        %swap3A_736 = arith.constant 0 : index
        %swap3A_737 = tpu.vector_load %arg9[%swap3A_734, %swap3A_735, %swap3A_736] {strides = array<i32>} : memref<3x40x256xf32, #tpu.memory_space<vmem>>, vector<1x1x16xf32>,
        %swap3A_738 = vector.shape_cast %swap3A_737 : vector<1x1x16xf32> to vector<16xf32>
        %swap3A_739 = vector.shape_cast %add3A_732 : vector<16xf32> to vector<1x1x16xf32>
        tpu.vector_store %arg9[%swap3A_734, %swap3A_735, %swap3A_736], %swap3A_739 {strides = array<i32>} : memref<3x40x256xf32, #tpu.memory_space<vmem>>, vector<1x1x16xf32>,
        %get3A_740 = arith.constant 0 : i32
        %get3A_741 = arith.index_cast %get3A_740 : i32 to index
        %get3A_742 = arith.index_cast %scan3A_719 : i32 to index
        %get3A_743 = arith.constant 16 : index
        %get3A_744 = tpu.vector_load %arg9[%get3A_741, %get3A_742, %get3A_743] {strides = array<i32>} : memref<3x40x256xf32, #tpu.memory_space<vmem>>, vector<1x1x16xf32>,
        %get3A_745 = vector.shape_cast %get3A_744 : vector<1x1x16xf32> to vector<16xf32>
        %get3A_746 = arith.constant 0 : i32
        %get3A_747 = arith.index_cast %get3A_746 : i32 to index
        %get3A_748 = arith.index_cast %scan3A_719 : i32 to index
        %get3A_749 = arith.constant 16 : index
        %get3A_750 = tpu.vector_load %arg10[%get3A_747, %get3A_748, %get3A_749] {strides = array<i32>} : memref<3x40x256xf32, #tpu.memory_space<vmem>>, vector<1x1x16xf32>,
        %get3A_751 = vector.shape_cast %get3A_750 : vector<1x1x16xf32> to vector<16xf32>
        %add3A_752 = arith.addf %get3A_745, %get3A_751 : vector<16xf32>
        %swap3A_753 = arith.constant 0 : i32
        %swap3A_754 = arith.index_cast %swap3A_753 : i32 to index
        %swap3A_755 = arith.index_cast %scan3A_719 : i32 to index
        %swap3A_756 = arith.constant 16 : index
        %swap3A_757 = tpu.vector_load %arg9[%swap3A_754, %swap3A_755, %swap3A_756] {strides = array<i32>} : memref<3x40x256xf32, #tpu.memory_space<vmem>>, vector<1x1x16xf32>,
        %swap3A_758 = vector.shape_cast %swap3A_757 : vector<1x1x16xf32> to vector<16xf32>
        %swap3A_759 = vector.shape_cast %add3A_752 : vector<16xf32> to vector<1x1x16xf32>
        tpu.vector_store %arg9[%swap3A_754, %swap3A_755, %swap3A_756], %swap3A_759 {strides = array<i32>} : memref<3x40x256xf32, #tpu.memory_space<vmem>>, vector<1x1x16xf32>,
        %get3A_760 = arith.constant 0 : i32
        %get3A_761 = arith.index_cast %get3A_760 : i32 to index
        %get3A_762 = arith.index_cast %scan3A_719 : i32 to index
        %get3A_763 = arith.constant 32 : index
        %get3A_764 = tpu.vector_load %arg9[%get3A_761, %get3A_762, %get3A_763] {strides = array<i32>} : memref<3x40x256xf32, #tpu.memory_space<vmem>>, vector<1x1x16xf32>,
        %get3A_765 = vector.shape_cast %get3A_764 : vector<1x1x16xf32> to vector<16xf32>
        %get3A_766 = arith.constant 0 : i32
        %get3A_767 = arith.index_cast %get3A_766 : i32 to index
        %get3A_768 = arith.index_cast %scan3A_719 : i32 to index
        %get3A_769 = arith.constant 32 : index
        %get3A_770 = tpu.vector_load %arg10[%get3A_767, %get3A_768, %get3A_769] {strides = array<i32>} : memref<3x40x256xf32, #tpu.memory_space<vmem>>, vector<1x1x16xf32>,
        %get3A_771 = vector.shape_cast %get3A_770 : vector<1x1x16xf32> to vector<16xf32>
        %add3A_772 = arith.addf %get3A_765, %get3A_771 : vector<16xf32>
        %swap3A_773 = arith.constant 0 : i32
        %swap3A_774 = arith.index_cast %swap3A_773 : i32 to index
        %swap3A_775 = arith.index_cast %scan3A_719 : i32 to index
        %swap3A_776 = arith.constant 32 : index
        %swap3A_777 = tpu.vector_load %arg9[%swap3A_774, %swap3A_775, %swap3A_776] {strides = array<i32>} : memref<3x40x256xf32, #tpu.memory_space<vmem>>, vector<1x1x16xf32>,
        %swap3A_778 = vector.shape_cast %swap3A_777 : vector<1x1x16xf32> to vector<16xf32>
        %swap3A_779 = vector.shape_cast %add3A_772 : vector<16xf32> to vector<1x1x16xf32>
        tpu.vector_store %arg9[%swap3A_774, %swap3A_775, %swap3A_776], %swap3A_779 {strides = array<i32>} : memref<3x40x256xf32, #tpu.memory_space<vmem>>, vector<1x1x16xf32>,
        %get3A_780 = arith.constant 0 : i32
        %get3A_781 = arith.index_cast %get3A_780 : i32 to index
        %get3A_782 = arith.index_cast %scan3A_719 : i32 to index
        %get3A_783 = arith.constant 48 : index
        %get3A_784 = tpu.vector_load %arg9[%get3A_781, %get3A_782, %get3A_783] {strides = array<i32>} : memref<3x40x256xf32, #tpu.memory_space<vmem>>, vector<1x1x16xf32>,
        %get3A_785 = vector.shape_cast %get3A_784 : vector<1x1x16xf32> to vector<16xf32>
        %get3A_786 = arith.constant 0 : i32
        %get3A_787 = arith.index_cast %get3A_786 : i32 to index
        %get3A_788 = arith.index_cast %scan3A_719 : i32 to index
        %get3A_789 = arith.constant 48 : index
        %get3A_790 = tpu.vector_load %arg10[%get3A_787, %get3A_788, %get3A_789] {strides = array<i32>} : memref<3x40x256xf32, #tpu.memory_space<vmem>>, vector<1x1x16xf32>,
        %get3A_791 = vector.shape_cast %get3A_790 : vector<1x1x16xf32> to vector<16xf32>
        %add3A_792 = arith.addf %get3A_785, %get3A_791 : vector<16xf32>
        %swap3A_793 = arith.constant 0 : i32
        %swap3A_794 = arith.index_cast %swap3A_793 : i32 to index
        %swap3A_795 = arith.index_cast %scan3A_719 : i32 to index
        %swap3A_796 = arith.constant 48 : index
        %swap3A_797 = tpu.vector_load %arg9[%swap3A_794, %swap3A_795, %swap3A_796] {strides = array<i32>} : memref<3x40x256xf32, #tpu.memory_space<vmem>>, vector<1x1x16xf32>,
        %swap3A_798 = vector.shape_cast %swap3A_797 : vector<1x1x16xf32> to vector<16xf32>
        %swap3A_799 = vector.shape_cast %add3A_792 : vector<16xf32> to vector<1x1x16xf32>
        tpu.vector_store %arg9[%swap3A_794, %swap3A_795, %swap3A_796], %swap3A_799 {strides = array<i32>} : memref<3x40x256xf32, #tpu.memory_space<vmem>>, vector<1x1x16xf32>,
        %get3A_800 = arith.constant 0 : i32
        %get3A_801 = arith.index_cast %get3A_800 : i32 to index
        %get3A_802 = arith.index_cast %scan3A_719 : i32 to index
        %get3A_803 = arith.constant 64 : index
        %get3A_804 = tpu.vector_load %arg9[%get3A_801, %get3A_802, %get3A_803] {strides = array<i32>} : memref<3x40x256xf32, #tpu.memory_space<vmem>>, vector<1x1x16xf32>,
        %get3A_805 = vector.shape_cast %get3A_804 : vector<1x1x16xf32> to vector<16xf32>
        %get3A_806 = arith.constant 0 : i32
        %get3A_807 = arith.index_cast %get3A_806 : i32 to index
        %get3A_808 = arith.index_cast %scan3A_719 : i32 to index
        %get3A_809 = arith.constant 64 : index
        %get3A_810 = tpu.vector_load %arg10[%get3A_807, %get3A_808, %get3A_809] {strides = array<i32>} : memref<3x40x256xf32, #tpu.memory_space<vmem>>, vector<1x1x16xf32>,
        %get3A_811 = vector.shape_cast %get3A_810 : vector<1x1x16xf32> to vector<16xf32>
        %add3A_812 = arith.addf %get3A_805, %get3A_811 : vector<16xf32>
        %swap3A_813 = arith.constant 0 : i32
        %swap3A_814 = arith.index_cast %swap3A_813 : i32 to index
        %swap3A_815 = arith.index_cast %scan3A_719 : i32 to index
        %swap3A_816 = arith.constant 64 : index
        %swap3A_817 = tpu.vector_load %arg9[%swap3A_814, %swap3A_815, %swap3A_816] {strides = array<i32>} : memref<3x40x256xf32, #tpu.memory_space<vmem>>, vector<1x1x16xf32>,
        %swap3A_818 = vector.shape_cast %swap3A_817 : vector<1x1x16xf32> to vector<16xf32>
        %swap3A_819 = vector.shape_cast %add3A_812 : vector<16xf32> to vector<1x1x16xf32>
        tpu.vector_store %arg9[%swap3A_814, %swap3A_815, %swap3A_816], %swap3A_819 {strides = array<i32>} : memref<3x40x256xf32, #tpu.memory_space<vmem>>, vector<1x1x16xf32>,
        %get3A_820 = arith.constant 0 : i32
        %get3A_821 = arith.index_cast %get3A_820 : i32 to index
        %get3A_822 = arith.index_cast %scan3A_719 : i32 to index
        %get3A_823 = arith.constant 80 : index
        %get3A_824 = tpu.vector_load %arg9[%get3A_821, %get3A_822, %get3A_823] {strides = array<i32>} : memref<3x40x256xf32, #tpu.memory_space<vmem>>, vector<1x1x16xf32>,
        %get3A_825 = vector.shape_cast %get3A_824 : vector<1x1x16xf32> to vector<16xf32>
        %get3A_826 = arith.constant 0 : i32
        %get3A_827 = arith.index_cast %get3A_826 : i32 to index
        %get3A_828 = arith.index_cast %scan3A_719 : i32 to index
        %get3A_829 = arith.constant 80 : index
        %get3A_830 = tpu.vector_load %arg10[%get3A_827, %get3A_828, %get3A_829] {strides = array<i32>} : memref<3x40x256xf32, #tpu.memory_space<vmem>>, vector<1x1x16xf32>,
        %get3A_831 = vector.shape_cast %get3A_830 : vector<1x1x16xf32> to vector<16xf32>
        %add3A_832 = arith.addf %get3A_825, %get3A_831 : vector<16xf32>
        %swap3A_833 = arith.constant 0 : i32
        %swap3A_834 = arith.index_cast %swap3A_833 : i32 to index
        %swap3A_835 = arith.index_cast %scan3A_719 : i32 to index
        %swap3A_836 = arith.constant 80 : index
        %swap3A_837 = tpu.vector_load %arg9[%swap3A_834, %swap3A_835, %swap3A_836] {strides = array<i32>} : memref<3x40x256xf32, #tpu.memory_space<vmem>>, vector<1x1x16xf32>,
        %swap3A_838 = vector.shape_cast %swap3A_837 : vector<1x1x16xf32> to vector<16xf32>
        %swap3A_839 = vector.shape_cast %add3A_832 : vector<16xf32> to vector<1x1x16xf32>
        tpu.vector_store %arg9[%swap3A_834, %swap3A_835, %swap3A_836], %swap3A_839 {strides = array<i32>} : memref<3x40x256xf32, #tpu.memory_space<vmem>>, vector<1x1x16xf32>,
        %get3A_840 = arith.constant 0 : i32
        %get3A_841 = arith.index_cast %get3A_840 : i32 to index
        %get3A_842 = arith.index_cast %scan3A_719 : i32 to index
        %get3A_843 = arith.constant 96 : index
        %get3A_844 = tpu.vector_load %arg9[%get3A_841, %get3A_842, %get3A_843] {strides = array<i32>} : memref<3x40x256xf32, #tpu.memory_space<vmem>>, vector<1x1x16xf32>,
        %get3A_845 = vector.shape_cast %get3A_844 : vector<1x1x16xf32> to vector<16xf32>
        %get3A_846 = arith.constant 0 : i32
        %get3A_847 = arith.index_cast %get3A_846 : i32 to index
        %get3A_848 = arith.index_cast %scan3A_719 : i32 to index
        %get3A_849 = arith.constant 96 : index
        %get3A_850 = tpu.vector_load %arg10[%get3A_847, %get3A_848, %get3A_849] {strides = array<i32>} : memref<3x40x256xf32, #tpu.memory_space<vmem>>, vector<1x1x16xf32>,
        %get3A_851 = vector.shape_cast %get3A_850 : vector<1x1x16xf32> to vector<16xf32>
        %add3A_852 = arith.addf %get3A_845, %get3A_851 : vector<16xf32>
        %swap3A_853 = arith.constant 0 : i32
        %swap3A_854 = arith.index_cast %swap3A_853 : i32 to index
        %swap3A_855 = arith.index_cast %scan3A_719 : i32 to index
        %swap3A_856 = arith.constant 96 : index
        %swap3A_857 = tpu.vector_load %arg9[%swap3A_854, %swap3A_855, %swap3A_856] {strides = array<i32>} : memref<3x40x256xf32, #tpu.memory_space<vmem>>, vector<1x1x16xf32>,
        %swap3A_858 = vector.shape_cast %swap3A_857 : vector<1x1x16xf32> to vector<16xf32>
        %swap3A_859 = vector.shape_cast %add3A_852 : vector<16xf32> to vector<1x1x16xf32>
        tpu.vector_store %arg9[%swap3A_854, %swap3A_855, %swap3A_856], %swap3A_859 {strides = array<i32>} : memref<3x40x256xf32, #tpu.memory_space<vmem>>, vector<1x1x16xf32>,
        %get3A_860 = arith.constant 0 : i32
        %get3A_861 = arith.index_cast %get3A_860 : i32 to index
        %get3A_862 = arith.index_cast %scan3A_719 : i32 to index
        %get3A_863 = arith.constant 112 : index
        %get3A_864 = tpu.vector_load %arg9[%get3A_861, %get3A_862, %get3A_863] {strides = array<i32>} : memref<3x40x256xf32, #tpu.memory_space<vmem>>, vector<1x1x16xf32>,
        %get3A_865 = vector.shape_cast %get3A_864 : vector<1x1x16xf32> to vector<16xf32>
        %get3A_866 = arith.constant 0 : i32
        %get3A_867 = arith.index_cast %get3A_866 : i32 to index
        %get3A_868 = arith.index_cast %scan3A_719 : i32 to index
        %get3A_869 = arith.constant 112 : index
        %get3A_870 = tpu.vector_load %arg10[%get3A_867, %get3A_868, %get3A_869] {strides = array<i32>} : memref<3x40x256xf32, #tpu.memory_space<vmem>>, vector<1x1x16xf32>,
        %get3A_871 = vector.shape_cast %get3A_870 : vector<1x1x16xf32> to vector<16xf32>
        %add3A_872 = arith.addf %get3A_865, %get3A_871 : vector<16xf32>
        %swap3A_873 = arith.constant 0 : i32
        %swap3A_874 = arith.index_cast %swap3A_873 : i32 to index
        %swap3A_875 = arith.index_cast %scan3A_719 : i32 to index
        %swap3A_876 = arith.constant 112 : index
        %swap3A_877 = tpu.vector_load %arg9[%swap3A_874, %swap3A_875, %swap3A_876] {strides = array<i32>} : memref<3x40x256xf32, #tpu.memory_space<vmem>>, vector<1x1x16xf32>,
        %swap3A_878 = vector.shape_cast %swap3A_877 : vector<1x1x16xf32> to vector<16xf32>
        %swap3A_879 = vector.shape_cast %add3A_872 : vector<16xf32> to vector<1x1x16xf32>
        tpu.vector_store %arg9[%swap3A_874, %swap3A_875, %swap3A_876], %swap3A_879 {strides = array<i32>} : memref<3x40x256xf32, #tpu.memory_space<vmem>>, vector<1x1x16xf32>,
        %get3A_880 = arith.constant 0 : i32
        %get3A_881 = arith.index_cast %get3A_880 : i32 to index
        %get3A_882 = arith.index_cast %scan3A_719 : i32 to index
        %get3A_883 = arith.constant 128 : index
        %get3A_884 = tpu.vector_load %arg9[%get3A_881, %get3A_882, %get3A_883] {strides = array<i32>} : memref<3x40x256xf32, #tpu.memory_space<vmem>>, vector<1x1x16xf32>,
        %get3A_885 = vector.shape_cast %get3A_884 : vector<1x1x16xf32> to vector<16xf32>
        %get3A_886 = arith.constant 0 : i32
        %get3A_887 = arith.index_cast %get3A_886 : i32 to index
        %get3A_888 = arith.index_cast %scan3A_719 : i32 to index
        %get3A_889 = arith.constant 128 : index
        %get3A_890 = tpu.vector_load %arg10[%get3A_887, %get3A_888, %get3A_889] {strides = array<i32>} : memref<3x40x256xf32, #tpu.memory_space<vmem>>, vector<1x1x16xf32>,
        %get3A_891 = vector.shape_cast %get3A_890 : vector<1x1x16xf32> to vector<16xf32>
        %add3A_892 = arith.addf %get3A_885, %get3A_891 : vector<16xf32>
        %swap3A_893 = arith.constant 0 : i32
        %swap3A_894 = arith.index_cast %swap3A_893 : i32 to index
        %swap3A_895 = arith.index_cast %scan3A_719 : i32 to index
        %swap3A_896 = arith.constant 128 : index
        %swap3A_897 = tpu.vector_load %arg9[%swap3A_894, %swap3A_895, %swap3A_896] {strides = array<i32>} : memref<3x40x256xf32, #tpu.memory_space<vmem>>, vector<1x1x16xf32>,
        %swap3A_898 = vector.shape_cast %swap3A_897 : vector<1x1x16xf32> to vector<16xf32>
        %swap3A_899 = vector.shape_cast %add3A_892 : vector<16xf32> to vector<1x1x16xf32>
        tpu.vector_store %arg9[%swap3A_894, %swap3A_895, %swap3A_896], %swap3A_899 {strides = array<i32>} : memref<3x40x256xf32, #tpu.memory_space<vmem>>, vector<1x1x16xf32>,
        %get3A_900 = arith.constant 0 : i32
        %get3A_901 = arith.index_cast %get3A_900 : i32 to index
        %get3A_902 = arith.index_cast %scan3A_719 : i32 to index
        %get3A_903 = arith.constant 144 : index
        %get3A_904 = tpu.vector_load %arg9[%get3A_901, %get3A_902, %get3A_903] {strides = array<i32>} : memref<3x40x256xf32, #tpu.memory_space<vmem>>, vector<1x1x16xf32>,
        %get3A_905 = vector.shape_cast %get3A_904 : vector<1x1x16xf32> to vector<16xf32>
        %get3A_906 = arith.constant 0 : i32
        %get3A_907 = arith.index_cast %get3A_906 : i32 to index
        %get3A_908 = arith.index_cast %scan3A_719 : i32 to index
        %get3A_909 = arith.constant 144 : index
        %get3A_910 = tpu.vector_load %arg10[%get3A_907, %get3A_908, %get3A_909] {strides = array<i32>} : memref<3x40x256xf32, #tpu.memory_space<vmem>>, vector<1x1x16xf32>,
        %get3A_911 = vector.shape_cast %get3A_910 : vector<1x1x16xf32> to vector<16xf32>
        %add3A_912 = arith.addf %get3A_905, %get3A_911 : vector<16xf32>
        %swap3A_913 = arith.constant 0 : i32
        %swap3A_914 = arith.index_cast %swap3A_913 : i32 to index
        %swap3A_915 = arith.index_cast %scan3A_719 : i32 to index
        %swap3A_916 = arith.constant 144 : index
        %swap3A_917 = tpu.vector_load %arg9[%swap3A_914, %swap3A_915, %swap3A_916] {strides = array<i32>} : memref<3x40x256xf32, #tpu.memory_space<vmem>>, vector<1x1x16xf32>,
        %swap3A_918 = vector.shape_cast %swap3A_917 : vector<1x1x16xf32> to vector<16xf32>
        %swap3A_919 = vector.shape_cast %add3A_912 : vector<16xf32> to vector<1x1x16xf32>
        tpu.vector_store %arg9[%swap3A_914, %swap3A_915, %swap3A_916], %swap3A_919 {strides = array<i32>} : memref<3x40x256xf32, #tpu.memory_space<vmem>>, vector<1x1x16xf32>,
        %get3A_920 = arith.constant 0 : i32
        %get3A_921 = arith.index_cast %get3A_920 : i32 to index
        %get3A_922 = arith.index_cast %scan3A_719 : i32 to index
        %get3A_923 = arith.constant 160 : index
        %get3A_924 = tpu.vector_load %arg9[%get3A_921, %get3A_922, %get3A_923] {strides = array<i32>} : memref<3x40x256xf32, #tpu.memory_space<vmem>>, vector<1x1x16xf32>,
        %get3A_925 = vector.shape_cast %get3A_924 : vector<1x1x16xf32> to vector<16xf32>
        %get3A_926 = arith.constant 0 : i32
        %get3A_927 = arith.index_cast %get3A_926 : i32 to index
        %get3A_928 = arith.index_cast %scan3A_719 : i32 to index
        %get3A_929 = arith.constant 160 : index
        %get3A_930 = tpu.vector_load %arg10[%get3A_927, %get3A_928, %get3A_929] {strides = array<i32>} : memref<3x40x256xf32, #tpu.memory_space<vmem>>, vector<1x1x16xf32>,
        %get3A_931 = vector.shape_cast %get3A_930 : vector<1x1x16xf32> to vector<16xf32>
        %add3A_932 = arith.addf %get3A_925, %get3A_931 : vector<16xf32>
        %swap3A_933 = arith.constant 0 : i32
        %swap3A_934 = arith.index_cast %swap3A_933 : i32 to index
        %swap3A_935 = arith.index_cast %scan3A_719 : i32 to index
        %swap3A_936 = arith.constant 160 : index
        %swap3A_937 = tpu.vector_load %arg9[%swap3A_934, %swap3A_935, %swap3A_936] {strides = array<i32>} : memref<3x40x256xf32, #tpu.memory_space<vmem>>, vector<1x1x16xf32>,
        %swap3A_938 = vector.shape_cast %swap3A_937 : vector<1x1x16xf32> to vector<16xf32>
        %swap3A_939 = vector.shape_cast %add3A_932 : vector<16xf32> to vector<1x1x16xf32>
        tpu.vector_store %arg9[%swap3A_934, %swap3A_935, %swap3A_936], %swap3A_939 {strides = array<i32>} : memref<3x40x256xf32, #tpu.memory_space<vmem>>, vector<1x1x16xf32>,
        %get3A_940 = arith.constant 0 : i32
        %get3A_941 = arith.index_cast %get3A_940 : i32 to index
        %get3A_942 = arith.index_cast %scan3A_719 : i32 to index
        %get3A_943 = arith.constant 176 : index
        %get3A_944 = tpu.vector_load %arg9[%get3A_941, %get3A_942, %get3A_943] {strides = array<i32>} : memref<3x40x256xf32, #tpu.memory_space<vmem>>, vector<1x1x16xf32>,
        %get3A_945 = vector.shape_cast %get3A_944 : vector<1x1x16xf32> to vector<16xf32>
        %get3A_946 = arith.constant 0 : i32
        %get3A_947 = arith.index_cast %get3A_946 : i32 to index
        %get3A_948 = arith.index_cast %scan3A_719 : i32 to index
        %get3A_949 = arith.constant 176 : index
        %get3A_950 = tpu.vector_load %arg10[%get3A_947, %get3A_948, %get3A_949] {strides = array<i32>} : memref<3x40x256xf32, #tpu.memory_space<vmem>>, vector<1x1x16xf32>,
        %get3A_951 = vector.shape_cast %get3A_950 : vector<1x1x16xf32> to vector<16xf32>
        %add3A_952 = arith.addf %get3A_945, %get3A_951 : vector<16xf32>
        %swap3A_953 = arith.constant 0 : i32
        %swap3A_954 = arith.index_cast %swap3A_953 : i32 to index
        %swap3A_955 = arith.index_cast %scan3A_719 : i32 to index
        %swap3A_956 = arith.constant 176 : index
        %swap3A_957 = tpu.vector_load %arg9[%swap3A_954, %swap3A_955, %swap3A_956] {strides = array<i32>} : memref<3x40x256xf32, #tpu.memory_space<vmem>>, vector<1x1x16xf32>,
        %swap3A_958 = vector.shape_cast %swap3A_957 : vector<1x1x16xf32> to vector<16xf32>
        %swap3A_959 = vector.shape_cast %add3A_952 : vector<16xf32> to vector<1x1x16xf32>
        tpu.vector_store %arg9[%swap3A_954, %swap3A_955, %swap3A_956], %swap3A_959 {strides = array<i32>} : memref<3x40x256xf32, #tpu.memory_space<vmem>>, vector<1x1x16xf32>,
        %get3A_960 = arith.constant 0 : i32
        %get3A_961 = arith.index_cast %get3A_960 : i32 to index
        %get3A_962 = arith.index_cast %scan3A_719 : i32 to index
        %get3A_963 = arith.constant 192 : index
        %get3A_964 = tpu.vector_load %arg9[%get3A_961, %get3A_962, %get3A_963] {strides = array<i32>} : memref<3x40x256xf32, #tpu.memory_space<vmem>>, vector<1x1x16xf32>,
        %get3A_965 = vector.shape_cast %get3A_964 : vector<1x1x16xf32> to vector<16xf32>
        %get3A_966 = arith.constant 0 : i32
        %get3A_967 = arith.index_cast %get3A_966 : i32 to index
        %get3A_968 = arith.index_cast %scan3A_719 : i32 to index
        %get3A_969 = arith.constant 192 : index
        %get3A_970 = tpu.vector_load %arg10[%get3A_967, %get3A_968, %get3A_969] {strides = array<i32>} : memref<3x40x256xf32, #tpu.memory_space<vmem>>, vector<1x1x16xf32>,
        %get3A_971 = vector.shape_cast %get3A_970 : vector<1x1x16xf32> to vector<16xf32>
        %add3A_972 = arith.addf %get3A_965, %get3A_971 : vector<16xf32>
        %swap3A_973 = arith.constant 0 : i32
        %swap3A_974 = arith.index_cast %swap3A_973 : i32 to index
        %swap3A_975 = arith.index_cast %scan3A_719 : i32 to index
        %swap3A_976 = arith.constant 192 : index
        %swap3A_977 = tpu.vector_load %arg9[%swap3A_974, %swap3A_975, %swap3A_976] {strides = array<i32>} : memref<3x40x256xf32, #tpu.memory_space<vmem>>, vector<1x1x16xf32>,
        %swap3A_978 = vector.shape_cast %swap3A_977 : vector<1x1x16xf32> to vector<16xf32>
        %swap3A_979 = vector.shape_cast %add3A_972 : vector<16xf32> to vector<1x1x16xf32>
        tpu.vector_store %arg9[%swap3A_974, %swap3A_975, %swap3A_976], %swap3A_979 {strides = array<i32>} : memref<3x40x256xf32, #tpu.memory_space<vmem>>, vector<1x1x16xf32>,
        %get3A_980 = arith.constant 0 : i32
        %get3A_981 = arith.index_cast %get3A_980 : i32 to index
        %get3A_982 = arith.index_cast %scan3A_719 : i32 to index
        %get3A_983 = arith.constant 208 : index
        %get3A_984 = tpu.vector_load %arg9[%get3A_981, %get3A_982, %get3A_983] {strides = array<i32>} : memref<3x40x256xf32, #tpu.memory_space<vmem>>, vector<1x1x16xf32>,
        %get3A_985 = vector.shape_cast %get3A_984 : vector<1x1x16xf32> to vector<16xf32>
        %get3A_986 = arith.constant 0 : i32
        %get3A_987 = arith.index_cast %get3A_986 : i32 to index
        %get3A_988 = arith.index_cast %scan3A_719 : i32 to index
        %get3A_989 = arith.constant 208 : index
        %get3A_990 = tpu.vector_load %arg10[%get3A_987, %get3A_988, %get3A_989] {strides = array<i32>} : memref<3x40x256xf32, #tpu.memory_space<vmem>>, vector<1x1x16xf32>,
        %get3A_991 = vector.shape_cast %get3A_990 : vector<1x1x16xf32> to vector<16xf32>
        %add3A_992 = arith.addf %get3A_985, %get3A_991 : vector<16xf32>
        %swap3A_993 = arith.constant 0 : i32
        %swap3A_994 = arith.index_cast %swap3A_993 : i32 to index
        %swap3A_995 = arith.index_cast %scan3A_719 : i32 to index
        %swap3A_996 = arith.constant 208 : index
        %swap3A_997 = tpu.vector_load %arg9[%swap3A_994, %swap3A_995, %swap3A_996] {strides = array<i32>} : memref<3x40x256xf32, #tpu.memory_space<vmem>>, vector<1x1x16xf32>,
        %swap3A_998 = vector.shape_cast %swap3A_997 : vector<1x1x16xf32> to vector<16xf32>
        %swap3A_999 = vector.shape_cast %add3A_992 : vector<16xf32> to vector<1x1x16xf32>
        tpu.vector_store %arg9[%swap3A_994, %swap3A_995, %swap3A_996], %swap3A_999 {strides = array<i32>} : memref<3x40x256xf32, #tpu.memory_space<vmem>>, vector<1x1x16xf32>,
        %get3A_1000 = arith.constant 0 : i32
        %get3A_1001 = arith.index_cast %get3A_1000 : i32 to index
        %get3A_1002 = arith.index_cast %scan3A_719 : i32 to index
        %get3A_1003 = arith.constant 224 : index
        %get3A_1004 = tpu.vector_load %arg9[%get3A_1001, %get3A_1002, %get3A_1003] {strides = array<i32>} : memref<3x40x256xf32, #tpu.memory_space<vmem>>, vector<1x1x16xf32>,
        %get3A_1005 = vector.shape_cast %get3A_1004 : vector<1x1x16xf32> to vector<16xf32>
        %get3A_1006 = arith.constant 0 : i32
        %get3A_1007 = arith.index_cast %get3A_1006 : i32 to index
        %get3A_1008 = arith.index_cast %scan3A_719 : i32 to index
        %get3A_1009 = arith.constant 224 : index
        %get3A_1010 = tpu.vector_load %arg10[%get3A_1007, %get3A_1008, %get3A_1009] {strides = array<i32>} : memref<3x40x256xf32, #tpu.memory_space<vmem>>, vector<1x1x16xf32>,
        %get3A_1011 = vector.shape_cast %get3A_1010 : vector<1x1x16xf32> to vector<16xf32>
        %add3A_1012 = arith.addf %get3A_1005, %get3A_1011 : vector<16xf32>
        %swap3A_1013 = arith.constant 0 : i32
        %swap3A_1014 = arith.index_cast %swap3A_1013 : i32 to index
        %swap3A_1015 = arith.index_cast %scan3A_719 : i32 to index
        %swap3A_1016 = arith.constant 224 : index
        %swap3A_1017 = tpu.vector_load %arg9[%swap3A_1014, %swap3A_1015, %swap3A_1016] {strides = array<i32>} : memref<3x40x256xf32, #tpu.memory_space<vmem>>, vector<1x1x16xf32>,
        %swap3A_1018 = vector.shape_cast %swap3A_1017 : vector<1x1x16xf32> to vector<16xf32>
        %swap3A_1019 = vector.shape_cast %add3A_1012 : vector<16xf32> to vector<1x1x16xf32>
        tpu.vector_store %arg9[%swap3A_1014, %swap3A_1015, %swap3A_1016], %swap3A_1019 {strides = array<i32>} : memref<3x40x256xf32, #tpu.memory_space<vmem>>, vector<1x1x16xf32>,
        %get3A_1020 = arith.constant 0 : i32
        %get3A_1021 = arith.index_cast %get3A_1020 : i32 to index
        %get3A_1022 = arith.index_cast %scan3A_719 : i32 to index
        %get3A_1023 = arith.constant 240 : index
        %get3A_1024 = tpu.vector_load %arg9[%get3A_1021, %get3A_1022, %get3A_1023] {strides = array<i32>} : memref<3x40x256xf32, #tpu.memory_space<vmem>>, vector<1x1x16xf32>,
        %get3A_1025 = vector.shape_cast %get3A_1024 : vector<1x1x16xf32> to vector<16xf32>
        %get3A_1026 = arith.constant 0 : i32
        %get3A_1027 = arith.index_cast %get3A_1026 : i32 to index
        %get3A_1028 = arith.index_cast %scan3A_719 : i32 to index
        %get3A_1029 = arith.constant 240 : index
        %get3A_1030 = tpu.vector_load %arg10[%get3A_1027, %get3A_1028, %get3A_1029] {strides = array<i32>} : memref<3x40x256xf32, #tpu.memory_space<vmem>>, vector<1x1x16xf32>,
        %get3A_1031 = vector.shape_cast %get3A_1030 : vector<1x1x16xf32> to vector<16xf32>
        %add3A_1032 = arith.addf %get3A_1025, %get3A_1031 : vector<16xf32>
        %swap3A_1033 = arith.constant 0 : i32
        %swap3A_1034 = arith.index_cast %swap3A_1033 : i32 to index
        %swap3A_1035 = arith.index_cast %scan3A_719 : i32 to index
        %swap3A_1036 = arith.constant 240 : index
        %swap3A_1037 = tpu.vector_load %arg9[%swap3A_1034, %swap3A_1035, %swap3A_1036] {strides = array<i32>} : memref<3x40x256xf32, #tpu.memory_space<vmem>>, vector<1x1x16xf32>,
        %swap3A_1038 = vector.shape_cast %swap3A_1037 : vector<1x1x16xf32> to vector<16xf32>
        %swap3A_1039 = vector.shape_cast %add3A_1032 : vector<16xf32> to vector<1x1x16xf32>
        tpu.vector_store %arg9[%swap3A_1034, %swap3A_1035, %swap3A_1036], %swap3A_1039 {strides = array<i32>} : memref<3x40x256xf32, #tpu.memory_space<vmem>>, vector<1x1x16xf32>,
        %scan3A_1040 = arith.constant 0 : i32
        scf.yield %scan3A_1040 : i32
      }
      %scan3A_228 = arith.constant 40 : i32
      %mul3A_229 = arith.constant 40 : i32
      %mul3A_230 = arith.muli %add3A_193, %mul3A_229 : i32
      %add3A_231 = arith.addi %mul3A_2, %mul3A_230 : i32
      %dma_start3A_232 = arith.constant 0 : i32
      %dma_start3A_233 = arith.constant 0 : i32
      %dma_start3A_234 = arith.constant 0 : i32
      %dma_start3A_235 = arith.constant 0 : i32
      %dma_start3A_236 = tpu.memref_slice %arg9[%dma_start3A_232, %dma_start3A_234, %dma_start3A_235] : memref<3x40x256xf32, #tpu.memory_space<vmem>> -> memref<1x40x256xf32, #tpu.memory_space<vmem>>
      %dma_start3A_237 = tpu.memref_squeeze %dma_start3A_236 : memref<1x40x256xf32, #tpu.memory_space<vmem>> -> memref<40x256xf32, #tpu.memory_space<vmem>>
      %dma_start3A_238 = arith.constant 0 : i32
      %dma_start3A_239 = tpu.memref_slice %arg6[%add3A_231, %dma_start3A_238] : memref<320000x256xf32, #tpu.memory_space<hbm>> -> memref<40x256xf32, #tpu.memory_space<hbm>>
      %dma_start3A_240 = tpu.memref_slice %arg12[%dma_start3A_233] : memref<3x!tpu.dma_semaphore, #tpu.memory_space<semaphore_mem>> -> memref<1x!tpu.dma_semaphore, #tpu.memory_space<semaphore_mem>>
      %dma_start3A_241 = tpu.memref_squeeze %dma_start3A_240 : memref<1x!tpu.dma_semaphore, #tpu.memory_space<semaphore_mem>> -> memref<!tpu.dma_semaphore, #tpu.memory_space<semaphore_mem>>
      %dma_start3A_242 = arith.constant 0 : i32
      %dma_start3A_243 = tpu.memref_slice %arg6[%add3A_231, %dma_start3A_242] : memref<320000x256xf32, #tpu.memory_space<hbm>> -> memref<40x256xf32, #tpu.memory_space<hbm>>
      %dma_start3A_244 = arith.constant 0 : i32
      %dma_start3A_245 = arith.constant 0 : i32
      %dma_start3A_246 = tpu.memref_slice %arg9[%dma_start3A_232, %dma_start3A_244, %dma_start3A_245] : memref<3x40x256xf32, #tpu.memory_space<vmem>> -> memref<1x40x256xf32, #tpu.memory_space<vmem>>
      %dma_start3A_247 = tpu.memref_squeeze %dma_start3A_246 : memref<1x40x256xf32, #tpu.memory_space<vmem>> -> memref<40x256xf32, #tpu.memory_space<vmem>>
      tpu.enqueue_dma source(%dma_start3A_247 : memref<40x256xf32, #tpu.memory_space<vmem>>) target(%dma_start3A_243 : memref<40x256xf32, #tpu.memory_space<hbm>>) target_semaphore(%dma_start3A_241 : memref<!tpu.dma_semaphore, #tpu.memory_space<semaphore_mem>>)
      %add3A_248 = arith.constant 2 : i32
      %add3A_249 = arith.addi %add3A_193, %add3A_248 : i32
      %ge3A = arith.constant 3 : i32
      %ge3A_250 = arith.cmpi sge, %add3A_249, %ge3A : i32
      %convert_element_type3A = arith.extui %ge3A_250 : i1 to i32
      %cond3A = arith.constant 0 : i32
      %cond3A_251 = arith.cmpi ne, %convert_element_type3A, %cond3A : i32
      scf.if %cond3A_251 {
        %sub3A = arith.constant 3 : i32
        %sub3A_397 = arith.subi %add3A_249, %sub3A : i32
        %mul3A_398 = arith.constant 40 : i32
        %mul3A_399 = arith.muli %sub3A_397, %mul3A_398 : i32
        %add3A_400 = arith.addi %mul3A_2, %mul3A_399 : i32
        %dma_wait3A_401 = arith.constant 2 : i32
        %dma_wait3A_402 = arith.constant 2 : i32
        %dma_wait3A_403 = arith.constant 0 : i32
        %dma_wait3A_404 = arith.constant 0 : i32
        %dma_wait3A_405 = tpu.memref_slice %arg9[%dma_wait3A_401, %dma_wait3A_403, %dma_wait3A_404] : memref<3x40x256xf32, #tpu.memory_space<vmem>> -> memref<1x40x256xf32, #tpu.memory_space<vmem>>
        %dma_wait3A_406 = tpu.memref_squeeze %dma_wait3A_405 : memref<1x40x256xf32, #tpu.memory_space<vmem>> -> memref<40x256xf32, #tpu.memory_space<vmem>>
        %dma_wait3A_407 = arith.constant 0 : i32
        %dma_wait3A_408 = tpu.memref_slice %arg6[%add3A_400, %dma_wait3A_407] : memref<320000x256xf32, #tpu.memory_space<hbm>> -> memref<40x256xf32, #tpu.memory_space<hbm>>
        %dma_wait3A_409 = tpu.memref_slice %arg12[%dma_wait3A_402] : memref<3x!tpu.dma_semaphore, #tpu.memory_space<semaphore_mem>> -> memref<1x!tpu.dma_semaphore, #tpu.memory_space<semaphore_mem>>
        %dma_wait3A_410 = tpu.memref_squeeze %dma_wait3A_409 : memref<1x!tpu.dma_semaphore, #tpu.memory_space<semaphore_mem>> -> memref<!tpu.dma_semaphore, #tpu.memory_space<semaphore_mem>>
        %dma_wait3A_411 = arith.constant 0 : i32
        %dma_wait3A_412 = tpu.memref_slice %arg6[%add3A_400, %dma_wait3A_411] : memref<320000x256xf32, #tpu.memory_space<hbm>> -> memref<40x256xf32, #tpu.memory_space<hbm>>
        %dma_wait3A_413 = arith.constant 0 : i32
        %dma_wait3A_414 = arith.constant 0 : i32
        %dma_wait3A_415 = tpu.memref_slice %arg9[%dma_wait3A_401, %dma_wait3A_413, %dma_wait3A_414] : memref<3x40x256xf32, #tpu.memory_space<vmem>> -> memref<1x40x256xf32, #tpu.memory_space<vmem>>
        %dma_wait3A_416 = tpu.memref_squeeze %dma_wait3A_415 : memref<1x40x256xf32, #tpu.memory_space<vmem>> -> memref<40x256xf32, #tpu.memory_space<vmem>>
        tpu.wait_dma2 semaphore(%dma_wait3A_410 : memref<!tpu.dma_semaphore, #tpu.memory_space<semaphore_mem>>) src(%dma_wait3A_416 : memref<40x256xf32, #tpu.memory_space<vmem>>) dst(%dma_wait3A_412 : memref<40x256xf32, #tpu.memory_space<hbm>>)
      } else {
      }
      %lt3A = arith.constant 249 : i32
      %lt3A_252 = arith.cmpi slt, %add3A_249, %lt3A : i32
      %convert_element_type3A_253 = arith.extui %lt3A_252 : i1 to i32
      %cond3A_254 = arith.constant 0 : i32
      %cond3A_255 = arith.cmpi ne, %convert_element_type3A_253, %cond3A_254 : i32
      scf.if %cond3A_255 {
        %dma_start3A_397 = arith.constant 2 : i32
        %dma_start3A_398 = arith.constant 2 : i32
        %dma_start3A_399 = arith.constant 0 : i32
        %dma_start3A_400 = arith.constant 0 : i32
        %dma_start3A_401 = tpu.memref_slice %arg9[%dma_start3A_397, %dma_start3A_399, %dma_start3A_400] : memref<3x40x256xf32, #tpu.memory_space<vmem>> -> memref<1x40x256xf32, #tpu.memory_space<vmem>>
        %dma_start3A_402 = tpu.memref_squeeze %dma_start3A_401 : memref<1x40x256xf32, #tpu.memory_space<vmem>> -> memref<40x256xf32, #tpu.memory_space<vmem>>
        %dma_start3A_403 = arith.constant 0 : i32
        %dma_start3A_404 = tpu.memref_slice %arg7[%add3A_249, %dma_start3A_403] : memref<250x40xi32, #tpu.memory_space<vmem>> -> memref<1x40xi32, #tpu.memory_space<vmem>>
        %dma_start3A_405 = tpu.memref_squeeze %dma_start3A_404 : memref<1x40xi32, #tpu.memory_space<vmem>> -> memref<40xi32, #tpu.memory_space<vmem>>
        %dma_start3A_406 = arith.constant 0 : i32
        %dma_start3A_407 = arith.constant 0 : i32
        %dma_start3A_408 = tpu.memref_slice %arg2[%dma_start3A_406, %dma_start3A_407] : memref<10000x256xf32, #tpu.memory_space<hbm>> -> memref<10000x256xf32, #tpu.memory_space<hbm>>
        %dma_start3A_409 = tpu.memref_slice %arg11[%dma_start3A_398] : memref<3x!tpu.dma_semaphore, #tpu.memory_space<semaphore_mem>> -> memref<1x!tpu.dma_semaphore, #tpu.memory_space<semaphore_mem>>
        %dma_start3A_410 = tpu.memref_squeeze %dma_start3A_409 : memref<1x!tpu.dma_semaphore, #tpu.memory_space<semaphore_mem>> -> memref<!tpu.dma_semaphore, #tpu.memory_space<semaphore_mem>>
        tpu.enqueue_indirect_dma source(%dma_start3A_408 : memref<10000x256xf32, #tpu.memory_space<hbm>>) target(%dma_start3A_402 : memref<40x256xf32, #tpu.memory_space<vmem>>) offsets(%dma_start3A_405 : memref<40xi32, #tpu.memory_space<vmem>>) semaphore(%dma_start3A_410 : memref<!tpu.dma_semaphore, #tpu.memory_space<semaphore_mem>>)
        %dma_start3A_411 = arith.constant 2 : i32
        %dma_start3A_412 = arith.constant 2 : i32
        %dma_start3A_413 = arith.constant 0 : i32
        %dma_start3A_414 = arith.constant 0 : i32
        %dma_start3A_415 = tpu.memref_slice %arg10[%dma_start3A_411, %dma_start3A_413, %dma_start3A_414] : memref<3x40x256xf32, #tpu.memory_space<vmem>> -> memref<1x40x256xf32, #tpu.memory_space<vmem>>
        %dma_start3A_416 = tpu.memref_squeeze %dma_start3A_415 : memref<1x40x256xf32, #tpu.memory_space<vmem>> -> memref<40x256xf32, #tpu.memory_space<vmem>>
        %dma_start3A_417 = arith.constant 0 : i32
        %dma_start3A_418 = tpu.memref_slice %arg8[%add3A_249, %dma_start3A_417] : memref<250x40xi32, #tpu.memory_space<vmem>> -> memref<1x40xi32, #tpu.memory_space<vmem>>
        %dma_start3A_419 = tpu.memref_squeeze %dma_start3A_418 : memref<1x40xi32, #tpu.memory_space<vmem>> -> memref<40xi32, #tpu.memory_space<vmem>>
        %dma_start3A_420 = arith.constant 0 : i32
        %dma_start3A_421 = arith.constant 0 : i32
        %dma_start3A_422 = tpu.memref_slice %arg3[%dma_start3A_420, %dma_start3A_421] : memref<10000x256xf32, #tpu.memory_space<hbm>> -> memref<10000x256xf32, #tpu.memory_space<hbm>>
        %dma_start3A_423 = tpu.memref_slice %arg11[%dma_start3A_412] : memref<3x!tpu.dma_semaphore, #tpu.memory_space<semaphore_mem>> -> memref<1x!tpu.dma_semaphore, #tpu.memory_space<semaphore_mem>>
        %dma_start3A_424 = tpu.memref_squeeze %dma_start3A_423 : memref<1x!tpu.dma_semaphore, #tpu.memory_space<semaphore_mem>> -> memref<!tpu.dma_semaphore, #tpu.memory_space<semaphore_mem>>
        tpu.enqueue_indirect_dma source(%dma_start3A_422 : memref<10000x256xf32, #tpu.memory_space<hbm>>) target(%dma_start3A_416 : memref<40x256xf32, #tpu.memory_space<vmem>>) offsets(%dma_start3A_419 : memref<40xi32, #tpu.memory_space<vmem>>) semaphore(%dma_start3A_424 : memref<!tpu.dma_semaphore, #tpu.memory_space<semaphore_mem>>)
      } else {
      }
      %mul3A_256 = arith.constant 3 : i32
      %mul3A_257 = arith.muli %scan3A_188, %mul3A_256 : i32
      %add3A_258 = arith.constant 1 : i32
      %add3A_259 = arith.addi %mul3A_257, %add3A_258 : i32
      %dma_wait3A_260 = arith.constant 1 : i32
      %dma_wait3A_261 = arith.constant 1 : i32
      %dma_wait3A_262 = arith.constant 0 : i32
      %dma_wait3A_263 = arith.constant 0 : i32
      %dma_wait3A_264 = tpu.memref_slice %arg9[%dma_wait3A_260, %dma_wait3A_262, %dma_wait3A_263] : memref<3x40x256xf32, #tpu.memory_space<vmem>> -> memref<1x40x256xf32, #tpu.memory_space<vmem>>
      %dma_wait3A_265 = tpu.memref_squeeze %dma_wait3A_264 : memref<1x40x256xf32, #tpu.memory_space<vmem>> -> memref<40x256xf32, #tpu.memory_space<vmem>>
      %dma_wait3A_266 = arith.constant 0 : i32
      %dma_wait3A_267 = tpu.memref_slice %arg7[%add3A_259, %dma_wait3A_266] : memref<250x40xi32, #tpu.memory_space<vmem>> -> memref<1x40xi32, #tpu.memory_space<vmem>>
      %dma_wait3A_268 = tpu.memref_squeeze %dma_wait3A_267 : memref<1x40xi32, #tpu.memory_space<vmem>> -> memref<40xi32, #tpu.memory_space<vmem>>
      %dma_wait3A_269 = arith.constant 0 : i32
      %dma_wait3A_270 = arith.constant 0 : i32
      %dma_wait3A_271 = tpu.memref_slice %arg2[%dma_wait3A_269, %dma_wait3A_270] : memref<10000x256xf32, #tpu.memory_space<hbm>> -> memref<10000x256xf32, #tpu.memory_space<hbm>>
      %dma_wait3A_272 = tpu.memref_slice %arg11[%dma_wait3A_261] : memref<3x!tpu.dma_semaphore, #tpu.memory_space<semaphore_mem>> -> memref<1x!tpu.dma_semaphore, #tpu.memory_space<semaphore_mem>>
      %dma_wait3A_273 = tpu.memref_squeeze %dma_wait3A_272 : memref<1x!tpu.dma_semaphore, #tpu.memory_space<semaphore_mem>> -> memref<!tpu.dma_semaphore, #tpu.memory_space<semaphore_mem>>
      tpu.wait_indirect_dma semaphore(%dma_wait3A_273 : memref<!tpu.dma_semaphore, #tpu.memory_space<semaphore_mem>>) src(%dma_wait3A_271 : memref<10000x256xf32, #tpu.memory_space<hbm>>) dst(%dma_wait3A_265 : memref<40x256xf32, #tpu.memory_space<vmem>>)
      %dma_wait3A_274 = arith.constant 1 : i32
      %dma_wait3A_275 = arith.constant 1 : i32
      %dma_wait3A_276 = arith.constant 0 : i32
      %dma_wait3A_277 = arith.constant 0 : i32
      %dma_wait3A_278 = tpu.memref_slice %arg10[%dma_wait3A_274, %dma_wait3A_276, %dma_wait3A_277] : memref<3x40x256xf32, #tpu.memory_space<vmem>> -> memref<1x40x256xf32, #tpu.memory_space<vmem>>
      %dma_wait3A_279 = tpu.memref_squeeze %dma_wait3A_278 : memref<1x40x256xf32, #tpu.memory_space<vmem>> -> memref<40x256xf32, #tpu.memory_space<vmem>>
      %dma_wait3A_280 = arith.constant 0 : i32
      %dma_wait3A_281 = tpu.memref_slice %arg8[%add3A_259, %dma_wait3A_280] : memref<250x40xi32, #tpu.memory_space<vmem>> -> memref<1x40xi32, #tpu.memory_space<vmem>>
      %dma_wait3A_282 = tpu.memref_squeeze %dma_wait3A_281 : memref<1x40xi32, #tpu.memory_space<vmem>> -> memref<40xi32, #tpu.memory_space<vmem>>
      %dma_wait3A_283 = arith.constant 0 : i32
      %dma_wait3A_284 = arith.constant 0 : i32
      %dma_wait3A_285 = tpu.memref_slice %arg3[%dma_wait3A_283, %dma_wait3A_284] : memref<10000x256xf32, #tpu.memory_space<hbm>> -> memref<10000x256xf32, #tpu.memory_space<hbm>>
      %dma_wait3A_286 = tpu.memref_slice %arg11[%dma_wait3A_275] : memref<3x!tpu.dma_semaphore, #tpu.memory_space<semaphore_mem>> -> memref<1x!tpu.dma_semaphore, #tpu.memory_space<semaphore_mem>>
      %dma_wait3A_287 = tpu.memref_squeeze %dma_wait3A_286 : memref<1x!tpu.dma_semaphore, #tpu.memory_space<semaphore_mem>> -> memref<!tpu.dma_semaphore, #tpu.memory_space<semaphore_mem>>
      tpu.wait_indirect_dma semaphore(%dma_wait3A_287 : memref<!tpu.dma_semaphore, #tpu.memory_space<semaphore_mem>>) src(%dma_wait3A_285 : memref<10000x256xf32, #tpu.memory_space<hbm>>) dst(%dma_wait3A_279 : memref<40x256xf32, #tpu.memory_space<vmem>>)
      %scan3A_288 = arith.constant 0 : i32
      %scan3A_289 = arith.constant 0 : i32
      %scan3A_290 = arith.constant 40 : i32
      %scan3A_291 = arith.addi %scan3A_289, %scan3A_290 : i32
      %scan3A_292 = arith.constant 2 : i32
      %scan3A_293 = scf.for %scan3A_397 = %scan3A_289 to %scan3A_291 step %scan3A_292 iter_args(%scan3A_398 = %scan3A_288) -> (i32)  : i32 {
        %get3A = arith.constant 1 : i32
        %get3A_399 = arith.index_cast %get3A : i32 to index
        %get3A_400 = arith.index_cast %scan3A_397 : i32 to index
        %get3A_401 = arith.constant 0 : index
        %get3A_402 = tpu.vector_load %arg9[%get3A_399, %get3A_400, %get3A_401] {strides = array<i32>} : memref<3x40x256xf32, #tpu.memory_space<vmem>>, vector<1x1x16xf32>,
        %get3A_403 = vector.shape_cast %get3A_402 : vector<1x1x16xf32> to vector<16xf32>
        %get3A_404 = arith.constant 1 : i32
        %get3A_405 = arith.index_cast %get3A_404 : i32 to index
        %get3A_406 = arith.index_cast %scan3A_397 : i32 to index
        %get3A_407 = arith.constant 0 : index
        %get3A_408 = tpu.vector_load %arg10[%get3A_405, %get3A_406, %get3A_407] {strides = array<i32>} : memref<3x40x256xf32, #tpu.memory_space<vmem>>, vector<1x1x16xf32>,
        %get3A_409 = vector.shape_cast %get3A_408 : vector<1x1x16xf32> to vector<16xf32>
        %add3A_410 = arith.addf %get3A_403, %get3A_409 : vector<16xf32>
        %swap3A = arith.constant 1 : i32
        %swap3A_411 = arith.index_cast %swap3A : i32 to index
        %swap3A_412 = arith.index_cast %scan3A_397 : i32 to index
        %swap3A_413 = arith.constant 0 : index
        %swap3A_414 = tpu.vector_load %arg9[%swap3A_411, %swap3A_412, %swap3A_413] {strides = array<i32>} : memref<3x40x256xf32, #tpu.memory_space<vmem>>, vector<1x1x16xf32>,
        %swap3A_415 = vector.shape_cast %swap3A_414 : vector<1x1x16xf32> to vector<16xf32>
        %swap3A_416 = vector.shape_cast %add3A_410 : vector<16xf32> to vector<1x1x16xf32>
        tpu.vector_store %arg9[%swap3A_411, %swap3A_412, %swap3A_413], %swap3A_416 {strides = array<i32>} : memref<3x40x256xf32, #tpu.memory_space<vmem>>, vector<1x1x16xf32>,
        %get3A_417 = arith.constant 1 : i32
        %get3A_418 = arith.index_cast %get3A_417 : i32 to index
        %get3A_419 = arith.index_cast %scan3A_397 : i32 to index
        %get3A_420 = arith.constant 16 : index
        %get3A_421 = tpu.vector_load %arg9[%get3A_418, %get3A_419, %get3A_420] {strides = array<i32>} : memref<3x40x256xf32, #tpu.memory_space<vmem>>, vector<1x1x16xf32>,
        %get3A_422 = vector.shape_cast %get3A_421 : vector<1x1x16xf32> to vector<16xf32>
        %get3A_423 = arith.constant 1 : i32
        %get3A_424 = arith.index_cast %get3A_423 : i32 to index
        %get3A_425 = arith.index_cast %scan3A_397 : i32 to index
        %get3A_426 = arith.constant 16 : index
        %get3A_427 = tpu.vector_load %arg10[%get3A_424, %get3A_425, %get3A_426] {strides = array<i32>} : memref<3x40x256xf32, #tpu.memory_space<vmem>>, vector<1x1x16xf32>,
        %get3A_428 = vector.shape_cast %get3A_427 : vector<1x1x16xf32> to vector<16xf32>
        %add3A_429 = arith.addf %get3A_422, %get3A_428 : vector<16xf32>
        %swap3A_430 = arith.constant 1 : i32
        %swap3A_431 = arith.index_cast %swap3A_430 : i32 to index
        %swap3A_432 = arith.index_cast %scan3A_397 : i32 to index
        %swap3A_433 = arith.constant 16 : index
        %swap3A_434 = tpu.vector_load %arg9[%swap3A_431, %swap3A_432, %swap3A_433] {strides = array<i32>} : memref<3x40x256xf32, #tpu.memory_space<vmem>>, vector<1x1x16xf32>,
        %swap3A_435 = vector.shape_cast %swap3A_434 : vector<1x1x16xf32> to vector<16xf32>
        %swap3A_436 = vector.shape_cast %add3A_429 : vector<16xf32> to vector<1x1x16xf32>
        tpu.vector_store %arg9[%swap3A_431, %swap3A_432, %swap3A_433], %swap3A_436 {strides = array<i32>} : memref<3x40x256xf32, #tpu.memory_space<vmem>>, vector<1x1x16xf32>,
        %get3A_437 = arith.constant 1 : i32
        %get3A_438 = arith.index_cast %get3A_437 : i32 to index
        %get3A_439 = arith.index_cast %scan3A_397 : i32 to index
        %get3A_440 = arith.constant 32 : index
        %get3A_441 = tpu.vector_load %arg9[%get3A_438, %get3A_439, %get3A_440] {strides = array<i32>} : memref<3x40x256xf32, #tpu.memory_space<vmem>>, vector<1x1x16xf32>,
        %get3A_442 = vector.shape_cast %get3A_441 : vector<1x1x16xf32> to vector<16xf32>
        %get3A_443 = arith.constant 1 : i32
        %get3A_444 = arith.index_cast %get3A_443 : i32 to index
        %get3A_445 = arith.index_cast %scan3A_397 : i32 to index
        %get3A_446 = arith.constant 32 : index
        %get3A_447 = tpu.vector_load %arg10[%get3A_444, %get3A_445, %get3A_446] {strides = array<i32>} : memref<3x40x256xf32, #tpu.memory_space<vmem>>, vector<1x1x16xf32>,
        %get3A_448 = vector.shape_cast %get3A_447 : vector<1x1x16xf32> to vector<16xf32>
        %add3A_449 = arith.addf %get3A_442, %get3A_448 : vector<16xf32>
        %swap3A_450 = arith.constant 1 : i32
        %swap3A_451 = arith.index_cast %swap3A_450 : i32 to index
        %swap3A_452 = arith.index_cast %scan3A_397 : i32 to index
        %swap3A_453 = arith.constant 32 : index
        %swap3A_454 = tpu.vector_load %arg9[%swap3A_451, %swap3A_452, %swap3A_453] {strides = array<i32>} : memref<3x40x256xf32, #tpu.memory_space<vmem>>, vector<1x1x16xf32>,
        %swap3A_455 = vector.shape_cast %swap3A_454 : vector<1x1x16xf32> to vector<16xf32>
        %swap3A_456 = vector.shape_cast %add3A_449 : vector<16xf32> to vector<1x1x16xf32>
        tpu.vector_store %arg9[%swap3A_451, %swap3A_452, %swap3A_453], %swap3A_456 {strides = array<i32>} : memref<3x40x256xf32, #tpu.memory_space<vmem>>, vector<1x1x16xf32>,
        %get3A_457 = arith.constant 1 : i32
        %get3A_458 = arith.index_cast %get3A_457 : i32 to index
        %get3A_459 = arith.index_cast %scan3A_397 : i32 to index
        %get3A_460 = arith.constant 48 : index
        %get3A_461 = tpu.vector_load %arg9[%get3A_458, %get3A_459, %get3A_460] {strides = array<i32>} : memref<3x40x256xf32, #tpu.memory_space<vmem>>, vector<1x1x16xf32>,
        %get3A_462 = vector.shape_cast %get3A_461 : vector<1x1x16xf32> to vector<16xf32>
        %get3A_463 = arith.constant 1 : i32
        %get3A_464 = arith.index_cast %get3A_463 : i32 to index
        %get3A_465 = arith.index_cast %scan3A_397 : i32 to index
        %get3A_466 = arith.constant 48 : index
        %get3A_467 = tpu.vector_load %arg10[%get3A_464, %get3A_465, %get3A_466] {strides = array<i32>} : memref<3x40x256xf32, #tpu.memory_space<vmem>>, vector<1x1x16xf32>,
        %get3A_468 = vector.shape_cast %get3A_467 : vector<1x1x16xf32> to vector<16xf32>
        %add3A_469 = arith.addf %get3A_462, %get3A_468 : vector<16xf32>
        %swap3A_470 = arith.constant 1 : i32
        %swap3A_471 = arith.index_cast %swap3A_470 : i32 to index
        %swap3A_472 = arith.index_cast %scan3A_397 : i32 to index
        %swap3A_473 = arith.constant 48 : index
        %swap3A_474 = tpu.vector_load %arg9[%swap3A_471, %swap3A_472, %swap3A_473] {strides = array<i32>} : memref<3x40x256xf32, #tpu.memory_space<vmem>>, vector<1x1x16xf32>,
        %swap3A_475 = vector.shape_cast %swap3A_474 : vector<1x1x16xf32> to vector<16xf32>
        %swap3A_476 = vector.shape_cast %add3A_469 : vector<16xf32> to vector<1x1x16xf32>
        tpu.vector_store %arg9[%swap3A_471, %swap3A_472, %swap3A_473], %swap3A_476 {strides = array<i32>} : memref<3x40x256xf32, #tpu.memory_space<vmem>>, vector<1x1x16xf32>,
        %get3A_477 = arith.constant 1 : i32
        %get3A_478 = arith.index_cast %get3A_477 : i32 to index
        %get3A_479 = arith.index_cast %scan3A_397 : i32 to index
        %get3A_480 = arith.constant 64 : index
        %get3A_481 = tpu.vector_load %arg9[%get3A_478, %get3A_479, %get3A_480] {strides = array<i32>} : memref<3x40x256xf32, #tpu.memory_space<vmem>>, vector<1x1x16xf32>,
        %get3A_482 = vector.shape_cast %get3A_481 : vector<1x1x16xf32> to vector<16xf32>
        %get3A_483 = arith.constant 1 : i32
        %get3A_484 = arith.index_cast %get3A_483 : i32 to index
        %get3A_485 = arith.index_cast %scan3A_397 : i32 to index
        %get3A_486 = arith.constant 64 : index
        %get3A_487 = tpu.vector_load %arg10[%get3A_484, %get3A_485, %get3A_486] {strides = array<i32>} : memref<3x40x256xf32, #tpu.memory_space<vmem>>, vector<1x1x16xf32>,
        %get3A_488 = vector.shape_cast %get3A_487 : vector<1x1x16xf32> to vector<16xf32>
        %add3A_489 = arith.addf %get3A_482, %get3A_488 : vector<16xf32>
        %swap3A_490 = arith.constant 1 : i32
        %swap3A_491 = arith.index_cast %swap3A_490 : i32 to index
        %swap3A_492 = arith.index_cast %scan3A_397 : i32 to index
        %swap3A_493 = arith.constant 64 : index
        %swap3A_494 = tpu.vector_load %arg9[%swap3A_491, %swap3A_492, %swap3A_493] {strides = array<i32>} : memref<3x40x256xf32, #tpu.memory_space<vmem>>, vector<1x1x16xf32>,
        %swap3A_495 = vector.shape_cast %swap3A_494 : vector<1x1x16xf32> to vector<16xf32>
        %swap3A_496 = vector.shape_cast %add3A_489 : vector<16xf32> to vector<1x1x16xf32>
        tpu.vector_store %arg9[%swap3A_491, %swap3A_492, %swap3A_493], %swap3A_496 {strides = array<i32>} : memref<3x40x256xf32, #tpu.memory_space<vmem>>, vector<1x1x16xf32>,
        %get3A_497 = arith.constant 1 : i32
        %get3A_498 = arith.index_cast %get3A_497 : i32 to index
        %get3A_499 = arith.index_cast %scan3A_397 : i32 to index
        %get3A_500 = arith.constant 80 : index
        %get3A_501 = tpu.vector_load %arg9[%get3A_498, %get3A_499, %get3A_500] {strides = array<i32>} : memref<3x40x256xf32, #tpu.memory_space<vmem>>, vector<1x1x16xf32>,
        %get3A_502 = vector.shape_cast %get3A_501 : vector<1x1x16xf32> to vector<16xf32>
        %get3A_503 = arith.constant 1 : i32
        %get3A_504 = arith.index_cast %get3A_503 : i32 to index
        %get3A_505 = arith.index_cast %scan3A_397 : i32 to index
        %get3A_506 = arith.constant 80 : index
        %get3A_507 = tpu.vector_load %arg10[%get3A_504, %get3A_505, %get3A_506] {strides = array<i32>} : memref<3x40x256xf32, #tpu.memory_space<vmem>>, vector<1x1x16xf32>,
        %get3A_508 = vector.shape_cast %get3A_507 : vector<1x1x16xf32> to vector<16xf32>
        %add3A_509 = arith.addf %get3A_502, %get3A_508 : vector<16xf32>
        %swap3A_510 = arith.constant 1 : i32
        %swap3A_511 = arith.index_cast %swap3A_510 : i32 to index
        %swap3A_512 = arith.index_cast %scan3A_397 : i32 to index
        %swap3A_513 = arith.constant 80 : index
        %swap3A_514 = tpu.vector_load %arg9[%swap3A_511, %swap3A_512, %swap3A_513] {strides = array<i32>} : memref<3x40x256xf32, #tpu.memory_space<vmem>>, vector<1x1x16xf32>,
        %swap3A_515 = vector.shape_cast %swap3A_514 : vector<1x1x16xf32> to vector<16xf32>
        %swap3A_516 = vector.shape_cast %add3A_509 : vector<16xf32> to vector<1x1x16xf32>
        tpu.vector_store %arg9[%swap3A_511, %swap3A_512, %swap3A_513], %swap3A_516 {strides = array<i32>} : memref<3x40x256xf32, #tpu.memory_space<vmem>>, vector<1x1x16xf32>,
        %get3A_517 = arith.constant 1 : i32
        %get3A_518 = arith.index_cast %get3A_517 : i32 to index
        %get3A_519 = arith.index_cast %scan3A_397 : i32 to index
        %get3A_520 = arith.constant 96 : index
        %get3A_521 = tpu.vector_load %arg9[%get3A_518, %get3A_519, %get3A_520] {strides = array<i32>} : memref<3x40x256xf32, #tpu.memory_space<vmem>>, vector<1x1x16xf32>,
        %get3A_522 = vector.shape_cast %get3A_521 : vector<1x1x16xf32> to vector<16xf32>
        %get3A_523 = arith.constant 1 : i32
        %get3A_524 = arith.index_cast %get3A_523 : i32 to index
        %get3A_525 = arith.index_cast %scan3A_397 : i32 to index
        %get3A_526 = arith.constant 96 : index
        %get3A_527 = tpu.vector_load %arg10[%get3A_524, %get3A_525, %get3A_526] {strides = array<i32>} : memref<3x40x256xf32, #tpu.memory_space<vmem>>, vector<1x1x16xf32>,
        %get3A_528 = vector.shape_cast %get3A_527 : vector<1x1x16xf32> to vector<16xf32>
        %add3A_529 = arith.addf %get3A_522, %get3A_528 : vector<16xf32>
        %swap3A_530 = arith.constant 1 : i32
        %swap3A_531 = arith.index_cast %swap3A_530 : i32 to index
        %swap3A_532 = arith.index_cast %scan3A_397 : i32 to index
        %swap3A_533 = arith.constant 96 : index
        %swap3A_534 = tpu.vector_load %arg9[%swap3A_531, %swap3A_532, %swap3A_533] {strides = array<i32>} : memref<3x40x256xf32, #tpu.memory_space<vmem>>, vector<1x1x16xf32>,
        %swap3A_535 = vector.shape_cast %swap3A_534 : vector<1x1x16xf32> to vector<16xf32>
        %swap3A_536 = vector.shape_cast %add3A_529 : vector<16xf32> to vector<1x1x16xf32>
        tpu.vector_store %arg9[%swap3A_531, %swap3A_532, %swap3A_533], %swap3A_536 {strides = array<i32>} : memref<3x40x256xf32, #tpu.memory_space<vmem>>, vector<1x1x16xf32>,
        %get3A_537 = arith.constant 1 : i32
        %get3A_538 = arith.index_cast %get3A_537 : i32 to index
        %get3A_539 = arith.index_cast %scan3A_397 : i32 to index
        %get3A_540 = arith.constant 112 : index
        %get3A_541 = tpu.vector_load %arg9[%get3A_538, %get3A_539, %get3A_540] {strides = array<i32>} : memref<3x40x256xf32, #tpu.memory_space<vmem>>, vector<1x1x16xf32>,
        %get3A_542 = vector.shape_cast %get3A_541 : vector<1x1x16xf32> to vector<16xf32>
        %get3A_543 = arith.constant 1 : i32
        %get3A_544 = arith.index_cast %get3A_543 : i32 to index
        %get3A_545 = arith.index_cast %scan3A_397 : i32 to index
        %get3A_546 = arith.constant 112 : index
        %get3A_547 = tpu.vector_load %arg10[%get3A_544, %get3A_545, %get3A_546] {strides = array<i32>} : memref<3x40x256xf32, #tpu.memory_space<vmem>>, vector<1x1x16xf32>,
        %get3A_548 = vector.shape_cast %get3A_547 : vector<1x1x16xf32> to vector<16xf32>
        %add3A_549 = arith.addf %get3A_542, %get3A_548 : vector<16xf32>
        %swap3A_550 = arith.constant 1 : i32
        %swap3A_551 = arith.index_cast %swap3A_550 : i32 to index
        %swap3A_552 = arith.index_cast %scan3A_397 : i32 to index
        %swap3A_553 = arith.constant 112 : index
        %swap3A_554 = tpu.vector_load %arg9[%swap3A_551, %swap3A_552, %swap3A_553] {strides = array<i32>} : memref<3x40x256xf32, #tpu.memory_space<vmem>>, vector<1x1x16xf32>,
        %swap3A_555 = vector.shape_cast %swap3A_554 : vector<1x1x16xf32> to vector<16xf32>
        %swap3A_556 = vector.shape_cast %add3A_549 : vector<16xf32> to vector<1x1x16xf32>
        tpu.vector_store %arg9[%swap3A_551, %swap3A_552, %swap3A_553], %swap3A_556 {strides = array<i32>} : memref<3x40x256xf32, #tpu.memory_space<vmem>>, vector<1x1x16xf32>,
        %get3A_557 = arith.constant 1 : i32
        %get3A_558 = arith.index_cast %get3A_557 : i32 to index
        %get3A_559 = arith.index_cast %scan3A_397 : i32 to index
        %get3A_560 = arith.constant 128 : index
        %get3A_561 = tpu.vector_load %arg9[%get3A_558, %get3A_559, %get3A_560] {strides = array<i32>} : memref<3x40x256xf32, #tpu.memory_space<vmem>>, vector<1x1x16xf32>,
        %get3A_562 = vector.shape_cast %get3A_561 : vector<1x1x16xf32> to vector<16xf32>
        %get3A_563 = arith.constant 1 : i32
        %get3A_564 = arith.index_cast %get3A_563 : i32 to index
        %get3A_565 = arith.index_cast %scan3A_397 : i32 to index
        %get3A_566 = arith.constant 128 : index
        %get3A_567 = tpu.vector_load %arg10[%get3A_564, %get3A_565, %get3A_566] {strides = array<i32>} : memref<3x40x256xf32, #tpu.memory_space<vmem>>, vector<1x1x16xf32>,
        %get3A_568 = vector.shape_cast %get3A_567 : vector<1x1x16xf32> to vector<16xf32>
        %add3A_569 = arith.addf %get3A_562, %get3A_568 : vector<16xf32>
        %swap3A_570 = arith.constant 1 : i32
        %swap3A_571 = arith.index_cast %swap3A_570 : i32 to index
        %swap3A_572 = arith.index_cast %scan3A_397 : i32 to index
        %swap3A_573 = arith.constant 128 : index
        %swap3A_574 = tpu.vector_load %arg9[%swap3A_571, %swap3A_572, %swap3A_573] {strides = array<i32>} : memref<3x40x256xf32, #tpu.memory_space<vmem>>, vector<1x1x16xf32>,
        %swap3A_575 = vector.shape_cast %swap3A_574 : vector<1x1x16xf32> to vector<16xf32>
        %swap3A_576 = vector.shape_cast %add3A_569 : vector<16xf32> to vector<1x1x16xf32>
        tpu.vector_store %arg9[%swap3A_571, %swap3A_572, %swap3A_573], %swap3A_576 {strides = array<i32>} : memref<3x40x256xf32, #tpu.memory_space<vmem>>, vector<1x1x16xf32>,
        %get3A_577 = arith.constant 1 : i32
        %get3A_578 = arith.index_cast %get3A_577 : i32 to index
        %get3A_579 = arith.index_cast %scan3A_397 : i32 to index
        %get3A_580 = arith.constant 144 : index
        %get3A_581 = tpu.vector_load %arg9[%get3A_578, %get3A_579, %get3A_580] {strides = array<i32>} : memref<3x40x256xf32, #tpu.memory_space<vmem>>, vector<1x1x16xf32>,
        %get3A_582 = vector.shape_cast %get3A_581 : vector<1x1x16xf32> to vector<16xf32>
        %get3A_583 = arith.constant 1 : i32
        %get3A_584 = arith.index_cast %get3A_583 : i32 to index
        %get3A_585 = arith.index_cast %scan3A_397 : i32 to index
        %get3A_586 = arith.constant 144 : index
        %get3A_587 = tpu.vector_load %arg10[%get3A_584, %get3A_585, %get3A_586] {strides = array<i32>} : memref<3x40x256xf32, #tpu.memory_space<vmem>>, vector<1x1x16xf32>,
        %get3A_588 = vector.shape_cast %get3A_587 : vector<1x1x16xf32> to vector<16xf32>
        %add3A_589 = arith.addf %get3A_582, %get3A_588 : vector<16xf32>
        %swap3A_590 = arith.constant 1 : i32
        %swap3A_591 = arith.index_cast %swap3A_590 : i32 to index
        %swap3A_592 = arith.index_cast %scan3A_397 : i32 to index
        %swap3A_593 = arith.constant 144 : index
        %swap3A_594 = tpu.vector_load %arg9[%swap3A_591, %swap3A_592, %swap3A_593] {strides = array<i32>} : memref<3x40x256xf32, #tpu.memory_space<vmem>>, vector<1x1x16xf32>,
        %swap3A_595 = vector.shape_cast %swap3A_594 : vector<1x1x16xf32> to vector<16xf32>
        %swap3A_596 = vector.shape_cast %add3A_589 : vector<16xf32> to vector<1x1x16xf32>
        tpu.vector_store %arg9[%swap3A_591, %swap3A_592, %swap3A_593], %swap3A_596 {strides = array<i32>} : memref<3x40x256xf32, #tpu.memory_space<vmem>>, vector<1x1x16xf32>,
        %get3A_597 = arith.constant 1 : i32
        %get3A_598 = arith.index_cast %get3A_597 : i32 to index
        %get3A_599 = arith.index_cast %scan3A_397 : i32 to index
        %get3A_600 = arith.constant 160 : index
        %get3A_601 = tpu.vector_load %arg9[%get3A_598, %get3A_599, %get3A_600] {strides = array<i32>} : memref<3x40x256xf32, #tpu.memory_space<vmem>>, vector<1x1x16xf32>,
        %get3A_602 = vector.shape_cast %get3A_601 : vector<1x1x16xf32> to vector<16xf32>
        %get3A_603 = arith.constant 1 : i32
        %get3A_604 = arith.index_cast %get3A_603 : i32 to index
        %get3A_605 = arith.index_cast %scan3A_397 : i32 to index
        %get3A_606 = arith.constant 160 : index
        %get3A_607 = tpu.vector_load %arg10[%get3A_604, %get3A_605, %get3A_606] {strides = array<i32>} : memref<3x40x256xf32, #tpu.memory_space<vmem>>, vector<1x1x16xf32>,
        %get3A_608 = vector.shape_cast %get3A_607 : vector<1x1x16xf32> to vector<16xf32>
        %add3A_609 = arith.addf %get3A_602, %get3A_608 : vector<16xf32>
        %swap3A_610 = arith.constant 1 : i32
        %swap3A_611 = arith.index_cast %swap3A_610 : i32 to index
        %swap3A_612 = arith.index_cast %scan3A_397 : i32 to index
        %swap3A_613 = arith.constant 160 : index
        %swap3A_614 = tpu.vector_load %arg9[%swap3A_611, %swap3A_612, %swap3A_613] {strides = array<i32>} : memref<3x40x256xf32, #tpu.memory_space<vmem>>, vector<1x1x16xf32>,
        %swap3A_615 = vector.shape_cast %swap3A_614 : vector<1x1x16xf32> to vector<16xf32>
        %swap3A_616 = vector.shape_cast %add3A_609 : vector<16xf32> to vector<1x1x16xf32>
        tpu.vector_store %arg9[%swap3A_611, %swap3A_612, %swap3A_613], %swap3A_616 {strides = array<i32>} : memref<3x40x256xf32, #tpu.memory_space<vmem>>, vector<1x1x16xf32>,
        %get3A_617 = arith.constant 1 : i32
        %get3A_618 = arith.index_cast %get3A_617 : i32 to index
        %get3A_619 = arith.index_cast %scan3A_397 : i32 to index
        %get3A_620 = arith.constant 176 : index
        %get3A_621 = tpu.vector_load %arg9[%get3A_618, %get3A_619, %get3A_620] {strides = array<i32>} : memref<3x40x256xf32, #tpu.memory_space<vmem>>, vector<1x1x16xf32>,
        %get3A_622 = vector.shape_cast %get3A_621 : vector<1x1x16xf32> to vector<16xf32>
        %get3A_623 = arith.constant 1 : i32
        %get3A_624 = arith.index_cast %get3A_623 : i32 to index
        %get3A_625 = arith.index_cast %scan3A_397 : i32 to index
        %get3A_626 = arith.constant 176 : index
        %get3A_627 = tpu.vector_load %arg10[%get3A_624, %get3A_625, %get3A_626] {strides = array<i32>} : memref<3x40x256xf32, #tpu.memory_space<vmem>>, vector<1x1x16xf32>,
        %get3A_628 = vector.shape_cast %get3A_627 : vector<1x1x16xf32> to vector<16xf32>
        %add3A_629 = arith.addf %get3A_622, %get3A_628 : vector<16xf32>
        %swap3A_630 = arith.constant 1 : i32
        %swap3A_631 = arith.index_cast %swap3A_630 : i32 to index
        %swap3A_632 = arith.index_cast %scan3A_397 : i32 to index
        %swap3A_633 = arith.constant 176 : index
        %swap3A_634 = tpu.vector_load %arg9[%swap3A_631, %swap3A_632, %swap3A_633] {strides = array<i32>} : memref<3x40x256xf32, #tpu.memory_space<vmem>>, vector<1x1x16xf32>,
        %swap3A_635 = vector.shape_cast %swap3A_634 : vector<1x1x16xf32> to vector<16xf32>
        %swap3A_636 = vector.shape_cast %add3A_629 : vector<16xf32> to vector<1x1x16xf32>
        tpu.vector_store %arg9[%swap3A_631, %swap3A_632, %swap3A_633], %swap3A_636 {strides = array<i32>} : memref<3x40x256xf32, #tpu.memory_space<vmem>>, vector<1x1x16xf32>,
        %get3A_637 = arith.constant 1 : i32
        %get3A_638 = arith.index_cast %get3A_637 : i32 to index
        %get3A_639 = arith.index_cast %scan3A_397 : i32 to index
        %get3A_640 = arith.constant 192 : index
        %get3A_641 = tpu.vector_load %arg9[%get3A_638, %get3A_639, %get3A_640] {strides = array<i32>} : memref<3x40x256xf32, #tpu.memory_space<vmem>>, vector<1x1x16xf32>,
        %get3A_642 = vector.shape_cast %get3A_641 : vector<1x1x16xf32> to vector<16xf32>
        %get3A_643 = arith.constant 1 : i32
        %get3A_644 = arith.index_cast %get3A_643 : i32 to index
        %get3A_645 = arith.index_cast %scan3A_397 : i32 to index
        %get3A_646 = arith.constant 192 : index
        %get3A_647 = tpu.vector_load %arg10[%get3A_644, %get3A_645, %get3A_646] {strides = array<i32>} : memref<3x40x256xf32, #tpu.memory_space<vmem>>, vector<1x1x16xf32>,
        %get3A_648 = vector.shape_cast %get3A_647 : vector<1x1x16xf32> to vector<16xf32>
        %add3A_649 = arith.addf %get3A_642, %get3A_648 : vector<16xf32>
        %swap3A_650 = arith.constant 1 : i32
        %swap3A_651 = arith.index_cast %swap3A_650 : i32 to index
        %swap3A_652 = arith.index_cast %scan3A_397 : i32 to index
        %swap3A_653 = arith.constant 192 : index
        %swap3A_654 = tpu.vector_load %arg9[%swap3A_651, %swap3A_652, %swap3A_653] {strides = array<i32>} : memref<3x40x256xf32, #tpu.memory_space<vmem>>, vector<1x1x16xf32>,
        %swap3A_655 = vector.shape_cast %swap3A_654 : vector<1x1x16xf32> to vector<16xf32>
        %swap3A_656 = vector.shape_cast %add3A_649 : vector<16xf32> to vector<1x1x16xf32>
        tpu.vector_store %arg9[%swap3A_651, %swap3A_652, %swap3A_653], %swap3A_656 {strides = array<i32>} : memref<3x40x256xf32, #tpu.memory_space<vmem>>, vector<1x1x16xf32>,
        %get3A_657 = arith.constant 1 : i32
        %get3A_658 = arith.index_cast %get3A_657 : i32 to index
        %get3A_659 = arith.index_cast %scan3A_397 : i32 to index
        %get3A_660 = arith.constant 208 : index
        %get3A_661 = tpu.vector_load %arg9[%get3A_658, %get3A_659, %get3A_660] {strides = array<i32>} : memref<3x40x256xf32, #tpu.memory_space<vmem>>, vector<1x1x16xf32>,
        %get3A_662 = vector.shape_cast %get3A_661 : vector<1x1x16xf32> to vector<16xf32>
        %get3A_663 = arith.constant 1 : i32
        %get3A_664 = arith.index_cast %get3A_663 : i32 to index
        %get3A_665 = arith.index_cast %scan3A_397 : i32 to index
        %get3A_666 = arith.constant 208 : index
        %get3A_667 = tpu.vector_load %arg10[%get3A_664, %get3A_665, %get3A_666] {strides = array<i32>} : memref<3x40x256xf32, #tpu.memory_space<vmem>>, vector<1x1x16xf32>,
        %get3A_668 = vector.shape_cast %get3A_667 : vector<1x1x16xf32> to vector<16xf32>
        %add3A_669 = arith.addf %get3A_662, %get3A_668 : vector<16xf32>
        %swap3A_670 = arith.constant 1 : i32
        %swap3A_671 = arith.index_cast %swap3A_670 : i32 to index
        %swap3A_672 = arith.index_cast %scan3A_397 : i32 to index
        %swap3A_673 = arith.constant 208 : index
        %swap3A_674 = tpu.vector_load %arg9[%swap3A_671, %swap3A_672, %swap3A_673] {strides = array<i32>} : memref<3x40x256xf32, #tpu.memory_space<vmem>>, vector<1x1x16xf32>,
        %swap3A_675 = vector.shape_cast %swap3A_674 : vector<1x1x16xf32> to vector<16xf32>
        %swap3A_676 = vector.shape_cast %add3A_669 : vector<16xf32> to vector<1x1x16xf32>
        tpu.vector_store %arg9[%swap3A_671, %swap3A_672, %swap3A_673], %swap3A_676 {strides = array<i32>} : memref<3x40x256xf32, #tpu.memory_space<vmem>>, vector<1x1x16xf32>,
        %get3A_677 = arith.constant 1 : i32
        %get3A_678 = arith.index_cast %get3A_677 : i32 to index
        %get3A_679 = arith.index_cast %scan3A_397 : i32 to index
        %get3A_680 = arith.constant 224 : index
        %get3A_681 = tpu.vector_load %arg9[%get3A_678, %get3A_679, %get3A_680] {strides = array<i32>} : memref<3x40x256xf32, #tpu.memory_space<vmem>>, vector<1x1x16xf32>,
        %get3A_682 = vector.shape_cast %get3A_681 : vector<1x1x16xf32> to vector<16xf32>
        %get3A_683 = arith.constant 1 : i32
        %get3A_684 = arith.index_cast %get3A_683 : i32 to index
        %get3A_685 = arith.index_cast %scan3A_397 : i32 to index
        %get3A_686 = arith.constant 224 : index
        %get3A_687 = tpu.vector_load %arg10[%get3A_684, %get3A_685, %get3A_686] {strides = array<i32>} : memref<3x40x256xf32, #tpu.memory_space<vmem>>, vector<1x1x16xf32>,
        %get3A_688 = vector.shape_cast %get3A_687 : vector<1x1x16xf32> to vector<16xf32>
        %add3A_689 = arith.addf %get3A_682, %get3A_688 : vector<16xf32>
        %swap3A_690 = arith.constant 1 : i32
        %swap3A_691 = arith.index_cast %swap3A_690 : i32 to index
        %swap3A_692 = arith.index_cast %scan3A_397 : i32 to index
        %swap3A_693 = arith.constant 224 : index
        %swap3A_694 = tpu.vector_load %arg9[%swap3A_691, %swap3A_692, %swap3A_693] {strides = array<i32>} : memref<3x40x256xf32, #tpu.memory_space<vmem>>, vector<1x1x16xf32>,
        %swap3A_695 = vector.shape_cast %swap3A_694 : vector<1x1x16xf32> to vector<16xf32>
        %swap3A_696 = vector.shape_cast %add3A_689 : vector<16xf32> to vector<1x1x16xf32>
        tpu.vector_store %arg9[%swap3A_691, %swap3A_692, %swap3A_693], %swap3A_696 {strides = array<i32>} : memref<3x40x256xf32, #tpu.memory_space<vmem>>, vector<1x1x16xf32>,
        %get3A_697 = arith.constant 1 : i32
        %get3A_698 = arith.index_cast %get3A_697 : i32 to index
        %get3A_699 = arith.index_cast %scan3A_397 : i32 to index
        %get3A_700 = arith.constant 240 : index
        %get3A_701 = tpu.vector_load %arg9[%get3A_698, %get3A_699, %get3A_700] {strides = array<i32>} : memref<3x40x256xf32, #tpu.memory_space<vmem>>, vector<1x1x16xf32>,
        %get3A_702 = vector.shape_cast %get3A_701 : vector<1x1x16xf32> to vector<16xf32>
        %get3A_703 = arith.constant 1 : i32
        %get3A_704 = arith.index_cast %get3A_703 : i32 to index
        %get3A_705 = arith.index_cast %scan3A_397 : i32 to index
        %get3A_706 = arith.constant 240 : index
        %get3A_707 = tpu.vector_load %arg10[%get3A_704, %get3A_705, %get3A_706] {strides = array<i32>} : memref<3x40x256xf32, #tpu.memory_space<vmem>>, vector<1x1x16xf32>,
        %get3A_708 = vector.shape_cast %get3A_707 : vector<1x1x16xf32> to vector<16xf32>
        %add3A_709 = arith.addf %get3A_702, %get3A_708 : vector<16xf32>
        %swap3A_710 = arith.constant 1 : i32
        %swap3A_711 = arith.index_cast %swap3A_710 : i32 to index
        %swap3A_712 = arith.index_cast %scan3A_397 : i32 to index
        %swap3A_713 = arith.constant 240 : index
        %swap3A_714 = tpu.vector_load %arg9[%swap3A_711, %swap3A_712, %swap3A_713] {strides = array<i32>} : memref<3x40x256xf32, #tpu.memory_space<vmem>>, vector<1x1x16xf32>,
        %swap3A_715 = vector.shape_cast %swap3A_714 : vector<1x1x16xf32> to vector<16xf32>
        %swap3A_716 = vector.shape_cast %add3A_709 : vector<16xf32> to vector<1x1x16xf32>
        tpu.vector_store %arg9[%swap3A_711, %swap3A_712, %swap3A_713], %swap3A_716 {strides = array<i32>} : memref<3x40x256xf32, #tpu.memory_space<vmem>>, vector<1x1x16xf32>,
        %scan3A_717 = arith.constant 0 : i32
        %scan3A_718 = arith.constant 1 : i32
        %scan3A_719 = arith.addi %scan3A_397, %scan3A_718 : i32
        %get3A_720 = arith.constant 1 : i32
        %get3A_721 = arith.index_cast %get3A_720 : i32 to index
        %get3A_722 = arith.index_cast %scan3A_719 : i32 to index
        %get3A_723 = arith.constant 0 : index
        %get3A_724 = tpu.vector_load %arg9[%get3A_721, %get3A_722, %get3A_723] {strides = array<i32>} : memref<3x40x256xf32, #tpu.memory_space<vmem>>, vector<1x1x16xf32>,
        %get3A_725 = vector.shape_cast %get3A_724 : vector<1x1x16xf32> to vector<16xf32>
        %get3A_726 = arith.constant 1 : i32
        %get3A_727 = arith.index_cast %get3A_726 : i32 to index
        %get3A_728 = arith.index_cast %scan3A_719 : i32 to index
        %get3A_729 = arith.constant 0 : index
        %get3A_730 = tpu.vector_load %arg10[%get3A_727, %get3A_728, %get3A_729] {strides = array<i32>} : memref<3x40x256xf32, #tpu.memory_space<vmem>>, vector<1x1x16xf32>,
        %get3A_731 = vector.shape_cast %get3A_730 : vector<1x1x16xf32> to vector<16xf32>
        %add3A_732 = arith.addf %get3A_725, %get3A_731 : vector<16xf32>
        %swap3A_733 = arith.constant 1 : i32
        %swap3A_734 = arith.index_cast %swap3A_733 : i32 to index
        %swap3A_735 = arith.index_cast %scan3A_719 : i32 to index
        %swap3A_736 = arith.constant 0 : index
        %swap3A_737 = tpu.vector_load %arg9[%swap3A_734, %swap3A_735, %swap3A_736] {strides = array<i32>} : memref<3x40x256xf32, #tpu.memory_space<vmem>>, vector<1x1x16xf32>,
        %swap3A_738 = vector.shape_cast %swap3A_737 : vector<1x1x16xf32> to vector<16xf32>
        %swap3A_739 = vector.shape_cast %add3A_732 : vector<16xf32> to vector<1x1x16xf32>
        tpu.vector_store %arg9[%swap3A_734, %swap3A_735, %swap3A_736], %swap3A_739 {strides = array<i32>} : memref<3x40x256xf32, #tpu.memory_space<vmem>>, vector<1x1x16xf32>,
        %get3A_740 = arith.constant 1 : i32
        %get3A_741 = arith.index_cast %get3A_740 : i32 to index
        %get3A_742 = arith.index_cast %scan3A_719 : i32 to index
        %get3A_743 = arith.constant 16 : index
        %get3A_744 = tpu.vector_load %arg9[%get3A_741, %get3A_742, %get3A_743] {strides = array<i32>} : memref<3x40x256xf32, #tpu.memory_space<vmem>>, vector<1x1x16xf32>,
        %get3A_745 = vector.shape_cast %get3A_744 : vector<1x1x16xf32> to vector<16xf32>
        %get3A_746 = arith.constant 1 : i32
        %get3A_747 = arith.index_cast %get3A_746 : i32 to index
        %get3A_748 = arith.index_cast %scan3A_719 : i32 to index
        %get3A_749 = arith.constant 16 : index
        %get3A_750 = tpu.vector_load %arg10[%get3A_747, %get3A_748, %get3A_749] {strides = array<i32>} : memref<3x40x256xf32, #tpu.memory_space<vmem>>, vector<1x1x16xf32>,
        %get3A_751 = vector.shape_cast %get3A_750 : vector<1x1x16xf32> to vector<16xf32>
        %add3A_752 = arith.addf %get3A_745, %get3A_751 : vector<16xf32>
        %swap3A_753 = arith.constant 1 : i32
        %swap3A_754 = arith.index_cast %swap3A_753 : i32 to index
        %swap3A_755 = arith.index_cast %scan3A_719 : i32 to index
        %swap3A_756 = arith.constant 16 : index
        %swap3A_757 = tpu.vector_load %arg9[%swap3A_754, %swap3A_755, %swap3A_756] {strides = array<i32>} : memref<3x40x256xf32, #tpu.memory_space<vmem>>, vector<1x1x16xf32>,
        %swap3A_758 = vector.shape_cast %swap3A_757 : vector<1x1x16xf32> to vector<16xf32>
        %swap3A_759 = vector.shape_cast %add3A_752 : vector<16xf32> to vector<1x1x16xf32>
        tpu.vector_store %arg9[%swap3A_754, %swap3A_755, %swap3A_756], %swap3A_759 {strides = array<i32>} : memref<3x40x256xf32, #tpu.memory_space<vmem>>, vector<1x1x16xf32>,
        %get3A_760 = arith.constant 1 : i32
        %get3A_761 = arith.index_cast %get3A_760 : i32 to index
        %get3A_762 = arith.index_cast %scan3A_719 : i32 to index
        %get3A_763 = arith.constant 32 : index
        %get3A_764 = tpu.vector_load %arg9[%get3A_761, %get3A_762, %get3A_763] {strides = array<i32>} : memref<3x40x256xf32, #tpu.memory_space<vmem>>, vector<1x1x16xf32>,
        %get3A_765 = vector.shape_cast %get3A_764 : vector<1x1x16xf32> to vector<16xf32>
        %get3A_766 = arith.constant 1 : i32
        %get3A_767 = arith.index_cast %get3A_766 : i32 to index
        %get3A_768 = arith.index_cast %scan3A_719 : i32 to index
        %get3A_769 = arith.constant 32 : index
        %get3A_770 = tpu.vector_load %arg10[%get3A_767, %get3A_768, %get3A_769] {strides = array<i32>} : memref<3x40x256xf32, #tpu.memory_space<vmem>>, vector<1x1x16xf32>,
        %get3A_771 = vector.shape_cast %get3A_770 : vector<1x1x16xf32> to vector<16xf32>
        %add3A_772 = arith.addf %get3A_765, %get3A_771 : vector<16xf32>
        %swap3A_773 = arith.constant 1 : i32
        %swap3A_774 = arith.index_cast %swap3A_773 : i32 to index
        %swap3A_775 = arith.index_cast %scan3A_719 : i32 to index
        %swap3A_776 = arith.constant 32 : index
        %swap3A_777 = tpu.vector_load %arg9[%swap3A_774, %swap3A_775, %swap3A_776] {strides = array<i32>} : memref<3x40x256xf32, #tpu.memory_space<vmem>>, vector<1x1x16xf32>,
        %swap3A_778 = vector.shape_cast %swap3A_777 : vector<1x1x16xf32> to vector<16xf32>
        %swap3A_779 = vector.shape_cast %add3A_772 : vector<16xf32> to vector<1x1x16xf32>
        tpu.vector_store %arg9[%swap3A_774, %swap3A_775, %swap3A_776], %swap3A_779 {strides = array<i32>} : memref<3x40x256xf32, #tpu.memory_space<vmem>>, vector<1x1x16xf32>,
        %get3A_780 = arith.constant 1 : i32
        %get3A_781 = arith.index_cast %get3A_780 : i32 to index
        %get3A_782 = arith.index_cast %scan3A_719 : i32 to index
        %get3A_783 = arith.constant 48 : index
        %get3A_784 = tpu.vector_load %arg9[%get3A_781, %get3A_782, %get3A_783] {strides = array<i32>} : memref<3x40x256xf32, #tpu.memory_space<vmem>>, vector<1x1x16xf32>,
        %get3A_785 = vector.shape_cast %get3A_784 : vector<1x1x16xf32> to vector<16xf32>
        %get3A_786 = arith.constant 1 : i32
        %get3A_787 = arith.index_cast %get3A_786 : i32 to index
        %get3A_788 = arith.index_cast %scan3A_719 : i32 to index
        %get3A_789 = arith.constant 48 : index
        %get3A_790 = tpu.vector_load %arg10[%get3A_787, %get3A_788, %get3A_789] {strides = array<i32>} : memref<3x40x256xf32, #tpu.memory_space<vmem>>, vector<1x1x16xf32>,
        %get3A_791 = vector.shape_cast %get3A_790 : vector<1x1x16xf32> to vector<16xf32>
        %add3A_792 = arith.addf %get3A_785, %get3A_791 : vector<16xf32>
        %swap3A_793 = arith.constant 1 : i32
        %swap3A_794 = arith.index_cast %swap3A_793 : i32 to index
        %swap3A_795 = arith.index_cast %scan3A_719 : i32 to index
        %swap3A_796 = arith.constant 48 : index
        %swap3A_797 = tpu.vector_load %arg9[%swap3A_794, %swap3A_795, %swap3A_796] {strides = array<i32>} : memref<3x40x256xf32, #tpu.memory_space<vmem>>, vector<1x1x16xf32>,
        %swap3A_798 = vector.shape_cast %swap3A_797 : vector<1x1x16xf32> to vector<16xf32>
        %swap3A_799 = vector.shape_cast %add3A_792 : vector<16xf32> to vector<1x1x16xf32>
        tpu.vector_store %arg9[%swap3A_794, %swap3A_795, %swap3A_796], %swap3A_799 {strides = array<i32>} : memref<3x40x256xf32, #tpu.memory_space<vmem>>, vector<1x1x16xf32>,
        %get3A_800 = arith.constant 1 : i32
        %get3A_801 = arith.index_cast %get3A_800 : i32 to index
        %get3A_802 = arith.index_cast %scan3A_719 : i32 to index
        %get3A_803 = arith.constant 64 : index
        %get3A_804 = tpu.vector_load %arg9[%get3A_801, %get3A_802, %get3A_803] {strides = array<i32>} : memref<3x40x256xf32, #tpu.memory_space<vmem>>, vector<1x1x16xf32>,
        %get3A_805 = vector.shape_cast %get3A_804 : vector<1x1x16xf32> to vector<16xf32>
        %get3A_806 = arith.constant 1 : i32
        %get3A_807 = arith.index_cast %get3A_806 : i32 to index
        %get3A_808 = arith.index_cast %scan3A_719 : i32 to index
        %get3A_809 = arith.constant 64 : index
        %get3A_810 = tpu.vector_load %arg10[%get3A_807, %get3A_808, %get3A_809] {strides = array<i32>} : memref<3x40x256xf32, #tpu.memory_space<vmem>>, vector<1x1x16xf32>,
        %get3A_811 = vector.shape_cast %get3A_810 : vector<1x1x16xf32> to vector<16xf32>
        %add3A_812 = arith.addf %get3A_805, %get3A_811 : vector<16xf32>
        %swap3A_813 = arith.constant 1 : i32
        %swap3A_814 = arith.index_cast %swap3A_813 : i32 to index
        %swap3A_815 = arith.index_cast %scan3A_719 : i32 to index
        %swap3A_816 = arith.constant 64 : index
        %swap3A_817 = tpu.vector_load %arg9[%swap3A_814, %swap3A_815, %swap3A_816] {strides = array<i32>} : memref<3x40x256xf32, #tpu.memory_space<vmem>>, vector<1x1x16xf32>,
        %swap3A_818 = vector.shape_cast %swap3A_817 : vector<1x1x16xf32> to vector<16xf32>
        %swap3A_819 = vector.shape_cast %add3A_812 : vector<16xf32> to vector<1x1x16xf32>
        tpu.vector_store %arg9[%swap3A_814, %swap3A_815, %swap3A_816], %swap3A_819 {strides = array<i32>} : memref<3x40x256xf32, #tpu.memory_space<vmem>>, vector<1x1x16xf32>,
        %get3A_820 = arith.constant 1 : i32
        %get3A_821 = arith.index_cast %get3A_820 : i32 to index
        %get3A_822 = arith.index_cast %scan3A_719 : i32 to index
        %get3A_823 = arith.constant 80 : index
        %get3A_824 = tpu.vector_load %arg9[%get3A_821, %get3A_822, %get3A_823] {strides = array<i32>} : memref<3x40x256xf32, #tpu.memory_space<vmem>>, vector<1x1x16xf32>,
        %get3A_825 = vector.shape_cast %get3A_824 : vector<1x1x16xf32> to vector<16xf32>
        %get3A_826 = arith.constant 1 : i32
        %get3A_827 = arith.index_cast %get3A_826 : i32 to index
        %get3A_828 = arith.index_cast %scan3A_719 : i32 to index
        %get3A_829 = arith.constant 80 : index
        %get3A_830 = tpu.vector_load %arg10[%get3A_827, %get3A_828, %get3A_829] {strides = array<i32>} : memref<3x40x256xf32, #tpu.memory_space<vmem>>, vector<1x1x16xf32>,
        %get3A_831 = vector.shape_cast %get3A_830 : vector<1x1x16xf32> to vector<16xf32>
        %add3A_832 = arith.addf %get3A_825, %get3A_831 : vector<16xf32>
        %swap3A_833 = arith.constant 1 : i32
        %swap3A_834 = arith.index_cast %swap3A_833 : i32 to index
        %swap3A_835 = arith.index_cast %scan3A_719 : i32 to index
        %swap3A_836 = arith.constant 80 : index
        %swap3A_837 = tpu.vector_load %arg9[%swap3A_834, %swap3A_835, %swap3A_836] {strides = array<i32>} : memref<3x40x256xf32, #tpu.memory_space<vmem>>, vector<1x1x16xf32>,
        %swap3A_838 = vector.shape_cast %swap3A_837 : vector<1x1x16xf32> to vector<16xf32>
        %swap3A_839 = vector.shape_cast %add3A_832 : vector<16xf32> to vector<1x1x16xf32>
        tpu.vector_store %arg9[%swap3A_834, %swap3A_835, %swap3A_836], %swap3A_839 {strides = array<i32>} : memref<3x40x256xf32, #tpu.memory_space<vmem>>, vector<1x1x16xf32>,
        %get3A_840 = arith.constant 1 : i32
        %get3A_841 = arith.index_cast %get3A_840 : i32 to index
        %get3A_842 = arith.index_cast %scan3A_719 : i32 to index
        %get3A_843 = arith.constant 96 : index
        %get3A_844 = tpu.vector_load %arg9[%get3A_841, %get3A_842, %get3A_843] {strides = array<i32>} : memref<3x40x256xf32, #tpu.memory_space<vmem>>, vector<1x1x16xf32>,
        %get3A_845 = vector.shape_cast %get3A_844 : vector<1x1x16xf32> to vector<16xf32>
        %get3A_846 = arith.constant 1 : i32
        %get3A_847 = arith.index_cast %get3A_846 : i32 to index
        %get3A_848 = arith.index_cast %scan3A_719 : i32 to index
        %get3A_849 = arith.constant 96 : index
        %get3A_850 = tpu.vector_load %arg10[%get3A_847, %get3A_848, %get3A_849] {strides = array<i32>} : memref<3x40x256xf32, #tpu.memory_space<vmem>>, vector<1x1x16xf32>,
        %get3A_851 = vector.shape_cast %get3A_850 : vector<1x1x16xf32> to vector<16xf32>
        %add3A_852 = arith.addf %get3A_845, %get3A_851 : vector<16xf32>
        %swap3A_853 = arith.constant 1 : i32
        %swap3A_854 = arith.index_cast %swap3A_853 : i32 to index
        %swap3A_855 = arith.index_cast %scan3A_719 : i32 to index
        %swap3A_856 = arith.constant 96 : index
        %swap3A_857 = tpu.vector_load %arg9[%swap3A_854, %swap3A_855, %swap3A_856] {strides = array<i32>} : memref<3x40x256xf32, #tpu.memory_space<vmem>>, vector<1x1x16xf32>,
        %swap3A_858 = vector.shape_cast %swap3A_857 : vector<1x1x16xf32> to vector<16xf32>
        %swap3A_859 = vector.shape_cast %add3A_852 : vector<16xf32> to vector<1x1x16xf32>
        tpu.vector_store %arg9[%swap3A_854, %swap3A_855, %swap3A_856], %swap3A_859 {strides = array<i32>} : memref<3x40x256xf32, #tpu.memory_space<vmem>>, vector<1x1x16xf32>,
        %get3A_860 = arith.constant 1 : i32
        %get3A_861 = arith.index_cast %get3A_860 : i32 to index
        %get3A_862 = arith.index_cast %scan3A_719 : i32 to index
        %get3A_863 = arith.constant 112 : index
        %get3A_864 = tpu.vector_load %arg9[%get3A_861, %get3A_862, %get3A_863] {strides = array<i32>} : memref<3x40x256xf32, #tpu.memory_space<vmem>>, vector<1x1x16xf32>,
        %get3A_865 = vector.shape_cast %get3A_864 : vector<1x1x16xf32> to vector<16xf32>
        %get3A_866 = arith.constant 1 : i32
        %get3A_867 = arith.index_cast %get3A_866 : i32 to index
        %get3A_868 = arith.index_cast %scan3A_719 : i32 to index
        %get3A_869 = arith.constant 112 : index
        %get3A_870 = tpu.vector_load %arg10[%get3A_867, %get3A_868, %get3A_869] {strides = array<i32>} : memref<3x40x256xf32, #tpu.memory_space<vmem>>, vector<1x1x16xf32>,
        %get3A_871 = vector.shape_cast %get3A_870 : vector<1x1x16xf32> to vector<16xf32>
        %add3A_872 = arith.addf %get3A_865, %get3A_871 : vector<16xf32>
        %swap3A_873 = arith.constant 1 : i32
        %swap3A_874 = arith.index_cast %swap3A_873 : i32 to index
        %swap3A_875 = arith.index_cast %scan3A_719 : i32 to index
        %swap3A_876 = arith.constant 112 : index
        %swap3A_877 = tpu.vector_load %arg9[%swap3A_874, %swap3A_875, %swap3A_876] {strides = array<i32>} : memref<3x40x256xf32, #tpu.memory_space<vmem>>, vector<1x1x16xf32>,
        %swap3A_878 = vector.shape_cast %swap3A_877 : vector<1x1x16xf32> to vector<16xf32>
        %swap3A_879 = vector.shape_cast %add3A_872 : vector<16xf32> to vector<1x1x16xf32>
        tpu.vector_store %arg9[%swap3A_874, %swap3A_875, %swap3A_876], %swap3A_879 {strides = array<i32>} : memref<3x40x256xf32, #tpu.memory_space<vmem>>, vector<1x1x16xf32>,
        %get3A_880 = arith.constant 1 : i32
        %get3A_881 = arith.index_cast %get3A_880 : i32 to index
        %get3A_882 = arith.index_cast %scan3A_719 : i32 to index
        %get3A_883 = arith.constant 128 : index
        %get3A_884 = tpu.vector_load %arg9[%get3A_881, %get3A_882, %get3A_883] {strides = array<i32>} : memref<3x40x256xf32, #tpu.memory_space<vmem>>, vector<1x1x16xf32>,
        %get3A_885 = vector.shape_cast %get3A_884 : vector<1x1x16xf32> to vector<16xf32>
        %get3A_886 = arith.constant 1 : i32
        %get3A_887 = arith.index_cast %get3A_886 : i32 to index
        %get3A_888 = arith.index_cast %scan3A_719 : i32 to index
        %get3A_889 = arith.constant 128 : index
        %get3A_890 = tpu.vector_load %arg10[%get3A_887, %get3A_888, %get3A_889] {strides = array<i32>} : memref<3x40x256xf32, #tpu.memory_space<vmem>>, vector<1x1x16xf32>,
        %get3A_891 = vector.shape_cast %get3A_890 : vector<1x1x16xf32> to vector<16xf32>
        %add3A_892 = arith.addf %get3A_885, %get3A_891 : vector<16xf32>
        %swap3A_893 = arith.constant 1 : i32
        %swap3A_894 = arith.index_cast %swap3A_893 : i32 to index
        %swap3A_895 = arith.index_cast %scan3A_719 : i32 to index
        %swap3A_896 = arith.constant 128 : index
        %swap3A_897 = tpu.vector_load %arg9[%swap3A_894, %swap3A_895, %swap3A_896] {strides = array<i32>} : memref<3x40x256xf32, #tpu.memory_space<vmem>>, vector<1x1x16xf32>,
        %swap3A_898 = vector.shape_cast %swap3A_897 : vector<1x1x16xf32> to vector<16xf32>
        %swap3A_899 = vector.shape_cast %add3A_892 : vector<16xf32> to vector<1x1x16xf32>
        tpu.vector_store %arg9[%swap3A_894, %swap3A_895, %swap3A_896], %swap3A_899 {strides = array<i32>} : memref<3x40x256xf32, #tpu.memory_space<vmem>>, vector<1x1x16xf32>,
        %get3A_900 = arith.constant 1 : i32
        %get3A_901 = arith.index_cast %get3A_900 : i32 to index
        %get3A_902 = arith.index_cast %scan3A_719 : i32 to index
        %get3A_903 = arith.constant 144 : index
        %get3A_904 = tpu.vector_load %arg9[%get3A_901, %get3A_902, %get3A_903] {strides = array<i32>} : memref<3x40x256xf32, #tpu.memory_space<vmem>>, vector<1x1x16xf32>,
        %get3A_905 = vector.shape_cast %get3A_904 : vector<1x1x16xf32> to vector<16xf32>
        %get3A_906 = arith.constant 1 : i32
        %get3A_907 = arith.index_cast %get3A_906 : i32 to index
        %get3A_908 = arith.index_cast %scan3A_719 : i32 to index
        %get3A_909 = arith.constant 144 : index
        %get3A_910 = tpu.vector_load %arg10[%get3A_907, %get3A_908, %get3A_909] {strides = array<i32>} : memref<3x40x256xf32, #tpu.memory_space<vmem>>, vector<1x1x16xf32>,
        %get3A_911 = vector.shape_cast %get3A_910 : vector<1x1x16xf32> to vector<16xf32>
        %add3A_912 = arith.addf %get3A_905, %get3A_911 : vector<16xf32>
        %swap3A_913 = arith.constant 1 : i32
        %swap3A_914 = arith.index_cast %swap3A_913 : i32 to index
        %swap3A_915 = arith.index_cast %scan3A_719 : i32 to index
        %swap3A_916 = arith.constant 144 : index
        %swap3A_917 = tpu.vector_load %arg9[%swap3A_914, %swap3A_915, %swap3A_916] {strides = array<i32>} : memref<3x40x256xf32, #tpu.memory_space<vmem>>, vector<1x1x16xf32>,
        %swap3A_918 = vector.shape_cast %swap3A_917 : vector<1x1x16xf32> to vector<16xf32>
        %swap3A_919 = vector.shape_cast %add3A_912 : vector<16xf32> to vector<1x1x16xf32>
        tpu.vector_store %arg9[%swap3A_914, %swap3A_915, %swap3A_916], %swap3A_919 {strides = array<i32>} : memref<3x40x256xf32, #tpu.memory_space<vmem>>, vector<1x1x16xf32>,
        %get3A_920 = arith.constant 1 : i32
        %get3A_921 = arith.index_cast %get3A_920 : i32 to index
        %get3A_922 = arith.index_cast %scan3A_719 : i32 to index
        %get3A_923 = arith.constant 160 : index
        %get3A_924 = tpu.vector_load %arg9[%get3A_921, %get3A_922, %get3A_923] {strides = array<i32>} : memref<3x40x256xf32, #tpu.memory_space<vmem>>, vector<1x1x16xf32>,
        %get3A_925 = vector.shape_cast %get3A_924 : vector<1x1x16xf32> to vector<16xf32>
        %get3A_926 = arith.constant 1 : i32
        %get3A_927 = arith.index_cast %get3A_926 : i32 to index
        %get3A_928 = arith.index_cast %scan3A_719 : i32 to index
        %get3A_929 = arith.constant 160 : index
        %get3A_930 = tpu.vector_load %arg10[%get3A_927, %get3A_928, %get3A_929] {strides = array<i32>} : memref<3x40x256xf32, #tpu.memory_space<vmem>>, vector<1x1x16xf32>,
        %get3A_931 = vector.shape_cast %get3A_930 : vector<1x1x16xf32> to vector<16xf32>
        %add3A_932 = arith.addf %get3A_925, %get3A_931 : vector<16xf32>
        %swap3A_933 = arith.constant 1 : i32
        %swap3A_934 = arith.index_cast %swap3A_933 : i32 to index
        %swap3A_935 = arith.index_cast %scan3A_719 : i32 to index
        %swap3A_936 = arith.constant 160 : index
        %swap3A_937 = tpu.vector_load %arg9[%swap3A_934, %swap3A_935, %swap3A_936] {strides = array<i32>} : memref<3x40x256xf32, #tpu.memory_space<vmem>>, vector<1x1x16xf32>,
        %swap3A_938 = vector.shape_cast %swap3A_937 : vector<1x1x16xf32> to vector<16xf32>
        %swap3A_939 = vector.shape_cast %add3A_932 : vector<16xf32> to vector<1x1x16xf32>
        tpu.vector_store %arg9[%swap3A_934, %swap3A_935, %swap3A_936], %swap3A_939 {strides = array<i32>} : memref<3x40x256xf32, #tpu.memory_space<vmem>>, vector<1x1x16xf32>,
        %get3A_940 = arith.constant 1 : i32
        %get3A_941 = arith.index_cast %get3A_940 : i32 to index
        %get3A_942 = arith.index_cast %scan3A_719 : i32 to index
        %get3A_943 = arith.constant 176 : index
        %get3A_944 = tpu.vector_load %arg9[%get3A_941, %get3A_942, %get3A_943] {strides = array<i32>} : memref<3x40x256xf32, #tpu.memory_space<vmem>>, vector<1x1x16xf32>,
        %get3A_945 = vector.shape_cast %get3A_944 : vector<1x1x16xf32> to vector<16xf32>
        %get3A_946 = arith.constant 1 : i32
        %get3A_947 = arith.index_cast %get3A_946 : i32 to index
        %get3A_948 = arith.index_cast %scan3A_719 : i32 to index
        %get3A_949 = arith.constant 176 : index
        %get3A_950 = tpu.vector_load %arg10[%get3A_947, %get3A_948, %get3A_949] {strides = array<i32>} : memref<3x40x256xf32, #tpu.memory_space<vmem>>, vector<1x1x16xf32>,
        %get3A_951 = vector.shape_cast %get3A_950 : vector<1x1x16xf32> to vector<16xf32>
        %add3A_952 = arith.addf %get3A_945, %get3A_951 : vector<16xf32>
        %swap3A_953 = arith.constant 1 : i32
        %swap3A_954 = arith.index_cast %swap3A_953 : i32 to index
        %swap3A_955 = arith.index_cast %scan3A_719 : i32 to index
        %swap3A_956 = arith.constant 176 : index
        %swap3A_957 = tpu.vector_load %arg9[%swap3A_954, %swap3A_955, %swap3A_956] {strides = array<i32>} : memref<3x40x256xf32, #tpu.memory_space<vmem>>, vector<1x1x16xf32>,
        %swap3A_958 = vector.shape_cast %swap3A_957 : vector<1x1x16xf32> to vector<16xf32>
        %swap3A_959 = vector.shape_cast %add3A_952 : vector<16xf32> to vector<1x1x16xf32>
        tpu.vector_store %arg9[%swap3A_954, %swap3A_955, %swap3A_956], %swap3A_959 {strides = array<i32>} : memref<3x40x256xf32, #tpu.memory_space<vmem>>, vector<1x1x16xf32>,
        %get3A_960 = arith.constant 1 : i32
        %get3A_961 = arith.index_cast %get3A_960 : i32 to index
        %get3A_962 = arith.index_cast %scan3A_719 : i32 to index
        %get3A_963 = arith.constant 192 : index
        %get3A_964 = tpu.vector_load %arg9[%get3A_961, %get3A_962, %get3A_963] {strides = array<i32>} : memref<3x40x256xf32, #tpu.memory_space<vmem>>, vector<1x1x16xf32>,
        %get3A_965 = vector.shape_cast %get3A_964 : vector<1x1x16xf32> to vector<16xf32>
        %get3A_966 = arith.constant 1 : i32
        %get3A_967 = arith.index_cast %get3A_966 : i32 to index
        %get3A_968 = arith.index_cast %scan3A_719 : i32 to index
        %get3A_969 = arith.constant 192 : index
        %get3A_970 = tpu.vector_load %arg10[%get3A_967, %get3A_968, %get3A_969] {strides = array<i32>} : memref<3x40x256xf32, #tpu.memory_space<vmem>>, vector<1x1x16xf32>,
        %get3A_971 = vector.shape_cast %get3A_970 : vector<1x1x16xf32> to vector<16xf32>
        %add3A_972 = arith.addf %get3A_965, %get3A_971 : vector<16xf32>
        %swap3A_973 = arith.constant 1 : i32
        %swap3A_974 = arith.index_cast %swap3A_973 : i32 to index
        %swap3A_975 = arith.index_cast %scan3A_719 : i32 to index
        %swap3A_976 = arith.constant 192 : index
        %swap3A_977 = tpu.vector_load %arg9[%swap3A_974, %swap3A_975, %swap3A_976] {strides = array<i32>} : memref<3x40x256xf32, #tpu.memory_space<vmem>>, vector<1x1x16xf32>,
        %swap3A_978 = vector.shape_cast %swap3A_977 : vector<1x1x16xf32> to vector<16xf32>
        %swap3A_979 = vector.shape_cast %add3A_972 : vector<16xf32> to vector<1x1x16xf32>
        tpu.vector_store %arg9[%swap3A_974, %swap3A_975, %swap3A_976], %swap3A_979 {strides = array<i32>} : memref<3x40x256xf32, #tpu.memory_space<vmem>>, vector<1x1x16xf32>,
        %get3A_980 = arith.constant 1 : i32
        %get3A_981 = arith.index_cast %get3A_980 : i32 to index
        %get3A_982 = arith.index_cast %scan3A_719 : i32 to index
        %get3A_983 = arith.constant 208 : index
        %get3A_984 = tpu.vector_load %arg9[%get3A_981, %get3A_982, %get3A_983] {strides = array<i32>} : memref<3x40x256xf32, #tpu.memory_space<vmem>>, vector<1x1x16xf32>,
        %get3A_985 = vector.shape_cast %get3A_984 : vector<1x1x16xf32> to vector<16xf32>
        %get3A_986 = arith.constant 1 : i32
        %get3A_987 = arith.index_cast %get3A_986 : i32 to index
        %get3A_988 = arith.index_cast %scan3A_719 : i32 to index
        %get3A_989 = arith.constant 208 : index
        %get3A_990 = tpu.vector_load %arg10[%get3A_987, %get3A_988, %get3A_989] {strides = array<i32>} : memref<3x40x256xf32, #tpu.memory_space<vmem>>, vector<1x1x16xf32>,
        %get3A_991 = vector.shape_cast %get3A_990 : vector<1x1x16xf32> to vector<16xf32>
        %add3A_992 = arith.addf %get3A_985, %get3A_991 : vector<16xf32>
        %swap3A_993 = arith.constant 1 : i32
        %swap3A_994 = arith.index_cast %swap3A_993 : i32 to index
        %swap3A_995 = arith.index_cast %scan3A_719 : i32 to index
        %swap3A_996 = arith.constant 208 : index
        %swap3A_997 = tpu.vector_load %arg9[%swap3A_994, %swap3A_995, %swap3A_996] {strides = array<i32>} : memref<3x40x256xf32, #tpu.memory_space<vmem>>, vector<1x1x16xf32>,
        %swap3A_998 = vector.shape_cast %swap3A_997 : vector<1x1x16xf32> to vector<16xf32>
        %swap3A_999 = vector.shape_cast %add3A_992 : vector<16xf32> to vector<1x1x16xf32>
        tpu.vector_store %arg9[%swap3A_994, %swap3A_995, %swap3A_996], %swap3A_999 {strides = array<i32>} : memref<3x40x256xf32, #tpu.memory_space<vmem>>, vector<1x1x16xf32>,
        %get3A_1000 = arith.constant 1 : i32
        %get3A_1001 = arith.index_cast %get3A_1000 : i32 to index
        %get3A_1002 = arith.index_cast %scan3A_719 : i32 to index
        %get3A_1003 = arith.constant 224 : index
        %get3A_1004 = tpu.vector_load %arg9[%get3A_1001, %get3A_1002, %get3A_1003] {strides = array<i32>} : memref<3x40x256xf32, #tpu.memory_space<vmem>>, vector<1x1x16xf32>,
        %get3A_1005 = vector.shape_cast %get3A_1004 : vector<1x1x16xf32> to vector<16xf32>
        %get3A_1006 = arith.constant 1 : i32
        %get3A_1007 = arith.index_cast %get3A_1006 : i32 to index
        %get3A_1008 = arith.index_cast %scan3A_719 : i32 to index
        %get3A_1009 = arith.constant 224 : index
        %get3A_1010 = tpu.vector_load %arg10[%get3A_1007, %get3A_1008, %get3A_1009] {strides = array<i32>} : memref<3x40x256xf32, #tpu.memory_space<vmem>>, vector<1x1x16xf32>,
        %get3A_1011 = vector.shape_cast %get3A_1010 : vector<1x1x16xf32> to vector<16xf32>
        %add3A_1012 = arith.addf %get3A_1005, %get3A_1011 : vector<16xf32>
        %swap3A_1013 = arith.constant 1 : i32
        %swap3A_1014 = arith.index_cast %swap3A_1013 : i32 to index
        %swap3A_1015 = arith.index_cast %scan3A_719 : i32 to index
        %swap3A_1016 = arith.constant 224 : index
        %swap3A_1017 = tpu.vector_load %arg9[%swap3A_1014, %swap3A_1015, %swap3A_1016] {strides = array<i32>} : memref<3x40x256xf32, #tpu.memory_space<vmem>>, vector<1x1x16xf32>,
        %swap3A_1018 = vector.shape_cast %swap3A_1017 : vector<1x1x16xf32> to vector<16xf32>
        %swap3A_1019 = vector.shape_cast %add3A_1012 : vector<16xf32> to vector<1x1x16xf32>
        tpu.vector_store %arg9[%swap3A_1014, %swap3A_1015, %swap3A_1016], %swap3A_1019 {strides = array<i32>} : memref<3x40x256xf32, #tpu.memory_space<vmem>>, vector<1x1x16xf32>,
        %get3A_1020 = arith.constant 1 : i32
        %get3A_1021 = arith.index_cast %get3A_1020 : i32 to index
        %get3A_1022 = arith.index_cast %scan3A_719 : i32 to index
        %get3A_1023 = arith.constant 240 : index
        %get3A_1024 = tpu.vector_load %arg9[%get3A_1021, %get3A_1022, %get3A_1023] {strides = array<i32>} : memref<3x40x256xf32, #tpu.memory_space<vmem>>, vector<1x1x16xf32>,
        %get3A_1025 = vector.shape_cast %get3A_1024 : vector<1x1x16xf32> to vector<16xf32>
        %get3A_1026 = arith.constant 1 : i32
        %get3A_1027 = arith.index_cast %get3A_1026 : i32 to index
        %get3A_1028 = arith.index_cast %scan3A_719 : i32 to index
        %get3A_1029 = arith.constant 240 : index
        %get3A_1030 = tpu.vector_load %arg10[%get3A_1027, %get3A_1028, %get3A_1029] {strides = array<i32>} : memref<3x40x256xf32, #tpu.memory_space<vmem>>, vector<1x1x16xf32>,
        %get3A_1031 = vector.shape_cast %get3A_1030 : vector<1x1x16xf32> to vector<16xf32>
        %add3A_1032 = arith.addf %get3A_1025, %get3A_1031 : vector<16xf32>
        %swap3A_1033 = arith.constant 1 : i32
        %swap3A_1034 = arith.index_cast %swap3A_1033 : i32 to index
        %swap3A_1035 = arith.index_cast %scan3A_719 : i32 to index
        %swap3A_1036 = arith.constant 240 : index
        %swap3A_1037 = tpu.vector_load %arg9[%swap3A_1034, %swap3A_1035, %swap3A_1036] {strides = array<i32>} : memref<3x40x256xf32, #tpu.memory_space<vmem>>, vector<1x1x16xf32>,
        %swap3A_1038 = vector.shape_cast %swap3A_1037 : vector<1x1x16xf32> to vector<16xf32>
        %swap3A_1039 = vector.shape_cast %add3A_1032 : vector<16xf32> to vector<1x1x16xf32>
        tpu.vector_store %arg9[%swap3A_1034, %swap3A_1035, %swap3A_1036], %swap3A_1039 {strides = array<i32>} : memref<3x40x256xf32, #tpu.memory_space<vmem>>, vector<1x1x16xf32>,
        %scan3A_1040 = arith.constant 0 : i32
        scf.yield %scan3A_1040 : i32
      }
      %scan3A_294 = arith.constant 40 : i32
      %mul3A_295 = arith.constant 40 : i32
      %mul3A_296 = arith.muli %add3A_259, %mul3A_295 : i32
      %add3A_297 = arith.addi %mul3A_2, %mul3A_296 : i32
      %dma_start3A_298 = arith.constant 1 : i32
      %dma_start3A_299 = arith.constant 1 : i32
      %dma_start3A_300 = arith.constant 0 : i32
      %dma_start3A_301 = arith.constant 0 : i32
      %dma_start3A_302 = tpu.memref_slice %arg9[%dma_start3A_298, %dma_start3A_300, %dma_start3A_301] : memref<3x40x256xf32, #tpu.memory_space<vmem>> -> memref<1x40x256xf32, #tpu.memory_space<vmem>>
      %dma_start3A_303 = tpu.memref_squeeze %dma_start3A_302 : memref<1x40x256xf32, #tpu.memory_space<vmem>> -> memref<40x256xf32, #tpu.memory_space<vmem>>
      %dma_start3A_304 = arith.constant 0 : i32
      %dma_start3A_305 = tpu.memref_slice %arg6[%add3A_297, %dma_start3A_304] : memref<320000x256xf32, #tpu.memory_space<hbm>> -> memref<40x256xf32, #tpu.memory_space<hbm>>
      %dma_start3A_306 = tpu.memref_slice %arg12[%dma_start3A_299] : memref<3x!tpu.dma_semaphore, #tpu.memory_space<semaphore_mem>> -> memref<1x!tpu.dma_semaphore, #tpu.memory_space<semaphore_mem>>
      %dma_start3A_307 = tpu.memref_squeeze %dma_start3A_306 : memref<1x!tpu.dma_semaphore, #tpu.memory_space<semaphore_mem>> -> memref<!tpu.dma_semaphore, #tpu.memory_space<semaphore_mem>>
      %dma_start3A_308 = arith.constant 0 : i32
      %dma_start3A_309 = tpu.memref_slice %arg6[%add3A_297, %dma_start3A_308] : memref<320000x256xf32, #tpu.memory_space<hbm>> -> memref<40x256xf32, #tpu.memory_space<hbm>>
      %dma_start3A_310 = arith.constant 0 : i32
      %dma_start3A_311 = arith.constant 0 : i32
      %dma_start3A_312 = tpu.memref_slice %arg9[%dma_start3A_298, %dma_start3A_310, %dma_start3A_311] : memref<3x40x256xf32, #tpu.memory_space<vmem>> -> memref<1x40x256xf32, #tpu.memory_space<vmem>>
      %dma_start3A_313 = tpu.memref_squeeze %dma_start3A_312 : memref<1x40x256xf32, #tpu.memory_space<vmem>> -> memref<40x256xf32, #tpu.memory_space<vmem>>
      tpu.enqueue_dma source(%dma_start3A_313 : memref<40x256xf32, #tpu.memory_space<vmem>>) target(%dma_start3A_309 : memref<40x256xf32, #tpu.memory_space<hbm>>) target_semaphore(%dma_start3A_307 : memref<!tpu.dma_semaphore, #tpu.memory_space<semaphore_mem>>)
      %add3A_314 = arith.constant 2 : i32
      %add3A_315 = arith.addi %add3A_259, %add3A_314 : i32
      %ge3A_316 = arith.constant 3 : i32
      %ge3A_317 = arith.cmpi sge, %add3A_315, %ge3A_316 : i32
      %convert_element_type3A_318 = arith.extui %ge3A_317 : i1 to i32
      %cond3A_319 = arith.constant 0 : i32
      %cond3A_320 = arith.cmpi ne, %convert_element_type3A_318, %cond3A_319 : i32
      scf.if %cond3A_320 {
        %sub3A = arith.constant 3 : i32
        %sub3A_397 = arith.subi %add3A_315, %sub3A : i32
        %mul3A_398 = arith.constant 40 : i32
        %mul3A_399 = arith.muli %sub3A_397, %mul3A_398 : i32
        %add3A_400 = arith.addi %mul3A_2, %mul3A_399 : i32
        %dma_wait3A_401 = arith.constant 0 : i32
        %dma_wait3A_402 = arith.constant 0 : i32
        %dma_wait3A_403 = arith.constant 0 : i32
        %dma_wait3A_404 = arith.constant 0 : i32
        %dma_wait3A_405 = tpu.memref_slice %arg9[%dma_wait3A_401, %dma_wait3A_403, %dma_wait3A_404] : memref<3x40x256xf32, #tpu.memory_space<vmem>> -> memref<1x40x256xf32, #tpu.memory_space<vmem>>
        %dma_wait3A_406 = tpu.memref_squeeze %dma_wait3A_405 : memref<1x40x256xf32, #tpu.memory_space<vmem>> -> memref<40x256xf32, #tpu.memory_space<vmem>>
        %dma_wait3A_407 = arith.constant 0 : i32
        %dma_wait3A_408 = tpu.memref_slice %arg6[%add3A_400, %dma_wait3A_407] : memref<320000x256xf32, #tpu.memory_space<hbm>> -> memref<40x256xf32, #tpu.memory_space<hbm>>
        %dma_wait3A_409 = tpu.memref_slice %arg12[%dma_wait3A_402] : memref<3x!tpu.dma_semaphore, #tpu.memory_space<semaphore_mem>> -> memref<1x!tpu.dma_semaphore, #tpu.memory_space<semaphore_mem>>
        %dma_wait3A_410 = tpu.memref_squeeze %dma_wait3A_409 : memref<1x!tpu.dma_semaphore, #tpu.memory_space<semaphore_mem>> -> memref<!tpu.dma_semaphore, #tpu.memory_space<semaphore_mem>>
        %dma_wait3A_411 = arith.constant 0 : i32
        %dma_wait3A_412 = tpu.memref_slice %arg6[%add3A_400, %dma_wait3A_411] : memref<320000x256xf32, #tpu.memory_space<hbm>> -> memref<40x256xf32, #tpu.memory_space<hbm>>
        %dma_wait3A_413 = arith.constant 0 : i32
        %dma_wait3A_414 = arith.constant 0 : i32
        %dma_wait3A_415 = tpu.memref_slice %arg9[%dma_wait3A_401, %dma_wait3A_413, %dma_wait3A_414] : memref<3x40x256xf32, #tpu.memory_space<vmem>> -> memref<1x40x256xf32, #tpu.memory_space<vmem>>
        %dma_wait3A_416 = tpu.memref_squeeze %dma_wait3A_415 : memref<1x40x256xf32, #tpu.memory_space<vmem>> -> memref<40x256xf32, #tpu.memory_space<vmem>>
        tpu.wait_dma2 semaphore(%dma_wait3A_410 : memref<!tpu.dma_semaphore, #tpu.memory_space<semaphore_mem>>) src(%dma_wait3A_416 : memref<40x256xf32, #tpu.memory_space<vmem>>) dst(%dma_wait3A_412 : memref<40x256xf32, #tpu.memory_space<hbm>>)
      } else {
      }
      %lt3A_321 = arith.constant 249 : i32
      %lt3A_322 = arith.cmpi slt, %add3A_315, %lt3A_321 : i32
      %convert_element_type3A_323 = arith.extui %lt3A_322 : i1 to i32
      %cond3A_324 = arith.constant 0 : i32
      %cond3A_325 = arith.cmpi ne, %convert_element_type3A_323, %cond3A_324 : i32
      scf.if %cond3A_325 {
        %dma_start3A_397 = arith.constant 0 : i32
        %dma_start3A_398 = arith.constant 0 : i32
        %dma_start3A_399 = arith.constant 0 : i32
        %dma_start3A_400 = arith.constant 0 : i32
        %dma_start3A_401 = tpu.memref_slice %arg9[%dma_start3A_397, %dma_start3A_399, %dma_start3A_400] : memref<3x40x256xf32, #tpu.memory_space<vmem>> -> memref<1x40x256xf32, #tpu.memory_space<vmem>>
        %dma_start3A_402 = tpu.memref_squeeze %dma_start3A_401 : memref<1x40x256xf32, #tpu.memory_space<vmem>> -> memref<40x256xf32, #tpu.memory_space<vmem>>
        %dma_start3A_403 = arith.constant 0 : i32
        %dma_start3A_404 = tpu.memref_slice %arg7[%add3A_315, %dma_start3A_403] : memref<250x40xi32, #tpu.memory_space<vmem>> -> memref<1x40xi32, #tpu.memory_space<vmem>>
        %dma_start3A_405 = tpu.memref_squeeze %dma_start3A_404 : memref<1x40xi32, #tpu.memory_space<vmem>> -> memref<40xi32, #tpu.memory_space<vmem>>
        %dma_start3A_406 = arith.constant 0 : i32
        %dma_start3A_407 = arith.constant 0 : i32
        %dma_start3A_408 = tpu.memref_slice %arg2[%dma_start3A_406, %dma_start3A_407] : memref<10000x256xf32, #tpu.memory_space<hbm>> -> memref<10000x256xf32, #tpu.memory_space<hbm>>
        %dma_start3A_409 = tpu.memref_slice %arg11[%dma_start3A_398] : memref<3x!tpu.dma_semaphore, #tpu.memory_space<semaphore_mem>> -> memref<1x!tpu.dma_semaphore, #tpu.memory_space<semaphore_mem>>
        %dma_start3A_410 = tpu.memref_squeeze %dma_start3A_409 : memref<1x!tpu.dma_semaphore, #tpu.memory_space<semaphore_mem>> -> memref<!tpu.dma_semaphore, #tpu.memory_space<semaphore_mem>>
        tpu.enqueue_indirect_dma source(%dma_start3A_408 : memref<10000x256xf32, #tpu.memory_space<hbm>>) target(%dma_start3A_402 : memref<40x256xf32, #tpu.memory_space<vmem>>) offsets(%dma_start3A_405 : memref<40xi32, #tpu.memory_space<vmem>>) semaphore(%dma_start3A_410 : memref<!tpu.dma_semaphore, #tpu.memory_space<semaphore_mem>>)
        %dma_start3A_411 = arith.constant 0 : i32
        %dma_start3A_412 = arith.constant 0 : i32
        %dma_start3A_413 = arith.constant 0 : i32
        %dma_start3A_414 = arith.constant 0 : i32
        %dma_start3A_415 = tpu.memref_slice %arg10[%dma_start3A_411, %dma_start3A_413, %dma_start3A_414] : memref<3x40x256xf32, #tpu.memory_space<vmem>> -> memref<1x40x256xf32, #tpu.memory_space<vmem>>
        %dma_start3A_416 = tpu.memref_squeeze %dma_start3A_415 : memref<1x40x256xf32, #tpu.memory_space<vmem>> -> memref<40x256xf32, #tpu.memory_space<vmem>>
        %dma_start3A_417 = arith.constant 0 : i32
        %dma_start3A_418 = tpu.memref_slice %arg8[%add3A_315, %dma_start3A_417] : memref<250x40xi32, #tpu.memory_space<vmem>> -> memref<1x40xi32, #tpu.memory_space<vmem>>
        %dma_start3A_419 = tpu.memref_squeeze %dma_start3A_418 : memref<1x40xi32, #tpu.memory_space<vmem>> -> memref<40xi32, #tpu.memory_space<vmem>>
        %dma_start3A_420 = arith.constant 0 : i32
        %dma_start3A_421 = arith.constant 0 : i32
        %dma_start3A_422 = tpu.memref_slice %arg3[%dma_start3A_420, %dma_start3A_421] : memref<10000x256xf32, #tpu.memory_space<hbm>> -> memref<10000x256xf32, #tpu.memory_space<hbm>>
        %dma_start3A_423 = tpu.memref_slice %arg11[%dma_start3A_412] : memref<3x!tpu.dma_semaphore, #tpu.memory_space<semaphore_mem>> -> memref<1x!tpu.dma_semaphore, #tpu.memory_space<semaphore_mem>>
        %dma_start3A_424 = tpu.memref_squeeze %dma_start3A_423 : memref<1x!tpu.dma_semaphore, #tpu.memory_space<semaphore_mem>> -> memref<!tpu.dma_semaphore, #tpu.memory_space<semaphore_mem>>
        tpu.enqueue_indirect_dma source(%dma_start3A_422 : memref<10000x256xf32, #tpu.memory_space<hbm>>) target(%dma_start3A_416 : memref<40x256xf32, #tpu.memory_space<vmem>>) offsets(%dma_start3A_419 : memref<40xi32, #tpu.memory_space<vmem>>) semaphore(%dma_start3A_424 : memref<!tpu.dma_semaphore, #tpu.memory_space<semaphore_mem>>)
      } else {
      }
      %mul3A_326 = arith.constant 3 : i32
      %mul3A_327 = arith.muli %scan3A_188, %mul3A_326 : i32
      %add3A_328 = arith.constant 2 : i32
      %add3A_329 = arith.addi %mul3A_327, %add3A_328 : i32
      %dma_wait3A_330 = arith.constant 2 : i32
      %dma_wait3A_331 = arith.constant 2 : i32
      %dma_wait3A_332 = arith.constant 0 : i32
      %dma_wait3A_333 = arith.constant 0 : i32
      %dma_wait3A_334 = tpu.memref_slice %arg9[%dma_wait3A_330, %dma_wait3A_332, %dma_wait3A_333] : memref<3x40x256xf32, #tpu.memory_space<vmem>> -> memref<1x40x256xf32, #tpu.memory_space<vmem>>
      %dma_wait3A_335 = tpu.memref_squeeze %dma_wait3A_334 : memref<1x40x256xf32, #tpu.memory_space<vmem>> -> memref<40x256xf32, #tpu.memory_space<vmem>>
      %dma_wait3A_336 = arith.constant 0 : i32
      %dma_wait3A_337 = tpu.memref_slice %arg7[%add3A_329, %dma_wait3A_336] : memref<250x40xi32, #tpu.memory_space<vmem>> -> memref<1x40xi32, #tpu.memory_space<vmem>>
      %dma_wait3A_338 = tpu.memref_squeeze %dma_wait3A_337 : memref<1x40xi32, #tpu.memory_space<vmem>> -> memref<40xi32, #tpu.memory_space<vmem>>
      %dma_wait3A_339 = arith.constant 0 : i32
      %dma_wait3A_340 = arith.constant 0 : i32
      %dma_wait3A_341 = tpu.memref_slice %arg2[%dma_wait3A_339, %dma_wait3A_340] : memref<10000x256xf32, #tpu.memory_space<hbm>> -> memref<10000x256xf32, #tpu.memory_space<hbm>>
      %dma_wait3A_342 = tpu.memref_slice %arg11[%dma_wait3A_331] : memref<3x!tpu.dma_semaphore, #tpu.memory_space<semaphore_mem>> -> memref<1x!tpu.dma_semaphore, #tpu.memory_space<semaphore_mem>>
      %dma_wait3A_343 = tpu.memref_squeeze %dma_wait3A_342 : memref<1x!tpu.dma_semaphore, #tpu.memory_space<semaphore_mem>> -> memref<!tpu.dma_semaphore, #tpu.memory_space<semaphore_mem>>
      tpu.wait_indirect_dma semaphore(%dma_wait3A_343 : memref<!tpu.dma_semaphore, #tpu.memory_space<semaphore_mem>>) src(%dma_wait3A_341 : memref<10000x256xf32, #tpu.memory_space<hbm>>) dst(%dma_wait3A_335 : memref<40x256xf32, #tpu.memory_space<vmem>>)
      %dma_wait3A_344 = arith.constant 2 : i32
      %dma_wait3A_345 = arith.constant 2 : i32
      %dma_wait3A_346 = arith.constant 0 : i32
      %dma_wait3A_347 = arith.constant 0 : i32
      %dma_wait3A_348 = tpu.memref_slice %arg10[%dma_wait3A_344, %dma_wait3A_346, %dma_wait3A_347] : memref<3x40x256xf32, #tpu.memory_space<vmem>> -> memref<1x40x256xf32, #tpu.memory_space<vmem>>
      %dma_wait3A_349 = tpu.memref_squeeze %dma_wait3A_348 : memref<1x40x256xf32, #tpu.memory_space<vmem>> -> memref<40x256xf32, #tpu.memory_space<vmem>>
      %dma_wait3A_350 = arith.constant 0 : i32
      %dma_wait3A_351 = tpu.memref_slice %arg8[%add3A_329, %dma_wait3A_350] : memref<250x40xi32, #tpu.memory_space<vmem>> -> memref<1x40xi32, #tpu.memory_space<vmem>>
      %dma_wait3A_352 = tpu.memref_squeeze %dma_wait3A_351 : memref<1x40xi32, #tpu.memory_space<vmem>> -> memref<40xi32, #tpu.memory_space<vmem>>
      %dma_wait3A_353 = arith.constant 0 : i32
      %dma_wait3A_354 = arith.constant 0 : i32
      %dma_wait3A_355 = tpu.memref_slice %arg3[%dma_wait3A_353, %dma_wait3A_354] : memref<10000x256xf32, #tpu.memory_space<hbm>> -> memref<10000x256xf32, #tpu.memory_space<hbm>>
      %dma_wait3A_356 = tpu.memref_slice %arg11[%dma_wait3A_345] : memref<3x!tpu.dma_semaphore, #tpu.memory_space<semaphore_mem>> -> memref<1x!tpu.dma_semaphore, #tpu.memory_space<semaphore_mem>>
      %dma_wait3A_357 = tpu.memref_squeeze %dma_wait3A_356 : memref<1x!tpu.dma_semaphore, #tpu.memory_space<semaphore_mem>> -> memref<!tpu.dma_semaphore, #tpu.memory_space<semaphore_mem>>
      tpu.wait_indirect_dma semaphore(%dma_wait3A_357 : memref<!tpu.dma_semaphore, #tpu.memory_space<semaphore_mem>>) src(%dma_wait3A_355 : memref<10000x256xf32, #tpu.memory_space<hbm>>) dst(%dma_wait3A_349 : memref<40x256xf32, #tpu.memory_space<vmem>>)
      %scan3A_358 = arith.constant 0 : i32
      %scan3A_359 = arith.constant 0 : i32
      %scan3A_360 = arith.constant 40 : i32
      %scan3A_361 = arith.addi %scan3A_359, %scan3A_360 : i32
      %scan3A_362 = arith.constant 2 : i32
      %scan3A_363 = scf.for %scan3A_397 = %scan3A_359 to %scan3A_361 step %scan3A_362 iter_args(%scan3A_398 = %scan3A_358) -> (i32)  : i32 {
        %get3A = arith.constant 2 : i32
        %get3A_399 = arith.index_cast %get3A : i32 to index
        %get3A_400 = arith.index_cast %scan3A_397 : i32 to index
        %get3A_401 = arith.constant 0 : index
        %get3A_402 = tpu.vector_load %arg9[%get3A_399, %get3A_400, %get3A_401] {strides = array<i32>} : memref<3x40x256xf32, #tpu.memory_space<vmem>>, vector<1x1x16xf32>,
        %get3A_403 = vector.shape_cast %get3A_402 : vector<1x1x16xf32> to vector<16xf32>
        %get3A_404 = arith.constant 2 : i32
        %get3A_405 = arith.index_cast %get3A_404 : i32 to index
        %get3A_406 = arith.index_cast %scan3A_397 : i32 to index
        %get3A_407 = arith.constant 0 : index
        %get3A_408 = tpu.vector_load %arg10[%get3A_405, %get3A_406, %get3A_407] {strides = array<i32>} : memref<3x40x256xf32, #tpu.memory_space<vmem>>, vector<1x1x16xf32>,
        %get3A_409 = vector.shape_cast %get3A_408 : vector<1x1x16xf32> to vector<16xf32>
        %add3A_410 = arith.addf %get3A_403, %get3A_409 : vector<16xf32>
        %swap3A = arith.constant 2 : i32
        %swap3A_411 = arith.index_cast %swap3A : i32 to index
        %swap3A_412 = arith.index_cast %scan3A_397 : i32 to index
        %swap3A_413 = arith.constant 0 : index
        %swap3A_414 = tpu.vector_load %arg9[%swap3A_411, %swap3A_412, %swap3A_413] {strides = array<i32>} : memref<3x40x256xf32, #tpu.memory_space<vmem>>, vector<1x1x16xf32>,
        %swap3A_415 = vector.shape_cast %swap3A_414 : vector<1x1x16xf32> to vector<16xf32>
        %swap3A_416 = vector.shape_cast %add3A_410 : vector<16xf32> to vector<1x1x16xf32>
        tpu.vector_store %arg9[%swap3A_411, %swap3A_412, %swap3A_413], %swap3A_416 {strides = array<i32>} : memref<3x40x256xf32, #tpu.memory_space<vmem>>, vector<1x1x16xf32>,
        %get3A_417 = arith.constant 2 : i32
        %get3A_418 = arith.index_cast %get3A_417 : i32 to index
        %get3A_419 = arith.index_cast %scan3A_397 : i32 to index
        %get3A_420 = arith.constant 16 : index
        %get3A_421 = tpu.vector_load %arg9[%get3A_418, %get3A_419, %get3A_420] {strides = array<i32>} : memref<3x40x256xf32, #tpu.memory_space<vmem>>, vector<1x1x16xf32>,
        %get3A_422 = vector.shape_cast %get3A_421 : vector<1x1x16xf32> to vector<16xf32>
        %get3A_423 = arith.constant 2 : i32
        %get3A_424 = arith.index_cast %get3A_423 : i32 to index
        %get3A_425 = arith.index_cast %scan3A_397 : i32 to index
        %get3A_426 = arith.constant 16 : index
        %get3A_427 = tpu.vector_load %arg10[%get3A_424, %get3A_425, %get3A_426] {strides = array<i32>} : memref<3x40x256xf32, #tpu.memory_space<vmem>>, vector<1x1x16xf32>,
        %get3A_428 = vector.shape_cast %get3A_427 : vector<1x1x16xf32> to vector<16xf32>
        %add3A_429 = arith.addf %get3A_422, %get3A_428 : vector<16xf32>
        %swap3A_430 = arith.constant 2 : i32
        %swap3A_431 = arith.index_cast %swap3A_430 : i32 to index
        %swap3A_432 = arith.index_cast %scan3A_397 : i32 to index
        %swap3A_433 = arith.constant 16 : index
        %swap3A_434 = tpu.vector_load %arg9[%swap3A_431, %swap3A_432, %swap3A_433] {strides = array<i32>} : memref<3x40x256xf32, #tpu.memory_space<vmem>>, vector<1x1x16xf32>,
        %swap3A_435 = vector.shape_cast %swap3A_434 : vector<1x1x16xf32> to vector<16xf32>
        %swap3A_436 = vector.shape_cast %add3A_429 : vector<16xf32> to vector<1x1x16xf32>
        tpu.vector_store %arg9[%swap3A_431, %swap3A_432, %swap3A_433], %swap3A_436 {strides = array<i32>} : memref<3x40x256xf32, #tpu.memory_space<vmem>>, vector<1x1x16xf32>,
        %get3A_437 = arith.constant 2 : i32
        %get3A_438 = arith.index_cast %get3A_437 : i32 to index
        %get3A_439 = arith.index_cast %scan3A_397 : i32 to index
        %get3A_440 = arith.constant 32 : index
        %get3A_441 = tpu.vector_load %arg9[%get3A_438, %get3A_439, %get3A_440] {strides = array<i32>} : memref<3x40x256xf32, #tpu.memory_space<vmem>>, vector<1x1x16xf32>,
        %get3A_442 = vector.shape_cast %get3A_441 : vector<1x1x16xf32> to vector<16xf32>
        %get3A_443 = arith.constant 2 : i32
        %get3A_444 = arith.index_cast %get3A_443 : i32 to index
        %get3A_445 = arith.index_cast %scan3A_397 : i32 to index
        %get3A_446 = arith.constant 32 : index
        %get3A_447 = tpu.vector_load %arg10[%get3A_444, %get3A_445, %get3A_446] {strides = array<i32>} : memref<3x40x256xf32, #tpu.memory_space<vmem>>, vector<1x1x16xf32>,
        %get3A_448 = vector.shape_cast %get3A_447 : vector<1x1x16xf32> to vector<16xf32>
        %add3A_449 = arith.addf %get3A_442, %get3A_448 : vector<16xf32>
        %swap3A_450 = arith.constant 2 : i32
        %swap3A_451 = arith.index_cast %swap3A_450 : i32 to index
        %swap3A_452 = arith.index_cast %scan3A_397 : i32 to index
        %swap3A_453 = arith.constant 32 : index
        %swap3A_454 = tpu.vector_load %arg9[%swap3A_451, %swap3A_452, %swap3A_453] {strides = array<i32>} : memref<3x40x256xf32, #tpu.memory_space<vmem>>, vector<1x1x16xf32>,
        %swap3A_455 = vector.shape_cast %swap3A_454 : vector<1x1x16xf32> to vector<16xf32>
        %swap3A_456 = vector.shape_cast %add3A_449 : vector<16xf32> to vector<1x1x16xf32>
        tpu.vector_store %arg9[%swap3A_451, %swap3A_452, %swap3A_453], %swap3A_456 {strides = array<i32>} : memref<3x40x256xf32, #tpu.memory_space<vmem>>, vector<1x1x16xf32>,
        %get3A_457 = arith.constant 2 : i32
        %get3A_458 = arith.index_cast %get3A_457 : i32 to index
        %get3A_459 = arith.index_cast %scan3A_397 : i32 to index
        %get3A_460 = arith.constant 48 : index
        %get3A_461 = tpu.vector_load %arg9[%get3A_458, %get3A_459, %get3A_460] {strides = array<i32>} : memref<3x40x256xf32, #tpu.memory_space<vmem>>, vector<1x1x16xf32>,
        %get3A_462 = vector.shape_cast %get3A_461 : vector<1x1x16xf32> to vector<16xf32>
        %get3A_463 = arith.constant 2 : i32
        %get3A_464 = arith.index_cast %get3A_463 : i32 to index
        %get3A_465 = arith.index_cast %scan3A_397 : i32 to index
        %get3A_466 = arith.constant 48 : index
        %get3A_467 = tpu.vector_load %arg10[%get3A_464, %get3A_465, %get3A_466] {strides = array<i32>} : memref<3x40x256xf32, #tpu.memory_space<vmem>>, vector<1x1x16xf32>,
        %get3A_468 = vector.shape_cast %get3A_467 : vector<1x1x16xf32> to vector<16xf32>
        %add3A_469 = arith.addf %get3A_462, %get3A_468 : vector<16xf32>
        %swap3A_470 = arith.constant 2 : i32
        %swap3A_471 = arith.index_cast %swap3A_470 : i32 to index
        %swap3A_472 = arith.index_cast %scan3A_397 : i32 to index
        %swap3A_473 = arith.constant 48 : index
        %swap3A_474 = tpu.vector_load %arg9[%swap3A_471, %swap3A_472, %swap3A_473] {strides = array<i32>} : memref<3x40x256xf32, #tpu.memory_space<vmem>>, vector<1x1x16xf32>,
        %swap3A_475 = vector.shape_cast %swap3A_474 : vector<1x1x16xf32> to vector<16xf32>
        %swap3A_476 = vector.shape_cast %add3A_469 : vector<16xf32> to vector<1x1x16xf32>
        tpu.vector_store %arg9[%swap3A_471, %swap3A_472, %swap3A_473], %swap3A_476 {strides = array<i32>} : memref<3x40x256xf32, #tpu.memory_space<vmem>>, vector<1x1x16xf32>,
        %get3A_477 = arith.constant 2 : i32
        %get3A_478 = arith.index_cast %get3A_477 : i32 to index
        %get3A_479 = arith.index_cast %scan3A_397 : i32 to index
        %get3A_480 = arith.constant 64 : index
        %get3A_481 = tpu.vector_load %arg9[%get3A_478, %get3A_479, %get3A_480] {strides = array<i32>} : memref<3x40x256xf32, #tpu.memory_space<vmem>>, vector<1x1x16xf32>,
        %get3A_482 = vector.shape_cast %get3A_481 : vector<1x1x16xf32> to vector<16xf32>
        %get3A_483 = arith.constant 2 : i32
        %get3A_484 = arith.index_cast %get3A_483 : i32 to index
        %get3A_485 = arith.index_cast %scan3A_397 : i32 to index
        %get3A_486 = arith.constant 64 : index
        %get3A_487 = tpu.vector_load %arg10[%get3A_484, %get3A_485, %get3A_486] {strides = array<i32>} : memref<3x40x256xf32, #tpu.memory_space<vmem>>, vector<1x1x16xf32>,
        %get3A_488 = vector.shape_cast %get3A_487 : vector<1x1x16xf32> to vector<16xf32>
        %add3A_489 = arith.addf %get3A_482, %get3A_488 : vector<16xf32>
        %swap3A_490 = arith.constant 2 : i32
        %swap3A_491 = arith.index_cast %swap3A_490 : i32 to index
        %swap3A_492 = arith.index_cast %scan3A_397 : i32 to index
        %swap3A_493 = arith.constant 64 : index
        %swap3A_494 = tpu.vector_load %arg9[%swap3A_491, %swap3A_492, %swap3A_493] {strides = array<i32>} : memref<3x40x256xf32, #tpu.memory_space<vmem>>, vector<1x1x16xf32>,
        %swap3A_495 = vector.shape_cast %swap3A_494 : vector<1x1x16xf32> to vector<16xf32>
        %swap3A_496 = vector.shape_cast %add3A_489 : vector<16xf32> to vector<1x1x16xf32>
        tpu.vector_store %arg9[%swap3A_491, %swap3A_492, %swap3A_493], %swap3A_496 {strides = array<i32>} : memref<3x40x256xf32, #tpu.memory_space<vmem>>, vector<1x1x16xf32>,
        %get3A_497 = arith.constant 2 : i32
        %get3A_498 = arith.index_cast %get3A_497 : i32 to index
        %get3A_499 = arith.index_cast %scan3A_397 : i32 to index
        %get3A_500 = arith.constant 80 : index
        %get3A_501 = tpu.vector_load %arg9[%get3A_498, %get3A_499, %get3A_500] {strides = array<i32>} : memref<3x40x256xf32, #tpu.memory_space<vmem>>, vector<1x1x16xf32>,
        %get3A_502 = vector.shape_cast %get3A_501 : vector<1x1x16xf32> to vector<16xf32>
        %get3A_503 = arith.constant 2 : i32
        %get3A_504 = arith.index_cast %get3A_503 : i32 to index
        %get3A_505 = arith.index_cast %scan3A_397 : i32 to index
        %get3A_506 = arith.constant 80 : index
        %get3A_507 = tpu.vector_load %arg10[%get3A_504, %get3A_505, %get3A_506] {strides = array<i32>} : memref<3x40x256xf32, #tpu.memory_space<vmem>>, vector<1x1x16xf32>,
        %get3A_508 = vector.shape_cast %get3A_507 : vector<1x1x16xf32> to vector<16xf32>
        %add3A_509 = arith.addf %get3A_502, %get3A_508 : vector<16xf32>
        %swap3A_510 = arith.constant 2 : i32
        %swap3A_511 = arith.index_cast %swap3A_510 : i32 to index
        %swap3A_512 = arith.index_cast %scan3A_397 : i32 to index
        %swap3A_513 = arith.constant 80 : index
        %swap3A_514 = tpu.vector_load %arg9[%swap3A_511, %swap3A_512, %swap3A_513] {strides = array<i32>} : memref<3x40x256xf32, #tpu.memory_space<vmem>>, vector<1x1x16xf32>,
        %swap3A_515 = vector.shape_cast %swap3A_514 : vector<1x1x16xf32> to vector<16xf32>
        %swap3A_516 = vector.shape_cast %add3A_509 : vector<16xf32> to vector<1x1x16xf32>
        tpu.vector_store %arg9[%swap3A_511, %swap3A_512, %swap3A_513], %swap3A_516 {strides = array<i32>} : memref<3x40x256xf32, #tpu.memory_space<vmem>>, vector<1x1x16xf32>,
        %get3A_517 = arith.constant 2 : i32
        %get3A_518 = arith.index_cast %get3A_517 : i32 to index
        %get3A_519 = arith.index_cast %scan3A_397 : i32 to index
        %get3A_520 = arith.constant 96 : index
        %get3A_521 = tpu.vector_load %arg9[%get3A_518, %get3A_519, %get3A_520] {strides = array<i32>} : memref<3x40x256xf32, #tpu.memory_space<vmem>>, vector<1x1x16xf32>,
        %get3A_522 = vector.shape_cast %get3A_521 : vector<1x1x16xf32> to vector<16xf32>
        %get3A_523 = arith.constant 2 : i32
        %get3A_524 = arith.index_cast %get3A_523 : i32 to index
        %get3A_525 = arith.index_cast %scan3A_397 : i32 to index
        %get3A_526 = arith.constant 96 : index
        %get3A_527 = tpu.vector_load %arg10[%get3A_524, %get3A_525, %get3A_526] {strides = array<i32>} : memref<3x40x256xf32, #tpu.memory_space<vmem>>, vector<1x1x16xf32>,
        %get3A_528 = vector.shape_cast %get3A_527 : vector<1x1x16xf32> to vector<16xf32>
        %add3A_529 = arith.addf %get3A_522, %get3A_528 : vector<16xf32>
        %swap3A_530 = arith.constant 2 : i32
        %swap3A_531 = arith.index_cast %swap3A_530 : i32 to index
        %swap3A_532 = arith.index_cast %scan3A_397 : i32 to index
        %swap3A_533 = arith.constant 96 : index
        %swap3A_534 = tpu.vector_load %arg9[%swap3A_531, %swap3A_532, %swap3A_533] {strides = array<i32>} : memref<3x40x256xf32, #tpu.memory_space<vmem>>, vector<1x1x16xf32>,
        %swap3A_535 = vector.shape_cast %swap3A_534 : vector<1x1x16xf32> to vector<16xf32>
        %swap3A_536 = vector.shape_cast %add3A_529 : vector<16xf32> to vector<1x1x16xf32>
        tpu.vector_store %arg9[%swap3A_531, %swap3A_532, %swap3A_533], %swap3A_536 {strides = array<i32>} : memref<3x40x256xf32, #tpu.memory_space<vmem>>, vector<1x1x16xf32>,
        %get3A_537 = arith.constant 2 : i32
        %get3A_538 = arith.index_cast %get3A_537 : i32 to index
        %get3A_539 = arith.index_cast %scan3A_397 : i32 to index
        %get3A_540 = arith.constant 112 : index
        %get3A_541 = tpu.vector_load %arg9[%get3A_538, %get3A_539, %get3A_540] {strides = array<i32>} : memref<3x40x256xf32, #tpu.memory_space<vmem>>, vector<1x1x16xf32>,
        %get3A_542 = vector.shape_cast %get3A_541 : vector<1x1x16xf32> to vector<16xf32>
        %get3A_543 = arith.constant 2 : i32
        %get3A_544 = arith.index_cast %get3A_543 : i32 to index
        %get3A_545 = arith.index_cast %scan3A_397 : i32 to index
        %get3A_546 = arith.constant 112 : index
        %get3A_547 = tpu.vector_load %arg10[%get3A_544, %get3A_545, %get3A_546] {strides = array<i32>} : memref<3x40x256xf32, #tpu.memory_space<vmem>>, vector<1x1x16xf32>,
        %get3A_548 = vector.shape_cast %get3A_547 : vector<1x1x16xf32> to vector<16xf32>
        %add3A_549 = arith.addf %get3A_542, %get3A_548 : vector<16xf32>
        %swap3A_550 = arith.constant 2 : i32
        %swap3A_551 = arith.index_cast %swap3A_550 : i32 to index
        %swap3A_552 = arith.index_cast %scan3A_397 : i32 to index
        %swap3A_553 = arith.constant 112 : index
        %swap3A_554 = tpu.vector_load %arg9[%swap3A_551, %swap3A_552, %swap3A_553] {strides = array<i32>} : memref<3x40x256xf32, #tpu.memory_space<vmem>>, vector<1x1x16xf32>,
        %swap3A_555 = vector.shape_cast %swap3A_554 : vector<1x1x16xf32> to vector<16xf32>
        %swap3A_556 = vector.shape_cast %add3A_549 : vector<16xf32> to vector<1x1x16xf32>
        tpu.vector_store %arg9[%swap3A_551, %swap3A_552, %swap3A_553], %swap3A_556 {strides = array<i32>} : memref<3x40x256xf32, #tpu.memory_space<vmem>>, vector<1x1x16xf32>,
        %get3A_557 = arith.constant 2 : i32
        %get3A_558 = arith.index_cast %get3A_557 : i32 to index
        %get3A_559 = arith.index_cast %scan3A_397 : i32 to index
        %get3A_560 = arith.constant 128 : index
        %get3A_561 = tpu.vector_load %arg9[%get3A_558, %get3A_559, %get3A_560] {strides = array<i32>} : memref<3x40x256xf32, #tpu.memory_space<vmem>>, vector<1x1x16xf32>,
        %get3A_562 = vector.shape_cast %get3A_561 : vector<1x1x16xf32> to vector<16xf32>
        %get3A_563 = arith.constant 2 : i32
        %get3A_564 = arith.index_cast %get3A_563 : i32 to index
        %get3A_565 = arith.index_cast %scan3A_397 : i32 to index
        %get3A_566 = arith.constant 128 : index
        %get3A_567 = tpu.vector_load %arg10[%get3A_564, %get3A_565, %get3A_566] {strides = array<i32>} : memref<3x40x256xf32, #tpu.memory_space<vmem>>, vector<1x1x16xf32>,
        %get3A_568 = vector.shape_cast %get3A_567 : vector<1x1x16xf32> to vector<16xf32>
        %add3A_569 = arith.addf %get3A_562, %get3A_568 : vector<16xf32>
        %swap3A_570 = arith.constant 2 : i32
        %swap3A_571 = arith.index_cast %swap3A_570 : i32 to index
        %swap3A_572 = arith.index_cast %scan3A_397 : i32 to index
        %swap3A_573 = arith.constant 128 : index
        %swap3A_574 = tpu.vector_load %arg9[%swap3A_571, %swap3A_572, %swap3A_573] {strides = array<i32>} : memref<3x40x256xf32, #tpu.memory_space<vmem>>, vector<1x1x16xf32>,
        %swap3A_575 = vector.shape_cast %swap3A_574 : vector<1x1x16xf32> to vector<16xf32>
        %swap3A_576 = vector.shape_cast %add3A_569 : vector<16xf32> to vector<1x1x16xf32>
        tpu.vector_store %arg9[%swap3A_571, %swap3A_572, %swap3A_573], %swap3A_576 {strides = array<i32>} : memref<3x40x256xf32, #tpu.memory_space<vmem>>, vector<1x1x16xf32>,
        %get3A_577 = arith.constant 2 : i32
        %get3A_578 = arith.index_cast %get3A_577 : i32 to index
        %get3A_579 = arith.index_cast %scan3A_397 : i32 to index
        %get3A_580 = arith.constant 144 : index
        %get3A_581 = tpu.vector_load %arg9[%get3A_578, %get3A_579, %get3A_580] {strides = array<i32>} : memref<3x40x256xf32, #tpu.memory_space<vmem>>, vector<1x1x16xf32>,
        %get3A_582 = vector.shape_cast %get3A_581 : vector<1x1x16xf32> to vector<16xf32>
        %get3A_583 = arith.constant 2 : i32
        %get3A_584 = arith.index_cast %get3A_583 : i32 to index
        %get3A_585 = arith.index_cast %scan3A_397 : i32 to index
        %get3A_586 = arith.constant 144 : index
        %get3A_587 = tpu.vector_load %arg10[%get3A_584, %get3A_585, %get3A_586] {strides = array<i32>} : memref<3x40x256xf32, #tpu.memory_space<vmem>>, vector<1x1x16xf32>,
        %get3A_588 = vector.shape_cast %get3A_587 : vector<1x1x16xf32> to vector<16xf32>
        %add3A_589 = arith.addf %get3A_582, %get3A_588 : vector<16xf32>
        %swap3A_590 = arith.constant 2 : i32
        %swap3A_591 = arith.index_cast %swap3A_590 : i32 to index
        %swap3A_592 = arith.index_cast %scan3A_397 : i32 to index
        %swap3A_593 = arith.constant 144 : index
        %swap3A_594 = tpu.vector_load %arg9[%swap3A_591, %swap3A_592, %swap3A_593] {strides = array<i32>} : memref<3x40x256xf32, #tpu.memory_space<vmem>>, vector<1x1x16xf32>,
        %swap3A_595 = vector.shape_cast %swap3A_594 : vector<1x1x16xf32> to vector<16xf32>
        %swap3A_596 = vector.shape_cast %add3A_589 : vector<16xf32> to vector<1x1x16xf32>
        tpu.vector_store %arg9[%swap3A_591, %swap3A_592, %swap3A_593], %swap3A_596 {strides = array<i32>} : memref<3x40x256xf32, #tpu.memory_space<vmem>>, vector<1x1x16xf32>,
        %get3A_597 = arith.constant 2 : i32
        %get3A_598 = arith.index_cast %get3A_597 : i32 to index
        %get3A_599 = arith.index_cast %scan3A_397 : i32 to index
        %get3A_600 = arith.constant 160 : index
        %get3A_601 = tpu.vector_load %arg9[%get3A_598, %get3A_599, %get3A_600] {strides = array<i32>} : memref<3x40x256xf32, #tpu.memory_space<vmem>>, vector<1x1x16xf32>,
        %get3A_602 = vector.shape_cast %get3A_601 : vector<1x1x16xf32> to vector<16xf32>
        %get3A_603 = arith.constant 2 : i32
        %get3A_604 = arith.index_cast %get3A_603 : i32 to index
        %get3A_605 = arith.index_cast %scan3A_397 : i32 to index
        %get3A_606 = arith.constant 160 : index
        %get3A_607 = tpu.vector_load %arg10[%get3A_604, %get3A_605, %get3A_606] {strides = array<i32>} : memref<3x40x256xf32, #tpu.memory_space<vmem>>, vector<1x1x16xf32>,
        %get3A_608 = vector.shape_cast %get3A_607 : vector<1x1x16xf32> to vector<16xf32>
        %add3A_609 = arith.addf %get3A_602, %get3A_608 : vector<16xf32>
        %swap3A_610 = arith.constant 2 : i32
        %swap3A_611 = arith.index_cast %swap3A_610 : i32 to index
        %swap3A_612 = arith.index_cast %scan3A_397 : i32 to index
        %swap3A_613 = arith.constant 160 : index
        %swap3A_614 = tpu.vector_load %arg9[%swap3A_611, %swap3A_612, %swap3A_613] {strides = array<i32>} : memref<3x40x256xf32, #tpu.memory_space<vmem>>, vector<1x1x16xf32>,
        %swap3A_615 = vector.shape_cast %swap3A_614 : vector<1x1x16xf32> to vector<16xf32>
        %swap3A_616 = vector.shape_cast %add3A_609 : vector<16xf32> to vector<1x1x16xf32>
        tpu.vector_store %arg9[%swap3A_611, %swap3A_612, %swap3A_613], %swap3A_616 {strides = array<i32>} : memref<3x40x256xf32, #tpu.memory_space<vmem>>, vector<1x1x16xf32>,
        %get3A_617 = arith.constant 2 : i32
        %get3A_618 = arith.index_cast %get3A_617 : i32 to index
        %get3A_619 = arith.index_cast %scan3A_397 : i32 to index
        %get3A_620 = arith.constant 176 : index
        %get3A_621 = tpu.vector_load %arg9[%get3A_618, %get3A_619, %get3A_620] {strides = array<i32>} : memref<3x40x256xf32, #tpu.memory_space<vmem>>, vector<1x1x16xf32>,
        %get3A_622 = vector.shape_cast %get3A_621 : vector<1x1x16xf32> to vector<16xf32>
        %get3A_623 = arith.constant 2 : i32
        %get3A_624 = arith.index_cast %get3A_623 : i32 to index
        %get3A_625 = arith.index_cast %scan3A_397 : i32 to index
        %get3A_626 = arith.constant 176 : index
        %get3A_627 = tpu.vector_load %arg10[%get3A_624, %get3A_625, %get3A_626] {strides = array<i32>} : memref<3x40x256xf32, #tpu.memory_space<vmem>>, vector<1x1x16xf32>,
        %get3A_628 = vector.shape_cast %get3A_627 : vector<1x1x16xf32> to vector<16xf32>
        %add3A_629 = arith.addf %get3A_622, %get3A_628 : vector<16xf32>
        %swap3A_630 = arith.constant 2 : i32
        %swap3A_631 = arith.index_cast %swap3A_630 : i32 to index
        %swap3A_632 = arith.index_cast %scan3A_397 : i32 to index
        %swap3A_633 = arith.constant 176 : index
        %swap3A_634 = tpu.vector_load %arg9[%swap3A_631, %swap3A_632, %swap3A_633] {strides = array<i32>} : memref<3x40x256xf32, #tpu.memory_space<vmem>>, vector<1x1x16xf32>,
        %swap3A_635 = vector.shape_cast %swap3A_634 : vector<1x1x16xf32> to vector<16xf32>
        %swap3A_636 = vector.shape_cast %add3A_629 : vector<16xf32> to vector<1x1x16xf32>
        tpu.vector_store %arg9[%swap3A_631, %swap3A_632, %swap3A_633], %swap3A_636 {strides = array<i32>} : memref<3x40x256xf32, #tpu.memory_space<vmem>>, vector<1x1x16xf32>,
        %get3A_637 = arith.constant 2 : i32
        %get3A_638 = arith.index_cast %get3A_637 : i32 to index
        %get3A_639 = arith.index_cast %scan3A_397 : i32 to index
        %get3A_640 = arith.constant 192 : index
        %get3A_641 = tpu.vector_load %arg9[%get3A_638, %get3A_639, %get3A_640] {strides = array<i32>} : memref<3x40x256xf32, #tpu.memory_space<vmem>>, vector<1x1x16xf32>,
        %get3A_642 = vector.shape_cast %get3A_641 : vector<1x1x16xf32> to vector<16xf32>
        %get3A_643 = arith.constant 2 : i32
        %get3A_644 = arith.index_cast %get3A_643 : i32 to index
        %get3A_645 = arith.index_cast %scan3A_397 : i32 to index
        %get3A_646 = arith.constant 192 : index
        %get3A_647 = tpu.vector_load %arg10[%get3A_644, %get3A_645, %get3A_646] {strides = array<i32>} : memref<3x40x256xf32, #tpu.memory_space<vmem>>, vector<1x1x16xf32>,
        %get3A_648 = vector.shape_cast %get3A_647 : vector<1x1x16xf32> to vector<16xf32>
        %add3A_649 = arith.addf %get3A_642, %get3A_648 : vector<16xf32>
        %swap3A_650 = arith.constant 2 : i32
        %swap3A_651 = arith.index_cast %swap3A_650 : i32 to index
        %swap3A_652 = arith.index_cast %scan3A_397 : i32 to index
        %swap3A_653 = arith.constant 192 : index
        %swap3A_654 = tpu.vector_load %arg9[%swap3A_651, %swap3A_652, %swap3A_653] {strides = array<i32>} : memref<3x40x256xf32, #tpu.memory_space<vmem>>, vector<1x1x16xf32>,
        %swap3A_655 = vector.shape_cast %swap3A_654 : vector<1x1x16xf32> to vector<16xf32>
        %swap3A_656 = vector.shape_cast %add3A_649 : vector<16xf32> to vector<1x1x16xf32>
        tpu.vector_store %arg9[%swap3A_651, %swap3A_652, %swap3A_653], %swap3A_656 {strides = array<i32>} : memref<3x40x256xf32, #tpu.memory_space<vmem>>, vector<1x1x16xf32>,
        %get3A_657 = arith.constant 2 : i32
        %get3A_658 = arith.index_cast %get3A_657 : i32 to index
        %get3A_659 = arith.index_cast %scan3A_397 : i32 to index
        %get3A_660 = arith.constant 208 : index
        %get3A_661 = tpu.vector_load %arg9[%get3A_658, %get3A_659, %get3A_660] {strides = array<i32>} : memref<3x40x256xf32, #tpu.memory_space<vmem>>, vector<1x1x16xf32>,
        %get3A_662 = vector.shape_cast %get3A_661 : vector<1x1x16xf32> to vector<16xf32>
        %get3A_663 = arith.constant 2 : i32
        %get3A_664 = arith.index_cast %get3A_663 : i32 to index
        %get3A_665 = arith.index_cast %scan3A_397 : i32 to index
        %get3A_666 = arith.constant 208 : index
        %get3A_667 = tpu.vector_load %arg10[%get3A_664, %get3A_665, %get3A_666] {strides = array<i32>} : memref<3x40x256xf32, #tpu.memory_space<vmem>>, vector<1x1x16xf32>,
        %get3A_668 = vector.shape_cast %get3A_667 : vector<1x1x16xf32> to vector<16xf32>
        %add3A_669 = arith.addf %get3A_662, %get3A_668 : vector<16xf32>
        %swap3A_670 = arith.constant 2 : i32
        %swap3A_671 = arith.index_cast %swap3A_670 : i32 to index
        %swap3A_672 = arith.index_cast %scan3A_397 : i32 to index
        %swap3A_673 = arith.constant 208 : index
        %swap3A_674 = tpu.vector_load %arg9[%swap3A_671, %swap3A_672, %swap3A_673] {strides = array<i32>} : memref<3x40x256xf32, #tpu.memory_space<vmem>>, vector<1x1x16xf32>,
        %swap3A_675 = vector.shape_cast %swap3A_674 : vector<1x1x16xf32> to vector<16xf32>
        %swap3A_676 = vector.shape_cast %add3A_669 : vector<16xf32> to vector<1x1x16xf32>
        tpu.vector_store %arg9[%swap3A_671, %swap3A_672, %swap3A_673], %swap3A_676 {strides = array<i32>} : memref<3x40x256xf32, #tpu.memory_space<vmem>>, vector<1x1x16xf32>,
        %get3A_677 = arith.constant 2 : i32
        %get3A_678 = arith.index_cast %get3A_677 : i32 to index
        %get3A_679 = arith.index_cast %scan3A_397 : i32 to index
        %get3A_680 = arith.constant 224 : index
        %get3A_681 = tpu.vector_load %arg9[%get3A_678, %get3A_679, %get3A_680] {strides = array<i32>} : memref<3x40x256xf32, #tpu.memory_space<vmem>>, vector<1x1x16xf32>,
        %get3A_682 = vector.shape_cast %get3A_681 : vector<1x1x16xf32> to vector<16xf32>
        %get3A_683 = arith.constant 2 : i32
        %get3A_684 = arith.index_cast %get3A_683 : i32 to index
        %get3A_685 = arith.index_cast %scan3A_397 : i32 to index
        %get3A_686 = arith.constant 224 : index
        %get3A_687 = tpu.vector_load %arg10[%get3A_684, %get3A_685, %get3A_686] {strides = array<i32>} : memref<3x40x256xf32, #tpu.memory_space<vmem>>, vector<1x1x16xf32>,
        %get3A_688 = vector.shape_cast %get3A_687 : vector<1x1x16xf32> to vector<16xf32>
        %add3A_689 = arith.addf %get3A_682, %get3A_688 : vector<16xf32>
        %swap3A_690 = arith.constant 2 : i32
        %swap3A_691 = arith.index_cast %swap3A_690 : i32 to index
        %swap3A_692 = arith.index_cast %scan3A_397 : i32 to index
        %swap3A_693 = arith.constant 224 : index
        %swap3A_694 = tpu.vector_load %arg9[%swap3A_691, %swap3A_692, %swap3A_693] {strides = array<i32>} : memref<3x40x256xf32, #tpu.memory_space<vmem>>, vector<1x1x16xf32>,
        %swap3A_695 = vector.shape_cast %swap3A_694 : vector<1x1x16xf32> to vector<16xf32>
        %swap3A_696 = vector.shape_cast %add3A_689 : vector<16xf32> to vector<1x1x16xf32>
        tpu.vector_store %arg9[%swap3A_691, %swap3A_692, %swap3A_693], %swap3A_696 {strides = array<i32>} : memref<3x40x256xf32, #tpu.memory_space<vmem>>, vector<1x1x16xf32>,
        %get3A_697 = arith.constant 2 : i32
        %get3A_698 = arith.index_cast %get3A_697 : i32 to index
        %get3A_699 = arith.index_cast %scan3A_397 : i32 to index
        %get3A_700 = arith.constant 240 : index
        %get3A_701 = tpu.vector_load %arg9[%get3A_698, %get3A_699, %get3A_700] {strides = array<i32>} : memref<3x40x256xf32, #tpu.memory_space<vmem>>, vector<1x1x16xf32>,
        %get3A_702 = vector.shape_cast %get3A_701 : vector<1x1x16xf32> to vector<16xf32>
        %get3A_703 = arith.constant 2 : i32
        %get3A_704 = arith.index_cast %get3A_703 : i32 to index
        %get3A_705 = arith.index_cast %scan3A_397 : i32 to index
        %get3A_706 = arith.constant 240 : index
        %get3A_707 = tpu.vector_load %arg10[%get3A_704, %get3A_705, %get3A_706] {strides = array<i32>} : memref<3x40x256xf32, #tpu.memory_space<vmem>>, vector<1x1x16xf32>,
        %get3A_708 = vector.shape_cast %get3A_707 : vector<1x1x16xf32> to vector<16xf32>
        %add3A_709 = arith.addf %get3A_702, %get3A_708 : vector<16xf32>
        %swap3A_710 = arith.constant 2 : i32
        %swap3A_711 = arith.index_cast %swap3A_710 : i32 to index
        %swap3A_712 = arith.index_cast %scan3A_397 : i32 to index
        %swap3A_713 = arith.constant 240 : index
        %swap3A_714 = tpu.vector_load %arg9[%swap3A_711, %swap3A_712, %swap3A_713] {strides = array<i32>} : memref<3x40x256xf32, #tpu.memory_space<vmem>>, vector<1x1x16xf32>,
        %swap3A_715 = vector.shape_cast %swap3A_714 : vector<1x1x16xf32> to vector<16xf32>
        %swap3A_716 = vector.shape_cast %add3A_709 : vector<16xf32> to vector<1x1x16xf32>
        tpu.vector_store %arg9[%swap3A_711, %swap3A_712, %swap3A_713], %swap3A_716 {strides = array<i32>} : memref<3x40x256xf32, #tpu.memory_space<vmem>>, vector<1x1x16xf32>,
        %scan3A_717 = arith.constant 0 : i32
        %scan3A_718 = arith.constant 1 : i32
        %scan3A_719 = arith.addi %scan3A_397, %scan3A_718 : i32
        %get3A_720 = arith.constant 2 : i32
        %get3A_721 = arith.index_cast %get3A_720 : i32 to index
        %get3A_722 = arith.index_cast %scan3A_719 : i32 to index
        %get3A_723 = arith.constant 0 : index
        %get3A_724 = tpu.vector_load %arg9[%get3A_721, %get3A_722, %get3A_723] {strides = array<i32>} : memref<3x40x256xf32, #tpu.memory_space<vmem>>, vector<1x1x16xf32>,
        %get3A_725 = vector.shape_cast %get3A_724 : vector<1x1x16xf32> to vector<16xf32>
        %get3A_726 = arith.constant 2 : i32
        %get3A_727 = arith.index_cast %get3A_726 : i32 to index
        %get3A_728 = arith.index_cast %scan3A_719 : i32 to index
        %get3A_729 = arith.constant 0 : index
        %get3A_730 = tpu.vector_load %arg10[%get3A_727, %get3A_728, %get3A_729] {strides = array<i32>} : memref<3x40x256xf32, #tpu.memory_space<vmem>>, vector<1x1x16xf32>,
        %get3A_731 = vector.shape_cast %get3A_730 : vector<1x1x16xf32> to vector<16xf32>
        %add3A_732 = arith.addf %get3A_725, %get3A_731 : vector<16xf32>
        %swap3A_733 = arith.constant 2 : i32
        %swap3A_734 = arith.index_cast %swap3A_733 : i32 to index
        %swap3A_735 = arith.index_cast %scan3A_719 : i32 to index
        %swap3A_736 = arith.constant 0 : index
        %swap3A_737 = tpu.vector_load %arg9[%swap3A_734, %swap3A_735, %swap3A_736] {strides = array<i32>} : memref<3x40x256xf32, #tpu.memory_space<vmem>>, vector<1x1x16xf32>,
        %swap3A_738 = vector.shape_cast %swap3A_737 : vector<1x1x16xf32> to vector<16xf32>
        %swap3A_739 = vector.shape_cast %add3A_732 : vector<16xf32> to vector<1x1x16xf32>
        tpu.vector_store %arg9[%swap3A_734, %swap3A_735, %swap3A_736], %swap3A_739 {strides = array<i32>} : memref<3x40x256xf32, #tpu.memory_space<vmem>>, vector<1x1x16xf32>,
        %get3A_740 = arith.constant 2 : i32
        %get3A_741 = arith.index_cast %get3A_740 : i32 to index
        %get3A_742 = arith.index_cast %scan3A_719 : i32 to index
        %get3A_743 = arith.constant 16 : index
        %get3A_744 = tpu.vector_load %arg9[%get3A_741, %get3A_742, %get3A_743] {strides = array<i32>} : memref<3x40x256xf32, #tpu.memory_space<vmem>>, vector<1x1x16xf32>,
        %get3A_745 = vector.shape_cast %get3A_744 : vector<1x1x16xf32> to vector<16xf32>
        %get3A_746 = arith.constant 2 : i32
        %get3A_747 = arith.index_cast %get3A_746 : i32 to index
        %get3A_748 = arith.index_cast %scan3A_719 : i32 to index
        %get3A_749 = arith.constant 16 : index
        %get3A_750 = tpu.vector_load %arg10[%get3A_747, %get3A_748, %get3A_749] {strides = array<i32>} : memref<3x40x256xf32, #tpu.memory_space<vmem>>, vector<1x1x16xf32>,
        %get3A_751 = vector.shape_cast %get3A_750 : vector<1x1x16xf32> to vector<16xf32>
        %add3A_752 = arith.addf %get3A_745, %get3A_751 : vector<16xf32>
        %swap3A_753 = arith.constant 2 : i32
        %swap3A_754 = arith.index_cast %swap3A_753 : i32 to index
        %swap3A_755 = arith.index_cast %scan3A_719 : i32 to index
        %swap3A_756 = arith.constant 16 : index
        %swap3A_757 = tpu.vector_load %arg9[%swap3A_754, %swap3A_755, %swap3A_756] {strides = array<i32>} : memref<3x40x256xf32, #tpu.memory_space<vmem>>, vector<1x1x16xf32>,
        %swap3A_758 = vector.shape_cast %swap3A_757 : vector<1x1x16xf32> to vector<16xf32>
        %swap3A_759 = vector.shape_cast %add3A_752 : vector<16xf32> to vector<1x1x16xf32>
        tpu.vector_store %arg9[%swap3A_754, %swap3A_755, %swap3A_756], %swap3A_759 {strides = array<i32>} : memref<3x40x256xf32, #tpu.memory_space<vmem>>, vector<1x1x16xf32>,
        %get3A_760 = arith.constant 2 : i32
        %get3A_761 = arith.index_cast %get3A_760 : i32 to index
        %get3A_762 = arith.index_cast %scan3A_719 : i32 to index
        %get3A_763 = arith.constant 32 : index
        %get3A_764 = tpu.vector_load %arg9[%get3A_761, %get3A_762, %get3A_763] {strides = array<i32>} : memref<3x40x256xf32, #tpu.memory_space<vmem>>, vector<1x1x16xf32>,
        %get3A_765 = vector.shape_cast %get3A_764 : vector<1x1x16xf32> to vector<16xf32>
        %get3A_766 = arith.constant 2 : i32
        %get3A_767 = arith.index_cast %get3A_766 : i32 to index
        %get3A_768 = arith.index_cast %scan3A_719 : i32 to index
        %get3A_769 = arith.constant 32 : index
        %get3A_770 = tpu.vector_load %arg10[%get3A_767, %get3A_768, %get3A_769] {strides = array<i32>} : memref<3x40x256xf32, #tpu.memory_space<vmem>>, vector<1x1x16xf32>,
        %get3A_771 = vector.shape_cast %get3A_770 : vector<1x1x16xf32> to vector<16xf32>
        %add3A_772 = arith.addf %get3A_765, %get3A_771 : vector<16xf32>
        %swap3A_773 = arith.constant 2 : i32
        %swap3A_774 = arith.index_cast %swap3A_773 : i32 to index
        %swap3A_775 = arith.index_cast %scan3A_719 : i32 to index
        %swap3A_776 = arith.constant 32 : index
        %swap3A_777 = tpu.vector_load %arg9[%swap3A_774, %swap3A_775, %swap3A_776] {strides = array<i32>} : memref<3x40x256xf32, #tpu.memory_space<vmem>>, vector<1x1x16xf32>,
        %swap3A_778 = vector.shape_cast %swap3A_777 : vector<1x1x16xf32> to vector<16xf32>
        %swap3A_779 = vector.shape_cast %add3A_772 : vector<16xf32> to vector<1x1x16xf32>
        tpu.vector_store %arg9[%swap3A_774, %swap3A_775, %swap3A_776], %swap3A_779 {strides = array<i32>} : memref<3x40x256xf32, #tpu.memory_space<vmem>>, vector<1x1x16xf32>,
        %get3A_780 = arith.constant 2 : i32
        %get3A_781 = arith.index_cast %get3A_780 : i32 to index
        %get3A_782 = arith.index_cast %scan3A_719 : i32 to index
        %get3A_783 = arith.constant 48 : index
        %get3A_784 = tpu.vector_load %arg9[%get3A_781, %get3A_782, %get3A_783] {strides = array<i32>} : memref<3x40x256xf32, #tpu.memory_space<vmem>>, vector<1x1x16xf32>,
        %get3A_785 = vector.shape_cast %get3A_784 : vector<1x1x16xf32> to vector<16xf32>
        %get3A_786 = arith.constant 2 : i32
        %get3A_787 = arith.index_cast %get3A_786 : i32 to index
        %get3A_788 = arith.index_cast %scan3A_719 : i32 to index
        %get3A_789 = arith.constant 48 : index
        %get3A_790 = tpu.vector_load %arg10[%get3A_787, %get3A_788, %get3A_789] {strides = array<i32>} : memref<3x40x256xf32, #tpu.memory_space<vmem>>, vector<1x1x16xf32>,
        %get3A_791 = vector.shape_cast %get3A_790 : vector<1x1x16xf32> to vector<16xf32>
        %add3A_792 = arith.addf %get3A_785, %get3A_791 : vector<16xf32>
        %swap3A_793 = arith.constant 2 : i32
        %swap3A_794 = arith.index_cast %swap3A_793 : i32 to index
        %swap3A_795 = arith.index_cast %scan3A_719 : i32 to index
        %swap3A_796 = arith.constant 48 : index
        %swap3A_797 = tpu.vector_load %arg9[%swap3A_794, %swap3A_795, %swap3A_796] {strides = array<i32>} : memref<3x40x256xf32, #tpu.memory_space<vmem>>, vector<1x1x16xf32>,
        %swap3A_798 = vector.shape_cast %swap3A_797 : vector<1x1x16xf32> to vector<16xf32>
        %swap3A_799 = vector.shape_cast %add3A_792 : vector<16xf32> to vector<1x1x16xf32>
        tpu.vector_store %arg9[%swap3A_794, %swap3A_795, %swap3A_796], %swap3A_799 {strides = array<i32>} : memref<3x40x256xf32, #tpu.memory_space<vmem>>, vector<1x1x16xf32>,
        %get3A_800 = arith.constant 2 : i32
        %get3A_801 = arith.index_cast %get3A_800 : i32 to index
        %get3A_802 = arith.index_cast %scan3A_719 : i32 to index
        %get3A_803 = arith.constant 64 : index
        %get3A_804 = tpu.vector_load %arg9[%get3A_801, %get3A_802, %get3A_803] {strides = array<i32>} : memref<3x40x256xf32, #tpu.memory_space<vmem>>, vector<1x1x16xf32>,
        %get3A_805 = vector.shape_cast %get3A_804 : vector<1x1x16xf32> to vector<16xf32>
        %get3A_806 = arith.constant 2 : i32
        %get3A_807 = arith.index_cast %get3A_806 : i32 to index
        %get3A_808 = arith.index_cast %scan3A_719 : i32 to index
        %get3A_809 = arith.constant 64 : index
        %get3A_810 = tpu.vector_load %arg10[%get3A_807, %get3A_808, %get3A_809] {strides = array<i32>} : memref<3x40x256xf32, #tpu.memory_space<vmem>>, vector<1x1x16xf32>,
        %get3A_811 = vector.shape_cast %get3A_810 : vector<1x1x16xf32> to vector<16xf32>
        %add3A_812 = arith.addf %get3A_805, %get3A_811 : vector<16xf32>
        %swap3A_813 = arith.constant 2 : i32
        %swap3A_814 = arith.index_cast %swap3A_813 : i32 to index
        %swap3A_815 = arith.index_cast %scan3A_719 : i32 to index
        %swap3A_816 = arith.constant 64 : index
        %swap3A_817 = tpu.vector_load %arg9[%swap3A_814, %swap3A_815, %swap3A_816] {strides = array<i32>} : memref<3x40x256xf32, #tpu.memory_space<vmem>>, vector<1x1x16xf32>,
        %swap3A_818 = vector.shape_cast %swap3A_817 : vector<1x1x16xf32> to vector<16xf32>
        %swap3A_819 = vector.shape_cast %add3A_812 : vector<16xf32> to vector<1x1x16xf32>
        tpu.vector_store %arg9[%swap3A_814, %swap3A_815, %swap3A_816], %swap3A_819 {strides = array<i32>} : memref<3x40x256xf32, #tpu.memory_space<vmem>>, vector<1x1x16xf32>,
        %get3A_820 = arith.constant 2 : i32
        %get3A_821 = arith.index_cast %get3A_820 : i32 to index
        %get3A_822 = arith.index_cast %scan3A_719 : i32 to index
        %get3A_823 = arith.constant 80 : index
        %get3A_824 = tpu.vector_load %arg9[%get3A_821, %get3A_822, %get3A_823] {strides = array<i32>} : memref<3x40x256xf32, #tpu.memory_space<vmem>>, vector<1x1x16xf32>,
        %get3A_825 = vector.shape_cast %get3A_824 : vector<1x1x16xf32> to vector<16xf32>
        %get3A_826 = arith.constant 2 : i32
        %get3A_827 = arith.index_cast %get3A_826 : i32 to index
        %get3A_828 = arith.index_cast %scan3A_719 : i32 to index
        %get3A_829 = arith.constant 80 : index
        %get3A_830 = tpu.vector_load %arg10[%get3A_827, %get3A_828, %get3A_829] {strides = array<i32>} : memref<3x40x256xf32, #tpu.memory_space<vmem>>, vector<1x1x16xf32>,
        %get3A_831 = vector.shape_cast %get3A_830 : vector<1x1x16xf32> to vector<16xf32>
        %add3A_832 = arith.addf %get3A_825, %get3A_831 : vector<16xf32>
        %swap3A_833 = arith.constant 2 : i32
        %swap3A_834 = arith.index_cast %swap3A_833 : i32 to index
        %swap3A_835 = arith.index_cast %scan3A_719 : i32 to index
        %swap3A_836 = arith.constant 80 : index
        %swap3A_837 = tpu.vector_load %arg9[%swap3A_834, %swap3A_835, %swap3A_836] {strides = array<i32>} : memref<3x40x256xf32, #tpu.memory_space<vmem>>, vector<1x1x16xf32>,
        %swap3A_838 = vector.shape_cast %swap3A_837 : vector<1x1x16xf32> to vector<16xf32>
        %swap3A_839 = vector.shape_cast %add3A_832 : vector<16xf32> to vector<1x1x16xf32>
        tpu.vector_store %arg9[%swap3A_834, %swap3A_835, %swap3A_836], %swap3A_839 {strides = array<i32>} : memref<3x40x256xf32, #tpu.memory_space<vmem>>, vector<1x1x16xf32>,
        %get3A_840 = arith.constant 2 : i32
        %get3A_841 = arith.index_cast %get3A_840 : i32 to index
        %get3A_842 = arith.index_cast %scan3A_719 : i32 to index
        %get3A_843 = arith.constant 96 : index
        %get3A_844 = tpu.vector_load %arg9[%get3A_841, %get3A_842, %get3A_843] {strides = array<i32>} : memref<3x40x256xf32, #tpu.memory_space<vmem>>, vector<1x1x16xf32>,
        %get3A_845 = vector.shape_cast %get3A_844 : vector<1x1x16xf32> to vector<16xf32>
        %get3A_846 = arith.constant 2 : i32
        %get3A_847 = arith.index_cast %get3A_846 : i32 to index
        %get3A_848 = arith.index_cast %scan3A_719 : i32 to index
        %get3A_849 = arith.constant 96 : index
        %get3A_850 = tpu.vector_load %arg10[%get3A_847, %get3A_848, %get3A_849] {strides = array<i32>} : memref<3x40x256xf32, #tpu.memory_space<vmem>>, vector<1x1x16xf32>,
        %get3A_851 = vector.shape_cast %get3A_850 : vector<1x1x16xf32> to vector<16xf32>
        %add3A_852 = arith.addf %get3A_845, %get3A_851 : vector<16xf32>
        %swap3A_853 = arith.constant 2 : i32
        %swap3A_854 = arith.index_cast %swap3A_853 : i32 to index
        %swap3A_855 = arith.index_cast %scan3A_719 : i32 to index
        %swap3A_856 = arith.constant 96 : index
        %swap3A_857 = tpu.vector_load %arg9[%swap3A_854, %swap3A_855, %swap3A_856] {strides = array<i32>} : memref<3x40x256xf32, #tpu.memory_space<vmem>>, vector<1x1x16xf32>,
        %swap3A_858 = vector.shape_cast %swap3A_857 : vector<1x1x16xf32> to vector<16xf32>
        %swap3A_859 = vector.shape_cast %add3A_852 : vector<16xf32> to vector<1x1x16xf32>
        tpu.vector_store %arg9[%swap3A_854, %swap3A_855, %swap3A_856], %swap3A_859 {strides = array<i32>} : memref<3x40x256xf32, #tpu.memory_space<vmem>>, vector<1x1x16xf32>,
        %get3A_860 = arith.constant 2 : i32
        %get3A_861 = arith.index_cast %get3A_860 : i32 to index
        %get3A_862 = arith.index_cast %scan3A_719 : i32 to index
        %get3A_863 = arith.constant 112 : index
        %get3A_864 = tpu.vector_load %arg9[%get3A_861, %get3A_862, %get3A_863] {strides = array<i32>} : memref<3x40x256xf32, #tpu.memory_space<vmem>>, vector<1x1x16xf32>,
        %get3A_865 = vector.shape_cast %get3A_864 : vector<1x1x16xf32> to vector<16xf32>
        %get3A_866 = arith.constant 2 : i32
        %get3A_867 = arith.index_cast %get3A_866 : i32 to index
        %get3A_868 = arith.index_cast %scan3A_719 : i32 to index
        %get3A_869 = arith.constant 112 : index
        %get3A_870 = tpu.vector_load %arg10[%get3A_867, %get3A_868, %get3A_869] {strides = array<i32>} : memref<3x40x256xf32, #tpu.memory_space<vmem>>, vector<1x1x16xf32>,
        %get3A_871 = vector.shape_cast %get3A_870 : vector<1x1x16xf32> to vector<16xf32>
        %add3A_872 = arith.addf %get3A_865, %get3A_871 : vector<16xf32>
        %swap3A_873 = arith.constant 2 : i32
        %swap3A_874 = arith.index_cast %swap3A_873 : i32 to index
        %swap3A_875 = arith.index_cast %scan3A_719 : i32 to index
        %swap3A_876 = arith.constant 112 : index
        %swap3A_877 = tpu.vector_load %arg9[%swap3A_874, %swap3A_875, %swap3A_876] {strides = array<i32>} : memref<3x40x256xf32, #tpu.memory_space<vmem>>, vector<1x1x16xf32>,
        %swap3A_878 = vector.shape_cast %swap3A_877 : vector<1x1x16xf32> to vector<16xf32>
        %swap3A_879 = vector.shape_cast %add3A_872 : vector<16xf32> to vector<1x1x16xf32>
        tpu.vector_store %arg9[%swap3A_874, %swap3A_875, %swap3A_876], %swap3A_879 {strides = array<i32>} : memref<3x40x256xf32, #tpu.memory_space<vmem>>, vector<1x1x16xf32>,
        %get3A_880 = arith.constant 2 : i32
        %get3A_881 = arith.index_cast %get3A_880 : i32 to index
        %get3A_882 = arith.index_cast %scan3A_719 : i32 to index
        %get3A_883 = arith.constant 128 : index
        %get3A_884 = tpu.vector_load %arg9[%get3A_881, %get3A_882, %get3A_883] {strides = array<i32>} : memref<3x40x256xf32, #tpu.memory_space<vmem>>, vector<1x1x16xf32>,
        %get3A_885 = vector.shape_cast %get3A_884 : vector<1x1x16xf32> to vector<16xf32>
        %get3A_886 = arith.constant 2 : i32
        %get3A_887 = arith.index_cast %get3A_886 : i32 to index
        %get3A_888 = arith.index_cast %scan3A_719 : i32 to index
        %get3A_889 = arith.constant 128 : index
        %get3A_890 = tpu.vector_load %arg10[%get3A_887, %get3A_888, %get3A_889] {strides = array<i32>} : memref<3x40x256xf32, #tpu.memory_space<vmem>>, vector<1x1x16xf32>,
        %get3A_891 = vector.shape_cast %get3A_890 : vector<1x1x16xf32> to vector<16xf32>
        %add3A_892 = arith.addf %get3A_885, %get3A_891 : vector<16xf32>
        %swap3A_893 = arith.constant 2 : i32
        %swap3A_894 = arith.index_cast %swap3A_893 : i32 to index
        %swap3A_895 = arith.index_cast %scan3A_719 : i32 to index
        %swap3A_896 = arith.constant 128 : index
        %swap3A_897 = tpu.vector_load %arg9[%swap3A_894, %swap3A_895, %swap3A_896] {strides = array<i32>} : memref<3x40x256xf32, #tpu.memory_space<vmem>>, vector<1x1x16xf32>,
        %swap3A_898 = vector.shape_cast %swap3A_897 : vector<1x1x16xf32> to vector<16xf32>
        %swap3A_899 = vector.shape_cast %add3A_892 : vector<16xf32> to vector<1x1x16xf32>
        tpu.vector_store %arg9[%swap3A_894, %swap3A_895, %swap3A_896], %swap3A_899 {strides = array<i32>} : memref<3x40x256xf32, #tpu.memory_space<vmem>>, vector<1x1x16xf32>,
        %get3A_900 = arith.constant 2 : i32
        %get3A_901 = arith.index_cast %get3A_900 : i32 to index
        %get3A_902 = arith.index_cast %scan3A_719 : i32 to index
        %get3A_903 = arith.constant 144 : index
        %get3A_904 = tpu.vector_load %arg9[%get3A_901, %get3A_902, %get3A_903] {strides = array<i32>} : memref<3x40x256xf32, #tpu.memory_space<vmem>>, vector<1x1x16xf32>,
        %get3A_905 = vector.shape_cast %get3A_904 : vector<1x1x16xf32> to vector<16xf32>
        %get3A_906 = arith.constant 2 : i32
        %get3A_907 = arith.index_cast %get3A_906 : i32 to index
        %get3A_908 = arith.index_cast %scan3A_719 : i32 to index
        %get3A_909 = arith.constant 144 : index
        %get3A_910 = tpu.vector_load %arg10[%get3A_907, %get3A_908, %get3A_909] {strides = array<i32>} : memref<3x40x256xf32, #tpu.memory_space<vmem>>, vector<1x1x16xf32>,
        %get3A_911 = vector.shape_cast %get3A_910 : vector<1x1x16xf32> to vector<16xf32>
        %add3A_912 = arith.addf %get3A_905, %get3A_911 : vector<16xf32>
        %swap3A_913 = arith.constant 2 : i32
        %swap3A_914 = arith.index_cast %swap3A_913 : i32 to index
        %swap3A_915 = arith.index_cast %scan3A_719 : i32 to index
        %swap3A_916 = arith.constant 144 : index
        %swap3A_917 = tpu.vector_load %arg9[%swap3A_914, %swap3A_915, %swap3A_916] {strides = array<i32>} : memref<3x40x256xf32, #tpu.memory_space<vmem>>, vector<1x1x16xf32>,
        %swap3A_918 = vector.shape_cast %swap3A_917 : vector<1x1x16xf32> to vector<16xf32>
        %swap3A_919 = vector.shape_cast %add3A_912 : vector<16xf32> to vector<1x1x16xf32>
        tpu.vector_store %arg9[%swap3A_914, %swap3A_915, %swap3A_916], %swap3A_919 {strides = array<i32>} : memref<3x40x256xf32, #tpu.memory_space<vmem>>, vector<1x1x16xf32>,
        %get3A_920 = arith.constant 2 : i32
        %get3A_921 = arith.index_cast %get3A_920 : i32 to index
        %get3A_922 = arith.index_cast %scan3A_719 : i32 to index
        %get3A_923 = arith.constant 160 : index
        %get3A_924 = tpu.vector_load %arg9[%get3A_921, %get3A_922, %get3A_923] {strides = array<i32>} : memref<3x40x256xf32, #tpu.memory_space<vmem>>, vector<1x1x16xf32>,
        %get3A_925 = vector.shape_cast %get3A_924 : vector<1x1x16xf32> to vector<16xf32>
        %get3A_926 = arith.constant 2 : i32
        %get3A_927 = arith.index_cast %get3A_926 : i32 to index
        %get3A_928 = arith.index_cast %scan3A_719 : i32 to index
        %get3A_929 = arith.constant 160 : index
        %get3A_930 = tpu.vector_load %arg10[%get3A_927, %get3A_928, %get3A_929] {strides = array<i32>} : memref<3x40x256xf32, #tpu.memory_space<vmem>>, vector<1x1x16xf32>,
        %get3A_931 = vector.shape_cast %get3A_930 : vector<1x1x16xf32> to vector<16xf32>
        %add3A_932 = arith.addf %get3A_925, %get3A_931 : vector<16xf32>
        %swap3A_933 = arith.constant 2 : i32
        %swap3A_934 = arith.index_cast %swap3A_933 : i32 to index
        %swap3A_935 = arith.index_cast %scan3A_719 : i32 to index
        %swap3A_936 = arith.constant 160 : index
        %swap3A_937 = tpu.vector_load %arg9[%swap3A_934, %swap3A_935, %swap3A_936] {strides = array<i32>} : memref<3x40x256xf32, #tpu.memory_space<vmem>>, vector<1x1x16xf32>,
        %swap3A_938 = vector.shape_cast %swap3A_937 : vector<1x1x16xf32> to vector<16xf32>
        %swap3A_939 = vector.shape_cast %add3A_932 : vector<16xf32> to vector<1x1x16xf32>
        tpu.vector_store %arg9[%swap3A_934, %swap3A_935, %swap3A_936], %swap3A_939 {strides = array<i32>} : memref<3x40x256xf32, #tpu.memory_space<vmem>>, vector<1x1x16xf32>,
        %get3A_940 = arith.constant 2 : i32
        %get3A_941 = arith.index_cast %get3A_940 : i32 to index
        %get3A_942 = arith.index_cast %scan3A_719 : i32 to index
        %get3A_943 = arith.constant 176 : index
        %get3A_944 = tpu.vector_load %arg9[%get3A_941, %get3A_942, %get3A_943] {strides = array<i32>} : memref<3x40x256xf32, #tpu.memory_space<vmem>>, vector<1x1x16xf32>,
        %get3A_945 = vector.shape_cast %get3A_944 : vector<1x1x16xf32> to vector<16xf32>
        %get3A_946 = arith.constant 2 : i32
        %get3A_947 = arith.index_cast %get3A_946 : i32 to index
        %get3A_948 = arith.index_cast %scan3A_719 : i32 to index
        %get3A_949 = arith.constant 176 : index
        %get3A_950 = tpu.vector_load %arg10[%get3A_947, %get3A_948, %get3A_949] {strides = array<i32>} : memref<3x40x256xf32, #tpu.memory_space<vmem>>, vector<1x1x16xf32>,
        %get3A_951 = vector.shape_cast %get3A_950 : vector<1x1x16xf32> to vector<16xf32>
        %add3A_952 = arith.addf %get3A_945, %get3A_951 : vector<16xf32>
        %swap3A_953 = arith.constant 2 : i32
        %swap3A_954 = arith.index_cast %swap3A_953 : i32 to index
        %swap3A_955 = arith.index_cast %scan3A_719 : i32 to index
        %swap3A_956 = arith.constant 176 : index
        %swap3A_957 = tpu.vector_load %arg9[%swap3A_954, %swap3A_955, %swap3A_956] {strides = array<i32>} : memref<3x40x256xf32, #tpu.memory_space<vmem>>, vector<1x1x16xf32>,
        %swap3A_958 = vector.shape_cast %swap3A_957 : vector<1x1x16xf32> to vector<16xf32>
        %swap3A_959 = vector.shape_cast %add3A_952 : vector<16xf32> to vector<1x1x16xf32>
        tpu.vector_store %arg9[%swap3A_954, %swap3A_955, %swap3A_956], %swap3A_959 {strides = array<i32>} : memref<3x40x256xf32, #tpu.memory_space<vmem>>, vector<1x1x16xf32>,
        %get3A_960 = arith.constant 2 : i32
        %get3A_961 = arith.index_cast %get3A_960 : i32 to index
        %get3A_962 = arith.index_cast %scan3A_719 : i32 to index
        %get3A_963 = arith.constant 192 : index
        %get3A_964 = tpu.vector_load %arg9[%get3A_961, %get3A_962, %get3A_963] {strides = array<i32>} : memref<3x40x256xf32, #tpu.memory_space<vmem>>, vector<1x1x16xf32>,
        %get3A_965 = vector.shape_cast %get3A_964 : vector<1x1x16xf32> to vector<16xf32>
        %get3A_966 = arith.constant 2 : i32
        %get3A_967 = arith.index_cast %get3A_966 : i32 to index
        %get3A_968 = arith.index_cast %scan3A_719 : i32 to index
        %get3A_969 = arith.constant 192 : index
        %get3A_970 = tpu.vector_load %arg10[%get3A_967, %get3A_968, %get3A_969] {strides = array<i32>} : memref<3x40x256xf32, #tpu.memory_space<vmem>>, vector<1x1x16xf32>,
        %get3A_971 = vector.shape_cast %get3A_970 : vector<1x1x16xf32> to vector<16xf32>
        %add3A_972 = arith.addf %get3A_965, %get3A_971 : vector<16xf32>
        %swap3A_973 = arith.constant 2 : i32
        %swap3A_974 = arith.index_cast %swap3A_973 : i32 to index
        %swap3A_975 = arith.index_cast %scan3A_719 : i32 to index
        %swap3A_976 = arith.constant 192 : index
        %swap3A_977 = tpu.vector_load %arg9[%swap3A_974, %swap3A_975, %swap3A_976] {strides = array<i32>} : memref<3x40x256xf32, #tpu.memory_space<vmem>>, vector<1x1x16xf32>,
        %swap3A_978 = vector.shape_cast %swap3A_977 : vector<1x1x16xf32> to vector<16xf32>
        %swap3A_979 = vector.shape_cast %add3A_972 : vector<16xf32> to vector<1x1x16xf32>
        tpu.vector_store %arg9[%swap3A_974, %swap3A_975, %swap3A_976], %swap3A_979 {strides = array<i32>} : memref<3x40x256xf32, #tpu.memory_space<vmem>>, vector<1x1x16xf32>,
        %get3A_980 = arith.constant 2 : i32
        %get3A_981 = arith.index_cast %get3A_980 : i32 to index
        %get3A_982 = arith.index_cast %scan3A_719 : i32 to index
        %get3A_983 = arith.constant 208 : index
        %get3A_984 = tpu.vector_load %arg9[%get3A_981, %get3A_982, %get3A_983] {strides = array<i32>} : memref<3x40x256xf32, #tpu.memory_space<vmem>>, vector<1x1x16xf32>,
        %get3A_985 = vector.shape_cast %get3A_984 : vector<1x1x16xf32> to vector<16xf32>
        %get3A_986 = arith.constant 2 : i32
        %get3A_987 = arith.index_cast %get3A_986 : i32 to index
        %get3A_988 = arith.index_cast %scan3A_719 : i32 to index
        %get3A_989 = arith.constant 208 : index
        %get3A_990 = tpu.vector_load %arg10[%get3A_987, %get3A_988, %get3A_989] {strides = array<i32>} : memref<3x40x256xf32, #tpu.memory_space<vmem>>, vector<1x1x16xf32>,
        %get3A_991 = vector.shape_cast %get3A_990 : vector<1x1x16xf32> to vector<16xf32>
        %add3A_992 = arith.addf %get3A_985, %get3A_991 : vector<16xf32>
        %swap3A_993 = arith.constant 2 : i32
        %swap3A_994 = arith.index_cast %swap3A_993 : i32 to index
        %swap3A_995 = arith.index_cast %scan3A_719 : i32 to index
        %swap3A_996 = arith.constant 208 : index
        %swap3A_997 = tpu.vector_load %arg9[%swap3A_994, %swap3A_995, %swap3A_996] {strides = array<i32>} : memref<3x40x256xf32, #tpu.memory_space<vmem>>, vector<1x1x16xf32>,
        %swap3A_998 = vector.shape_cast %swap3A_997 : vector<1x1x16xf32> to vector<16xf32>
        %swap3A_999 = vector.shape_cast %add3A_992 : vector<16xf32> to vector<1x1x16xf32>
        tpu.vector_store %arg9[%swap3A_994, %swap3A_995, %swap3A_996], %swap3A_999 {strides = array<i32>} : memref<3x40x256xf32, #tpu.memory_space<vmem>>, vector<1x1x16xf32>,
        %get3A_1000 = arith.constant 2 : i32
        %get3A_1001 = arith.index_cast %get3A_1000 : i32 to index
        %get3A_1002 = arith.index_cast %scan3A_719 : i32 to index
        %get3A_1003 = arith.constant 224 : index
        %get3A_1004 = tpu.vector_load %arg9[%get3A_1001, %get3A_1002, %get3A_1003] {strides = array<i32>} : memref<3x40x256xf32, #tpu.memory_space<vmem>>, vector<1x1x16xf32>,
        %get3A_1005 = vector.shape_cast %get3A_1004 : vector<1x1x16xf32> to vector<16xf32>
        %get3A_1006 = arith.constant 2 : i32
        %get3A_1007 = arith.index_cast %get3A_1006 : i32 to index
        %get3A_1008 = arith.index_cast %scan3A_719 : i32 to index
        %get3A_1009 = arith.constant 224 : index
        %get3A_1010 = tpu.vector_load %arg10[%get3A_1007, %get3A_1008, %get3A_1009] {strides = array<i32>} : memref<3x40x256xf32, #tpu.memory_space<vmem>>, vector<1x1x16xf32>,
        %get3A_1011 = vector.shape_cast %get3A_1010 : vector<1x1x16xf32> to vector<16xf32>
        %add3A_1012 = arith.addf %get3A_1005, %get3A_1011 : vector<16xf32>
        %swap3A_1013 = arith.constant 2 : i32
        %swap3A_1014 = arith.index_cast %swap3A_1013 : i32 to index
        %swap3A_1015 = arith.index_cast %scan3A_719 : i32 to index
        %swap3A_1016 = arith.constant 224 : index
        %swap3A_1017 = tpu.vector_load %arg9[%swap3A_1014, %swap3A_1015, %swap3A_1016] {strides = array<i32>} : memref<3x40x256xf32, #tpu.memory_space<vmem>>, vector<1x1x16xf32>,
        %swap3A_1018 = vector.shape_cast %swap3A_1017 : vector<1x1x16xf32> to vector<16xf32>
        %swap3A_1019 = vector.shape_cast %add3A_1012 : vector<16xf32> to vector<1x1x16xf32>
        tpu.vector_store %arg9[%swap3A_1014, %swap3A_1015, %swap3A_1016], %swap3A_1019 {strides = array<i32>} : memref<3x40x256xf32, #tpu.memory_space<vmem>>, vector<1x1x16xf32>,
        %get3A_1020 = arith.constant 2 : i32
        %get3A_1021 = arith.index_cast %get3A_1020 : i32 to index
        %get3A_1022 = arith.index_cast %scan3A_719 : i32 to index
        %get3A_1023 = arith.constant 240 : index
        %get3A_1024 = tpu.vector_load %arg9[%get3A_1021, %get3A_1022, %get3A_1023] {strides = array<i32>} : memref<3x40x256xf32, #tpu.memory_space<vmem>>, vector<1x1x16xf32>,
        %get3A_1025 = vector.shape_cast %get3A_1024 : vector<1x1x16xf32> to vector<16xf32>
        %get3A_1026 = arith.constant 2 : i32
        %get3A_1027 = arith.index_cast %get3A_1026 : i32 to index
        %get3A_1028 = arith.index_cast %scan3A_719 : i32 to index
        %get3A_1029 = arith.constant 240 : index
        %get3A_1030 = tpu.vector_load %arg10[%get3A_1027, %get3A_1028, %get3A_1029] {strides = array<i32>} : memref<3x40x256xf32, #tpu.memory_space<vmem>>, vector<1x1x16xf32>,
        %get3A_1031 = vector.shape_cast %get3A_1030 : vector<1x1x16xf32> to vector<16xf32>
        %add3A_1032 = arith.addf %get3A_1025, %get3A_1031 : vector<16xf32>
        %swap3A_1033 = arith.constant 2 : i32
        %swap3A_1034 = arith.index_cast %swap3A_1033 : i32 to index
        %swap3A_1035 = arith.index_cast %scan3A_719 : i32 to index
        %swap3A_1036 = arith.constant 240 : index
        %swap3A_1037 = tpu.vector_load %arg9[%swap3A_1034, %swap3A_1035, %swap3A_1036] {strides = array<i32>} : memref<3x40x256xf32, #tpu.memory_space<vmem>>, vector<1x1x16xf32>,
        %swap3A_1038 = vector.shape_cast %swap3A_1037 : vector<1x1x16xf32> to vector<16xf32>
        %swap3A_1039 = vector.shape_cast %add3A_1032 : vector<16xf32> to vector<1x1x16xf32>
        tpu.vector_store %arg9[%swap3A_1034, %swap3A_1035, %swap3A_1036], %swap3A_1039 {strides = array<i32>} : memref<3x40x256xf32, #tpu.memory_space<vmem>>, vector<1x1x16xf32>,
        %scan3A_1040 = arith.constant 0 : i32
        scf.yield %scan3A_1040 : i32
      }
      %scan3A_364 = arith.constant 40 : i32
      %mul3A_365 = arith.constant 40 : i32
      %mul3A_366 = arith.muli %add3A_329, %mul3A_365 : i32
      %add3A_367 = arith.addi %mul3A_2, %mul3A_366 : i32
      %dma_start3A_368 = arith.constant 2 : i32
      %dma_start3A_369 = arith.constant 2 : i32
      %dma_start3A_370 = arith.constant 0 : i32
      %dma_start3A_371 = arith.constant 0 : i32
      %dma_start3A_372 = tpu.memref_slice %arg9[%dma_start3A_368, %dma_start3A_370, %dma_start3A_371] : memref<3x40x256xf32, #tpu.memory_space<vmem>> -> memref<1x40x256xf32, #tpu.memory_space<vmem>>
      %dma_start3A_373 = tpu.memref_squeeze %dma_start3A_372 : memref<1x40x256xf32, #tpu.memory_space<vmem>> -> memref<40x256xf32, #tpu.memory_space<vmem>>
      %dma_start3A_374 = arith.constant 0 : i32
      %dma_start3A_375 = tpu.memref_slice %arg6[%add3A_367, %dma_start3A_374] : memref<320000x256xf32, #tpu.memory_space<hbm>> -> memref<40x256xf32, #tpu.memory_space<hbm>>
      %dma_start3A_376 = tpu.memref_slice %arg12[%dma_start3A_369] : memref<3x!tpu.dma_semaphore, #tpu.memory_space<semaphore_mem>> -> memref<1x!tpu.dma_semaphore, #tpu.memory_space<semaphore_mem>>
      %dma_start3A_377 = tpu.memref_squeeze %dma_start3A_376 : memref<1x!tpu.dma_semaphore, #tpu.memory_space<semaphore_mem>> -> memref<!tpu.dma_semaphore, #tpu.memory_space<semaphore_mem>>
      %dma_start3A_378 = arith.constant 0 : i32
      %dma_start3A_379 = tpu.memref_slice %arg6[%add3A_367, %dma_start3A_378] : memref<320000x256xf32, #tpu.memory_space<hbm>> -> memref<40x256xf32, #tpu.memory_space<hbm>>
      %dma_start3A_380 = arith.constant 0 : i32
      %dma_start3A_381 = arith.constant 0 : i32
      %dma_start3A_382 = tpu.memref_slice %arg9[%dma_start3A_368, %dma_start3A_380, %dma_start3A_381] : memref<3x40x256xf32, #tpu.memory_space<vmem>> -> memref<1x40x256xf32, #tpu.memory_space<vmem>>
      %dma_start3A_383 = tpu.memref_squeeze %dma_start3A_382 : memref<1x40x256xf32, #tpu.memory_space<vmem>> -> memref<40x256xf32, #tpu.memory_space<vmem>>
      tpu.enqueue_dma source(%dma_start3A_383 : memref<40x256xf32, #tpu.memory_space<vmem>>) target(%dma_start3A_379 : memref<40x256xf32, #tpu.memory_space<hbm>>) target_semaphore(%dma_start3A_377 : memref<!tpu.dma_semaphore, #tpu.memory_space<semaphore_mem>>)
      %add3A_384 = arith.constant 2 : i32
      %add3A_385 = arith.addi %add3A_329, %add3A_384 : i32
      %ge3A_386 = arith.constant 3 : i32
      %ge3A_387 = arith.cmpi sge, %add3A_385, %ge3A_386 : i32
      %convert_element_type3A_388 = arith.extui %ge3A_387 : i1 to i32
      %cond3A_389 = arith.constant 0 : i32
      %cond3A_390 = arith.cmpi ne, %convert_element_type3A_388, %cond3A_389 : i32
      scf.if %cond3A_390 {
        %sub3A = arith.constant 3 : i32
        %sub3A_397 = arith.subi %add3A_385, %sub3A : i32
        %mul3A_398 = arith.constant 40 : i32
        %mul3A_399 = arith.muli %sub3A_397, %mul3A_398 : i32
        %add3A_400 = arith.addi %mul3A_2, %mul3A_399 : i32
        %dma_wait3A_401 = arith.constant 1 : i32
        %dma_wait3A_402 = arith.constant 1 : i32
        %dma_wait3A_403 = arith.constant 0 : i32
        %dma_wait3A_404 = arith.constant 0 : i32
        %dma_wait3A_405 = tpu.memref_slice %arg9[%dma_wait3A_401, %dma_wait3A_403, %dma_wait3A_404] : memref<3x40x256xf32, #tpu.memory_space<vmem>> -> memref<1x40x256xf32, #tpu.memory_space<vmem>>
        %dma_wait3A_406 = tpu.memref_squeeze %dma_wait3A_405 : memref<1x40x256xf32, #tpu.memory_space<vmem>> -> memref<40x256xf32, #tpu.memory_space<vmem>>
        %dma_wait3A_407 = arith.constant 0 : i32
        %dma_wait3A_408 = tpu.memref_slice %arg6[%add3A_400, %dma_wait3A_407] : memref<320000x256xf32, #tpu.memory_space<hbm>> -> memref<40x256xf32, #tpu.memory_space<hbm>>
        %dma_wait3A_409 = tpu.memref_slice %arg12[%dma_wait3A_402] : memref<3x!tpu.dma_semaphore, #tpu.memory_space<semaphore_mem>> -> memref<1x!tpu.dma_semaphore, #tpu.memory_space<semaphore_mem>>
        %dma_wait3A_410 = tpu.memref_squeeze %dma_wait3A_409 : memref<1x!tpu.dma_semaphore, #tpu.memory_space<semaphore_mem>> -> memref<!tpu.dma_semaphore, #tpu.memory_space<semaphore_mem>>
        %dma_wait3A_411 = arith.constant 0 : i32
        %dma_wait3A_412 = tpu.memref_slice %arg6[%add3A_400, %dma_wait3A_411] : memref<320000x256xf32, #tpu.memory_space<hbm>> -> memref<40x256xf32, #tpu.memory_space<hbm>>
        %dma_wait3A_413 = arith.constant 0 : i32
        %dma_wait3A_414 = arith.constant 0 : i32
        %dma_wait3A_415 = tpu.memref_slice %arg9[%dma_wait3A_401, %dma_wait3A_413, %dma_wait3A_414] : memref<3x40x256xf32, #tpu.memory_space<vmem>> -> memref<1x40x256xf32, #tpu.memory_space<vmem>>
        %dma_wait3A_416 = tpu.memref_squeeze %dma_wait3A_415 : memref<1x40x256xf32, #tpu.memory_space<vmem>> -> memref<40x256xf32, #tpu.memory_space<vmem>>
        tpu.wait_dma2 semaphore(%dma_wait3A_410 : memref<!tpu.dma_semaphore, #tpu.memory_space<semaphore_mem>>) src(%dma_wait3A_416 : memref<40x256xf32, #tpu.memory_space<vmem>>) dst(%dma_wait3A_412 : memref<40x256xf32, #tpu.memory_space<hbm>>)
      } else {
      }
      %lt3A_391 = arith.constant 249 : i32
      %lt3A_392 = arith.cmpi slt, %add3A_385, %lt3A_391 : i32
      %convert_element_type3A_393 = arith.extui %lt3A_392 : i1 to i32
      %cond3A_394 = arith.constant 0 : i32
      %cond3A_395 = arith.cmpi ne, %convert_element_type3A_393, %cond3A_394 : i32
      scf.if %cond3A_395 {
        %dma_start3A_397 = arith.constant 1 : i32
        %dma_start3A_398 = arith.constant 1 : i32
        %dma_start3A_399 = arith.constant 0 : i32
        %dma_start3A_400 = arith.constant 0 : i32
        %dma_start3A_401 = tpu.memref_slice %arg9[%dma_start3A_397, %dma_start3A_399, %dma_start3A_400] : memref<3x40x256xf32, #tpu.memory_space<vmem>> -> memref<1x40x256xf32, #tpu.memory_space<vmem>>
        %dma_start3A_402 = tpu.memref_squeeze %dma_start3A_401 : memref<1x40x256xf32, #tpu.memory_space<vmem>> -> memref<40x256xf32, #tpu.memory_space<vmem>>
        %dma_start3A_403 = arith.constant 0 : i32
        %dma_start3A_404 = tpu.memref_slice %arg7[%add3A_385, %dma_start3A_403] : memref<250x40xi32, #tpu.memory_space<vmem>> -> memref<1x40xi32, #tpu.memory_space<vmem>>
        %dma_start3A_405 = tpu.memref_squeeze %dma_start3A_404 : memref<1x40xi32, #tpu.memory_space<vmem>> -> memref<40xi32, #tpu.memory_space<vmem>>
        %dma_start3A_406 = arith.constant 0 : i32
        %dma_start3A_407 = arith.constant 0 : i32
        %dma_start3A_408 = tpu.memref_slice %arg2[%dma_start3A_406, %dma_start3A_407] : memref<10000x256xf32, #tpu.memory_space<hbm>> -> memref<10000x256xf32, #tpu.memory_space<hbm>>
        %dma_start3A_409 = tpu.memref_slice %arg11[%dma_start3A_398] : memref<3x!tpu.dma_semaphore, #tpu.memory_space<semaphore_mem>> -> memref<1x!tpu.dma_semaphore, #tpu.memory_space<semaphore_mem>>
        %dma_start3A_410 = tpu.memref_squeeze %dma_start3A_409 : memref<1x!tpu.dma_semaphore, #tpu.memory_space<semaphore_mem>> -> memref<!tpu.dma_semaphore, #tpu.memory_space<semaphore_mem>>
        tpu.enqueue_indirect_dma source(%dma_start3A_408 : memref<10000x256xf32, #tpu.memory_space<hbm>>) target(%dma_start3A_402 : memref<40x256xf32, #tpu.memory_space<vmem>>) offsets(%dma_start3A_405 : memref<40xi32, #tpu.memory_space<vmem>>) semaphore(%dma_start3A_410 : memref<!tpu.dma_semaphore, #tpu.memory_space<semaphore_mem>>)
        %dma_start3A_411 = arith.constant 1 : i32
        %dma_start3A_412 = arith.constant 1 : i32
        %dma_start3A_413 = arith.constant 0 : i32
        %dma_start3A_414 = arith.constant 0 : i32
        %dma_start3A_415 = tpu.memref_slice %arg10[%dma_start3A_411, %dma_start3A_413, %dma_start3A_414] : memref<3x40x256xf32, #tpu.memory_space<vmem>> -> memref<1x40x256xf32, #tpu.memory_space<vmem>>
        %dma_start3A_416 = tpu.memref_squeeze %dma_start3A_415 : memref<1x40x256xf32, #tpu.memory_space<vmem>> -> memref<40x256xf32, #tpu.memory_space<vmem>>
        %dma_start3A_417 = arith.constant 0 : i32
        %dma_start3A_418 = tpu.memref_slice %arg8[%add3A_385, %dma_start3A_417] : memref<250x40xi32, #tpu.memory_space<vmem>> -> memref<1x40xi32, #tpu.memory_space<vmem>>
        %dma_start3A_419 = tpu.memref_squeeze %dma_start3A_418 : memref<1x40xi32, #tpu.memory_space<vmem>> -> memref<40xi32, #tpu.memory_space<vmem>>
        %dma_start3A_420 = arith.constant 0 : i32
        %dma_start3A_421 = arith.constant 0 : i32
        %dma_start3A_422 = tpu.memref_slice %arg3[%dma_start3A_420, %dma_start3A_421] : memref<10000x256xf32, #tpu.memory_space<hbm>> -> memref<10000x256xf32, #tpu.memory_space<hbm>>
        %dma_start3A_423 = tpu.memref_slice %arg11[%dma_start3A_412] : memref<3x!tpu.dma_semaphore, #tpu.memory_space<semaphore_mem>> -> memref<1x!tpu.dma_semaphore, #tpu.memory_space<semaphore_mem>>
        %dma_start3A_424 = tpu.memref_squeeze %dma_start3A_423 : memref<1x!tpu.dma_semaphore, #tpu.memory_space<semaphore_mem>> -> memref<!tpu.dma_semaphore, #tpu.memory_space<semaphore_mem>>
        tpu.enqueue_indirect_dma source(%dma_start3A_422 : memref<10000x256xf32, #tpu.memory_space<hbm>>) target(%dma_start3A_416 : memref<40x256xf32, #tpu.memory_space<vmem>>) offsets(%dma_start3A_419 : memref<40xi32, #tpu.memory_space<vmem>>) semaphore(%dma_start3A_424 : memref<!tpu.dma_semaphore, #tpu.memory_space<semaphore_mem>>)
      } else {
      }
      %scan3A_396 = arith.constant 0 : i32
      scf.yield %scan3A_396 : i32
    }
    %scan3A_67 = arith.constant 83 : i32
    %add3A_68 = arith.constant 9920 : i32
    %add3A_69 = arith.addi %mul3A_2, %add3A_68 : i32
    %dma_wait3A = arith.constant 2 : i32
    %dma_wait3A_70 = arith.constant 2 : i32
    %dma_wait3A_71 = arith.constant 0 : i32
    %dma_wait3A_72 = arith.constant 0 : i32
    %dma_wait3A_73 = tpu.memref_slice %arg9[%dma_wait3A, %dma_wait3A_71, %dma_wait3A_72] : memref<3x40x256xf32, #tpu.memory_space<vmem>> -> memref<1x40x256xf32, #tpu.memory_space<vmem>>
    %dma_wait3A_74 = tpu.memref_squeeze %dma_wait3A_73 : memref<1x40x256xf32, #tpu.memory_space<vmem>> -> memref<40x256xf32, #tpu.memory_space<vmem>>
    %dma_wait3A_75 = arith.constant 0 : i32
    %dma_wait3A_76 = tpu.memref_slice %arg6[%add3A_69, %dma_wait3A_75] : memref<320000x256xf32, #tpu.memory_space<hbm>> -> memref<40x256xf32, #tpu.memory_space<hbm>>
    %dma_wait3A_77 = tpu.memref_slice %arg12[%dma_wait3A_70] : memref<3x!tpu.dma_semaphore, #tpu.memory_space<semaphore_mem>> -> memref<1x!tpu.dma_semaphore, #tpu.memory_space<semaphore_mem>>
    %dma_wait3A_78 = tpu.memref_squeeze %dma_wait3A_77 : memref<1x!tpu.dma_semaphore, #tpu.memory_space<semaphore_mem>> -> memref<!tpu.dma_semaphore, #tpu.memory_space<semaphore_mem>>
    %dma_wait3A_79 = arith.constant 0 : i32
    %dma_wait3A_80 = tpu.memref_slice %arg6[%add3A_69, %dma_wait3A_79] : memref<320000x256xf32, #tpu.memory_space<hbm>> -> memref<40x256xf32, #tpu.memory_space<hbm>>
    %dma_wait3A_81 = arith.constant 0 : i32
    %dma_wait3A_82 = arith.constant 0 : i32
    %dma_wait3A_83 = tpu.memref_slice %arg9[%dma_wait3A, %dma_wait3A_81, %dma_wait3A_82] : memref<3x40x256xf32, #tpu.memory_space<vmem>> -> memref<1x40x256xf32, #tpu.memory_space<vmem>>
    %dma_wait3A_84 = tpu.memref_squeeze %dma_wait3A_83 : memref<1x40x256xf32, #tpu.memory_space<vmem>> -> memref<40x256xf32, #tpu.memory_space<vmem>>
    tpu.wait_dma2 semaphore(%dma_wait3A_78 : memref<!tpu.dma_semaphore, #tpu.memory_space<semaphore_mem>>) src(%dma_wait3A_84 : memref<40x256xf32, #tpu.memory_space<vmem>>) dst(%dma_wait3A_80 : memref<40x256xf32, #tpu.memory_space<hbm>>)
    %dma_start3A_85 = arith.constant 249 : i32
    %dma_start3A_86 = arith.constant 0 : i32
    %dma_start3A_87 = arith.constant 0 : i32
    %dma_start3A_88 = arith.constant 0 : i32
    %dma_start3A_89 = arith.constant 0 : i32
    %dma_start3A_90 = tpu.memref_slice %arg9[%dma_start3A_86, %dma_start3A_88, %dma_start3A_89] : memref<3x40x256xf32, #tpu.memory_space<vmem>> -> memref<1x40x256xf32, #tpu.memory_space<vmem>>
    %dma_start3A_91 = tpu.memref_squeeze %dma_start3A_90 : memref<1x40x256xf32, #tpu.memory_space<vmem>> -> memref<40x256xf32, #tpu.memory_space<vmem>>
    %dma_start3A_92 = arith.constant 0 : i32
    %dma_start3A_93 = tpu.memref_slice %arg7[%dma_start3A_85, %dma_start3A_92] : memref<250x40xi32, #tpu.memory_space<vmem>> -> memref<1x40xi32, #tpu.memory_space<vmem>>
    %dma_start3A_94 = tpu.memref_squeeze %dma_start3A_93 : memref<1x40xi32, #tpu.memory_space<vmem>> -> memref<40xi32, #tpu.memory_space<vmem>>
    %dma_start3A_95 = arith.constant 0 : i32
    %dma_start3A_96 = arith.constant 0 : i32
    %dma_start3A_97 = tpu.memref_slice %arg2[%dma_start3A_95, %dma_start3A_96] : memref<10000x256xf32, #tpu.memory_space<hbm>> -> memref<10000x256xf32, #tpu.memory_space<hbm>>
    %dma_start3A_98 = tpu.memref_slice %arg11[%dma_start3A_87] : memref<3x!tpu.dma_semaphore, #tpu.memory_space<semaphore_mem>> -> memref<1x!tpu.dma_semaphore, #tpu.memory_space<semaphore_mem>>
    %dma_start3A_99 = tpu.memref_squeeze %dma_start3A_98 : memref<1x!tpu.dma_semaphore, #tpu.memory_space<semaphore_mem>> -> memref<!tpu.dma_semaphore, #tpu.memory_space<semaphore_mem>>
    tpu.enqueue_indirect_dma source(%dma_start3A_97 : memref<10000x256xf32, #tpu.memory_space<hbm>>) target(%dma_start3A_91 : memref<40x256xf32, #tpu.memory_space<vmem>>) offsets(%dma_start3A_94 : memref<40xi32, #tpu.memory_space<vmem>>) semaphore(%dma_start3A_99 : memref<!tpu.dma_semaphore, #tpu.memory_space<semaphore_mem>>)
    %dma_start3A_100 = arith.constant 249 : i32
    %dma_start3A_101 = arith.constant 0 : i32
    %dma_start3A_102 = arith.constant 0 : i32
    %dma_start3A_103 = arith.constant 0 : i32
    %dma_start3A_104 = arith.constant 0 : i32
    %dma_start3A_105 = tpu.memref_slice %arg10[%dma_start3A_101, %dma_start3A_103, %dma_start3A_104] : memref<3x40x256xf32, #tpu.memory_space<vmem>> -> memref<1x40x256xf32, #tpu.memory_space<vmem>>
    %dma_start3A_106 = tpu.memref_squeeze %dma_start3A_105 : memref<1x40x256xf32, #tpu.memory_space<vmem>> -> memref<40x256xf32, #tpu.memory_space<vmem>>
    %dma_start3A_107 = arith.constant 0 : i32
    %dma_start3A_108 = tpu.memref_slice %arg8[%dma_start3A_100, %dma_start3A_107] : memref<250x40xi32, #tpu.memory_space<vmem>> -> memref<1x40xi32, #tpu.memory_space<vmem>>
    %dma_start3A_109 = tpu.memref_squeeze %dma_start3A_108 : memref<1x40xi32, #tpu.memory_space<vmem>> -> memref<40xi32, #tpu.memory_space<vmem>>
    %dma_start3A_110 = arith.constant 0 : i32
    %dma_start3A_111 = arith.constant 0 : i32
    %dma_start3A_112 = tpu.memref_slice %arg3[%dma_start3A_110, %dma_start3A_111] : memref<10000x256xf32, #tpu.memory_space<hbm>> -> memref<10000x256xf32, #tpu.memory_space<hbm>>
    %dma_start3A_113 = tpu.memref_slice %arg11[%dma_start3A_102] : memref<3x!tpu.dma_semaphore, #tpu.memory_space<semaphore_mem>> -> memref<1x!tpu.dma_semaphore, #tpu.memory_space<semaphore_mem>>
    %dma_start3A_114 = tpu.memref_squeeze %dma_start3A_113 : memref<1x!tpu.dma_semaphore, #tpu.memory_space<semaphore_mem>> -> memref<!tpu.dma_semaphore, #tpu.memory_space<semaphore_mem>>
    tpu.enqueue_indirect_dma source(%dma_start3A_112 : memref<10000x256xf32, #tpu.memory_space<hbm>>) target(%dma_start3A_106 : memref<40x256xf32, #tpu.memory_space<vmem>>) offsets(%dma_start3A_109 : memref<40xi32, #tpu.memory_space<vmem>>) semaphore(%dma_start3A_114 : memref<!tpu.dma_semaphore, #tpu.memory_space<semaphore_mem>>)
    %dma_wait3A_115 = arith.constant 249 : i32
    %dma_wait3A_116 = arith.constant 0 : i32
    %dma_wait3A_117 = arith.constant 0 : i32
    %dma_wait3A_118 = arith.constant 0 : i32
    %dma_wait3A_119 = arith.constant 0 : i32
    %dma_wait3A_120 = tpu.memref_slice %arg9[%dma_wait3A_116, %dma_wait3A_118, %dma_wait3A_119] : memref<3x40x256xf32, #tpu.memory_space<vmem>> -> memref<1x40x256xf32, #tpu.memory_space<vmem>>
    %dma_wait3A_121 = tpu.memref_squeeze %dma_wait3A_120 : memref<1x40x256xf32, #tpu.memory_space<vmem>> -> memref<40x256xf32, #tpu.memory_space<vmem>>
    %dma_wait3A_122 = arith.constant 0 : i32
    %dma_wait3A_123 = tpu.memref_slice %arg7[%dma_wait3A_115, %dma_wait3A_122] : memref<250x40xi32, #tpu.memory_space<vmem>> -> memref<1x40xi32, #tpu.memory_space<vmem>>
    %dma_wait3A_124 = tpu.memref_squeeze %dma_wait3A_123 : memref<1x40xi32, #tpu.memory_space<vmem>> -> memref<40xi32, #tpu.memory_space<vmem>>
    %dma_wait3A_125 = arith.constant 0 : i32
    %dma_wait3A_126 = arith.constant 0 : i32
    %dma_wait3A_127 = tpu.memref_slice %arg2[%dma_wait3A_125, %dma_wait3A_126] : memref<10000x256xf32, #tpu.memory_space<hbm>> -> memref<10000x256xf32, #tpu.memory_space<hbm>>
    %dma_wait3A_128 = tpu.memref_slice %arg11[%dma_wait3A_117] : memref<3x!tpu.dma_semaphore, #tpu.memory_space<semaphore_mem>> -> memref<1x!tpu.dma_semaphore, #tpu.memory_space<semaphore_mem>>
    %dma_wait3A_129 = tpu.memref_squeeze %dma_wait3A_128 : memref<1x!tpu.dma_semaphore, #tpu.memory_space<semaphore_mem>> -> memref<!tpu.dma_semaphore, #tpu.memory_space<semaphore_mem>>
    tpu.wait_indirect_dma semaphore(%dma_wait3A_129 : memref<!tpu.dma_semaphore, #tpu.memory_space<semaphore_mem>>) src(%dma_wait3A_127 : memref<10000x256xf32, #tpu.memory_space<hbm>>) dst(%dma_wait3A_121 : memref<40x256xf32, #tpu.memory_space<vmem>>)
    %dma_wait3A_130 = arith.constant 249 : i32
    %dma_wait3A_131 = arith.constant 0 : i32
    %dma_wait3A_132 = arith.constant 0 : i32
    %dma_wait3A_133 = arith.constant 0 : i32
    %dma_wait3A_134 = arith.constant 0 : i32
    %dma_wait3A_135 = tpu.memref_slice %arg10[%dma_wait3A_131, %dma_wait3A_133, %dma_wait3A_134] : memref<3x40x256xf32, #tpu.memory_space<vmem>> -> memref<1x40x256xf32, #tpu.memory_space<vmem>>
    %dma_wait3A_136 = tpu.memref_squeeze %dma_wait3A_135 : memref<1x40x256xf32, #tpu.memory_space<vmem>> -> memref<40x256xf32, #tpu.memory_space<vmem>>
    %dma_wait3A_137 = arith.constant 0 : i32
    %dma_wait3A_138 = tpu.memref_slice %arg8[%dma_wait3A_130, %dma_wait3A_137] : memref<250x40xi32, #tpu.memory_space<vmem>> -> memref<1x40xi32, #tpu.memory_space<vmem>>
    %dma_wait3A_139 = tpu.memref_squeeze %dma_wait3A_138 : memref<1x40xi32, #tpu.memory_space<vmem>> -> memref<40xi32, #tpu.memory_space<vmem>>
    %dma_wait3A_140 = arith.constant 0 : i32
    %dma_wait3A_141 = arith.constant 0 : i32
    %dma_wait3A_142 = tpu.memref_slice %arg3[%dma_wait3A_140, %dma_wait3A_141] : memref<10000x256xf32, #tpu.memory_space<hbm>> -> memref<10000x256xf32, #tpu.memory_space<hbm>>
    %dma_wait3A_143 = tpu.memref_slice %arg11[%dma_wait3A_132] : memref<3x!tpu.dma_semaphore, #tpu.memory_space<semaphore_mem>> -> memref<1x!tpu.dma_semaphore, #tpu.memory_space<semaphore_mem>>
    %dma_wait3A_144 = tpu.memref_squeeze %dma_wait3A_143 : memref<1x!tpu.dma_semaphore, #tpu.memory_space<semaphore_mem>> -> memref<!tpu.dma_semaphore, #tpu.memory_space<semaphore_mem>>
    tpu.wait_indirect_dma semaphore(%dma_wait3A_144 : memref<!tpu.dma_semaphore, #tpu.memory_space<semaphore_mem>>) src(%dma_wait3A_142 : memref<10000x256xf32, #tpu.memory_space<hbm>>) dst(%dma_wait3A_136 : memref<40x256xf32, #tpu.memory_space<vmem>>)
    %scan3A_145 = arith.constant 0 : i32
    %scan3A_146 = arith.constant 0 : i32
    %scan3A_147 = arith.constant 40 : i32
    %scan3A_148 = arith.addi %scan3A_146, %scan3A_147 : i32
    %scan3A_149 = arith.constant 2 : i32
    %scan3A_150 = scf.for %scan3A_188 = %scan3A_146 to %scan3A_148 step %scan3A_149 iter_args(%scan3A_189 = %scan3A_145) -> (i32)  : i32 {
      %get3A = arith.constant 0 : i32
      %get3A_190 = arith.index_cast %get3A : i32 to index
      %get3A_191 = arith.index_cast %scan3A_188 : i32 to index
      %get3A_192 = arith.constant 0 : index
      %get3A_193 = tpu.vector_load %arg9[%get3A_190, %get3A_191, %get3A_192] {strides = array<i32>} : memref<3x40x256xf32, #tpu.memory_space<vmem>>, vector<1x1x16xf32>,
      %get3A_194 = vector.shape_cast %get3A_193 : vector<1x1x16xf32> to vector<16xf32>
      %get3A_195 = arith.constant 0 : i32
      %get3A_196 = arith.index_cast %get3A_195 : i32 to index
      %get3A_197 = arith.index_cast %scan3A_188 : i32 to index
      %get3A_198 = arith.constant 0 : index
      %get3A_199 = tpu.vector_load %arg10[%get3A_196, %get3A_197, %get3A_198] {strides = array<i32>} : memref<3x40x256xf32, #tpu.memory_space<vmem>>, vector<1x1x16xf32>,
      %get3A_200 = vector.shape_cast %get3A_199 : vector<1x1x16xf32> to vector<16xf32>
      %add3A_201 = arith.addf %get3A_194, %get3A_200 : vector<16xf32>
      %swap3A = arith.constant 0 : i32
      %swap3A_202 = arith.index_cast %swap3A : i32 to index
      %swap3A_203 = arith.index_cast %scan3A_188 : i32 to index
      %swap3A_204 = arith.constant 0 : index
      %swap3A_205 = tpu.vector_load %arg9[%swap3A_202, %swap3A_203, %swap3A_204] {strides = array<i32>} : memref<3x40x256xf32, #tpu.memory_space<vmem>>, vector<1x1x16xf32>,
      %swap3A_206 = vector.shape_cast %swap3A_205 : vector<1x1x16xf32> to vector<16xf32>
      %swap3A_207 = vector.shape_cast %add3A_201 : vector<16xf32> to vector<1x1x16xf32>
      tpu.vector_store %arg9[%swap3A_202, %swap3A_203, %swap3A_204], %swap3A_207 {strides = array<i32>} : memref<3x40x256xf32, #tpu.memory_space<vmem>>, vector<1x1x16xf32>,
      %get3A_208 = arith.constant 0 : i32
      %get3A_209 = arith.index_cast %get3A_208 : i32 to index
      %get3A_210 = arith.index_cast %scan3A_188 : i32 to index
      %get3A_211 = arith.constant 16 : index
      %get3A_212 = tpu.vector_load %arg9[%get3A_209, %get3A_210, %get3A_211] {strides = array<i32>} : memref<3x40x256xf32, #tpu.memory_space<vmem>>, vector<1x1x16xf32>,
      %get3A_213 = vector.shape_cast %get3A_212 : vector<1x1x16xf32> to vector<16xf32>
      %get3A_214 = arith.constant 0 : i32
      %get3A_215 = arith.index_cast %get3A_214 : i32 to index
      %get3A_216 = arith.index_cast %scan3A_188 : i32 to index
      %get3A_217 = arith.constant 16 : index
      %get3A_218 = tpu.vector_load %arg10[%get3A_215, %get3A_216, %get3A_217] {strides = array<i32>} : memref<3x40x256xf32, #tpu.memory_space<vmem>>, vector<1x1x16xf32>,
      %get3A_219 = vector.shape_cast %get3A_218 : vector<1x1x16xf32> to vector<16xf32>
      %add3A_220 = arith.addf %get3A_213, %get3A_219 : vector<16xf32>
      %swap3A_221 = arith.constant 0 : i32
      %swap3A_222 = arith.index_cast %swap3A_221 : i32 to index
      %swap3A_223 = arith.index_cast %scan3A_188 : i32 to index
      %swap3A_224 = arith.constant 16 : index
      %swap3A_225 = tpu.vector_load %arg9[%swap3A_222, %swap3A_223, %swap3A_224] {strides = array<i32>} : memref<3x40x256xf32, #tpu.memory_space<vmem>>, vector<1x1x16xf32>,
      %swap3A_226 = vector.shape_cast %swap3A_225 : vector<1x1x16xf32> to vector<16xf32>
      %swap3A_227 = vector.shape_cast %add3A_220 : vector<16xf32> to vector<1x1x16xf32>
      tpu.vector_store %arg9[%swap3A_222, %swap3A_223, %swap3A_224], %swap3A_227 {strides = array<i32>} : memref<3x40x256xf32, #tpu.memory_space<vmem>>, vector<1x1x16xf32>,
      %get3A_228 = arith.constant 0 : i32
      %get3A_229 = arith.index_cast %get3A_228 : i32 to index
      %get3A_230 = arith.index_cast %scan3A_188 : i32 to index
      %get3A_231 = arith.constant 32 : index
      %get3A_232 = tpu.vector_load %arg9[%get3A_229, %get3A_230, %get3A_231] {strides = array<i32>} : memref<3x40x256xf32, #tpu.memory_space<vmem>>, vector<1x1x16xf32>,
      %get3A_233 = vector.shape_cast %get3A_232 : vector<1x1x16xf32> to vector<16xf32>
      %get3A_234 = arith.constant 0 : i32
      %get3A_235 = arith.index_cast %get3A_234 : i32 to index
      %get3A_236 = arith.index_cast %scan3A_188 : i32 to index
      %get3A_237 = arith.constant 32 : index
      %get3A_238 = tpu.vector_load %arg10[%get3A_235, %get3A_236, %get3A_237] {strides = array<i32>} : memref<3x40x256xf32, #tpu.memory_space<vmem>>, vector<1x1x16xf32>,
      %get3A_239 = vector.shape_cast %get3A_238 : vector<1x1x16xf32> to vector<16xf32>
      %add3A_240 = arith.addf %get3A_233, %get3A_239 : vector<16xf32>
      %swap3A_241 = arith.constant 0 : i32
      %swap3A_242 = arith.index_cast %swap3A_241 : i32 to index
      %swap3A_243 = arith.index_cast %scan3A_188 : i32 to index
      %swap3A_244 = arith.constant 32 : index
      %swap3A_245 = tpu.vector_load %arg9[%swap3A_242, %swap3A_243, %swap3A_244] {strides = array<i32>} : memref<3x40x256xf32, #tpu.memory_space<vmem>>, vector<1x1x16xf32>,
      %swap3A_246 = vector.shape_cast %swap3A_245 : vector<1x1x16xf32> to vector<16xf32>
      %swap3A_247 = vector.shape_cast %add3A_240 : vector<16xf32> to vector<1x1x16xf32>
      tpu.vector_store %arg9[%swap3A_242, %swap3A_243, %swap3A_244], %swap3A_247 {strides = array<i32>} : memref<3x40x256xf32, #tpu.memory_space<vmem>>, vector<1x1x16xf32>,
      %get3A_248 = arith.constant 0 : i32
      %get3A_249 = arith.index_cast %get3A_248 : i32 to index
      %get3A_250 = arith.index_cast %scan3A_188 : i32 to index
      %get3A_251 = arith.constant 48 : index
      %get3A_252 = tpu.vector_load %arg9[%get3A_249, %get3A_250, %get3A_251] {strides = array<i32>} : memref<3x40x256xf32, #tpu.memory_space<vmem>>, vector<1x1x16xf32>,
      %get3A_253 = vector.shape_cast %get3A_252 : vector<1x1x16xf32> to vector<16xf32>
      %get3A_254 = arith.constant 0 : i32
      %get3A_255 = arith.index_cast %get3A_254 : i32 to index
      %get3A_256 = arith.index_cast %scan3A_188 : i32 to index
      %get3A_257 = arith.constant 48 : index
      %get3A_258 = tpu.vector_load %arg10[%get3A_255, %get3A_256, %get3A_257] {strides = array<i32>} : memref<3x40x256xf32, #tpu.memory_space<vmem>>, vector<1x1x16xf32>,
      %get3A_259 = vector.shape_cast %get3A_258 : vector<1x1x16xf32> to vector<16xf32>
      %add3A_260 = arith.addf %get3A_253, %get3A_259 : vector<16xf32>
      %swap3A_261 = arith.constant 0 : i32
      %swap3A_262 = arith.index_cast %swap3A_261 : i32 to index
      %swap3A_263 = arith.index_cast %scan3A_188 : i32 to index
      %swap3A_264 = arith.constant 48 : index
      %swap3A_265 = tpu.vector_load %arg9[%swap3A_262, %swap3A_263, %swap3A_264] {strides = array<i32>} : memref<3x40x256xf32, #tpu.memory_space<vmem>>, vector<1x1x16xf32>,
      %swap3A_266 = vector.shape_cast %swap3A_265 : vector<1x1x16xf32> to vector<16xf32>
      %swap3A_267 = vector.shape_cast %add3A_260 : vector<16xf32> to vector<1x1x16xf32>
      tpu.vector_store %arg9[%swap3A_262, %swap3A_263, %swap3A_264], %swap3A_267 {strides = array<i32>} : memref<3x40x256xf32, #tpu.memory_space<vmem>>, vector<1x1x16xf32>,
      %get3A_268 = arith.constant 0 : i32
      %get3A_269 = arith.index_cast %get3A_268 : i32 to index
      %get3A_270 = arith.index_cast %scan3A_188 : i32 to index
      %get3A_271 = arith.constant 64 : index
      %get3A_272 = tpu.vector_load %arg9[%get3A_269, %get3A_270, %get3A_271] {strides = array<i32>} : memref<3x40x256xf32, #tpu.memory_space<vmem>>, vector<1x1x16xf32>,
      %get3A_273 = vector.shape_cast %get3A_272 : vector<1x1x16xf32> to vector<16xf32>
      %get3A_274 = arith.constant 0 : i32
      %get3A_275 = arith.index_cast %get3A_274 : i32 to index
      %get3A_276 = arith.index_cast %scan3A_188 : i32 to index
      %get3A_277 = arith.constant 64 : index
      %get3A_278 = tpu.vector_load %arg10[%get3A_275, %get3A_276, %get3A_277] {strides = array<i32>} : memref<3x40x256xf32, #tpu.memory_space<vmem>>, vector<1x1x16xf32>,
      %get3A_279 = vector.shape_cast %get3A_278 : vector<1x1x16xf32> to vector<16xf32>
      %add3A_280 = arith.addf %get3A_273, %get3A_279 : vector<16xf32>
      %swap3A_281 = arith.constant 0 : i32
      %swap3A_282 = arith.index_cast %swap3A_281 : i32 to index
      %swap3A_283 = arith.index_cast %scan3A_188 : i32 to index
      %swap3A_284 = arith.constant 64 : index
      %swap3A_285 = tpu.vector_load %arg9[%swap3A_282, %swap3A_283, %swap3A_284] {strides = array<i32>} : memref<3x40x256xf32, #tpu.memory_space<vmem>>, vector<1x1x16xf32>,
      %swap3A_286 = vector.shape_cast %swap3A_285 : vector<1x1x16xf32> to vector<16xf32>
      %swap3A_287 = vector.shape_cast %add3A_280 : vector<16xf32> to vector<1x1x16xf32>
      tpu.vector_store %arg9[%swap3A_282, %swap3A_283, %swap3A_284], %swap3A_287 {strides = array<i32>} : memref<3x40x256xf32, #tpu.memory_space<vmem>>, vector<1x1x16xf32>,
      %get3A_288 = arith.constant 0 : i32
      %get3A_289 = arith.index_cast %get3A_288 : i32 to index
      %get3A_290 = arith.index_cast %scan3A_188 : i32 to index
      %get3A_291 = arith.constant 80 : index
      %get3A_292 = tpu.vector_load %arg9[%get3A_289, %get3A_290, %get3A_291] {strides = array<i32>} : memref<3x40x256xf32, #tpu.memory_space<vmem>>, vector<1x1x16xf32>,
      %get3A_293 = vector.shape_cast %get3A_292 : vector<1x1x16xf32> to vector<16xf32>
      %get3A_294 = arith.constant 0 : i32
      %get3A_295 = arith.index_cast %get3A_294 : i32 to index
      %get3A_296 = arith.index_cast %scan3A_188 : i32 to index
      %get3A_297 = arith.constant 80 : index
      %get3A_298 = tpu.vector_load %arg10[%get3A_295, %get3A_296, %get3A_297] {strides = array<i32>} : memref<3x40x256xf32, #tpu.memory_space<vmem>>, vector<1x1x16xf32>,
      %get3A_299 = vector.shape_cast %get3A_298 : vector<1x1x16xf32> to vector<16xf32>
      %add3A_300 = arith.addf %get3A_293, %get3A_299 : vector<16xf32>
      %swap3A_301 = arith.constant 0 : i32
      %swap3A_302 = arith.index_cast %swap3A_301 : i32 to index
      %swap3A_303 = arith.index_cast %scan3A_188 : i32 to index
      %swap3A_304 = arith.constant 80 : index
      %swap3A_305 = tpu.vector_load %arg9[%swap3A_302, %swap3A_303, %swap3A_304] {strides = array<i32>} : memref<3x40x256xf32, #tpu.memory_space<vmem>>, vector<1x1x16xf32>,
      %swap3A_306 = vector.shape_cast %swap3A_305 : vector<1x1x16xf32> to vector<16xf32>
      %swap3A_307 = vector.shape_cast %add3A_300 : vector<16xf32> to vector<1x1x16xf32>
      tpu.vector_store %arg9[%swap3A_302, %swap3A_303, %swap3A_304], %swap3A_307 {strides = array<i32>} : memref<3x40x256xf32, #tpu.memory_space<vmem>>, vector<1x1x16xf32>,
      %get3A_308 = arith.constant 0 : i32
      %get3A_309 = arith.index_cast %get3A_308 : i32 to index
      %get3A_310 = arith.index_cast %scan3A_188 : i32 to index
      %get3A_311 = arith.constant 96 : index
      %get3A_312 = tpu.vector_load %arg9[%get3A_309, %get3A_310, %get3A_311] {strides = array<i32>} : memref<3x40x256xf32, #tpu.memory_space<vmem>>, vector<1x1x16xf32>,
      %get3A_313 = vector.shape_cast %get3A_312 : vector<1x1x16xf32> to vector<16xf32>
      %get3A_314 = arith.constant 0 : i32
      %get3A_315 = arith.index_cast %get3A_314 : i32 to index
      %get3A_316 = arith.index_cast %scan3A_188 : i32 to index
      %get3A_317 = arith.constant 96 : index
      %get3A_318 = tpu.vector_load %arg10[%get3A_315, %get3A_316, %get3A_317] {strides = array<i32>} : memref<3x40x256xf32, #tpu.memory_space<vmem>>, vector<1x1x16xf32>,
      %get3A_319 = vector.shape_cast %get3A_318 : vector<1x1x16xf32> to vector<16xf32>
      %add3A_320 = arith.addf %get3A_313, %get3A_319 : vector<16xf32>
      %swap3A_321 = arith.constant 0 : i32
      %swap3A_322 = arith.index_cast %swap3A_321 : i32 to index
      %swap3A_323 = arith.index_cast %scan3A_188 : i32 to index
      %swap3A_324 = arith.constant 96 : index
      %swap3A_325 = tpu.vector_load %arg9[%swap3A_322, %swap3A_323, %swap3A_324] {strides = array<i32>} : memref<3x40x256xf32, #tpu.memory_space<vmem>>, vector<1x1x16xf32>,
      %swap3A_326 = vector.shape_cast %swap3A_325 : vector<1x1x16xf32> to vector<16xf32>
      %swap3A_327 = vector.shape_cast %add3A_320 : vector<16xf32> to vector<1x1x16xf32>
      tpu.vector_store %arg9[%swap3A_322, %swap3A_323, %swap3A_324], %swap3A_327 {strides = array<i32>} : memref<3x40x256xf32, #tpu.memory_space<vmem>>, vector<1x1x16xf32>,
      %get3A_328 = arith.constant 0 : i32
      %get3A_329 = arith.index_cast %get3A_328 : i32 to index
      %get3A_330 = arith.index_cast %scan3A_188 : i32 to index
      %get3A_331 = arith.constant 112 : index
      %get3A_332 = tpu.vector_load %arg9[%get3A_329, %get3A_330, %get3A_331] {strides = array<i32>} : memref<3x40x256xf32, #tpu.memory_space<vmem>>, vector<1x1x16xf32>,
      %get3A_333 = vector.shape_cast %get3A_332 : vector<1x1x16xf32> to vector<16xf32>
      %get3A_334 = arith.constant 0 : i32
      %get3A_335 = arith.index_cast %get3A_334 : i32 to index
      %get3A_336 = arith.index_cast %scan3A_188 : i32 to index
      %get3A_337 = arith.constant 112 : index
      %get3A_338 = tpu.vector_load %arg10[%get3A_335, %get3A_336, %get3A_337] {strides = array<i32>} : memref<3x40x256xf32, #tpu.memory_space<vmem>>, vector<1x1x16xf32>,
      %get3A_339 = vector.shape_cast %get3A_338 : vector<1x1x16xf32> to vector<16xf32>
      %add3A_340 = arith.addf %get3A_333, %get3A_339 : vector<16xf32>
      %swap3A_341 = arith.constant 0 : i32
      %swap3A_342 = arith.index_cast %swap3A_341 : i32 to index
      %swap3A_343 = arith.index_cast %scan3A_188 : i32 to index
      %swap3A_344 = arith.constant 112 : index
      %swap3A_345 = tpu.vector_load %arg9[%swap3A_342, %swap3A_343, %swap3A_344] {strides = array<i32>} : memref<3x40x256xf32, #tpu.memory_space<vmem>>, vector<1x1x16xf32>,
      %swap3A_346 = vector.shape_cast %swap3A_345 : vector<1x1x16xf32> to vector<16xf32>
      %swap3A_347 = vector.shape_cast %add3A_340 : vector<16xf32> to vector<1x1x16xf32>
      tpu.vector_store %arg9[%swap3A_342, %swap3A_343, %swap3A_344], %swap3A_347 {strides = array<i32>} : memref<3x40x256xf32, #tpu.memory_space<vmem>>, vector<1x1x16xf32>,
      %get3A_348 = arith.constant 0 : i32
      %get3A_349 = arith.index_cast %get3A_348 : i32 to index
      %get3A_350 = arith.index_cast %scan3A_188 : i32 to index
      %get3A_351 = arith.constant 128 : index
      %get3A_352 = tpu.vector_load %arg9[%get3A_349, %get3A_350, %get3A_351] {strides = array<i32>} : memref<3x40x256xf32, #tpu.memory_space<vmem>>, vector<1x1x16xf32>,
      %get3A_353 = vector.shape_cast %get3A_352 : vector<1x1x16xf32> to vector<16xf32>
      %get3A_354 = arith.constant 0 : i32
      %get3A_355 = arith.index_cast %get3A_354 : i32 to index
      %get3A_356 = arith.index_cast %scan3A_188 : i32 to index
      %get3A_357 = arith.constant 128 : index
      %get3A_358 = tpu.vector_load %arg10[%get3A_355, %get3A_356, %get3A_357] {strides = array<i32>} : memref<3x40x256xf32, #tpu.memory_space<vmem>>, vector<1x1x16xf32>,
      %get3A_359 = vector.shape_cast %get3A_358 : vector<1x1x16xf32> to vector<16xf32>
      %add3A_360 = arith.addf %get3A_353, %get3A_359 : vector<16xf32>
      %swap3A_361 = arith.constant 0 : i32
      %swap3A_362 = arith.index_cast %swap3A_361 : i32 to index
      %swap3A_363 = arith.index_cast %scan3A_188 : i32 to index
      %swap3A_364 = arith.constant 128 : index
      %swap3A_365 = tpu.vector_load %arg9[%swap3A_362, %swap3A_363, %swap3A_364] {strides = array<i32>} : memref<3x40x256xf32, #tpu.memory_space<vmem>>, vector<1x1x16xf32>,
      %swap3A_366 = vector.shape_cast %swap3A_365 : vector<1x1x16xf32> to vector<16xf32>
      %swap3A_367 = vector.shape_cast %add3A_360 : vector<16xf32> to vector<1x1x16xf32>
      tpu.vector_store %arg9[%swap3A_362, %swap3A_363, %swap3A_364], %swap3A_367 {strides = array<i32>} : memref<3x40x256xf32, #tpu.memory_space<vmem>>, vector<1x1x16xf32>,
      %get3A_368 = arith.constant 0 : i32
      %get3A_369 = arith.index_cast %get3A_368 : i32 to index
      %get3A_370 = arith.index_cast %scan3A_188 : i32 to index
      %get3A_371 = arith.constant 144 : index
      %get3A_372 = tpu.vector_load %arg9[%get3A_369, %get3A_370, %get3A_371] {strides = array<i32>} : memref<3x40x256xf32, #tpu.memory_space<vmem>>, vector<1x1x16xf32>,
      %get3A_373 = vector.shape_cast %get3A_372 : vector<1x1x16xf32> to vector<16xf32>
      %get3A_374 = arith.constant 0 : i32
      %get3A_375 = arith.index_cast %get3A_374 : i32 to index
      %get3A_376 = arith.index_cast %scan3A_188 : i32 to index
      %get3A_377 = arith.constant 144 : index
      %get3A_378 = tpu.vector_load %arg10[%get3A_375, %get3A_376, %get3A_377] {strides = array<i32>} : memref<3x40x256xf32, #tpu.memory_space<vmem>>, vector<1x1x16xf32>,
      %get3A_379 = vector.shape_cast %get3A_378 : vector<1x1x16xf32> to vector<16xf32>
      %add3A_380 = arith.addf %get3A_373, %get3A_379 : vector<16xf32>
      %swap3A_381 = arith.constant 0 : i32
      %swap3A_382 = arith.index_cast %swap3A_381 : i32 to index
      %swap3A_383 = arith.index_cast %scan3A_188 : i32 to index
      %swap3A_384 = arith.constant 144 : index
      %swap3A_385 = tpu.vector_load %arg9[%swap3A_382, %swap3A_383, %swap3A_384] {strides = array<i32>} : memref<3x40x256xf32, #tpu.memory_space<vmem>>, vector<1x1x16xf32>,
      %swap3A_386 = vector.shape_cast %swap3A_385 : vector<1x1x16xf32> to vector<16xf32>
      %swap3A_387 = vector.shape_cast %add3A_380 : vector<16xf32> to vector<1x1x16xf32>
      tpu.vector_store %arg9[%swap3A_382, %swap3A_383, %swap3A_384], %swap3A_387 {strides = array<i32>} : memref<3x40x256xf32, #tpu.memory_space<vmem>>, vector<1x1x16xf32>,
      %get3A_388 = arith.constant 0 : i32
      %get3A_389 = arith.index_cast %get3A_388 : i32 to index
      %get3A_390 = arith.index_cast %scan3A_188 : i32 to index
      %get3A_391 = arith.constant 160 : index
      %get3A_392 = tpu.vector_load %arg9[%get3A_389, %get3A_390, %get3A_391] {strides = array<i32>} : memref<3x40x256xf32, #tpu.memory_space<vmem>>, vector<1x1x16xf32>,
      %get3A_393 = vector.shape_cast %get3A_392 : vector<1x1x16xf32> to vector<16xf32>
      %get3A_394 = arith.constant 0 : i32
      %get3A_395 = arith.index_cast %get3A_394 : i32 to index
      %get3A_396 = arith.index_cast %scan3A_188 : i32 to index
      %get3A_397 = arith.constant 160 : index
      %get3A_398 = tpu.vector_load %arg10[%get3A_395, %get3A_396, %get3A_397] {strides = array<i32>} : memref<3x40x256xf32, #tpu.memory_space<vmem>>, vector<1x1x16xf32>,
      %get3A_399 = vector.shape_cast %get3A_398 : vector<1x1x16xf32> to vector<16xf32>
      %add3A_400 = arith.addf %get3A_393, %get3A_399 : vector<16xf32>
      %swap3A_401 = arith.constant 0 : i32
      %swap3A_402 = arith.index_cast %swap3A_401 : i32 to index
      %swap3A_403 = arith.index_cast %scan3A_188 : i32 to index
      %swap3A_404 = arith.constant 160 : index
      %swap3A_405 = tpu.vector_load %arg9[%swap3A_402, %swap3A_403, %swap3A_404] {strides = array<i32>} : memref<3x40x256xf32, #tpu.memory_space<vmem>>, vector<1x1x16xf32>,
      %swap3A_406 = vector.shape_cast %swap3A_405 : vector<1x1x16xf32> to vector<16xf32>
      %swap3A_407 = vector.shape_cast %add3A_400 : vector<16xf32> to vector<1x1x16xf32>
      tpu.vector_store %arg9[%swap3A_402, %swap3A_403, %swap3A_404], %swap3A_407 {strides = array<i32>} : memref<3x40x256xf32, #tpu.memory_space<vmem>>, vector<1x1x16xf32>,
      %get3A_408 = arith.constant 0 : i32
      %get3A_409 = arith.index_cast %get3A_408 : i32 to index
      %get3A_410 = arith.index_cast %scan3A_188 : i32 to index
      %get3A_411 = arith.constant 176 : index
      %get3A_412 = tpu.vector_load %arg9[%get3A_409, %get3A_410, %get3A_411] {strides = array<i32>} : memref<3x40x256xf32, #tpu.memory_space<vmem>>, vector<1x1x16xf32>,
      %get3A_413 = vector.shape_cast %get3A_412 : vector<1x1x16xf32> to vector<16xf32>
      %get3A_414 = arith.constant 0 : i32
      %get3A_415 = arith.index_cast %get3A_414 : i32 to index
      %get3A_416 = arith.index_cast %scan3A_188 : i32 to index
      %get3A_417 = arith.constant 176 : index
      %get3A_418 = tpu.vector_load %arg10[%get3A_415, %get3A_416, %get3A_417] {strides = array<i32>} : memref<3x40x256xf32, #tpu.memory_space<vmem>>, vector<1x1x16xf32>,
      %get3A_419 = vector.shape_cast %get3A_418 : vector<1x1x16xf32> to vector<16xf32>
      %add3A_420 = arith.addf %get3A_413, %get3A_419 : vector<16xf32>
      %swap3A_421 = arith.constant 0 : i32
      %swap3A_422 = arith.index_cast %swap3A_421 : i32 to index
      %swap3A_423 = arith.index_cast %scan3A_188 : i32 to index
      %swap3A_424 = arith.constant 176 : index
      %swap3A_425 = tpu.vector_load %arg9[%swap3A_422, %swap3A_423, %swap3A_424] {strides = array<i32>} : memref<3x40x256xf32, #tpu.memory_space<vmem>>, vector<1x1x16xf32>,
      %swap3A_426 = vector.shape_cast %swap3A_425 : vector<1x1x16xf32> to vector<16xf32>
      %swap3A_427 = vector.shape_cast %add3A_420 : vector<16xf32> to vector<1x1x16xf32>
      tpu.vector_store %arg9[%swap3A_422, %swap3A_423, %swap3A_424], %swap3A_427 {strides = array<i32>} : memref<3x40x256xf32, #tpu.memory_space<vmem>>, vector<1x1x16xf32>,
      %get3A_428 = arith.constant 0 : i32
      %get3A_429 = arith.index_cast %get3A_428 : i32 to index
      %get3A_430 = arith.index_cast %scan3A_188 : i32 to index
      %get3A_431 = arith.constant 192 : index
      %get3A_432 = tpu.vector_load %arg9[%get3A_429, %get3A_430, %get3A_431] {strides = array<i32>} : memref<3x40x256xf32, #tpu.memory_space<vmem>>, vector<1x1x16xf32>,
      %get3A_433 = vector.shape_cast %get3A_432 : vector<1x1x16xf32> to vector<16xf32>
      %get3A_434 = arith.constant 0 : i32
      %get3A_435 = arith.index_cast %get3A_434 : i32 to index
      %get3A_436 = arith.index_cast %scan3A_188 : i32 to index
      %get3A_437 = arith.constant 192 : index
      %get3A_438 = tpu.vector_load %arg10[%get3A_435, %get3A_436, %get3A_437] {strides = array<i32>} : memref<3x40x256xf32, #tpu.memory_space<vmem>>, vector<1x1x16xf32>,
      %get3A_439 = vector.shape_cast %get3A_438 : vector<1x1x16xf32> to vector<16xf32>
      %add3A_440 = arith.addf %get3A_433, %get3A_439 : vector<16xf32>
      %swap3A_441 = arith.constant 0 : i32
      %swap3A_442 = arith.index_cast %swap3A_441 : i32 to index
      %swap3A_443 = arith.index_cast %scan3A_188 : i32 to index
      %swap3A_444 = arith.constant 192 : index
      %swap3A_445 = tpu.vector_load %arg9[%swap3A_442, %swap3A_443, %swap3A_444] {strides = array<i32>} : memref<3x40x256xf32, #tpu.memory_space<vmem>>, vector<1x1x16xf32>,
      %swap3A_446 = vector.shape_cast %swap3A_445 : vector<1x1x16xf32> to vector<16xf32>
      %swap3A_447 = vector.shape_cast %add3A_440 : vector<16xf32> to vector<1x1x16xf32>
      tpu.vector_store %arg9[%swap3A_442, %swap3A_443, %swap3A_444], %swap3A_447 {strides = array<i32>} : memref<3x40x256xf32, #tpu.memory_space<vmem>>, vector<1x1x16xf32>,
      %get3A_448 = arith.constant 0 : i32
      %get3A_449 = arith.index_cast %get3A_448 : i32 to index
      %get3A_450 = arith.index_cast %scan3A_188 : i32 to index
      %get3A_451 = arith.constant 208 : index
      %get3A_452 = tpu.vector_load %arg9[%get3A_449, %get3A_450, %get3A_451] {strides = array<i32>} : memref<3x40x256xf32, #tpu.memory_space<vmem>>, vector<1x1x16xf32>,
      %get3A_453 = vector.shape_cast %get3A_452 : vector<1x1x16xf32> to vector<16xf32>
      %get3A_454 = arith.constant 0 : i32
      %get3A_455 = arith.index_cast %get3A_454 : i32 to index
      %get3A_456 = arith.index_cast %scan3A_188 : i32 to index
      %get3A_457 = arith.constant 208 : index
      %get3A_458 = tpu.vector_load %arg10[%get3A_455, %get3A_456, %get3A_457] {strides = array<i32>} : memref<3x40x256xf32, #tpu.memory_space<vmem>>, vector<1x1x16xf32>,
      %get3A_459 = vector.shape_cast %get3A_458 : vector<1x1x16xf32> to vector<16xf32>
      %add3A_460 = arith.addf %get3A_453, %get3A_459 : vector<16xf32>
      %swap3A_461 = arith.constant 0 : i32
      %swap3A_462 = arith.index_cast %swap3A_461 : i32 to index
      %swap3A_463 = arith.index_cast %scan3A_188 : i32 to index
      %swap3A_464 = arith.constant 208 : index
      %swap3A_465 = tpu.vector_load %arg9[%swap3A_462, %swap3A_463, %swap3A_464] {strides = array<i32>} : memref<3x40x256xf32, #tpu.memory_space<vmem>>, vector<1x1x16xf32>,
      %swap3A_466 = vector.shape_cast %swap3A_465 : vector<1x1x16xf32> to vector<16xf32>
      %swap3A_467 = vector.shape_cast %add3A_460 : vector<16xf32> to vector<1x1x16xf32>
      tpu.vector_store %arg9[%swap3A_462, %swap3A_463, %swap3A_464], %swap3A_467 {strides = array<i32>} : memref<3x40x256xf32, #tpu.memory_space<vmem>>, vector<1x1x16xf32>,
      %get3A_468 = arith.constant 0 : i32
      %get3A_469 = arith.index_cast %get3A_468 : i32 to index
      %get3A_470 = arith.index_cast %scan3A_188 : i32 to index
      %get3A_471 = arith.constant 224 : index
      %get3A_472 = tpu.vector_load %arg9[%get3A_469, %get3A_470, %get3A_471] {strides = array<i32>} : memref<3x40x256xf32, #tpu.memory_space<vmem>>, vector<1x1x16xf32>,
      %get3A_473 = vector.shape_cast %get3A_472 : vector<1x1x16xf32> to vector<16xf32>
      %get3A_474 = arith.constant 0 : i32
      %get3A_475 = arith.index_cast %get3A_474 : i32 to index
      %get3A_476 = arith.index_cast %scan3A_188 : i32 to index
      %get3A_477 = arith.constant 224 : index
      %get3A_478 = tpu.vector_load %arg10[%get3A_475, %get3A_476, %get3A_477] {strides = array<i32>} : memref<3x40x256xf32, #tpu.memory_space<vmem>>, vector<1x1x16xf32>,
      %get3A_479 = vector.shape_cast %get3A_478 : vector<1x1x16xf32> to vector<16xf32>
      %add3A_480 = arith.addf %get3A_473, %get3A_479 : vector<16xf32>
      %swap3A_481 = arith.constant 0 : i32
      %swap3A_482 = arith.index_cast %swap3A_481 : i32 to index
      %swap3A_483 = arith.index_cast %scan3A_188 : i32 to index
      %swap3A_484 = arith.constant 224 : index
      %swap3A_485 = tpu.vector_load %arg9[%swap3A_482, %swap3A_483, %swap3A_484] {strides = array<i32>} : memref<3x40x256xf32, #tpu.memory_space<vmem>>, vector<1x1x16xf32>,
      %swap3A_486 = vector.shape_cast %swap3A_485 : vector<1x1x16xf32> to vector<16xf32>
      %swap3A_487 = vector.shape_cast %add3A_480 : vector<16xf32> to vector<1x1x16xf32>
      tpu.vector_store %arg9[%swap3A_482, %swap3A_483, %swap3A_484], %swap3A_487 {strides = array<i32>} : memref<3x40x256xf32, #tpu.memory_space<vmem>>, vector<1x1x16xf32>,
      %get3A_488 = arith.constant 0 : i32
      %get3A_489 = arith.index_cast %get3A_488 : i32 to index
      %get3A_490 = arith.index_cast %scan3A_188 : i32 to index
      %get3A_491 = arith.constant 240 : index
      %get3A_492 = tpu.vector_load %arg9[%get3A_489, %get3A_490, %get3A_491] {strides = array<i32>} : memref<3x40x256xf32, #tpu.memory_space<vmem>>, vector<1x1x16xf32>,
      %get3A_493 = vector.shape_cast %get3A_492 : vector<1x1x16xf32> to vector<16xf32>
      %get3A_494 = arith.constant 0 : i32
      %get3A_495 = arith.index_cast %get3A_494 : i32 to index
      %get3A_496 = arith.index_cast %scan3A_188 : i32 to index
      %get3A_497 = arith.constant 240 : index
      %get3A_498 = tpu.vector_load %arg10[%get3A_495, %get3A_496, %get3A_497] {strides = array<i32>} : memref<3x40x256xf32, #tpu.memory_space<vmem>>, vector<1x1x16xf32>,
      %get3A_499 = vector.shape_cast %get3A_498 : vector<1x1x16xf32> to vector<16xf32>
      %add3A_500 = arith.addf %get3A_493, %get3A_499 : vector<16xf32>
      %swap3A_501 = arith.constant 0 : i32
      %swap3A_502 = arith.index_cast %swap3A_501 : i32 to index
      %swap3A_503 = arith.index_cast %scan3A_188 : i32 to index
      %swap3A_504 = arith.constant 240 : index
      %swap3A_505 = tpu.vector_load %arg9[%swap3A_502, %swap3A_503, %swap3A_504] {strides = array<i32>} : memref<3x40x256xf32, #tpu.memory_space<vmem>>, vector<1x1x16xf32>,
      %swap3A_506 = vector.shape_cast %swap3A_505 : vector<1x1x16xf32> to vector<16xf32>
      %swap3A_507 = vector.shape_cast %add3A_500 : vector<16xf32> to vector<1x1x16xf32>
      tpu.vector_store %arg9[%swap3A_502, %swap3A_503, %swap3A_504], %swap3A_507 {strides = array<i32>} : memref<3x40x256xf32, #tpu.memory_space<vmem>>, vector<1x1x16xf32>,
      %scan3A_508 = arith.constant 0 : i32
      %scan3A_509 = arith.constant 1 : i32
      %scan3A_510 = arith.addi %scan3A_188, %scan3A_509 : i32
      %get3A_511 = arith.constant 0 : i32
      %get3A_512 = arith.index_cast %get3A_511 : i32 to index
      %get3A_513 = arith.index_cast %scan3A_510 : i32 to index
      %get3A_514 = arith.constant 0 : index
      %get3A_515 = tpu.vector_load %arg9[%get3A_512, %get3A_513, %get3A_514] {strides = array<i32>} : memref<3x40x256xf32, #tpu.memory_space<vmem>>, vector<1x1x16xf32>,
      %get3A_516 = vector.shape_cast %get3A_515 : vector<1x1x16xf32> to vector<16xf32>
      %get3A_517 = arith.constant 0 : i32
      %get3A_518 = arith.index_cast %get3A_517 : i32 to index
      %get3A_519 = arith.index_cast %scan3A_510 : i32 to index
      %get3A_520 = arith.constant 0 : index
      %get3A_521 = tpu.vector_load %arg10[%get3A_518, %get3A_519, %get3A_520] {strides = array<i32>} : memref<3x40x256xf32, #tpu.memory_space<vmem>>, vector<1x1x16xf32>,
      %get3A_522 = vector.shape_cast %get3A_521 : vector<1x1x16xf32> to vector<16xf32>
      %add3A_523 = arith.addf %get3A_516, %get3A_522 : vector<16xf32>
      %swap3A_524 = arith.constant 0 : i32
      %swap3A_525 = arith.index_cast %swap3A_524 : i32 to index
      %swap3A_526 = arith.index_cast %scan3A_510 : i32 to index
      %swap3A_527 = arith.constant 0 : index
      %swap3A_528 = tpu.vector_load %arg9[%swap3A_525, %swap3A_526, %swap3A_527] {strides = array<i32>} : memref<3x40x256xf32, #tpu.memory_space<vmem>>, vector<1x1x16xf32>,
      %swap3A_529 = vector.shape_cast %swap3A_528 : vector<1x1x16xf32> to vector<16xf32>
      %swap3A_530 = vector.shape_cast %add3A_523 : vector<16xf32> to vector<1x1x16xf32>
      tpu.vector_store %arg9[%swap3A_525, %swap3A_526, %swap3A_527], %swap3A_530 {strides = array<i32>} : memref<3x40x256xf32, #tpu.memory_space<vmem>>, vector<1x1x16xf32>,
      %get3A_531 = arith.constant 0 : i32
      %get3A_532 = arith.index_cast %get3A_531 : i32 to index
      %get3A_533 = arith.index_cast %scan3A_510 : i32 to index
      %get3A_534 = arith.constant 16 : index
      %get3A_535 = tpu.vector_load %arg9[%get3A_532, %get3A_533, %get3A_534] {strides = array<i32>} : memref<3x40x256xf32, #tpu.memory_space<vmem>>, vector<1x1x16xf32>,
      %get3A_536 = vector.shape_cast %get3A_535 : vector<1x1x16xf32> to vector<16xf32>
      %get3A_537 = arith.constant 0 : i32
      %get3A_538 = arith.index_cast %get3A_537 : i32 to index
      %get3A_539 = arith.index_cast %scan3A_510 : i32 to index
      %get3A_540 = arith.constant 16 : index
      %get3A_541 = tpu.vector_load %arg10[%get3A_538, %get3A_539, %get3A_540] {strides = array<i32>} : memref<3x40x256xf32, #tpu.memory_space<vmem>>, vector<1x1x16xf32>,
      %get3A_542 = vector.shape_cast %get3A_541 : vector<1x1x16xf32> to vector<16xf32>
      %add3A_543 = arith.addf %get3A_536, %get3A_542 : vector<16xf32>
      %swap3A_544 = arith.constant 0 : i32
      %swap3A_545 = arith.index_cast %swap3A_544 : i32 to index
      %swap3A_546 = arith.index_cast %scan3A_510 : i32 to index
      %swap3A_547 = arith.constant 16 : index
      %swap3A_548 = tpu.vector_load %arg9[%swap3A_545, %swap3A_546, %swap3A_547] {strides = array<i32>} : memref<3x40x256xf32, #tpu.memory_space<vmem>>, vector<1x1x16xf32>,
      %swap3A_549 = vector.shape_cast %swap3A_548 : vector<1x1x16xf32> to vector<16xf32>
      %swap3A_550 = vector.shape_cast %add3A_543 : vector<16xf32> to vector<1x1x16xf32>
      tpu.vector_store %arg9[%swap3A_545, %swap3A_546, %swap3A_547], %swap3A_550 {strides = array<i32>} : memref<3x40x256xf32, #tpu.memory_space<vmem>>, vector<1x1x16xf32>,
      %get3A_551 = arith.constant 0 : i32
      %get3A_552 = arith.index_cast %get3A_551 : i32 to index
      %get3A_553 = arith.index_cast %scan3A_510 : i32 to index
      %get3A_554 = arith.constant 32 : index
      %get3A_555 = tpu.vector_load %arg9[%get3A_552, %get3A_553, %get3A_554] {strides = array<i32>} : memref<3x40x256xf32, #tpu.memory_space<vmem>>, vector<1x1x16xf32>,
      %get3A_556 = vector.shape_cast %get3A_555 : vector<1x1x16xf32> to vector<16xf32>
      %get3A_557 = arith.constant 0 : i32
      %get3A_558 = arith.index_cast %get3A_557 : i32 to index
      %get3A_559 = arith.index_cast %scan3A_510 : i32 to index
      %get3A_560 = arith.constant 32 : index
      %get3A_561 = tpu.vector_load %arg10[%get3A_558, %get3A_559, %get3A_560] {strides = array<i32>} : memref<3x40x256xf32, #tpu.memory_space<vmem>>, vector<1x1x16xf32>,
      %get3A_562 = vector.shape_cast %get3A_561 : vector<1x1x16xf32> to vector<16xf32>
      %add3A_563 = arith.addf %get3A_556, %get3A_562 : vector<16xf32>
      %swap3A_564 = arith.constant 0 : i32
      %swap3A_565 = arith.index_cast %swap3A_564 : i32 to index
      %swap3A_566 = arith.index_cast %scan3A_510 : i32 to index
      %swap3A_567 = arith.constant 32 : index
      %swap3A_568 = tpu.vector_load %arg9[%swap3A_565, %swap3A_566, %swap3A_567] {strides = array<i32>} : memref<3x40x256xf32, #tpu.memory_space<vmem>>, vector<1x1x16xf32>,
      %swap3A_569 = vector.shape_cast %swap3A_568 : vector<1x1x16xf32> to vector<16xf32>
      %swap3A_570 = vector.shape_cast %add3A_563 : vector<16xf32> to vector<1x1x16xf32>
      tpu.vector_store %arg9[%swap3A_565, %swap3A_566, %swap3A_567], %swap3A_570 {strides = array<i32>} : memref<3x40x256xf32, #tpu.memory_space<vmem>>, vector<1x1x16xf32>,
      %get3A_571 = arith.constant 0 : i32
      %get3A_572 = arith.index_cast %get3A_571 : i32 to index
      %get3A_573 = arith.index_cast %scan3A_510 : i32 to index
      %get3A_574 = arith.constant 48 : index
      %get3A_575 = tpu.vector_load %arg9[%get3A_572, %get3A_573, %get3A_574] {strides = array<i32>} : memref<3x40x256xf32, #tpu.memory_space<vmem>>, vector<1x1x16xf32>,
      %get3A_576 = vector.shape_cast %get3A_575 : vector<1x1x16xf32> to vector<16xf32>
      %get3A_577 = arith.constant 0 : i32
      %get3A_578 = arith.index_cast %get3A_577 : i32 to index
      %get3A_579 = arith.index_cast %scan3A_510 : i32 to index
      %get3A_580 = arith.constant 48 : index
      %get3A_581 = tpu.vector_load %arg10[%get3A_578, %get3A_579, %get3A_580] {strides = array<i32>} : memref<3x40x256xf32, #tpu.memory_space<vmem>>, vector<1x1x16xf32>,
      %get3A_582 = vector.shape_cast %get3A_581 : vector<1x1x16xf32> to vector<16xf32>
      %add3A_583 = arith.addf %get3A_576, %get3A_582 : vector<16xf32>
      %swap3A_584 = arith.constant 0 : i32
      %swap3A_585 = arith.index_cast %swap3A_584 : i32 to index
      %swap3A_586 = arith.index_cast %scan3A_510 : i32 to index
      %swap3A_587 = arith.constant 48 : index
      %swap3A_588 = tpu.vector_load %arg9[%swap3A_585, %swap3A_586, %swap3A_587] {strides = array<i32>} : memref<3x40x256xf32, #tpu.memory_space<vmem>>, vector<1x1x16xf32>,
      %swap3A_589 = vector.shape_cast %swap3A_588 : vector<1x1x16xf32> to vector<16xf32>
      %swap3A_590 = vector.shape_cast %add3A_583 : vector<16xf32> to vector<1x1x16xf32>
      tpu.vector_store %arg9[%swap3A_585, %swap3A_586, %swap3A_587], %swap3A_590 {strides = array<i32>} : memref<3x40x256xf32, #tpu.memory_space<vmem>>, vector<1x1x16xf32>,
      %get3A_591 = arith.constant 0 : i32
      %get3A_592 = arith.index_cast %get3A_591 : i32 to index
      %get3A_593 = arith.index_cast %scan3A_510 : i32 to index
      %get3A_594 = arith.constant 64 : index
      %get3A_595 = tpu.vector_load %arg9[%get3A_592, %get3A_593, %get3A_594] {strides = array<i32>} : memref<3x40x256xf32, #tpu.memory_space<vmem>>, vector<1x1x16xf32>,
      %get3A_596 = vector.shape_cast %get3A_595 : vector<1x1x16xf32> to vector<16xf32>
      %get3A_597 = arith.constant 0 : i32
      %get3A_598 = arith.index_cast %get3A_597 : i32 to index
      %get3A_599 = arith.index_cast %scan3A_510 : i32 to index
      %get3A_600 = arith.constant 64 : index
      %get3A_601 = tpu.vector_load %arg10[%get3A_598, %get3A_599, %get3A_600] {strides = array<i32>} : memref<3x40x256xf32, #tpu.memory_space<vmem>>, vector<1x1x16xf32>,
      %get3A_602 = vector.shape_cast %get3A_601 : vector<1x1x16xf32> to vector<16xf32>
      %add3A_603 = arith.addf %get3A_596, %get3A_602 : vector<16xf32>
      %swap3A_604 = arith.constant 0 : i32
      %swap3A_605 = arith.index_cast %swap3A_604 : i32 to index
      %swap3A_606 = arith.index_cast %scan3A_510 : i32 to index
      %swap3A_607 = arith.constant 64 : index
      %swap3A_608 = tpu.vector_load %arg9[%swap3A_605, %swap3A_606, %swap3A_607] {strides = array<i32>} : memref<3x40x256xf32, #tpu.memory_space<vmem>>, vector<1x1x16xf32>,
      %swap3A_609 = vector.shape_cast %swap3A_608 : vector<1x1x16xf32> to vector<16xf32>
      %swap3A_610 = vector.shape_cast %add3A_603 : vector<16xf32> to vector<1x1x16xf32>
      tpu.vector_store %arg9[%swap3A_605, %swap3A_606, %swap3A_607], %swap3A_610 {strides = array<i32>} : memref<3x40x256xf32, #tpu.memory_space<vmem>>, vector<1x1x16xf32>,
      %get3A_611 = arith.constant 0 : i32
      %get3A_612 = arith.index_cast %get3A_611 : i32 to index
      %get3A_613 = arith.index_cast %scan3A_510 : i32 to index
      %get3A_614 = arith.constant 80 : index
      %get3A_615 = tpu.vector_load %arg9[%get3A_612, %get3A_613, %get3A_614] {strides = array<i32>} : memref<3x40x256xf32, #tpu.memory_space<vmem>>, vector<1x1x16xf32>,
      %get3A_616 = vector.shape_cast %get3A_615 : vector<1x1x16xf32> to vector<16xf32>
      %get3A_617 = arith.constant 0 : i32
      %get3A_618 = arith.index_cast %get3A_617 : i32 to index
      %get3A_619 = arith.index_cast %scan3A_510 : i32 to index
      %get3A_620 = arith.constant 80 : index
      %get3A_621 = tpu.vector_load %arg10[%get3A_618, %get3A_619, %get3A_620] {strides = array<i32>} : memref<3x40x256xf32, #tpu.memory_space<vmem>>, vector<1x1x16xf32>,
      %get3A_622 = vector.shape_cast %get3A_621 : vector<1x1x16xf32> to vector<16xf32>
      %add3A_623 = arith.addf %get3A_616, %get3A_622 : vector<16xf32>
      %swap3A_624 = arith.constant 0 : i32
      %swap3A_625 = arith.index_cast %swap3A_624 : i32 to index
      %swap3A_626 = arith.index_cast %scan3A_510 : i32 to index
      %swap3A_627 = arith.constant 80 : index
      %swap3A_628 = tpu.vector_load %arg9[%swap3A_625, %swap3A_626, %swap3A_627] {strides = array<i32>} : memref<3x40x256xf32, #tpu.memory_space<vmem>>, vector<1x1x16xf32>,
      %swap3A_629 = vector.shape_cast %swap3A_628 : vector<1x1x16xf32> to vector<16xf32>
      %swap3A_630 = vector.shape_cast %add3A_623 : vector<16xf32> to vector<1x1x16xf32>
      tpu.vector_store %arg9[%swap3A_625, %swap3A_626, %swap3A_627], %swap3A_630 {strides = array<i32>} : memref<3x40x256xf32, #tpu.memory_space<vmem>>, vector<1x1x16xf32>,
      %get3A_631 = arith.constant 0 : i32
      %get3A_632 = arith.index_cast %get3A_631 : i32 to index
      %get3A_633 = arith.index_cast %scan3A_510 : i32 to index
      %get3A_634 = arith.constant 96 : index
      %get3A_635 = tpu.vector_load %arg9[%get3A_632, %get3A_633, %get3A_634] {strides = array<i32>} : memref<3x40x256xf32, #tpu.memory_space<vmem>>, vector<1x1x16xf32>,
      %get3A_636 = vector.shape_cast %get3A_635 : vector<1x1x16xf32> to vector<16xf32>
      %get3A_637 = arith.constant 0 : i32
      %get3A_638 = arith.index_cast %get3A_637 : i32 to index
      %get3A_639 = arith.index_cast %scan3A_510 : i32 to index
      %get3A_640 = arith.constant 96 : index
      %get3A_641 = tpu.vector_load %arg10[%get3A_638, %get3A_639, %get3A_640] {strides = array<i32>} : memref<3x40x256xf32, #tpu.memory_space<vmem>>, vector<1x1x16xf32>,
      %get3A_642 = vector.shape_cast %get3A_641 : vector<1x1x16xf32> to vector<16xf32>
      %add3A_643 = arith.addf %get3A_636, %get3A_642 : vector<16xf32>
      %swap3A_644 = arith.constant 0 : i32
      %swap3A_645 = arith.index_cast %swap3A_644 : i32 to index
      %swap3A_646 = arith.index_cast %scan3A_510 : i32 to index
      %swap3A_647 = arith.constant 96 : index
      %swap3A_648 = tpu.vector_load %arg9[%swap3A_645, %swap3A_646, %swap3A_647] {strides = array<i32>} : memref<3x40x256xf32, #tpu.memory_space<vmem>>, vector<1x1x16xf32>,
      %swap3A_649 = vector.shape_cast %swap3A_648 : vector<1x1x16xf32> to vector<16xf32>
      %swap3A_650 = vector.shape_cast %add3A_643 : vector<16xf32> to vector<1x1x16xf32>
      tpu.vector_store %arg9[%swap3A_645, %swap3A_646, %swap3A_647], %swap3A_650 {strides = array<i32>} : memref<3x40x256xf32, #tpu.memory_space<vmem>>, vector<1x1x16xf32>,
      %get3A_651 = arith.constant 0 : i32
      %get3A_652 = arith.index_cast %get3A_651 : i32 to index
      %get3A_653 = arith.index_cast %scan3A_510 : i32 to index
      %get3A_654 = arith.constant 112 : index
      %get3A_655 = tpu.vector_load %arg9[%get3A_652, %get3A_653, %get3A_654] {strides = array<i32>} : memref<3x40x256xf32, #tpu.memory_space<vmem>>, vector<1x1x16xf32>,
      %get3A_656 = vector.shape_cast %get3A_655 : vector<1x1x16xf32> to vector<16xf32>
      %get3A_657 = arith.constant 0 : i32
      %get3A_658 = arith.index_cast %get3A_657 : i32 to index
      %get3A_659 = arith.index_cast %scan3A_510 : i32 to index
      %get3A_660 = arith.constant 112 : index
      %get3A_661 = tpu.vector_load %arg10[%get3A_658, %get3A_659, %get3A_660] {strides = array<i32>} : memref<3x40x256xf32, #tpu.memory_space<vmem>>, vector<1x1x16xf32>,
      %get3A_662 = vector.shape_cast %get3A_661 : vector<1x1x16xf32> to vector<16xf32>
      %add3A_663 = arith.addf %get3A_656, %get3A_662 : vector<16xf32>
      %swap3A_664 = arith.constant 0 : i32
      %swap3A_665 = arith.index_cast %swap3A_664 : i32 to index
      %swap3A_666 = arith.index_cast %scan3A_510 : i32 to index
      %swap3A_667 = arith.constant 112 : index
      %swap3A_668 = tpu.vector_load %arg9[%swap3A_665, %swap3A_666, %swap3A_667] {strides = array<i32>} : memref<3x40x256xf32, #tpu.memory_space<vmem>>, vector<1x1x16xf32>,
      %swap3A_669 = vector.shape_cast %swap3A_668 : vector<1x1x16xf32> to vector<16xf32>
      %swap3A_670 = vector.shape_cast %add3A_663 : vector<16xf32> to vector<1x1x16xf32>
      tpu.vector_store %arg9[%swap3A_665, %swap3A_666, %swap3A_667], %swap3A_670 {strides = array<i32>} : memref<3x40x256xf32, #tpu.memory_space<vmem>>, vector<1x1x16xf32>,
      %get3A_671 = arith.constant 0 : i32
      %get3A_672 = arith.index_cast %get3A_671 : i32 to index
      %get3A_673 = arith.index_cast %scan3A_510 : i32 to index
      %get3A_674 = arith.constant 128 : index
      %get3A_675 = tpu.vector_load %arg9[%get3A_672, %get3A_673, %get3A_674] {strides = array<i32>} : memref<3x40x256xf32, #tpu.memory_space<vmem>>, vector<1x1x16xf32>,
      %get3A_676 = vector.shape_cast %get3A_675 : vector<1x1x16xf32> to vector<16xf32>
      %get3A_677 = arith.constant 0 : i32
      %get3A_678 = arith.index_cast %get3A_677 : i32 to index
      %get3A_679 = arith.index_cast %scan3A_510 : i32 to index
      %get3A_680 = arith.constant 128 : index
      %get3A_681 = tpu.vector_load %arg10[%get3A_678, %get3A_679, %get3A_680] {strides = array<i32>} : memref<3x40x256xf32, #tpu.memory_space<vmem>>, vector<1x1x16xf32>,
      %get3A_682 = vector.shape_cast %get3A_681 : vector<1x1x16xf32> to vector<16xf32>
      %add3A_683 = arith.addf %get3A_676, %get3A_682 : vector<16xf32>
      %swap3A_684 = arith.constant 0 : i32
      %swap3A_685 = arith.index_cast %swap3A_684 : i32 to index
      %swap3A_686 = arith.index_cast %scan3A_510 : i32 to index
      %swap3A_687 = arith.constant 128 : index
      %swap3A_688 = tpu.vector_load %arg9[%swap3A_685, %swap3A_686, %swap3A_687] {strides = array<i32>} : memref<3x40x256xf32, #tpu.memory_space<vmem>>, vector<1x1x16xf32>,
      %swap3A_689 = vector.shape_cast %swap3A_688 : vector<1x1x16xf32> to vector<16xf32>
      %swap3A_690 = vector.shape_cast %add3A_683 : vector<16xf32> to vector<1x1x16xf32>
      tpu.vector_store %arg9[%swap3A_685, %swap3A_686, %swap3A_687], %swap3A_690 {strides = array<i32>} : memref<3x40x256xf32, #tpu.memory_space<vmem>>, vector<1x1x16xf32>,
      %get3A_691 = arith.constant 0 : i32
      %get3A_692 = arith.index_cast %get3A_691 : i32 to index
      %get3A_693 = arith.index_cast %scan3A_510 : i32 to index
      %get3A_694 = arith.constant 144 : index
      %get3A_695 = tpu.vector_load %arg9[%get3A_692, %get3A_693, %get3A_694] {strides = array<i32>} : memref<3x40x256xf32, #tpu.memory_space<vmem>>, vector<1x1x16xf32>,
      %get3A_696 = vector.shape_cast %get3A_695 : vector<1x1x16xf32> to vector<16xf32>
      %get3A_697 = arith.constant 0 : i32
      %get3A_698 = arith.index_cast %get3A_697 : i32 to index
      %get3A_699 = arith.index_cast %scan3A_510 : i32 to index
      %get3A_700 = arith.constant 144 : index
      %get3A_701 = tpu.vector_load %arg10[%get3A_698, %get3A_699, %get3A_700] {strides = array<i32>} : memref<3x40x256xf32, #tpu.memory_space<vmem>>, vector<1x1x16xf32>,
      %get3A_702 = vector.shape_cast %get3A_701 : vector<1x1x16xf32> to vector<16xf32>
      %add3A_703 = arith.addf %get3A_696, %get3A_702 : vector<16xf32>
      %swap3A_704 = arith.constant 0 : i32
      %swap3A_705 = arith.index_cast %swap3A_704 : i32 to index
      %swap3A_706 = arith.index_cast %scan3A_510 : i32 to index
      %swap3A_707 = arith.constant 144 : index
      %swap3A_708 = tpu.vector_load %arg9[%swap3A_705, %swap3A_706, %swap3A_707] {strides = array<i32>} : memref<3x40x256xf32, #tpu.memory_space<vmem>>, vector<1x1x16xf32>,
      %swap3A_709 = vector.shape_cast %swap3A_708 : vector<1x1x16xf32> to vector<16xf32>
      %swap3A_710 = vector.shape_cast %add3A_703 : vector<16xf32> to vector<1x1x16xf32>
      tpu.vector_store %arg9[%swap3A_705, %swap3A_706, %swap3A_707], %swap3A_710 {strides = array<i32>} : memref<3x40x256xf32, #tpu.memory_space<vmem>>, vector<1x1x16xf32>,
      %get3A_711 = arith.constant 0 : i32
      %get3A_712 = arith.index_cast %get3A_711 : i32 to index
      %get3A_713 = arith.index_cast %scan3A_510 : i32 to index
      %get3A_714 = arith.constant 160 : index
      %get3A_715 = tpu.vector_load %arg9[%get3A_712, %get3A_713, %get3A_714] {strides = array<i32>} : memref<3x40x256xf32, #tpu.memory_space<vmem>>, vector<1x1x16xf32>,
      %get3A_716 = vector.shape_cast %get3A_715 : vector<1x1x16xf32> to vector<16xf32>
      %get3A_717 = arith.constant 0 : i32
      %get3A_718 = arith.index_cast %get3A_717 : i32 to index
      %get3A_719 = arith.index_cast %scan3A_510 : i32 to index
      %get3A_720 = arith.constant 160 : index
      %get3A_721 = tpu.vector_load %arg10[%get3A_718, %get3A_719, %get3A_720] {strides = array<i32>} : memref<3x40x256xf32, #tpu.memory_space<vmem>>, vector<1x1x16xf32>,
      %get3A_722 = vector.shape_cast %get3A_721 : vector<1x1x16xf32> to vector<16xf32>
      %add3A_723 = arith.addf %get3A_716, %get3A_722 : vector<16xf32>
      %swap3A_724 = arith.constant 0 : i32
      %swap3A_725 = arith.index_cast %swap3A_724 : i32 to index
      %swap3A_726 = arith.index_cast %scan3A_510 : i32 to index
      %swap3A_727 = arith.constant 160 : index
      %swap3A_728 = tpu.vector_load %arg9[%swap3A_725, %swap3A_726, %swap3A_727] {strides = array<i32>} : memref<3x40x256xf32, #tpu.memory_space<vmem>>, vector<1x1x16xf32>,
      %swap3A_729 = vector.shape_cast %swap3A_728 : vector<1x1x16xf32> to vector<16xf32>
      %swap3A_730 = vector.shape_cast %add3A_723 : vector<16xf32> to vector<1x1x16xf32>
      tpu.vector_store %arg9[%swap3A_725, %swap3A_726, %swap3A_727], %swap3A_730 {strides = array<i32>} : memref<3x40x256xf32, #tpu.memory_space<vmem>>, vector<1x1x16xf32>,
      %get3A_731 = arith.constant 0 : i32
      %get3A_732 = arith.index_cast %get3A_731 : i32 to index
      %get3A_733 = arith.index_cast %scan3A_510 : i32 to index
      %get3A_734 = arith.constant 176 : index
      %get3A_735 = tpu.vector_load %arg9[%get3A_732, %get3A_733, %get3A_734] {strides = array<i32>} : memref<3x40x256xf32, #tpu.memory_space<vmem>>, vector<1x1x16xf32>,
      %get3A_736 = vector.shape_cast %get3A_735 : vector<1x1x16xf32> to vector<16xf32>
      %get3A_737 = arith.constant 0 : i32
      %get3A_738 = arith.index_cast %get3A_737 : i32 to index
      %get3A_739 = arith.index_cast %scan3A_510 : i32 to index
      %get3A_740 = arith.constant 176 : index
      %get3A_741 = tpu.vector_load %arg10[%get3A_738, %get3A_739, %get3A_740] {strides = array<i32>} : memref<3x40x256xf32, #tpu.memory_space<vmem>>, vector<1x1x16xf32>,
      %get3A_742 = vector.shape_cast %get3A_741 : vector<1x1x16xf32> to vector<16xf32>
      %add3A_743 = arith.addf %get3A_736, %get3A_742 : vector<16xf32>
      %swap3A_744 = arith.constant 0 : i32
      %swap3A_745 = arith.index_cast %swap3A_744 : i32 to index
      %swap3A_746 = arith.index_cast %scan3A_510 : i32 to index
      %swap3A_747 = arith.constant 176 : index
      %swap3A_748 = tpu.vector_load %arg9[%swap3A_745, %swap3A_746, %swap3A_747] {strides = array<i32>} : memref<3x40x256xf32, #tpu.memory_space<vmem>>, vector<1x1x16xf32>,
      %swap3A_749 = vector.shape_cast %swap3A_748 : vector<1x1x16xf32> to vector<16xf32>
      %swap3A_750 = vector.shape_cast %add3A_743 : vector<16xf32> to vector<1x1x16xf32>
      tpu.vector_store %arg9[%swap3A_745, %swap3A_746, %swap3A_747], %swap3A_750 {strides = array<i32>} : memref<3x40x256xf32, #tpu.memory_space<vmem>>, vector<1x1x16xf32>,
      %get3A_751 = arith.constant 0 : i32
      %get3A_752 = arith.index_cast %get3A_751 : i32 to index
      %get3A_753 = arith.index_cast %scan3A_510 : i32 to index
      %get3A_754 = arith.constant 192 : index
      %get3A_755 = tpu.vector_load %arg9[%get3A_752, %get3A_753, %get3A_754] {strides = array<i32>} : memref<3x40x256xf32, #tpu.memory_space<vmem>>, vector<1x1x16xf32>,
      %get3A_756 = vector.shape_cast %get3A_755 : vector<1x1x16xf32> to vector<16xf32>
      %get3A_757 = arith.constant 0 : i32
      %get3A_758 = arith.index_cast %get3A_757 : i32 to index
      %get3A_759 = arith.index_cast %scan3A_510 : i32 to index
      %get3A_760 = arith.constant 192 : index
      %get3A_761 = tpu.vector_load %arg10[%get3A_758, %get3A_759, %get3A_760] {strides = array<i32>} : memref<3x40x256xf32, #tpu.memory_space<vmem>>, vector<1x1x16xf32>,
      %get3A_762 = vector.shape_cast %get3A_761 : vector<1x1x16xf32> to vector<16xf32>
      %add3A_763 = arith.addf %get3A_756, %get3A_762 : vector<16xf32>
      %swap3A_764 = arith.constant 0 : i32
      %swap3A_765 = arith.index_cast %swap3A_764 : i32 to index
      %swap3A_766 = arith.index_cast %scan3A_510 : i32 to index
      %swap3A_767 = arith.constant 192 : index
      %swap3A_768 = tpu.vector_load %arg9[%swap3A_765, %swap3A_766, %swap3A_767] {strides = array<i32>} : memref<3x40x256xf32, #tpu.memory_space<vmem>>, vector<1x1x16xf32>,
      %swap3A_769 = vector.shape_cast %swap3A_768 : vector<1x1x16xf32> to vector<16xf32>
      %swap3A_770 = vector.shape_cast %add3A_763 : vector<16xf32> to vector<1x1x16xf32>
      tpu.vector_store %arg9[%swap3A_765, %swap3A_766, %swap3A_767], %swap3A_770 {strides = array<i32>} : memref<3x40x256xf32, #tpu.memory_space<vmem>>, vector<1x1x16xf32>,
      %get3A_771 = arith.constant 0 : i32
      %get3A_772 = arith.index_cast %get3A_771 : i32 to index
      %get3A_773 = arith.index_cast %scan3A_510 : i32 to index
      %get3A_774 = arith.constant 208 : index
      %get3A_775 = tpu.vector_load %arg9[%get3A_772, %get3A_773, %get3A_774] {strides = array<i32>} : memref<3x40x256xf32, #tpu.memory_space<vmem>>, vector<1x1x16xf32>,
      %get3A_776 = vector.shape_cast %get3A_775 : vector<1x1x16xf32> to vector<16xf32>
      %get3A_777 = arith.constant 0 : i32
      %get3A_778 = arith.index_cast %get3A_777 : i32 to index
      %get3A_779 = arith.index_cast %scan3A_510 : i32 to index
      %get3A_780 = arith.constant 208 : index
      %get3A_781 = tpu.vector_load %arg10[%get3A_778, %get3A_779, %get3A_780] {strides = array<i32>} : memref<3x40x256xf32, #tpu.memory_space<vmem>>, vector<1x1x16xf32>,
      %get3A_782 = vector.shape_cast %get3A_781 : vector<1x1x16xf32> to vector<16xf32>
      %add3A_783 = arith.addf %get3A_776, %get3A_782 : vector<16xf32>
      %swap3A_784 = arith.constant 0 : i32
      %swap3A_785 = arith.index_cast %swap3A_784 : i32 to index
      %swap3A_786 = arith.index_cast %scan3A_510 : i32 to index
      %swap3A_787 = arith.constant 208 : index
      %swap3A_788 = tpu.vector_load %arg9[%swap3A_785, %swap3A_786, %swap3A_787] {strides = array<i32>} : memref<3x40x256xf32, #tpu.memory_space<vmem>>, vector<1x1x16xf32>,
      %swap3A_789 = vector.shape_cast %swap3A_788 : vector<1x1x16xf32> to vector<16xf32>
      %swap3A_790 = vector.shape_cast %add3A_783 : vector<16xf32> to vector<1x1x16xf32>
      tpu.vector_store %arg9[%swap3A_785, %swap3A_786, %swap3A_787], %swap3A_790 {strides = array<i32>} : memref<3x40x256xf32, #tpu.memory_space<vmem>>, vector<1x1x16xf32>,
      %get3A_791 = arith.constant 0 : i32
      %get3A_792 = arith.index_cast %get3A_791 : i32 to index
      %get3A_793 = arith.index_cast %scan3A_510 : i32 to index
      %get3A_794 = arith.constant 224 : index
      %get3A_795 = tpu.vector_load %arg9[%get3A_792, %get3A_793, %get3A_794] {strides = array<i32>} : memref<3x40x256xf32, #tpu.memory_space<vmem>>, vector<1x1x16xf32>,
      %get3A_796 = vector.shape_cast %get3A_795 : vector<1x1x16xf32> to vector<16xf32>
      %get3A_797 = arith.constant 0 : i32
      %get3A_798 = arith.index_cast %get3A_797 : i32 to index
      %get3A_799 = arith.index_cast %scan3A_510 : i32 to index
      %get3A_800 = arith.constant 224 : index
      %get3A_801 = tpu.vector_load %arg10[%get3A_798, %get3A_799, %get3A_800] {strides = array<i32>} : memref<3x40x256xf32, #tpu.memory_space<vmem>>, vector<1x1x16xf32>,
      %get3A_802 = vector.shape_cast %get3A_801 : vector<1x1x16xf32> to vector<16xf32>
      %add3A_803 = arith.addf %get3A_796, %get3A_802 : vector<16xf32>
      %swap3A_804 = arith.constant 0 : i32
      %swap3A_805 = arith.index_cast %swap3A_804 : i32 to index
      %swap3A_806 = arith.index_cast %scan3A_510 : i32 to index
      %swap3A_807 = arith.constant 224 : index
      %swap3A_808 = tpu.vector_load %arg9[%swap3A_805, %swap3A_806, %swap3A_807] {strides = array<i32>} : memref<3x40x256xf32, #tpu.memory_space<vmem>>, vector<1x1x16xf32>,
      %swap3A_809 = vector.shape_cast %swap3A_808 : vector<1x1x16xf32> to vector<16xf32>
      %swap3A_810 = vector.shape_cast %add3A_803 : vector<16xf32> to vector<1x1x16xf32>
      tpu.vector_store %arg9[%swap3A_805, %swap3A_806, %swap3A_807], %swap3A_810 {strides = array<i32>} : memref<3x40x256xf32, #tpu.memory_space<vmem>>, vector<1x1x16xf32>,
      %get3A_811 = arith.constant 0 : i32
      %get3A_812 = arith.index_cast %get3A_811 : i32 to index
      %get3A_813 = arith.index_cast %scan3A_510 : i32 to index
      %get3A_814 = arith.constant 240 : index
      %get3A_815 = tpu.vector_load %arg9[%get3A_812, %get3A_813, %get3A_814] {strides = array<i32>} : memref<3x40x256xf32, #tpu.memory_space<vmem>>, vector<1x1x16xf32>,
      %get3A_816 = vector.shape_cast %get3A_815 : vector<1x1x16xf32> to vector<16xf32>
      %get3A_817 = arith.constant 0 : i32
      %get3A_818 = arith.index_cast %get3A_817 : i32 to index
      %get3A_819 = arith.index_cast %scan3A_510 : i32 to index
      %get3A_820 = arith.constant 240 : index
      %get3A_821 = tpu.vector_load %arg10[%get3A_818, %get3A_819, %get3A_820] {strides = array<i32>} : memref<3x40x256xf32, #tpu.memory_space<vmem>>, vector<1x1x16xf32>,
      %get3A_822 = vector.shape_cast %get3A_821 : vector<1x1x16xf32> to vector<16xf32>
      %add3A_823 = arith.addf %get3A_816, %get3A_822 : vector<16xf32>
      %swap3A_824 = arith.constant 0 : i32
      %swap3A_825 = arith.index_cast %swap3A_824 : i32 to index
      %swap3A_826 = arith.index_cast %scan3A_510 : i32 to index
      %swap3A_827 = arith.constant 240 : index
      %swap3A_828 = tpu.vector_load %arg9[%swap3A_825, %swap3A_826, %swap3A_827] {strides = array<i32>} : memref<3x40x256xf32, #tpu.memory_space<vmem>>, vector<1x1x16xf32>,
      %swap3A_829 = vector.shape_cast %swap3A_828 : vector<1x1x16xf32> to vector<16xf32>
      %swap3A_830 = vector.shape_cast %add3A_823 : vector<16xf32> to vector<1x1x16xf32>
      tpu.vector_store %arg9[%swap3A_825, %swap3A_826, %swap3A_827], %swap3A_830 {strides = array<i32>} : memref<3x40x256xf32, #tpu.memory_space<vmem>>, vector<1x1x16xf32>,
      %scan3A_831 = arith.constant 0 : i32
      scf.yield %scan3A_831 : i32
    }
    %scan3A_151 = arith.constant 40 : i32
    %add3A_152 = arith.constant 9960 : i32
    %add3A_153 = arith.addi %mul3A_2, %add3A_152 : i32
    %dma_start3A_154 = arith.constant 0 : i32
    %dma_start3A_155 = arith.constant 0 : i32
    %dma_start3A_156 = arith.constant 0 : i32
    %dma_start3A_157 = arith.constant 0 : i32
    %dma_start3A_158 = tpu.memref_slice %arg9[%dma_start3A_154, %dma_start3A_156, %dma_start3A_157] : memref<3x40x256xf32, #tpu.memory_space<vmem>> -> memref<1x40x256xf32, #tpu.memory_space<vmem>>
    %dma_start3A_159 = tpu.memref_squeeze %dma_start3A_158 : memref<1x40x256xf32, #tpu.memory_space<vmem>> -> memref<40x256xf32, #tpu.memory_space<vmem>>
    %dma_start3A_160 = arith.constant 0 : i32
    %dma_start3A_161 = tpu.memref_slice %arg6[%add3A_153, %dma_start3A_160] : memref<320000x256xf32, #tpu.memory_space<hbm>> -> memref<40x256xf32, #tpu.memory_space<hbm>>
    %dma_start3A_162 = tpu.memref_slice %arg12[%dma_start3A_155] : memref<3x!tpu.dma_semaphore, #tpu.memory_space<semaphore_mem>> -> memref<1x!tpu.dma_semaphore, #tpu.memory_space<semaphore_mem>>
    %dma_start3A_163 = tpu.memref_squeeze %dma_start3A_162 : memref<1x!tpu.dma_semaphore, #tpu.memory_space<semaphore_mem>> -> memref<!tpu.dma_semaphore, #tpu.memory_space<semaphore_mem>>
    %dma_start3A_164 = arith.constant 0 : i32
    %dma_start3A_165 = tpu.memref_slice %arg6[%add3A_153, %dma_start3A_164] : memref<320000x256xf32, #tpu.memory_space<hbm>> -> memref<40x256xf32, #tpu.memory_space<hbm>>
    %dma_start3A_166 = arith.constant 0 : i32
    %dma_start3A_167 = arith.constant 0 : i32
    %dma_start3A_168 = tpu.memref_slice %arg9[%dma_start3A_154, %dma_start3A_166, %dma_start3A_167] : memref<3x40x256xf32, #tpu.memory_space<vmem>> -> memref<1x40x256xf32, #tpu.memory_space<vmem>>
    %dma_start3A_169 = tpu.memref_squeeze %dma_start3A_168 : memref<1x40x256xf32, #tpu.memory_space<vmem>> -> memref<40x256xf32, #tpu.memory_space<vmem>>
    tpu.enqueue_dma source(%dma_start3A_169 : memref<40x256xf32, #tpu.memory_space<vmem>>) target(%dma_start3A_165 : memref<40x256xf32, #tpu.memory_space<hbm>>) target_semaphore(%dma_start3A_163 : memref<!tpu.dma_semaphore, #tpu.memory_space<semaphore_mem>>)
    %add3A_170 = arith.constant 9960 : i32
    %add3A_171 = arith.addi %mul3A_2, %add3A_170 : i32
    %dma_wait3A_172 = arith.constant 0 : i32
    %dma_wait3A_173 = arith.constant 0 : i32
    %dma_wait3A_174 = arith.constant 0 : i32
    %dma_wait3A_175 = arith.constant 0 : i32
    %dma_wait3A_176 = tpu.memref_slice %arg9[%dma_wait3A_172, %dma_wait3A_174, %dma_wait3A_175] : memref<3x40x256xf32, #tpu.memory_space<vmem>> -> memref<1x40x256xf32, #tpu.memory_space<vmem>>
    %dma_wait3A_177 = tpu.memref_squeeze %dma_wait3A_176 : memref<1x40x256xf32, #tpu.memory_space<vmem>> -> memref<40x256xf32, #tpu.memory_space<vmem>>
    %dma_wait3A_178 = arith.constant 0 : i32
    %dma_wait3A_179 = tpu.memref_slice %arg6[%add3A_171, %dma_wait3A_178] : memref<320000x256xf32, #tpu.memory_space<hbm>> -> memref<40x256xf32, #tpu.memory_space<hbm>>
    %dma_wait3A_180 = tpu.memref_slice %arg12[%dma_wait3A_173] : memref<3x!tpu.dma_semaphore, #tpu.memory_space<semaphore_mem>> -> memref<1x!tpu.dma_semaphore, #tpu.memory_space<semaphore_mem>>
    %dma_wait3A_181 = tpu.memref_squeeze %dma_wait3A_180 : memref<1x!tpu.dma_semaphore, #tpu.memory_space<semaphore_mem>> -> memref<!tpu.dma_semaphore, #tpu.memory_space<semaphore_mem>>
    %dma_wait3A_182 = arith.constant 0 : i32
    %dma_wait3A_183 = tpu.memref_slice %arg6[%add3A_171, %dma_wait3A_182] : memref<320000x256xf32, #tpu.memory_space<hbm>> -> memref<40x256xf32, #tpu.memory_space<hbm>>
    %dma_wait3A_184 = arith.constant 0 : i32
    %dma_wait3A_185 = arith.constant 0 : i32
    %dma_wait3A_186 = tpu.memref_slice %arg9[%dma_wait3A_172, %dma_wait3A_184, %dma_wait3A_185] : memref<3x40x256xf32, #tpu.memory_space<vmem>> -> memref<1x40x256xf32, #tpu.memory_space<vmem>>
    %dma_wait3A_187 = tpu.memref_squeeze %dma_wait3A_186 : memref<1x40x256xf32, #tpu.memory_space<vmem>> -> memref<40x256xf32, #tpu.memory_space<vmem>>
    tpu.wait_dma2 semaphore(%dma_wait3A_181 : memref<!tpu.dma_semaphore, #tpu.memory_space<semaphore_mem>>) src(%dma_wait3A_187 : memref<40x256xf32, #tpu.memory_space<vmem>>) dst(%dma_wait3A_183 : memref<40x256xf32, #tpu.memory_space<hbm>>)
    return
  }
}

#map = affine_map<(d0, d1) -> (0, 0)>
#map1 = affine_map<(d0, d1) -> (0, 0, 0)>
module attributes {stable_mosaic.version = 14 : i64} {
  func.func @_scatter_k(%arg0: i32, %arg1: i32, %arg2: memref<320000x128xf32, #tpu.memory_space<hbm>>, %arg3: memref<32x125x80xi32, #tpu.memory_space<hbm>>, %arg4: memref<2x10000x128xf32, #tpu.memory_space<hbm>>, %arg5: memref<125x80xi32, #tpu.memory_space<vmem>>, %arg6: memref<80x128xf32, #tpu.memory_space<vmem>>, %arg7: memref<40x128xf32, #tpu.memory_space<vmem>>, %arg8: memref<10000x128xf32, #tpu.memory_space<vmem_shared>>, %arg9: memref<!tpu.dma_semaphore, #tpu.memory_space<semaphore_mem>>) attributes {dimension_semantics = [#tpu.dimension_semantics<core_parallel>, #tpu.dimension_semantics<subcore_parallel>], iteration_bounds = array<i64: 2, 16>, scalar_prefetch = 0 : i64, scratch_operands = 5 : i64, tpu.core_type = #tpu.core_type<sc_vector_subcore>, window_params = [{transform_indices = #map}, {transform_indices = #map1}, {transform_indices = #map1}]} {
    %mul3A = arith.constant 2 : i32
    %mul3A_0 = arith.muli %arg1, %mul3A : i32
    %add3A = arith.addi %mul3A_0, %arg0 : i32
    %scan3A = arith.constant 0 : i32
    %scan3A_1 = arith.constant 0 : i32
    %scan3A_2 = arith.constant 40 : i32
    %scan3A_3 = arith.addi %scan3A_1, %scan3A_2 : i32
    %scan3A_4 = arith.constant 1 : i32
    %scan3A_5 = scf.for %scan3A_22 = %scan3A_1 to %scan3A_3 step %scan3A_4 iter_args(%scan3A_23 = %scan3A) -> (i32)  : i32 {
      %broadcast_in_dim3A = arith.constant 0.000000e+00 : f32
      %broadcast_in_dim3A_24 = vector.broadcast %broadcast_in_dim3A : f32 to vector<16xf32>
      %swap3A = arith.index_cast %scan3A_22 : i32 to index
      %swap3A_25 = arith.constant 0 : index
      %swap3A_26 = tpu.vector_load %arg7[%swap3A, %swap3A_25] {strides = array<i32>} : memref<40x128xf32, #tpu.memory_space<vmem>>, vector<1x16xf32>,
      %swap3A_27 = vector.shape_cast %swap3A_26 : vector<1x16xf32> to vector<16xf32>
      %swap3A_28 = vector.shape_cast %broadcast_in_dim3A_24 : vector<16xf32> to vector<1x16xf32>
      tpu.vector_store %arg7[%swap3A, %swap3A_25], %swap3A_28 {strides = array<i32>} : memref<40x128xf32, #tpu.memory_space<vmem>>, vector<1x16xf32>,
      %broadcast_in_dim3A_29 = arith.constant 0.000000e+00 : f32
      %broadcast_in_dim3A_30 = vector.broadcast %broadcast_in_dim3A_29 : f32 to vector<16xf32>
      %swap3A_31 = arith.index_cast %scan3A_22 : i32 to index
      %swap3A_32 = arith.constant 16 : index
      %swap3A_33 = tpu.vector_load %arg7[%swap3A_31, %swap3A_32] {strides = array<i32>} : memref<40x128xf32, #tpu.memory_space<vmem>>, vector<1x16xf32>,
      %swap3A_34 = vector.shape_cast %swap3A_33 : vector<1x16xf32> to vector<16xf32>
      %swap3A_35 = vector.shape_cast %broadcast_in_dim3A_30 : vector<16xf32> to vector<1x16xf32>
      tpu.vector_store %arg7[%swap3A_31, %swap3A_32], %swap3A_35 {strides = array<i32>} : memref<40x128xf32, #tpu.memory_space<vmem>>, vector<1x16xf32>,
      %broadcast_in_dim3A_36 = arith.constant 0.000000e+00 : f32
      %broadcast_in_dim3A_37 = vector.broadcast %broadcast_in_dim3A_36 : f32 to vector<16xf32>
      %swap3A_38 = arith.index_cast %scan3A_22 : i32 to index
      %swap3A_39 = arith.constant 32 : index
      %swap3A_40 = tpu.vector_load %arg7[%swap3A_38, %swap3A_39] {strides = array<i32>} : memref<40x128xf32, #tpu.memory_space<vmem>>, vector<1x16xf32>,
      %swap3A_41 = vector.shape_cast %swap3A_40 : vector<1x16xf32> to vector<16xf32>
      %swap3A_42 = vector.shape_cast %broadcast_in_dim3A_37 : vector<16xf32> to vector<1x16xf32>
      tpu.vector_store %arg7[%swap3A_38, %swap3A_39], %swap3A_42 {strides = array<i32>} : memref<40x128xf32, #tpu.memory_space<vmem>>, vector<1x16xf32>,
      %broadcast_in_dim3A_43 = arith.constant 0.000000e+00 : f32
      %broadcast_in_dim3A_44 = vector.broadcast %broadcast_in_dim3A_43 : f32 to vector<16xf32>
      %swap3A_45 = arith.index_cast %scan3A_22 : i32 to index
      %swap3A_46 = arith.constant 48 : index
      %swap3A_47 = tpu.vector_load %arg7[%swap3A_45, %swap3A_46] {strides = array<i32>} : memref<40x128xf32, #tpu.memory_space<vmem>>, vector<1x16xf32>,
      %swap3A_48 = vector.shape_cast %swap3A_47 : vector<1x16xf32> to vector<16xf32>
      %swap3A_49 = vector.shape_cast %broadcast_in_dim3A_44 : vector<16xf32> to vector<1x16xf32>
      tpu.vector_store %arg7[%swap3A_45, %swap3A_46], %swap3A_49 {strides = array<i32>} : memref<40x128xf32, #tpu.memory_space<vmem>>, vector<1x16xf32>,
      %broadcast_in_dim3A_50 = arith.constant 0.000000e+00 : f32
      %broadcast_in_dim3A_51 = vector.broadcast %broadcast_in_dim3A_50 : f32 to vector<16xf32>
      %swap3A_52 = arith.index_cast %scan3A_22 : i32 to index
      %swap3A_53 = arith.constant 64 : index
      %swap3A_54 = tpu.vector_load %arg7[%swap3A_52, %swap3A_53] {strides = array<i32>} : memref<40x128xf32, #tpu.memory_space<vmem>>, vector<1x16xf32>,
      %swap3A_55 = vector.shape_cast %swap3A_54 : vector<1x16xf32> to vector<16xf32>
      %swap3A_56 = vector.shape_cast %broadcast_in_dim3A_51 : vector<16xf32> to vector<1x16xf32>
      tpu.vector_store %arg7[%swap3A_52, %swap3A_53], %swap3A_56 {strides = array<i32>} : memref<40x128xf32, #tpu.memory_space<vmem>>, vector<1x16xf32>,
      %broadcast_in_dim3A_57 = arith.constant 0.000000e+00 : f32
      %broadcast_in_dim3A_58 = vector.broadcast %broadcast_in_dim3A_57 : f32 to vector<16xf32>
      %swap3A_59 = arith.index_cast %scan3A_22 : i32 to index
      %swap3A_60 = arith.constant 80 : index
      %swap3A_61 = tpu.vector_load %arg7[%swap3A_59, %swap3A_60] {strides = array<i32>} : memref<40x128xf32, #tpu.memory_space<vmem>>, vector<1x16xf32>,
      %swap3A_62 = vector.shape_cast %swap3A_61 : vector<1x16xf32> to vector<16xf32>
      %swap3A_63 = vector.shape_cast %broadcast_in_dim3A_58 : vector<16xf32> to vector<1x16xf32>
      tpu.vector_store %arg7[%swap3A_59, %swap3A_60], %swap3A_63 {strides = array<i32>} : memref<40x128xf32, #tpu.memory_space<vmem>>, vector<1x16xf32>,
      %broadcast_in_dim3A_64 = arith.constant 0.000000e+00 : f32
      %broadcast_in_dim3A_65 = vector.broadcast %broadcast_in_dim3A_64 : f32 to vector<16xf32>
      %swap3A_66 = arith.index_cast %scan3A_22 : i32 to index
      %swap3A_67 = arith.constant 96 : index
      %swap3A_68 = tpu.vector_load %arg7[%swap3A_66, %swap3A_67] {strides = array<i32>} : memref<40x128xf32, #tpu.memory_space<vmem>>, vector<1x16xf32>,
      %swap3A_69 = vector.shape_cast %swap3A_68 : vector<1x16xf32> to vector<16xf32>
      %swap3A_70 = vector.shape_cast %broadcast_in_dim3A_65 : vector<16xf32> to vector<1x16xf32>
      tpu.vector_store %arg7[%swap3A_66, %swap3A_67], %swap3A_70 {strides = array<i32>} : memref<40x128xf32, #tpu.memory_space<vmem>>, vector<1x16xf32>,
      %broadcast_in_dim3A_71 = arith.constant 0.000000e+00 : f32
      %broadcast_in_dim3A_72 = vector.broadcast %broadcast_in_dim3A_71 : f32 to vector<16xf32>
      %swap3A_73 = arith.index_cast %scan3A_22 : i32 to index
      %swap3A_74 = arith.constant 112 : index
      %swap3A_75 = tpu.vector_load %arg7[%swap3A_73, %swap3A_74] {strides = array<i32>} : memref<40x128xf32, #tpu.memory_space<vmem>>, vector<1x16xf32>,
      %swap3A_76 = vector.shape_cast %swap3A_75 : vector<1x16xf32> to vector<16xf32>
      %swap3A_77 = vector.shape_cast %broadcast_in_dim3A_72 : vector<16xf32> to vector<1x16xf32>
      tpu.vector_store %arg7[%swap3A_73, %swap3A_74], %swap3A_77 {strides = array<i32>} : memref<40x128xf32, #tpu.memory_space<vmem>>, vector<1x16xf32>,
      %scan3A_78 = arith.constant 0 : i32
      scf.yield %scan3A_78 : i32
    }
    %scan3A_6 = arith.constant 40 : i32
    %lt3A = arith.constant 10 : i32
    %lt3A_7 = arith.cmpi slt, %arg1, %lt3A : i32
    %convert_element_type3A = arith.extui %lt3A_7 : i1 to i32
    %cond3A = arith.constant 0 : i32
    %cond3A_8 = arith.cmpi ne, %convert_element_type3A, %cond3A : i32
    scf.if %cond3A_8 {
      %mul3A_22 = arith.constant 1000 : i32
      %mul3A_23 = arith.muli %arg1, %mul3A_22 : i32
      %add3A_24 = arith.constant 0 : i32
      %add3A_25 = arith.addi %mul3A_23, %add3A_24 : i32
      "tpu.region"() ({
        %run_scoped3A = tpu.sem_alloc : memref<!tpu.dma_semaphore, #tpu.memory_space<semaphore_mem>>
        %dma_start3A = arith.constant 0 : i32
        %dma_start3A_122 = tpu.memref_slice %arg8[%add3A_25, %dma_start3A] : memref<10000x128xf32, #tpu.memory_space<vmem_shared>> -> memref<40x128xf32, #tpu.memory_space<vmem_shared>>
        %dma_start3A_123 = arith.constant 0 : i32
        %dma_start3A_124 = tpu.memref_slice %arg8[%add3A_25, %dma_start3A_123] : memref<10000x128xf32, #tpu.memory_space<vmem_shared>> -> memref<40x128xf32, #tpu.memory_space<vmem_shared>>
        tpu.enqueue_dma source(%arg7 : memref<40x128xf32, #tpu.memory_space<vmem>>) target(%dma_start3A_124 : memref<40x128xf32, #tpu.memory_space<vmem_shared>>) target_semaphore(%run_scoped3A : memref<!tpu.dma_semaphore, #tpu.memory_space<semaphore_mem>>)
        %dma_wait3A = arith.constant 0 : i32
        %dma_wait3A_125 = tpu.memref_slice %arg8[%add3A_25, %dma_wait3A] : memref<10000x128xf32, #tpu.memory_space<vmem_shared>> -> memref<40x128xf32, #tpu.memory_space<vmem_shared>>
        %dma_wait3A_126 = arith.constant 0 : i32
        %dma_wait3A_127 = tpu.memref_slice %arg8[%add3A_25, %dma_wait3A_126] : memref<10000x128xf32, #tpu.memory_space<vmem_shared>> -> memref<40x128xf32, #tpu.memory_space<vmem_shared>>
        tpu.wait_dma2 semaphore(%run_scoped3A : memref<!tpu.dma_semaphore, #tpu.memory_space<semaphore_mem>>) src(%arg7 : memref<40x128xf32, #tpu.memory_space<vmem>>) dst(%dma_wait3A_127 : memref<40x128xf32, #tpu.memory_space<vmem_shared>>)
        tpu.yield
      }) : () -> ()
      %mul3A_26 = arith.constant 1000 : i32
      %mul3A_27 = arith.muli %arg1, %mul3A_26 : i32
      %add3A_28 = arith.constant 40 : i32
      %add3A_29 = arith.addi %mul3A_27, %add3A_28 : i32
      "tpu.region"() ({
        %run_scoped3A = tpu.sem_alloc : memref<!tpu.dma_semaphore, #tpu.memory_space<semaphore_mem>>
        %dma_start3A = arith.constant 0 : i32
        %dma_start3A_122 = tpu.memref_slice %arg8[%add3A_29, %dma_start3A] : memref<10000x128xf32, #tpu.memory_space<vmem_shared>> -> memref<40x128xf32, #tpu.memory_space<vmem_shared>>
        %dma_start3A_123 = arith.constant 0 : i32
        %dma_start3A_124 = tpu.memref_slice %arg8[%add3A_29, %dma_start3A_123] : memref<10000x128xf32, #tpu.memory_space<vmem_shared>> -> memref<40x128xf32, #tpu.memory_space<vmem_shared>>
        tpu.enqueue_dma source(%arg7 : memref<40x128xf32, #tpu.memory_space<vmem>>) target(%dma_start3A_124 : memref<40x128xf32, #tpu.memory_space<vmem_shared>>) target_semaphore(%run_scoped3A : memref<!tpu.dma_semaphore, #tpu.memory_space<semaphore_mem>>)
        %dma_wait3A = arith.constant 0 : i32
        %dma_wait3A_125 = tpu.memref_slice %arg8[%add3A_29, %dma_wait3A] : memref<10000x128xf32, #tpu.memory_space<vmem_shared>> -> memref<40x128xf32, #tpu.memory_space<vmem_shared>>
        %dma_wait3A_126 = arith.constant 0 : i32
        %dma_wait3A_127 = tpu.memref_slice %arg8[%add3A_29, %dma_wait3A_126] : memref<10000x128xf32, #tpu.memory_space<vmem_shared>> -> memref<40x128xf32, #tpu.memory_space<vmem_shared>>
        tpu.wait_dma2 semaphore(%run_scoped3A : memref<!tpu.dma_semaphore, #tpu.memory_space<semaphore_mem>>) src(%arg7 : memref<40x128xf32, #tpu.memory_space<vmem>>) dst(%dma_wait3A_127 : memref<40x128xf32, #tpu.memory_space<vmem_shared>>)
        tpu.yield
      }) : () -> ()
      %mul3A_30 = arith.constant 1000 : i32
      %mul3A_31 = arith.muli %arg1, %mul3A_30 : i32
      %add3A_32 = arith.constant 80 : i32
      %add3A_33 = arith.addi %mul3A_31, %add3A_32 : i32
      "tpu.region"() ({
        %run_scoped3A = tpu.sem_alloc : memref<!tpu.dma_semaphore, #tpu.memory_space<semaphore_mem>>
        %dma_start3A = arith.constant 0 : i32
        %dma_start3A_122 = tpu.memref_slice %arg8[%add3A_33, %dma_start3A] : memref<10000x128xf32, #tpu.memory_space<vmem_shared>> -> memref<40x128xf32, #tpu.memory_space<vmem_shared>>
        %dma_start3A_123 = arith.constant 0 : i32
        %dma_start3A_124 = tpu.memref_slice %arg8[%add3A_33, %dma_start3A_123] : memref<10000x128xf32, #tpu.memory_space<vmem_shared>> -> memref<40x128xf32, #tpu.memory_space<vmem_shared>>
        tpu.enqueue_dma source(%arg7 : memref<40x128xf32, #tpu.memory_space<vmem>>) target(%dma_start3A_124 : memref<40x128xf32, #tpu.memory_space<vmem_shared>>) target_semaphore(%run_scoped3A : memref<!tpu.dma_semaphore, #tpu.memory_space<semaphore_mem>>)
        %dma_wait3A = arith.constant 0 : i32
        %dma_wait3A_125 = tpu.memref_slice %arg8[%add3A_33, %dma_wait3A] : memref<10000x128xf32, #tpu.memory_space<vmem_shared>> -> memref<40x128xf32, #tpu.memory_space<vmem_shared>>
        %dma_wait3A_126 = arith.constant 0 : i32
        %dma_wait3A_127 = tpu.memref_slice %arg8[%add3A_33, %dma_wait3A_126] : memref<10000x128xf32, #tpu.memory_space<vmem_shared>> -> memref<40x128xf32, #tpu.memory_space<vmem_shared>>
        tpu.wait_dma2 semaphore(%run_scoped3A : memref<!tpu.dma_semaphore, #tpu.memory_space<semaphore_mem>>) src(%arg7 : memref<40x128xf32, #tpu.memory_space<vmem>>) dst(%dma_wait3A_127 : memref<40x128xf32, #tpu.memory_space<vmem_shared>>)
        tpu.yield
      }) : () -> ()
      %mul3A_34 = arith.constant 1000 : i32
      %mul3A_35 = arith.muli %arg1, %mul3A_34 : i32
      %add3A_36 = arith.constant 120 : i32
      %add3A_37 = arith.addi %mul3A_35, %add3A_36 : i32
      "tpu.region"() ({
        %run_scoped3A = tpu.sem_alloc : memref<!tpu.dma_semaphore, #tpu.memory_space<semaphore_mem>>
        %dma_start3A = arith.constant 0 : i32
        %dma_start3A_122 = tpu.memref_slice %arg8[%add3A_37, %dma_start3A] : memref<10000x128xf32, #tpu.memory_space<vmem_shared>> -> memref<40x128xf32, #tpu.memory_space<vmem_shared>>
        %dma_start3A_123 = arith.constant 0 : i32
        %dma_start3A_124 = tpu.memref_slice %arg8[%add3A_37, %dma_start3A_123] : memref<10000x128xf32, #tpu.memory_space<vmem_shared>> -> memref<40x128xf32, #tpu.memory_space<vmem_shared>>
        tpu.enqueue_dma source(%arg7 : memref<40x128xf32, #tpu.memory_space<vmem>>) target(%dma_start3A_124 : memref<40x128xf32, #tpu.memory_space<vmem_shared>>) target_semaphore(%run_scoped3A : memref<!tpu.dma_semaphore, #tpu.memory_space<semaphore_mem>>)
        %dma_wait3A = arith.constant 0 : i32
        %dma_wait3A_125 = tpu.memref_slice %arg8[%add3A_37, %dma_wait3A] : memref<10000x128xf32, #tpu.memory_space<vmem_shared>> -> memref<40x128xf32, #tpu.memory_space<vmem_shared>>
        %dma_wait3A_126 = arith.constant 0 : i32
        %dma_wait3A_127 = tpu.memref_slice %arg8[%add3A_37, %dma_wait3A_126] : memref<10000x128xf32, #tpu.memory_space<vmem_shared>> -> memref<40x128xf32, #tpu.memory_space<vmem_shared>>
        tpu.wait_dma2 semaphore(%run_scoped3A : memref<!tpu.dma_semaphore, #tpu.memory_space<semaphore_mem>>) src(%arg7 : memref<40x128xf32, #tpu.memory_space<vmem>>) dst(%dma_wait3A_127 : memref<40x128xf32, #tpu.memory_space<vmem_shared>>)
        tpu.yield
      }) : () -> ()
      %mul3A_38 = arith.constant 1000 : i32
      %mul3A_39 = arith.muli %arg1, %mul3A_38 : i32
      %add3A_40 = arith.constant 160 : i32
      %add3A_41 = arith.addi %mul3A_39, %add3A_40 : i32
      "tpu.region"() ({
        %run_scoped3A = tpu.sem_alloc : memref<!tpu.dma_semaphore, #tpu.memory_space<semaphore_mem>>
        %dma_start3A = arith.constant 0 : i32
        %dma_start3A_122 = tpu.memref_slice %arg8[%add3A_41, %dma_start3A] : memref<10000x128xf32, #tpu.memory_space<vmem_shared>> -> memref<40x128xf32, #tpu.memory_space<vmem_shared>>
        %dma_start3A_123 = arith.constant 0 : i32
        %dma_start3A_124 = tpu.memref_slice %arg8[%add3A_41, %dma_start3A_123] : memref<10000x128xf32, #tpu.memory_space<vmem_shared>> -> memref<40x128xf32, #tpu.memory_space<vmem_shared>>
        tpu.enqueue_dma source(%arg7 : memref<40x128xf32, #tpu.memory_space<vmem>>) target(%dma_start3A_124 : memref<40x128xf32, #tpu.memory_space<vmem_shared>>) target_semaphore(%run_scoped3A : memref<!tpu.dma_semaphore, #tpu.memory_space<semaphore_mem>>)
        %dma_wait3A = arith.constant 0 : i32
        %dma_wait3A_125 = tpu.memref_slice %arg8[%add3A_41, %dma_wait3A] : memref<10000x128xf32, #tpu.memory_space<vmem_shared>> -> memref<40x128xf32, #tpu.memory_space<vmem_shared>>
        %dma_wait3A_126 = arith.constant 0 : i32
        %dma_wait3A_127 = tpu.memref_slice %arg8[%add3A_41, %dma_wait3A_126] : memref<10000x128xf32, #tpu.memory_space<vmem_shared>> -> memref<40x128xf32, #tpu.memory_space<vmem_shared>>
        tpu.wait_dma2 semaphore(%run_scoped3A : memref<!tpu.dma_semaphore, #tpu.memory_space<semaphore_mem>>) src(%arg7 : memref<40x128xf32, #tpu.memory_space<vmem>>) dst(%dma_wait3A_127 : memref<40x128xf32, #tpu.memory_space<vmem_shared>>)
        tpu.yield
      }) : () -> ()
      %mul3A_42 = arith.constant 1000 : i32
      %mul3A_43 = arith.muli %arg1, %mul3A_42 : i32
      %add3A_44 = arith.constant 200 : i32
      %add3A_45 = arith.addi %mul3A_43, %add3A_44 : i32
      "tpu.region"() ({
        %run_scoped3A = tpu.sem_alloc : memref<!tpu.dma_semaphore, #tpu.memory_space<semaphore_mem>>
        %dma_start3A = arith.constant 0 : i32
        %dma_start3A_122 = tpu.memref_slice %arg8[%add3A_45, %dma_start3A] : memref<10000x128xf32, #tpu.memory_space<vmem_shared>> -> memref<40x128xf32, #tpu.memory_space<vmem_shared>>
        %dma_start3A_123 = arith.constant 0 : i32
        %dma_start3A_124 = tpu.memref_slice %arg8[%add3A_45, %dma_start3A_123] : memref<10000x128xf32, #tpu.memory_space<vmem_shared>> -> memref<40x128xf32, #tpu.memory_space<vmem_shared>>
        tpu.enqueue_dma source(%arg7 : memref<40x128xf32, #tpu.memory_space<vmem>>) target(%dma_start3A_124 : memref<40x128xf32, #tpu.memory_space<vmem_shared>>) target_semaphore(%run_scoped3A : memref<!tpu.dma_semaphore, #tpu.memory_space<semaphore_mem>>)
        %dma_wait3A = arith.constant 0 : i32
        %dma_wait3A_125 = tpu.memref_slice %arg8[%add3A_45, %dma_wait3A] : memref<10000x128xf32, #tpu.memory_space<vmem_shared>> -> memref<40x128xf32, #tpu.memory_space<vmem_shared>>
        %dma_wait3A_126 = arith.constant 0 : i32
        %dma_wait3A_127 = tpu.memref_slice %arg8[%add3A_45, %dma_wait3A_126] : memref<10000x128xf32, #tpu.memory_space<vmem_shared>> -> memref<40x128xf32, #tpu.memory_space<vmem_shared>>
        tpu.wait_dma2 semaphore(%run_scoped3A : memref<!tpu.dma_semaphore, #tpu.memory_space<semaphore_mem>>) src(%arg7 : memref<40x128xf32, #tpu.memory_space<vmem>>) dst(%dma_wait3A_127 : memref<40x128xf32, #tpu.memory_space<vmem_shared>>)
        tpu.yield
      }) : () -> ()
      %mul3A_46 = arith.constant 1000 : i32
      %mul3A_47 = arith.muli %arg1, %mul3A_46 : i32
      %add3A_48 = arith.constant 240 : i32
      %add3A_49 = arith.addi %mul3A_47, %add3A_48 : i32
      "tpu.region"() ({
        %run_scoped3A = tpu.sem_alloc : memref<!tpu.dma_semaphore, #tpu.memory_space<semaphore_mem>>
        %dma_start3A = arith.constant 0 : i32
        %dma_start3A_122 = tpu.memref_slice %arg8[%add3A_49, %dma_start3A] : memref<10000x128xf32, #tpu.memory_space<vmem_shared>> -> memref<40x128xf32, #tpu.memory_space<vmem_shared>>
        %dma_start3A_123 = arith.constant 0 : i32
        %dma_start3A_124 = tpu.memref_slice %arg8[%add3A_49, %dma_start3A_123] : memref<10000x128xf32, #tpu.memory_space<vmem_shared>> -> memref<40x128xf32, #tpu.memory_space<vmem_shared>>
        tpu.enqueue_dma source(%arg7 : memref<40x128xf32, #tpu.memory_space<vmem>>) target(%dma_start3A_124 : memref<40x128xf32, #tpu.memory_space<vmem_shared>>) target_semaphore(%run_scoped3A : memref<!tpu.dma_semaphore, #tpu.memory_space<semaphore_mem>>)
        %dma_wait3A = arith.constant 0 : i32
        %dma_wait3A_125 = tpu.memref_slice %arg8[%add3A_49, %dma_wait3A] : memref<10000x128xf32, #tpu.memory_space<vmem_shared>> -> memref<40x128xf32, #tpu.memory_space<vmem_shared>>
        %dma_wait3A_126 = arith.constant 0 : i32
        %dma_wait3A_127 = tpu.memref_slice %arg8[%add3A_49, %dma_wait3A_126] : memref<10000x128xf32, #tpu.memory_space<vmem_shared>> -> memref<40x128xf32, #tpu.memory_space<vmem_shared>>
        tpu.wait_dma2 semaphore(%run_scoped3A : memref<!tpu.dma_semaphore, #tpu.memory_space<semaphore_mem>>) src(%arg7 : memref<40x128xf32, #tpu.memory_space<vmem>>) dst(%dma_wait3A_127 : memref<40x128xf32, #tpu.memory_space<vmem_shared>>)
        tpu.yield
      }) : () -> ()
      %mul3A_50 = arith.constant 1000 : i32
      %mul3A_51 = arith.muli %arg1, %mul3A_50 : i32
      %add3A_52 = arith.constant 280 : i32
      %add3A_53 = arith.addi %mul3A_51, %add3A_52 : i32
      "tpu.region"() ({
        %run_scoped3A = tpu.sem_alloc : memref<!tpu.dma_semaphore, #tpu.memory_space<semaphore_mem>>
        %dma_start3A = arith.constant 0 : i32
        %dma_start3A_122 = tpu.memref_slice %arg8[%add3A_53, %dma_start3A] : memref<10000x128xf32, #tpu.memory_space<vmem_shared>> -> memref<40x128xf32, #tpu.memory_space<vmem_shared>>
        %dma_start3A_123 = arith.constant 0 : i32
        %dma_start3A_124 = tpu.memref_slice %arg8[%add3A_53, %dma_start3A_123] : memref<10000x128xf32, #tpu.memory_space<vmem_shared>> -> memref<40x128xf32, #tpu.memory_space<vmem_shared>>
        tpu.enqueue_dma source(%arg7 : memref<40x128xf32, #tpu.memory_space<vmem>>) target(%dma_start3A_124 : memref<40x128xf32, #tpu.memory_space<vmem_shared>>) target_semaphore(%run_scoped3A : memref<!tpu.dma_semaphore, #tpu.memory_space<semaphore_mem>>)
        %dma_wait3A = arith.constant 0 : i32
        %dma_wait3A_125 = tpu.memref_slice %arg8[%add3A_53, %dma_wait3A] : memref<10000x128xf32, #tpu.memory_space<vmem_shared>> -> memref<40x128xf32, #tpu.memory_space<vmem_shared>>
        %dma_wait3A_126 = arith.constant 0 : i32
        %dma_wait3A_127 = tpu.memref_slice %arg8[%add3A_53, %dma_wait3A_126] : memref<10000x128xf32, #tpu.memory_space<vmem_shared>> -> memref<40x128xf32, #tpu.memory_space<vmem_shared>>
        tpu.wait_dma2 semaphore(%run_scoped3A : memref<!tpu.dma_semaphore, #tpu.memory_space<semaphore_mem>>) src(%arg7 : memref<40x128xf32, #tpu.memory_space<vmem>>) dst(%dma_wait3A_127 : memref<40x128xf32, #tpu.memory_space<vmem_shared>>)
        tpu.yield
      }) : () -> ()
      %mul3A_54 = arith.constant 1000 : i32
      %mul3A_55 = arith.muli %arg1, %mul3A_54 : i32
      %add3A_56 = arith.constant 320 : i32
      %add3A_57 = arith.addi %mul3A_55, %add3A_56 : i32
      "tpu.region"() ({
        %run_scoped3A = tpu.sem_alloc : memref<!tpu.dma_semaphore, #tpu.memory_space<semaphore_mem>>
        %dma_start3A = arith.constant 0 : i32
        %dma_start3A_122 = tpu.memref_slice %arg8[%add3A_57, %dma_start3A] : memref<10000x128xf32, #tpu.memory_space<vmem_shared>> -> memref<40x128xf32, #tpu.memory_space<vmem_shared>>
        %dma_start3A_123 = arith.constant 0 : i32
        %dma_start3A_124 = tpu.memref_slice %arg8[%add3A_57, %dma_start3A_123] : memref<10000x128xf32, #tpu.memory_space<vmem_shared>> -> memref<40x128xf32, #tpu.memory_space<vmem_shared>>
        tpu.enqueue_dma source(%arg7 : memref<40x128xf32, #tpu.memory_space<vmem>>) target(%dma_start3A_124 : memref<40x128xf32, #tpu.memory_space<vmem_shared>>) target_semaphore(%run_scoped3A : memref<!tpu.dma_semaphore, #tpu.memory_space<semaphore_mem>>)
        %dma_wait3A = arith.constant 0 : i32
        %dma_wait3A_125 = tpu.memref_slice %arg8[%add3A_57, %dma_wait3A] : memref<10000x128xf32, #tpu.memory_space<vmem_shared>> -> memref<40x128xf32, #tpu.memory_space<vmem_shared>>
        %dma_wait3A_126 = arith.constant 0 : i32
        %dma_wait3A_127 = tpu.memref_slice %arg8[%add3A_57, %dma_wait3A_126] : memref<10000x128xf32, #tpu.memory_space<vmem_shared>> -> memref<40x128xf32, #tpu.memory_space<vmem_shared>>
        tpu.wait_dma2 semaphore(%run_scoped3A : memref<!tpu.dma_semaphore, #tpu.memory_space<semaphore_mem>>) src(%arg7 : memref<40x128xf32, #tpu.memory_space<vmem>>) dst(%dma_wait3A_127 : memref<40x128xf32, #tpu.memory_space<vmem_shared>>)
        tpu.yield
      }) : () -> ()
      %mul3A_58 = arith.constant 1000 : i32
      %mul3A_59 = arith.muli %arg1, %mul3A_58 : i32
      %add3A_60 = arith.constant 360 : i32
      %add3A_61 = arith.addi %mul3A_59, %add3A_60 : i32
      "tpu.region"() ({
        %run_scoped3A = tpu.sem_alloc : memref<!tpu.dma_semaphore, #tpu.memory_space<semaphore_mem>>
        %dma_start3A = arith.constant 0 : i32
        %dma_start3A_122 = tpu.memref_slice %arg8[%add3A_61, %dma_start3A] : memref<10000x128xf32, #tpu.memory_space<vmem_shared>> -> memref<40x128xf32, #tpu.memory_space<vmem_shared>>
        %dma_start3A_123 = arith.constant 0 : i32
        %dma_start3A_124 = tpu.memref_slice %arg8[%add3A_61, %dma_start3A_123] : memref<10000x128xf32, #tpu.memory_space<vmem_shared>> -> memref<40x128xf32, #tpu.memory_space<vmem_shared>>
        tpu.enqueue_dma source(%arg7 : memref<40x128xf32, #tpu.memory_space<vmem>>) target(%dma_start3A_124 : memref<40x128xf32, #tpu.memory_space<vmem_shared>>) target_semaphore(%run_scoped3A : memref<!tpu.dma_semaphore, #tpu.memory_space<semaphore_mem>>)
        %dma_wait3A = arith.constant 0 : i32
        %dma_wait3A_125 = tpu.memref_slice %arg8[%add3A_61, %dma_wait3A] : memref<10000x128xf32, #tpu.memory_space<vmem_shared>> -> memref<40x128xf32, #tpu.memory_space<vmem_shared>>
        %dma_wait3A_126 = arith.constant 0 : i32
        %dma_wait3A_127 = tpu.memref_slice %arg8[%add3A_61, %dma_wait3A_126] : memref<10000x128xf32, #tpu.memory_space<vmem_shared>> -> memref<40x128xf32, #tpu.memory_space<vmem_shared>>
        tpu.wait_dma2 semaphore(%run_scoped3A : memref<!tpu.dma_semaphore, #tpu.memory_space<semaphore_mem>>) src(%arg7 : memref<40x128xf32, #tpu.memory_space<vmem>>) dst(%dma_wait3A_127 : memref<40x128xf32, #tpu.memory_space<vmem_shared>>)
        tpu.yield
      }) : () -> ()
      %mul3A_62 = arith.constant 1000 : i32
      %mul3A_63 = arith.muli %arg1, %mul3A_62 : i32
      %add3A_64 = arith.constant 400 : i32
      %add3A_65 = arith.addi %mul3A_63, %add3A_64 : i32
      "tpu.region"() ({
        %run_scoped3A = tpu.sem_alloc : memref<!tpu.dma_semaphore, #tpu.memory_space<semaphore_mem>>
        %dma_start3A = arith.constant 0 : i32
        %dma_start3A_122 = tpu.memref_slice %arg8[%add3A_65, %dma_start3A] : memref<10000x128xf32, #tpu.memory_space<vmem_shared>> -> memref<40x128xf32, #tpu.memory_space<vmem_shared>>
        %dma_start3A_123 = arith.constant 0 : i32
        %dma_start3A_124 = tpu.memref_slice %arg8[%add3A_65, %dma_start3A_123] : memref<10000x128xf32, #tpu.memory_space<vmem_shared>> -> memref<40x128xf32, #tpu.memory_space<vmem_shared>>
        tpu.enqueue_dma source(%arg7 : memref<40x128xf32, #tpu.memory_space<vmem>>) target(%dma_start3A_124 : memref<40x128xf32, #tpu.memory_space<vmem_shared>>) target_semaphore(%run_scoped3A : memref<!tpu.dma_semaphore, #tpu.memory_space<semaphore_mem>>)
        %dma_wait3A = arith.constant 0 : i32
        %dma_wait3A_125 = tpu.memref_slice %arg8[%add3A_65, %dma_wait3A] : memref<10000x128xf32, #tpu.memory_space<vmem_shared>> -> memref<40x128xf32, #tpu.memory_space<vmem_shared>>
        %dma_wait3A_126 = arith.constant 0 : i32
        %dma_wait3A_127 = tpu.memref_slice %arg8[%add3A_65, %dma_wait3A_126] : memref<10000x128xf32, #tpu.memory_space<vmem_shared>> -> memref<40x128xf32, #tpu.memory_space<vmem_shared>>
        tpu.wait_dma2 semaphore(%run_scoped3A : memref<!tpu.dma_semaphore, #tpu.memory_space<semaphore_mem>>) src(%arg7 : memref<40x128xf32, #tpu.memory_space<vmem>>) dst(%dma_wait3A_127 : memref<40x128xf32, #tpu.memory_space<vmem_shared>>)
        tpu.yield
      }) : () -> ()
      %mul3A_66 = arith.constant 1000 : i32
      %mul3A_67 = arith.muli %arg1, %mul3A_66 : i32
      %add3A_68 = arith.constant 440 : i32
      %add3A_69 = arith.addi %mul3A_67, %add3A_68 : i32
      "tpu.region"() ({
        %run_scoped3A = tpu.sem_alloc : memref<!tpu.dma_semaphore, #tpu.memory_space<semaphore_mem>>
        %dma_start3A = arith.constant 0 : i32
        %dma_start3A_122 = tpu.memref_slice %arg8[%add3A_69, %dma_start3A] : memref<10000x128xf32, #tpu.memory_space<vmem_shared>> -> memref<40x128xf32, #tpu.memory_space<vmem_shared>>
        %dma_start3A_123 = arith.constant 0 : i32
        %dma_start3A_124 = tpu.memref_slice %arg8[%add3A_69, %dma_start3A_123] : memref<10000x128xf32, #tpu.memory_space<vmem_shared>> -> memref<40x128xf32, #tpu.memory_space<vmem_shared>>
        tpu.enqueue_dma source(%arg7 : memref<40x128xf32, #tpu.memory_space<vmem>>) target(%dma_start3A_124 : memref<40x128xf32, #tpu.memory_space<vmem_shared>>) target_semaphore(%run_scoped3A : memref<!tpu.dma_semaphore, #tpu.memory_space<semaphore_mem>>)
        %dma_wait3A = arith.constant 0 : i32
        %dma_wait3A_125 = tpu.memref_slice %arg8[%add3A_69, %dma_wait3A] : memref<10000x128xf32, #tpu.memory_space<vmem_shared>> -> memref<40x128xf32, #tpu.memory_space<vmem_shared>>
        %dma_wait3A_126 = arith.constant 0 : i32
        %dma_wait3A_127 = tpu.memref_slice %arg8[%add3A_69, %dma_wait3A_126] : memref<10000x128xf32, #tpu.memory_space<vmem_shared>> -> memref<40x128xf32, #tpu.memory_space<vmem_shared>>
        tpu.wait_dma2 semaphore(%run_scoped3A : memref<!tpu.dma_semaphore, #tpu.memory_space<semaphore_mem>>) src(%arg7 : memref<40x128xf32, #tpu.memory_space<vmem>>) dst(%dma_wait3A_127 : memref<40x128xf32, #tpu.memory_space<vmem_shared>>)
        tpu.yield
      }) : () -> ()
      %mul3A_70 = arith.constant 1000 : i32
      %mul3A_71 = arith.muli %arg1, %mul3A_70 : i32
      %add3A_72 = arith.constant 480 : i32
      %add3A_73 = arith.addi %mul3A_71, %add3A_72 : i32
      "tpu.region"() ({
        %run_scoped3A = tpu.sem_alloc : memref<!tpu.dma_semaphore, #tpu.memory_space<semaphore_mem>>
        %dma_start3A = arith.constant 0 : i32
        %dma_start3A_122 = tpu.memref_slice %arg8[%add3A_73, %dma_start3A] : memref<10000x128xf32, #tpu.memory_space<vmem_shared>> -> memref<40x128xf32, #tpu.memory_space<vmem_shared>>
        %dma_start3A_123 = arith.constant 0 : i32
        %dma_start3A_124 = tpu.memref_slice %arg8[%add3A_73, %dma_start3A_123] : memref<10000x128xf32, #tpu.memory_space<vmem_shared>> -> memref<40x128xf32, #tpu.memory_space<vmem_shared>>
        tpu.enqueue_dma source(%arg7 : memref<40x128xf32, #tpu.memory_space<vmem>>) target(%dma_start3A_124 : memref<40x128xf32, #tpu.memory_space<vmem_shared>>) target_semaphore(%run_scoped3A : memref<!tpu.dma_semaphore, #tpu.memory_space<semaphore_mem>>)
        %dma_wait3A = arith.constant 0 : i32
        %dma_wait3A_125 = tpu.memref_slice %arg8[%add3A_73, %dma_wait3A] : memref<10000x128xf32, #tpu.memory_space<vmem_shared>> -> memref<40x128xf32, #tpu.memory_space<vmem_shared>>
        %dma_wait3A_126 = arith.constant 0 : i32
        %dma_wait3A_127 = tpu.memref_slice %arg8[%add3A_73, %dma_wait3A_126] : memref<10000x128xf32, #tpu.memory_space<vmem_shared>> -> memref<40x128xf32, #tpu.memory_space<vmem_shared>>
        tpu.wait_dma2 semaphore(%run_scoped3A : memref<!tpu.dma_semaphore, #tpu.memory_space<semaphore_mem>>) src(%arg7 : memref<40x128xf32, #tpu.memory_space<vmem>>) dst(%dma_wait3A_127 : memref<40x128xf32, #tpu.memory_space<vmem_shared>>)
        tpu.yield
      }) : () -> ()
      %mul3A_74 = arith.constant 1000 : i32
      %mul3A_75 = arith.muli %arg1, %mul3A_74 : i32
      %add3A_76 = arith.constant 520 : i32
      %add3A_77 = arith.addi %mul3A_75, %add3A_76 : i32
      "tpu.region"() ({
        %run_scoped3A = tpu.sem_alloc : memref<!tpu.dma_semaphore, #tpu.memory_space<semaphore_mem>>
        %dma_start3A = arith.constant 0 : i32
        %dma_start3A_122 = tpu.memref_slice %arg8[%add3A_77, %dma_start3A] : memref<10000x128xf32, #tpu.memory_space<vmem_shared>> -> memref<40x128xf32, #tpu.memory_space<vmem_shared>>
        %dma_start3A_123 = arith.constant 0 : i32
        %dma_start3A_124 = tpu.memref_slice %arg8[%add3A_77, %dma_start3A_123] : memref<10000x128xf32, #tpu.memory_space<vmem_shared>> -> memref<40x128xf32, #tpu.memory_space<vmem_shared>>
        tpu.enqueue_dma source(%arg7 : memref<40x128xf32, #tpu.memory_space<vmem>>) target(%dma_start3A_124 : memref<40x128xf32, #tpu.memory_space<vmem_shared>>) target_semaphore(%run_scoped3A : memref<!tpu.dma_semaphore, #tpu.memory_space<semaphore_mem>>)
        %dma_wait3A = arith.constant 0 : i32
        %dma_wait3A_125 = tpu.memref_slice %arg8[%add3A_77, %dma_wait3A] : memref<10000x128xf32, #tpu.memory_space<vmem_shared>> -> memref<40x128xf32, #tpu.memory_space<vmem_shared>>
        %dma_wait3A_126 = arith.constant 0 : i32
        %dma_wait3A_127 = tpu.memref_slice %arg8[%add3A_77, %dma_wait3A_126] : memref<10000x128xf32, #tpu.memory_space<vmem_shared>> -> memref<40x128xf32, #tpu.memory_space<vmem_shared>>
        tpu.wait_dma2 semaphore(%run_scoped3A : memref<!tpu.dma_semaphore, #tpu.memory_space<semaphore_mem>>) src(%arg7 : memref<40x128xf32, #tpu.memory_space<vmem>>) dst(%dma_wait3A_127 : memref<40x128xf32, #tpu.memory_space<vmem_shared>>)
        tpu.yield
      }) : () -> ()
      %mul3A_78 = arith.constant 1000 : i32
      %mul3A_79 = arith.muli %arg1, %mul3A_78 : i32
      %add3A_80 = arith.constant 560 : i32
      %add3A_81 = arith.addi %mul3A_79, %add3A_80 : i32
      "tpu.region"() ({
        %run_scoped3A = tpu.sem_alloc : memref<!tpu.dma_semaphore, #tpu.memory_space<semaphore_mem>>
        %dma_start3A = arith.constant 0 : i32
        %dma_start3A_122 = tpu.memref_slice %arg8[%add3A_81, %dma_start3A] : memref<10000x128xf32, #tpu.memory_space<vmem_shared>> -> memref<40x128xf32, #tpu.memory_space<vmem_shared>>
        %dma_start3A_123 = arith.constant 0 : i32
        %dma_start3A_124 = tpu.memref_slice %arg8[%add3A_81, %dma_start3A_123] : memref<10000x128xf32, #tpu.memory_space<vmem_shared>> -> memref<40x128xf32, #tpu.memory_space<vmem_shared>>
        tpu.enqueue_dma source(%arg7 : memref<40x128xf32, #tpu.memory_space<vmem>>) target(%dma_start3A_124 : memref<40x128xf32, #tpu.memory_space<vmem_shared>>) target_semaphore(%run_scoped3A : memref<!tpu.dma_semaphore, #tpu.memory_space<semaphore_mem>>)
        %dma_wait3A = arith.constant 0 : i32
        %dma_wait3A_125 = tpu.memref_slice %arg8[%add3A_81, %dma_wait3A] : memref<10000x128xf32, #tpu.memory_space<vmem_shared>> -> memref<40x128xf32, #tpu.memory_space<vmem_shared>>
        %dma_wait3A_126 = arith.constant 0 : i32
        %dma_wait3A_127 = tpu.memref_slice %arg8[%add3A_81, %dma_wait3A_126] : memref<10000x128xf32, #tpu.memory_space<vmem_shared>> -> memref<40x128xf32, #tpu.memory_space<vmem_shared>>
        tpu.wait_dma2 semaphore(%run_scoped3A : memref<!tpu.dma_semaphore, #tpu.memory_space<semaphore_mem>>) src(%arg7 : memref<40x128xf32, #tpu.memory_space<vmem>>) dst(%dma_wait3A_127 : memref<40x128xf32, #tpu.memory_space<vmem_shared>>)
        tpu.yield
      }) : () -> ()
      %mul3A_82 = arith.constant 1000 : i32
      %mul3A_83 = arith.muli %arg1, %mul3A_82 : i32
      %add3A_84 = arith.constant 600 : i32
      %add3A_85 = arith.addi %mul3A_83, %add3A_84 : i32
      "tpu.region"() ({
        %run_scoped3A = tpu.sem_alloc : memref<!tpu.dma_semaphore, #tpu.memory_space<semaphore_mem>>
        %dma_start3A = arith.constant 0 : i32
        %dma_start3A_122 = tpu.memref_slice %arg8[%add3A_85, %dma_start3A] : memref<10000x128xf32, #tpu.memory_space<vmem_shared>> -> memref<40x128xf32, #tpu.memory_space<vmem_shared>>
        %dma_start3A_123 = arith.constant 0 : i32
        %dma_start3A_124 = tpu.memref_slice %arg8[%add3A_85, %dma_start3A_123] : memref<10000x128xf32, #tpu.memory_space<vmem_shared>> -> memref<40x128xf32, #tpu.memory_space<vmem_shared>>
        tpu.enqueue_dma source(%arg7 : memref<40x128xf32, #tpu.memory_space<vmem>>) target(%dma_start3A_124 : memref<40x128xf32, #tpu.memory_space<vmem_shared>>) target_semaphore(%run_scoped3A : memref<!tpu.dma_semaphore, #tpu.memory_space<semaphore_mem>>)
        %dma_wait3A = arith.constant 0 : i32
        %dma_wait3A_125 = tpu.memref_slice %arg8[%add3A_85, %dma_wait3A] : memref<10000x128xf32, #tpu.memory_space<vmem_shared>> -> memref<40x128xf32, #tpu.memory_space<vmem_shared>>
        %dma_wait3A_126 = arith.constant 0 : i32
        %dma_wait3A_127 = tpu.memref_slice %arg8[%add3A_85, %dma_wait3A_126] : memref<10000x128xf32, #tpu.memory_space<vmem_shared>> -> memref<40x128xf32, #tpu.memory_space<vmem_shared>>
        tpu.wait_dma2 semaphore(%run_scoped3A : memref<!tpu.dma_semaphore, #tpu.memory_space<semaphore_mem>>) src(%arg7 : memref<40x128xf32, #tpu.memory_space<vmem>>) dst(%dma_wait3A_127 : memref<40x128xf32, #tpu.memory_space<vmem_shared>>)
        tpu.yield
      }) : () -> ()
      %mul3A_86 = arith.constant 1000 : i32
      %mul3A_87 = arith.muli %arg1, %mul3A_86 : i32
      %add3A_88 = arith.constant 640 : i32
      %add3A_89 = arith.addi %mul3A_87, %add3A_88 : i32
      "tpu.region"() ({
        %run_scoped3A = tpu.sem_alloc : memref<!tpu.dma_semaphore, #tpu.memory_space<semaphore_mem>>
        %dma_start3A = arith.constant 0 : i32
        %dma_start3A_122 = tpu.memref_slice %arg8[%add3A_89, %dma_start3A] : memref<10000x128xf32, #tpu.memory_space<vmem_shared>> -> memref<40x128xf32, #tpu.memory_space<vmem_shared>>
        %dma_start3A_123 = arith.constant 0 : i32
        %dma_start3A_124 = tpu.memref_slice %arg8[%add3A_89, %dma_start3A_123] : memref<10000x128xf32, #tpu.memory_space<vmem_shared>> -> memref<40x128xf32, #tpu.memory_space<vmem_shared>>
        tpu.enqueue_dma source(%arg7 : memref<40x128xf32, #tpu.memory_space<vmem>>) target(%dma_start3A_124 : memref<40x128xf32, #tpu.memory_space<vmem_shared>>) target_semaphore(%run_scoped3A : memref<!tpu.dma_semaphore, #tpu.memory_space<semaphore_mem>>)
        %dma_wait3A = arith.constant 0 : i32
        %dma_wait3A_125 = tpu.memref_slice %arg8[%add3A_89, %dma_wait3A] : memref<10000x128xf32, #tpu.memory_space<vmem_shared>> -> memref<40x128xf32, #tpu.memory_space<vmem_shared>>
        %dma_wait3A_126 = arith.constant 0 : i32
        %dma_wait3A_127 = tpu.memref_slice %arg8[%add3A_89, %dma_wait3A_126] : memref<10000x128xf32, #tpu.memory_space<vmem_shared>> -> memref<40x128xf32, #tpu.memory_space<vmem_shared>>
        tpu.wait_dma2 semaphore(%run_scoped3A : memref<!tpu.dma_semaphore, #tpu.memory_space<semaphore_mem>>) src(%arg7 : memref<40x128xf32, #tpu.memory_space<vmem>>) dst(%dma_wait3A_127 : memref<40x128xf32, #tpu.memory_space<vmem_shared>>)
        tpu.yield
      }) : () -> ()
      %mul3A_90 = arith.constant 1000 : i32
      %mul3A_91 = arith.muli %arg1, %mul3A_90 : i32
      %add3A_92 = arith.constant 680 : i32
      %add3A_93 = arith.addi %mul3A_91, %add3A_92 : i32
      "tpu.region"() ({
        %run_scoped3A = tpu.sem_alloc : memref<!tpu.dma_semaphore, #tpu.memory_space<semaphore_mem>>
        %dma_start3A = arith.constant 0 : i32
        %dma_start3A_122 = tpu.memref_slice %arg8[%add3A_93, %dma_start3A] : memref<10000x128xf32, #tpu.memory_space<vmem_shared>> -> memref<40x128xf32, #tpu.memory_space<vmem_shared>>
        %dma_start3A_123 = arith.constant 0 : i32
        %dma_start3A_124 = tpu.memref_slice %arg8[%add3A_93, %dma_start3A_123] : memref<10000x128xf32, #tpu.memory_space<vmem_shared>> -> memref<40x128xf32, #tpu.memory_space<vmem_shared>>
        tpu.enqueue_dma source(%arg7 : memref<40x128xf32, #tpu.memory_space<vmem>>) target(%dma_start3A_124 : memref<40x128xf32, #tpu.memory_space<vmem_shared>>) target_semaphore(%run_scoped3A : memref<!tpu.dma_semaphore, #tpu.memory_space<semaphore_mem>>)
        %dma_wait3A = arith.constant 0 : i32
        %dma_wait3A_125 = tpu.memref_slice %arg8[%add3A_93, %dma_wait3A] : memref<10000x128xf32, #tpu.memory_space<vmem_shared>> -> memref<40x128xf32, #tpu.memory_space<vmem_shared>>
        %dma_wait3A_126 = arith.constant 0 : i32
        %dma_wait3A_127 = tpu.memref_slice %arg8[%add3A_93, %dma_wait3A_126] : memref<10000x128xf32, #tpu.memory_space<vmem_shared>> -> memref<40x128xf32, #tpu.memory_space<vmem_shared>>
        tpu.wait_dma2 semaphore(%run_scoped3A : memref<!tpu.dma_semaphore, #tpu.memory_space<semaphore_mem>>) src(%arg7 : memref<40x128xf32, #tpu.memory_space<vmem>>) dst(%dma_wait3A_127 : memref<40x128xf32, #tpu.memory_space<vmem_shared>>)
        tpu.yield
      }) : () -> ()
      %mul3A_94 = arith.constant 1000 : i32
      %mul3A_95 = arith.muli %arg1, %mul3A_94 : i32
      %add3A_96 = arith.constant 720 : i32
      %add3A_97 = arith.addi %mul3A_95, %add3A_96 : i32
      "tpu.region"() ({
        %run_scoped3A = tpu.sem_alloc : memref<!tpu.dma_semaphore, #tpu.memory_space<semaphore_mem>>
        %dma_start3A = arith.constant 0 : i32
        %dma_start3A_122 = tpu.memref_slice %arg8[%add3A_97, %dma_start3A] : memref<10000x128xf32, #tpu.memory_space<vmem_shared>> -> memref<40x128xf32, #tpu.memory_space<vmem_shared>>
        %dma_start3A_123 = arith.constant 0 : i32
        %dma_start3A_124 = tpu.memref_slice %arg8[%add3A_97, %dma_start3A_123] : memref<10000x128xf32, #tpu.memory_space<vmem_shared>> -> memref<40x128xf32, #tpu.memory_space<vmem_shared>>
        tpu.enqueue_dma source(%arg7 : memref<40x128xf32, #tpu.memory_space<vmem>>) target(%dma_start3A_124 : memref<40x128xf32, #tpu.memory_space<vmem_shared>>) target_semaphore(%run_scoped3A : memref<!tpu.dma_semaphore, #tpu.memory_space<semaphore_mem>>)
        %dma_wait3A = arith.constant 0 : i32
        %dma_wait3A_125 = tpu.memref_slice %arg8[%add3A_97, %dma_wait3A] : memref<10000x128xf32, #tpu.memory_space<vmem_shared>> -> memref<40x128xf32, #tpu.memory_space<vmem_shared>>
        %dma_wait3A_126 = arith.constant 0 : i32
        %dma_wait3A_127 = tpu.memref_slice %arg8[%add3A_97, %dma_wait3A_126] : memref<10000x128xf32, #tpu.memory_space<vmem_shared>> -> memref<40x128xf32, #tpu.memory_space<vmem_shared>>
        tpu.wait_dma2 semaphore(%run_scoped3A : memref<!tpu.dma_semaphore, #tpu.memory_space<semaphore_mem>>) src(%arg7 : memref<40x128xf32, #tpu.memory_space<vmem>>) dst(%dma_wait3A_127 : memref<40x128xf32, #tpu.memory_space<vmem_shared>>)
        tpu.yield
      }) : () -> ()
      %mul3A_98 = arith.constant 1000 : i32
      %mul3A_99 = arith.muli %arg1, %mul3A_98 : i32
      %add3A_100 = arith.constant 760 : i32
      %add3A_101 = arith.addi %mul3A_99, %add3A_100 : i32
      "tpu.region"() ({
        %run_scoped3A = tpu.sem_alloc : memref<!tpu.dma_semaphore, #tpu.memory_space<semaphore_mem>>
        %dma_start3A = arith.constant 0 : i32
        %dma_start3A_122 = tpu.memref_slice %arg8[%add3A_101, %dma_start3A] : memref<10000x128xf32, #tpu.memory_space<vmem_shared>> -> memref<40x128xf32, #tpu.memory_space<vmem_shared>>
        %dma_start3A_123 = arith.constant 0 : i32
        %dma_start3A_124 = tpu.memref_slice %arg8[%add3A_101, %dma_start3A_123] : memref<10000x128xf32, #tpu.memory_space<vmem_shared>> -> memref<40x128xf32, #tpu.memory_space<vmem_shared>>
        tpu.enqueue_dma source(%arg7 : memref<40x128xf32, #tpu.memory_space<vmem>>) target(%dma_start3A_124 : memref<40x128xf32, #tpu.memory_space<vmem_shared>>) target_semaphore(%run_scoped3A : memref<!tpu.dma_semaphore, #tpu.memory_space<semaphore_mem>>)
        %dma_wait3A = arith.constant 0 : i32
        %dma_wait3A_125 = tpu.memref_slice %arg8[%add3A_101, %dma_wait3A] : memref<10000x128xf32, #tpu.memory_space<vmem_shared>> -> memref<40x128xf32, #tpu.memory_space<vmem_shared>>
        %dma_wait3A_126 = arith.constant 0 : i32
        %dma_wait3A_127 = tpu.memref_slice %arg8[%add3A_101, %dma_wait3A_126] : memref<10000x128xf32, #tpu.memory_space<vmem_shared>> -> memref<40x128xf32, #tpu.memory_space<vmem_shared>>
        tpu.wait_dma2 semaphore(%run_scoped3A : memref<!tpu.dma_semaphore, #tpu.memory_space<semaphore_mem>>) src(%arg7 : memref<40x128xf32, #tpu.memory_space<vmem>>) dst(%dma_wait3A_127 : memref<40x128xf32, #tpu.memory_space<vmem_shared>>)
        tpu.yield
      }) : () -> ()
      %mul3A_102 = arith.constant 1000 : i32
      %mul3A_103 = arith.muli %arg1, %mul3A_102 : i32
      %add3A_104 = arith.constant 800 : i32
      %add3A_105 = arith.addi %mul3A_103, %add3A_104 : i32
      "tpu.region"() ({
        %run_scoped3A = tpu.sem_alloc : memref<!tpu.dma_semaphore, #tpu.memory_space<semaphore_mem>>
        %dma_start3A = arith.constant 0 : i32
        %dma_start3A_122 = tpu.memref_slice %arg8[%add3A_105, %dma_start3A] : memref<10000x128xf32, #tpu.memory_space<vmem_shared>> -> memref<40x128xf32, #tpu.memory_space<vmem_shared>>
        %dma_start3A_123 = arith.constant 0 : i32
        %dma_start3A_124 = tpu.memref_slice %arg8[%add3A_105, %dma_start3A_123] : memref<10000x128xf32, #tpu.memory_space<vmem_shared>> -> memref<40x128xf32, #tpu.memory_space<vmem_shared>>
        tpu.enqueue_dma source(%arg7 : memref<40x128xf32, #tpu.memory_space<vmem>>) target(%dma_start3A_124 : memref<40x128xf32, #tpu.memory_space<vmem_shared>>) target_semaphore(%run_scoped3A : memref<!tpu.dma_semaphore, #tpu.memory_space<semaphore_mem>>)
        %dma_wait3A = arith.constant 0 : i32
        %dma_wait3A_125 = tpu.memref_slice %arg8[%add3A_105, %dma_wait3A] : memref<10000x128xf32, #tpu.memory_space<vmem_shared>> -> memref<40x128xf32, #tpu.memory_space<vmem_shared>>
        %dma_wait3A_126 = arith.constant 0 : i32
        %dma_wait3A_127 = tpu.memref_slice %arg8[%add3A_105, %dma_wait3A_126] : memref<10000x128xf32, #tpu.memory_space<vmem_shared>> -> memref<40x128xf32, #tpu.memory_space<vmem_shared>>
        tpu.wait_dma2 semaphore(%run_scoped3A : memref<!tpu.dma_semaphore, #tpu.memory_space<semaphore_mem>>) src(%arg7 : memref<40x128xf32, #tpu.memory_space<vmem>>) dst(%dma_wait3A_127 : memref<40x128xf32, #tpu.memory_space<vmem_shared>>)
        tpu.yield
      }) : () -> ()
      %mul3A_106 = arith.constant 1000 : i32
      %mul3A_107 = arith.muli %arg1, %mul3A_106 : i32
      %add3A_108 = arith.constant 840 : i32
      %add3A_109 = arith.addi %mul3A_107, %add3A_108 : i32
      "tpu.region"() ({
        %run_scoped3A = tpu.sem_alloc : memref<!tpu.dma_semaphore, #tpu.memory_space<semaphore_mem>>
        %dma_start3A = arith.constant 0 : i32
        %dma_start3A_122 = tpu.memref_slice %arg8[%add3A_109, %dma_start3A] : memref<10000x128xf32, #tpu.memory_space<vmem_shared>> -> memref<40x128xf32, #tpu.memory_space<vmem_shared>>
        %dma_start3A_123 = arith.constant 0 : i32
        %dma_start3A_124 = tpu.memref_slice %arg8[%add3A_109, %dma_start3A_123] : memref<10000x128xf32, #tpu.memory_space<vmem_shared>> -> memref<40x128xf32, #tpu.memory_space<vmem_shared>>
        tpu.enqueue_dma source(%arg7 : memref<40x128xf32, #tpu.memory_space<vmem>>) target(%dma_start3A_124 : memref<40x128xf32, #tpu.memory_space<vmem_shared>>) target_semaphore(%run_scoped3A : memref<!tpu.dma_semaphore, #tpu.memory_space<semaphore_mem>>)
        %dma_wait3A = arith.constant 0 : i32
        %dma_wait3A_125 = tpu.memref_slice %arg8[%add3A_109, %dma_wait3A] : memref<10000x128xf32, #tpu.memory_space<vmem_shared>> -> memref<40x128xf32, #tpu.memory_space<vmem_shared>>
        %dma_wait3A_126 = arith.constant 0 : i32
        %dma_wait3A_127 = tpu.memref_slice %arg8[%add3A_109, %dma_wait3A_126] : memref<10000x128xf32, #tpu.memory_space<vmem_shared>> -> memref<40x128xf32, #tpu.memory_space<vmem_shared>>
        tpu.wait_dma2 semaphore(%run_scoped3A : memref<!tpu.dma_semaphore, #tpu.memory_space<semaphore_mem>>) src(%arg7 : memref<40x128xf32, #tpu.memory_space<vmem>>) dst(%dma_wait3A_127 : memref<40x128xf32, #tpu.memory_space<vmem_shared>>)
        tpu.yield
      }) : () -> ()
      %mul3A_110 = arith.constant 1000 : i32
      %mul3A_111 = arith.muli %arg1, %mul3A_110 : i32
      %add3A_112 = arith.constant 880 : i32
      %add3A_113 = arith.addi %mul3A_111, %add3A_112 : i32
      "tpu.region"() ({
        %run_scoped3A = tpu.sem_alloc : memref<!tpu.dma_semaphore, #tpu.memory_space<semaphore_mem>>
        %dma_start3A = arith.constant 0 : i32
        %dma_start3A_122 = tpu.memref_slice %arg8[%add3A_113, %dma_start3A] : memref<10000x128xf32, #tpu.memory_space<vmem_shared>> -> memref<40x128xf32, #tpu.memory_space<vmem_shared>>
        %dma_start3A_123 = arith.constant 0 : i32
        %dma_start3A_124 = tpu.memref_slice %arg8[%add3A_113, %dma_start3A_123] : memref<10000x128xf32, #tpu.memory_space<vmem_shared>> -> memref<40x128xf32, #tpu.memory_space<vmem_shared>>
        tpu.enqueue_dma source(%arg7 : memref<40x128xf32, #tpu.memory_space<vmem>>) target(%dma_start3A_124 : memref<40x128xf32, #tpu.memory_space<vmem_shared>>) target_semaphore(%run_scoped3A : memref<!tpu.dma_semaphore, #tpu.memory_space<semaphore_mem>>)
        %dma_wait3A = arith.constant 0 : i32
        %dma_wait3A_125 = tpu.memref_slice %arg8[%add3A_113, %dma_wait3A] : memref<10000x128xf32, #tpu.memory_space<vmem_shared>> -> memref<40x128xf32, #tpu.memory_space<vmem_shared>>
        %dma_wait3A_126 = arith.constant 0 : i32
        %dma_wait3A_127 = tpu.memref_slice %arg8[%add3A_113, %dma_wait3A_126] : memref<10000x128xf32, #tpu.memory_space<vmem_shared>> -> memref<40x128xf32, #tpu.memory_space<vmem_shared>>
        tpu.wait_dma2 semaphore(%run_scoped3A : memref<!tpu.dma_semaphore, #tpu.memory_space<semaphore_mem>>) src(%arg7 : memref<40x128xf32, #tpu.memory_space<vmem>>) dst(%dma_wait3A_127 : memref<40x128xf32, #tpu.memory_space<vmem_shared>>)
        tpu.yield
      }) : () -> ()
      %mul3A_114 = arith.constant 1000 : i32
      %mul3A_115 = arith.muli %arg1, %mul3A_114 : i32
      %add3A_116 = arith.constant 920 : i32
      %add3A_117 = arith.addi %mul3A_115, %add3A_116 : i32
      "tpu.region"() ({
        %run_scoped3A = tpu.sem_alloc : memref<!tpu.dma_semaphore, #tpu.memory_space<semaphore_mem>>
        %dma_start3A = arith.constant 0 : i32
        %dma_start3A_122 = tpu.memref_slice %arg8[%add3A_117, %dma_start3A] : memref<10000x128xf32, #tpu.memory_space<vmem_shared>> -> memref<40x128xf32, #tpu.memory_space<vmem_shared>>
        %dma_start3A_123 = arith.constant 0 : i32
        %dma_start3A_124 = tpu.memref_slice %arg8[%add3A_117, %dma_start3A_123] : memref<10000x128xf32, #tpu.memory_space<vmem_shared>> -> memref<40x128xf32, #tpu.memory_space<vmem_shared>>
        tpu.enqueue_dma source(%arg7 : memref<40x128xf32, #tpu.memory_space<vmem>>) target(%dma_start3A_124 : memref<40x128xf32, #tpu.memory_space<vmem_shared>>) target_semaphore(%run_scoped3A : memref<!tpu.dma_semaphore, #tpu.memory_space<semaphore_mem>>)
        %dma_wait3A = arith.constant 0 : i32
        %dma_wait3A_125 = tpu.memref_slice %arg8[%add3A_117, %dma_wait3A] : memref<10000x128xf32, #tpu.memory_space<vmem_shared>> -> memref<40x128xf32, #tpu.memory_space<vmem_shared>>
        %dma_wait3A_126 = arith.constant 0 : i32
        %dma_wait3A_127 = tpu.memref_slice %arg8[%add3A_117, %dma_wait3A_126] : memref<10000x128xf32, #tpu.memory_space<vmem_shared>> -> memref<40x128xf32, #tpu.memory_space<vmem_shared>>
        tpu.wait_dma2 semaphore(%run_scoped3A : memref<!tpu.dma_semaphore, #tpu.memory_space<semaphore_mem>>) src(%arg7 : memref<40x128xf32, #tpu.memory_space<vmem>>) dst(%dma_wait3A_127 : memref<40x128xf32, #tpu.memory_space<vmem_shared>>)
        tpu.yield
      }) : () -> ()
      %mul3A_118 = arith.constant 1000 : i32
      %mul3A_119 = arith.muli %arg1, %mul3A_118 : i32
      %add3A_120 = arith.constant 960 : i32
      %add3A_121 = arith.addi %mul3A_119, %add3A_120 : i32
      "tpu.region"() ({
        %run_scoped3A = tpu.sem_alloc : memref<!tpu.dma_semaphore, #tpu.memory_space<semaphore_mem>>
        %dma_start3A = arith.constant 0 : i32
        %dma_start3A_122 = tpu.memref_slice %arg8[%add3A_121, %dma_start3A] : memref<10000x128xf32, #tpu.memory_space<vmem_shared>> -> memref<40x128xf32, #tpu.memory_space<vmem_shared>>
        %dma_start3A_123 = arith.constant 0 : i32
        %dma_start3A_124 = tpu.memref_slice %arg8[%add3A_121, %dma_start3A_123] : memref<10000x128xf32, #tpu.memory_space<vmem_shared>> -> memref<40x128xf32, #tpu.memory_space<vmem_shared>>
        tpu.enqueue_dma source(%arg7 : memref<40x128xf32, #tpu.memory_space<vmem>>) target(%dma_start3A_124 : memref<40x128xf32, #tpu.memory_space<vmem_shared>>) target_semaphore(%run_scoped3A : memref<!tpu.dma_semaphore, #tpu.memory_space<semaphore_mem>>)
        %dma_wait3A = arith.constant 0 : i32
        %dma_wait3A_125 = tpu.memref_slice %arg8[%add3A_121, %dma_wait3A] : memref<10000x128xf32, #tpu.memory_space<vmem_shared>> -> memref<40x128xf32, #tpu.memory_space<vmem_shared>>
        %dma_wait3A_126 = arith.constant 0 : i32
        %dma_wait3A_127 = tpu.memref_slice %arg8[%add3A_121, %dma_wait3A_126] : memref<10000x128xf32, #tpu.memory_space<vmem_shared>> -> memref<40x128xf32, #tpu.memory_space<vmem_shared>>
        tpu.wait_dma2 semaphore(%run_scoped3A : memref<!tpu.dma_semaphore, #tpu.memory_space<semaphore_mem>>) src(%arg7 : memref<40x128xf32, #tpu.memory_space<vmem>>) dst(%dma_wait3A_127 : memref<40x128xf32, #tpu.memory_space<vmem_shared>>)
        tpu.yield
      }) : () -> ()
    } else {
    }
    %barrier3A = arith.constant 0 : index
    tpu.barrier barrier_id(%barrier3A)
    "tpu.region"() ({
      %run_scoped3A = tpu.sem_alloc : memref<!tpu.dma_semaphore, #tpu.memory_space<semaphore_mem>>
      %dma_start3A = arith.constant 0 : i32
      %dma_start3A_22 = arith.constant 0 : i32
      %dma_start3A_23 = tpu.memref_slice %arg3[%add3A, %dma_start3A, %dma_start3A_22] : memref<32x125x80xi32, #tpu.memory_space<hbm>> -> memref<1x125x80xi32, #tpu.memory_space<hbm>>
      %dma_start3A_24 = tpu.memref_squeeze %dma_start3A_23 : memref<1x125x80xi32, #tpu.memory_space<hbm>> -> memref<125x80xi32, #tpu.memory_space<hbm>>
      %dma_start3A_25 = arith.constant 0 : i32
      %dma_start3A_26 = arith.constant 0 : i32
      %dma_start3A_27 = tpu.memref_slice %arg3[%add3A, %dma_start3A_25, %dma_start3A_26] : memref<32x125x80xi32, #tpu.memory_space<hbm>> -> memref<1x125x80xi32, #tpu.memory_space<hbm>>
      %dma_start3A_28 = tpu.memref_squeeze %dma_start3A_27 : memref<1x125x80xi32, #tpu.memory_space<hbm>> -> memref<125x80xi32, #tpu.memory_space<hbm>>
      tpu.enqueue_dma source(%dma_start3A_28 : memref<125x80xi32, #tpu.memory_space<hbm>>) target(%arg5 : memref<125x80xi32, #tpu.memory_space<vmem>>) target_semaphore(%run_scoped3A : memref<!tpu.dma_semaphore, #tpu.memory_space<semaphore_mem>>)
      %dma_wait3A = arith.constant 0 : i32
      %dma_wait3A_29 = arith.constant 0 : i32
      %dma_wait3A_30 = tpu.memref_slice %arg3[%add3A, %dma_wait3A, %dma_wait3A_29] : memref<32x125x80xi32, #tpu.memory_space<hbm>> -> memref<1x125x80xi32, #tpu.memory_space<hbm>>
      %dma_wait3A_31 = tpu.memref_squeeze %dma_wait3A_30 : memref<1x125x80xi32, #tpu.memory_space<hbm>> -> memref<125x80xi32, #tpu.memory_space<hbm>>
      %dma_wait3A_32 = arith.constant 0 : i32
      %dma_wait3A_33 = arith.constant 0 : i32
      %dma_wait3A_34 = tpu.memref_slice %arg3[%add3A, %dma_wait3A_32, %dma_wait3A_33] : memref<32x125x80xi32, #tpu.memory_space<hbm>> -> memref<1x125x80xi32, #tpu.memory_space<hbm>>
      %dma_wait3A_35 = tpu.memref_squeeze %dma_wait3A_34 : memref<1x125x80xi32, #tpu.memory_space<hbm>> -> memref<125x80xi32, #tpu.memory_space<hbm>>
      tpu.wait_dma2 semaphore(%run_scoped3A : memref<!tpu.dma_semaphore, #tpu.memory_space<semaphore_mem>>) src(%dma_wait3A_35 : memref<125x80xi32, #tpu.memory_space<hbm>>) dst(%arg5 : memref<125x80xi32, #tpu.memory_space<vmem>>)
      tpu.yield
    }) : () -> ()
    %scan3A_9 = arith.constant 0 : i32
    %scan3A_10 = arith.constant 0 : i32
    %scan3A_11 = arith.constant 125 : i32
    %scan3A_12 = arith.addi %scan3A_10, %scan3A_11 : i32
    %scan3A_13 = arith.constant 1 : i32
    %scan3A_14 = scf.for %scan3A_22 = %scan3A_10 to %scan3A_12 step %scan3A_13 iter_args(%scan3A_23 = %scan3A_9) -> (i32)  : i32 {
      %mul3A_24 = arith.constant 10000 : i32
      %mul3A_25 = arith.muli %add3A, %mul3A_24 : i32
      %mul3A_26 = arith.constant 80 : i32
      %mul3A_27 = arith.muli %scan3A_22, %mul3A_26 : i32
      %add3A_28 = arith.addi %mul3A_25, %mul3A_27 : i32
      "tpu.region"() ({
        %run_scoped3A = tpu.sem_alloc : memref<!tpu.dma_semaphore, #tpu.memory_space<semaphore_mem>>
        %dma_start3A = arith.constant 0 : i32
        %dma_start3A_30 = tpu.memref_slice %arg2[%add3A_28, %dma_start3A] : memref<320000x128xf32, #tpu.memory_space<hbm>> -> memref<80x128xf32, #tpu.memory_space<hbm>>
        %dma_start3A_31 = arith.constant 0 : i32
        %dma_start3A_32 = tpu.memref_slice %arg2[%add3A_28, %dma_start3A_31] : memref<320000x128xf32, #tpu.memory_space<hbm>> -> memref<80x128xf32, #tpu.memory_space<hbm>>
        tpu.enqueue_dma source(%dma_start3A_32 : memref<80x128xf32, #tpu.memory_space<hbm>>) target(%arg6 : memref<80x128xf32, #tpu.memory_space<vmem>>) target_semaphore(%run_scoped3A : memref<!tpu.dma_semaphore, #tpu.memory_space<semaphore_mem>>)
        %dma_wait3A = arith.constant 0 : i32
        %dma_wait3A_33 = tpu.memref_slice %arg2[%add3A_28, %dma_wait3A] : memref<320000x128xf32, #tpu.memory_space<hbm>> -> memref<80x128xf32, #tpu.memory_space<hbm>>
        %dma_wait3A_34 = arith.constant 0 : i32
        %dma_wait3A_35 = tpu.memref_slice %arg2[%add3A_28, %dma_wait3A_34] : memref<320000x128xf32, #tpu.memory_space<hbm>> -> memref<80x128xf32, #tpu.memory_space<hbm>>
        tpu.wait_dma2 semaphore(%run_scoped3A : memref<!tpu.dma_semaphore, #tpu.memory_space<semaphore_mem>>) src(%dma_wait3A_35 : memref<80x128xf32, #tpu.memory_space<hbm>>) dst(%arg6 : memref<80x128xf32, #tpu.memory_space<vmem>>)
        tpu.yield
      }) : () -> ()
      "tpu.region"() ({
        %run_scoped3A = tpu.sem_alloc : memref<!tpu.dma_semaphore, #tpu.memory_space<semaphore_mem>>
        %dma_start3A = arith.constant 0 : i32
        %dma_start3A_30 = tpu.memref_slice %arg5[%scan3A_22, %dma_start3A] : memref<125x80xi32, #tpu.memory_space<vmem>> -> memref<1x80xi32, #tpu.memory_space<vmem>>
        %dma_start3A_31 = tpu.memref_squeeze %dma_start3A_30 : memref<1x80xi32, #tpu.memory_space<vmem>> -> memref<80xi32, #tpu.memory_space<vmem>>
        %dma_start3A_32 = arith.constant 0 : i32
        %dma_start3A_33 = arith.constant 0 : i32
        %dma_start3A_34 = tpu.memref_slice %arg8[%dma_start3A_32, %dma_start3A_33] : memref<10000x128xf32, #tpu.memory_space<vmem_shared>> -> memref<10000x128xf32, #tpu.memory_space<vmem_shared>>
        tpu.enqueue_indirect_dma source(%arg6 : memref<80x128xf32, #tpu.memory_space<vmem>>) target(%dma_start3A_34 : memref<10000x128xf32, #tpu.memory_space<vmem_shared>>) offsets(%dma_start3A_31 : memref<80xi32, #tpu.memory_space<vmem>>) semaphore(%run_scoped3A : memref<!tpu.dma_semaphore, #tpu.memory_space<semaphore_mem>>) {add = true}
        %dma_wait3A = arith.constant 0 : i32
        %dma_wait3A_35 = tpu.memref_slice %arg5[%scan3A_22, %dma_wait3A] : memref<125x80xi32, #tpu.memory_space<vmem>> -> memref<1x80xi32, #tpu.memory_space<vmem>>
        %dma_wait3A_36 = tpu.memref_squeeze %dma_wait3A_35 : memref<1x80xi32, #tpu.memory_space<vmem>> -> memref<80xi32, #tpu.memory_space<vmem>>
        %dma_wait3A_37 = arith.constant 0 : i32
        %dma_wait3A_38 = arith.constant 0 : i32
        %dma_wait3A_39 = tpu.memref_slice %arg8[%dma_wait3A_37, %dma_wait3A_38] : memref<10000x128xf32, #tpu.memory_space<vmem_shared>> -> memref<10000x128xf32, #tpu.memory_space<vmem_shared>>
        tpu.wait_indirect_dma semaphore(%run_scoped3A : memref<!tpu.dma_semaphore, #tpu.memory_space<semaphore_mem>>) src(%arg6 : memref<80x128xf32, #tpu.memory_space<vmem>>) dst(%dma_wait3A_39 : memref<10000x128xf32, #tpu.memory_space<vmem_shared>>)
        tpu.yield
      }) : () -> ()
      %scan3A_29 = arith.constant 0 : i32
      scf.yield %scan3A_29 : i32
    }
    %scan3A_15 = arith.constant 125 : i32
    %barrier3A_16 = arith.constant 0 : index
    tpu.barrier barrier_id(%barrier3A_16)
    %lt3A_17 = arith.constant 10 : i32
    %lt3A_18 = arith.cmpi slt, %arg1, %lt3A_17 : i32
    %convert_element_type3A_19 = arith.extui %lt3A_18 : i1 to i32
    %cond3A_20 = arith.constant 0 : i32
    %cond3A_21 = arith.cmpi ne, %convert_element_type3A_19, %cond3A_20 : i32
    scf.if %cond3A_21 {
      %mul3A_22 = arith.constant 1000 : i32
      %mul3A_23 = arith.muli %arg1, %mul3A_22 : i32
      %mul3A_24 = arith.constant 1000 : i32
      %mul3A_25 = arith.muli %arg1, %mul3A_24 : i32
      "tpu.region"() ({
        %run_scoped3A = tpu.sem_alloc : memref<!tpu.dma_semaphore, #tpu.memory_space<semaphore_mem>>
        %dma_start3A = arith.constant 0 : i32
        %dma_start3A_26 = tpu.memref_slice %arg4[%arg0, %mul3A_25, %dma_start3A] : memref<2x10000x128xf32, #tpu.memory_space<hbm>> -> memref<1x1000x128xf32, #tpu.memory_space<hbm>>
        %dma_start3A_27 = tpu.memref_squeeze %dma_start3A_26 : memref<1x1000x128xf32, #tpu.memory_space<hbm>> -> memref<1000x128xf32, #tpu.memory_space<hbm>>
        %dma_start3A_28 = arith.constant 0 : i32
        %dma_start3A_29 = tpu.memref_slice %arg8[%mul3A_23, %dma_start3A_28] : memref<10000x128xf32, #tpu.memory_space<vmem_shared>> -> memref<1000x128xf32, #tpu.memory_space<vmem_shared>>
        tpu.enqueue_dma source(%dma_start3A_29 : memref<1000x128xf32, #tpu.memory_space<vmem_shared>>) target(%dma_start3A_27 : memref<1000x128xf32, #tpu.memory_space<hbm>>) target_semaphore(%run_scoped3A : memref<!tpu.dma_semaphore, #tpu.memory_space<semaphore_mem>>)
        %dma_wait3A = arith.constant 0 : i32
        %dma_wait3A_30 = tpu.memref_slice %arg4[%arg0, %mul3A_25, %dma_wait3A] : memref<2x10000x128xf32, #tpu.memory_space<hbm>> -> memref<1x1000x128xf32, #tpu.memory_space<hbm>>
        %dma_wait3A_31 = tpu.memref_squeeze %dma_wait3A_30 : memref<1x1000x128xf32, #tpu.memory_space<hbm>> -> memref<1000x128xf32, #tpu.memory_space<hbm>>
        %dma_wait3A_32 = arith.constant 0 : i32
        %dma_wait3A_33 = tpu.memref_slice %arg8[%mul3A_23, %dma_wait3A_32] : memref<10000x128xf32, #tpu.memory_space<vmem_shared>> -> memref<1000x128xf32, #tpu.memory_space<vmem_shared>>
        tpu.wait_dma2 semaphore(%run_scoped3A : memref<!tpu.dma_semaphore, #tpu.memory_space<semaphore_mem>>) src(%dma_wait3A_33 : memref<1000x128xf32, #tpu.memory_space<vmem_shared>>) dst(%dma_wait3A_31 : memref<1000x128xf32, #tpu.memory_space<hbm>>)
        tpu.yield
      }) : () -> ()
    } else {
    }
    return
  }
}

module attributes {stable_mosaic.version = 14 : i64} {
  func.func @_tables_body(%arg0: i32, %arg1: memref<1000x128xf32, #tpu.memory_space<vmem>>, %arg2: memref<128x256xf32, #tpu.memory_space<vmem>>, %arg3: memref<128x256xf32, #tpu.memory_space<vmem>>, %arg4: memref<1x256xf32, #tpu.memory_space<vmem>>, %arg5: memref<1000x256xf32, #tpu.memory_space<vmem>>, %arg6: memref<1000x256xf32, #tpu.memory_space<vmem>>) attributes {dimension_semantics = [#tpu.dimension_semantics<arbitrary>], iteration_bounds = array<i64: 10>, scalar_prefetch = 0 : i64, scratch_operands = 0 : i64, tpu.core_type = #tpu.core_type<tc>, window_params = [{transform_indices = @transform_0, window_bounds = array<i64: 1000, 128>}, {pipeline_mode = #tpu.pipeline_mode<synchronous>, transform_indices = @transform_1, window_bounds = array<i64: 128, 256>}, {pipeline_mode = #tpu.pipeline_mode<synchronous>, transform_indices = @transform_2, window_bounds = array<i64: 128, 256>}, {pipeline_mode = #tpu.pipeline_mode<synchronous>, transform_indices = @transform_3, window_bounds = array<i64: 1, 256>}, {transform_indices = @transform_4, window_bounds = array<i64: 1000, 256>}, {transform_indices = @transform_5, window_bounds = array<i64: 1000, 256>}]} {
    %get3A = arith.constant 0 : index
    %get3A_0 = arith.constant 0 : index
    %get3A_1 = vector.load %arg1[%get3A, %get3A_0] : memref<1000x128xf32, #tpu.memory_space<vmem>>, vector<1000x128xf32>
    %convert_element_type3A = arith.truncf %get3A_1 : vector<1000x128xf32> to vector<1000x128xbf16>
    %get3A_2 = arith.constant 0 : index
    %get3A_3 = arith.constant 0 : index
    %get3A_4 = vector.load %arg2[%get3A_2, %get3A_3] : memref<128x256xf32, #tpu.memory_space<vmem>>, vector<128x256xf32>
    %convert_element_type3A_5 = arith.truncf %get3A_4 : vector<128x256xf32> to vector<128x256xbf16>
    %dot_general3A = arith.constant dense<0.000000e+00> : vector<1000x256xf32>
    %dot_general3A_6 = tpu.matmul %convert_element_type3A, %convert_element_type3A_5, %dot_general3A {dimension_numbers = #tpu.dot_dimension_numbers<[1], [0], [0], [1], [0, 0, 1, 1], [], []>, transpose_lhs_hint = false} : vector<1000x128xbf16>, vector<128x256xbf16>, vector<1000x256xf32> -> vector<1000x256xf32>
    %get3A_7 = arith.constant 0 : index
    %get3A_8 = arith.constant 0 : index
    %get3A_9 = vector.load %arg4[%get3A_7, %get3A_8] : memref<1x256xf32, #tpu.memory_space<vmem>>, vector<1x256xf32>
    %add3A = vector.broadcast %get3A_9 : vector<1x256xf32> to vector<1000x256xf32>
    %add3A_10 = arith.addf %dot_general3A_6, %add3A : vector<1000x256xf32>
    %swap3A = arith.constant 0 : index
    %swap3A_11 = arith.constant 0 : index
    %swap3A_12 = vector.load %arg5[%swap3A, %swap3A_11] : memref<1000x256xf32, #tpu.memory_space<vmem>>, vector<1000x256xf32>
    tpu.vector_store %arg5[%swap3A, %swap3A_11], %add3A_10 {strides = array<i32>} : memref<1000x256xf32, #tpu.memory_space<vmem>>, vector<1000x256xf32>,
    %get3A_13 = arith.constant 0 : index
    %get3A_14 = arith.constant 0 : index
    %get3A_15 = vector.load %arg3[%get3A_13, %get3A_14] : memref<128x256xf32, #tpu.memory_space<vmem>>, vector<128x256xf32>
    %convert_element_type3A_16 = arith.truncf %get3A_15 : vector<128x256xf32> to vector<128x256xbf16>
    %dot_general3A_17 = arith.constant dense<0.000000e+00> : vector<1000x256xf32>
    %dot_general3A_18 = tpu.matmul %convert_element_type3A, %convert_element_type3A_16, %dot_general3A_17 {dimension_numbers = #tpu.dot_dimension_numbers<[1], [0], [0], [1], [0, 0, 1, 1], [], []>, transpose_lhs_hint = false} : vector<1000x128xbf16>, vector<128x256xbf16>, vector<1000x256xf32> -> vector<1000x256xf32>
    %swap3A_19 = arith.constant 0 : index
    %swap3A_20 = arith.constant 0 : index
    %swap3A_21 = vector.load %arg6[%swap3A_19, %swap3A_20] : memref<1000x256xf32, #tpu.memory_space<vmem>>, vector<1000x256xf32>
    tpu.vector_store %arg6[%swap3A_19, %swap3A_20], %dot_general3A_18 {strides = array<i32>} : memref<1000x256xf32, #tpu.memory_space<vmem>>, vector<1000x256xf32>,
    return
  }
  func.func @transform_0(%arg0: i32) -> (i32, i32) {
    %c0_i32 = arith.constant 0 : i32
    %c0_i32_0 = arith.constant 0 : i32
    return %arg0, %c0_i32 : i32, i32
  }
  func.func @transform_1(%arg0: i32) -> (i32, i32) {
    %c0_i32 = arith.constant 0 : i32
    %c0_i32_0 = arith.constant 0 : i32
    %c0_i32_1 = arith.constant 0 : i32
    return %c0_i32, %c0_i32_0 : i32, i32
  }
  func.func @transform_2(%arg0: i32) -> (i32, i32) {
    %c0_i32 = arith.constant 0 : i32
    %c0_i32_0 = arith.constant 0 : i32
    %c0_i32_1 = arith.constant 0 : i32
    return %c0_i32, %c0_i32_0 : i32, i32
  }
  func.func @transform_3(%arg0: i32) -> (i32, i32) {
    %c0_i32 = arith.constant 0 : i32
    %c0_i32_0 = arith.constant 0 : i32
    %c0_i32_1 = arith.constant 0 : i32
    return %c0_i32, %c0_i32_0 : i32, i32
  }
  func.func @transform_4(%arg0: i32) -> (i32, i32) {
    %c0_i32 = arith.constant 0 : i32
    %c0_i32_0 = arith.constant 0 : i32
    return %arg0, %c0_i32 : i32, i32
  }
  func.func @transform_5(%arg0: i32) -> (i32, i32) {
    %c0_i32 = arith.constant 0 : i32
    %c0_i32_0 = arith.constant 0 : i32
    return %arg0, %c0_i32 : i32, i32
  }
}

module attributes {stable_mosaic.version = 14 : i64} {
  func.func @_zz_body(%arg0: i32, %arg1: memref<4000x256xf32, #tpu.memory_space<vmem>>, %arg2: memref<4000x16xf32, #tpu.memory_space<vmem>>, %arg3: memref<16x256xf32, #tpu.memory_space<vmem>>, %arg4: memref<4000x256xf32, #tpu.memory_space<vmem>>) attributes {dimension_semantics = [#tpu.dimension_semantics<arbitrary>], iteration_bounds = array<i64: 80>, scalar_prefetch = 0 : i64, scratch_operands = 0 : i64, tpu.core_type = #tpu.core_type<tc>, window_params = [{transform_indices = @transform_0, window_bounds = array<i64: 4000, 256>}, {transform_indices = @transform_1, window_bounds = array<i64: 4000, 16>}, {pipeline_mode = #tpu.pipeline_mode<synchronous>, transform_indices = @transform_2, window_bounds = array<i64: 16, 256>}, {transform_indices = @transform_3, window_bounds = array<i64: 4000, 256>}]} {
    %get3A = arith.constant 0 : index
    %get3A_0 = arith.constant 0 : index
    %get3A_1 = vector.load %arg2[%get3A, %get3A_0] : memref<4000x16xf32, #tpu.memory_space<vmem>>, vector<4000x16xf32>
    %convert_element_type3A = arith.truncf %get3A_1 : vector<4000x16xf32> to vector<4000x16xbf16>
    %get3A_2 = arith.constant 0 : index
    %get3A_3 = arith.constant 0 : index
    %get3A_4 = vector.load %arg3[%get3A_2, %get3A_3] : memref<16x256xf32, #tpu.memory_space<vmem>>, vector<16x256xf32>
    %convert_element_type3A_5 = arith.truncf %get3A_4 : vector<16x256xf32> to vector<16x256xbf16>
    %dot_general3A = arith.constant dense<0.000000e+00> : vector<4000x256xf32>
    %dot_general3A_6 = tpu.matmul %convert_element_type3A, %convert_element_type3A_5, %dot_general3A {dimension_numbers = #tpu.dot_dimension_numbers<[1], [0], [0], [1], [0, 0, 1, 1], [], []>, transpose_lhs_hint = false} : vector<4000x16xbf16>, vector<16x256xbf16>, vector<4000x256xf32> -> vector<4000x256xf32>
    %get3A_7 = arith.constant 0 : index
    %get3A_8 = arith.constant 0 : index
    %get3A_9 = vector.load %arg1[%get3A_7, %get3A_8] : memref<4000x256xf32, #tpu.memory_space<vmem>>, vector<4000x256xf32>
    %add3A = arith.addf %get3A_9, %dot_general3A_6 : vector<4000x256xf32>
    %swap3A = arith.constant 0 : index
    %swap3A_10 = arith.constant 0 : index
    %swap3A_11 = vector.load %arg4[%swap3A, %swap3A_10] : memref<4000x256xf32, #tpu.memory_space<vmem>>, vector<4000x256xf32>
    tpu.vector_store %arg4[%swap3A, %swap3A_10], %add3A {strides = array<i32>} : memref<4000x256xf32, #tpu.memory_space<vmem>>, vector<4000x256xf32>,
    return
  }
  func.func @transform_0(%arg0: i32) -> (i32, i32) {
    %c0_i32 = arith.constant 0 : i32
    %c0_i32_0 = arith.constant 0 : i32
    return %arg0, %c0_i32 : i32, i32
  }
  func.func @transform_1(%arg0: i32) -> (i32, i32) {
    %c0_i32 = arith.constant 0 : i32
    %c0_i32_0 = arith.constant 0 : i32
    return %arg0, %c0_i32 : i32, i32
  }
  func.func @transform_2(%arg0: i32) -> (i32, i32) {
    %c0_i32 = arith.constant 0 : i32
    %c0_i32_0 = arith.constant 0 : i32
    %c0_i32_1 = arith.constant 0 : i32
    return %c0_i32, %c0_i32_0 : i32, i32
  }
  func.func @transform_3(%arg0: i32) -> (i32, i32) {
    %c0_i32 = arith.constant 0 : i32
    %c0_i32_0 = arith.constant 0 : i32
    return %arg0, %c0_i32 : i32, i32
  }
}

module attributes {stable_mosaic.version = 14 : i64} {
  func.func @_head1_body(%arg0: memref<10000x128xf32, #tpu.memory_space<vmem>>, %arg1: memref<128x128xf32, #tpu.memory_space<vmem>>, %arg2: memref<1x128xf32, #tpu.memory_space<vmem>>, %arg3: memref<10000x128xf32, #tpu.memory_space<vmem>>) attributes {dimension_semantics = [], scalar_prefetch = 0 : i64, scratch_operands = 0 : i64, tpu.core_type = #tpu.core_type<tc>} {
    %get3A = arith.constant 0 : index
    %get3A_0 = arith.constant 0 : index
    %get3A_1 = vector.load %arg0[%get3A, %get3A_0] : memref<10000x128xf32, #tpu.memory_space<vmem>>, vector<10000x128xf32>
    %convert_element_type3A = arith.truncf %get3A_1 : vector<10000x128xf32> to vector<10000x128xbf16>
    %get3A_2 = arith.constant 0 : index
    %get3A_3 = arith.constant 0 : index
    %get3A_4 = vector.load %arg1[%get3A_2, %get3A_3] : memref<128x128xf32, #tpu.memory_space<vmem>>, vector<128x128xf32>
    %convert_element_type3A_5 = arith.truncf %get3A_4 : vector<128x128xf32> to vector<128x128xbf16>
    %dot_general3A = arith.constant dense<0.000000e+00> : vector<10000x128xf32>
    %dot_general3A_6 = tpu.matmul %convert_element_type3A, %convert_element_type3A_5, %dot_general3A {dimension_numbers = #tpu.dot_dimension_numbers<[1], [0], [0], [1], [0, 0, 1, 1], [], []>, transpose_lhs_hint = false} : vector<10000x128xbf16>, vector<128x128xbf16>, vector<10000x128xf32> -> vector<10000x128xf32>
    %get3A_7 = arith.constant 0 : index
    %get3A_8 = arith.constant 0 : index
    %get3A_9 = vector.load %arg2[%get3A_7, %get3A_8] : memref<1x128xf32, #tpu.memory_space<vmem>>, vector<1x128xf32>
    %add3A = vector.broadcast %get3A_9 : vector<1x128xf32> to vector<10000x128xf32>
    %add3A_10 = arith.addf %dot_general3A_6, %add3A : vector<10000x128xf32>
    %swap3A = arith.constant 0 : index
    %swap3A_11 = arith.constant 0 : index
    %swap3A_12 = vector.load %arg3[%swap3A, %swap3A_11] : memref<10000x128xf32, #tpu.memory_space<vmem>>, vector<10000x128xf32>
    tpu.vector_store %arg3[%swap3A, %swap3A_11], %add3A_10 {strides = array<i32>} : memref<10000x128xf32, #tpu.memory_space<vmem>>, vector<10000x128xf32>,
    return
  }
}

module attributes {stable_mosaic.version = 14 : i64} {
  func.func @_head2_body(%arg0: memref<10000x128xf32, #tpu.memory_space<vmem>>, %arg1: memref<10000x1xi32, #tpu.memory_space<vmem>>, %arg2: memref<128x1xf32, #tpu.memory_space<vmem>>, %arg3: memref<1x1xf32, #tpu.memory_space<vmem>>, %arg4: memref<64x1xf32, #tpu.memory_space<vmem>>) attributes {dimension_semantics = [], scalar_prefetch = 0 : i64, scratch_operands = 0 : i64, tpu.core_type = #tpu.core_type<tc>} {
    %get3A = arith.constant 0 : index
    %get3A_0 = arith.constant 0 : index
    %get3A_1 = vector.load %arg1[%get3A, %get3A_0] : memref<10000x1xi32, #tpu.memory_space<vmem>>, vector<10000x1xi32>
    %iota3A = tpu.iota {dimensions = array<i32: 1>} : vector<10000x64xi32>
    %eq3A = vector.broadcast %get3A_1 : vector<10000x1xi32> to vector<10000x64xi32>
    %eq3A_2 = arith.cmpi eq, %eq3A, %iota3A : vector<10000x64xi32>
    %convert_element_type3A = arith.extui %eq3A_2 : vector<10000x64xi1> to vector<10000x64xi32>
    %convert_element_type3A_3 = arith.sitofp %convert_element_type3A : vector<10000x64xi32> to vector<10000x64xf32>
    %get3A_4 = arith.constant 0 : index
    %get3A_5 = arith.constant 0 : index
    %get3A_6 = vector.load %arg0[%get3A_4, %get3A_5] : memref<10000x128xf32, #tpu.memory_space<vmem>>, vector<10000x128xf32>
    %dot_general3A = arith.constant dense<0.000000e+00> : vector<64x128xf32>
    %dot_general3A_7 = tpu.matmul %convert_element_type3A_3, %get3A_6, %dot_general3A {dimension_numbers = #tpu.dot_dimension_numbers<[0], [0], [1], [1], [0, 1, 1, 1], [], []>, precision = #tpu.contract_precision<fp32>, transpose_lhs_hint = false} : vector<10000x64xf32>, vector<10000x128xf32>, vector<64x128xf32> -> vector<64x128xf32>
    %convert_element_type3A_8 = arith.truncf %dot_general3A_7 : vector<64x128xf32> to vector<64x128xbf16>
    %get3A_9 = arith.constant 0 : index
    %get3A_10 = arith.constant 0 : index
    %get3A_11 = vector.load %arg2[%get3A_9, %get3A_10] : memref<128x1xf32, #tpu.memory_space<vmem>>, vector<128x1xf32>
    %convert_element_type3A_12 = arith.truncf %get3A_11 : vector<128x1xf32> to vector<128x1xbf16>
    %dot_general3A_13 = arith.constant dense<0.000000e+00> : vector<64x1xf32>
    %dot_general3A_14 = tpu.matmul %convert_element_type3A_8, %convert_element_type3A_12, %dot_general3A_13 {dimension_numbers = #tpu.dot_dimension_numbers<[1], [0], [0], [1], [0, 0, 1, 1], [], []>, transpose_lhs_hint = false} : vector<64x128xbf16>, vector<128x1xbf16>, vector<64x1xf32> -> vector<64x1xf32>
    %get3A_15 = arith.constant 0 : index
    %get3A_16 = arith.constant 0 : index
    %get3A_17 = vector.load %arg3[%get3A_15, %get3A_16] : memref<1x1xf32, #tpu.memory_space<vmem>>, vector<1x1xf32>
    %add3A = vector.broadcast %get3A_17 : vector<1x1xf32> to vector<64x1xf32>
    %add3A_18 = arith.addf %dot_general3A_14, %add3A : vector<64x1xf32>
    %max3A = arith.constant 0.000000e+00 : f32
    %max3A_19 = vector.broadcast %max3A : f32 to vector<64x1xf32>
    %max3A_20 = arith.maximumf %add3A_18, %max3A_19 : vector<64x1xf32>
    %swap3A = arith.constant 0 : index
    %swap3A_21 = arith.constant 0 : index
    %swap3A_22 = vector.load %arg4[%swap3A, %swap3A_21] : memref<64x1xf32, #tpu.memory_space<vmem>>, vector<64x1xf32>
    tpu.vector_store %arg4[%swap3A, %swap3A_21], %max3A_20 {strides = array<i32>} : memref<64x1xf32, #tpu.memory_space<vmem>>, vector<64x1xf32>,
    return
  }
}

</mosaic_0001>

<sc_bundles>
// kernel: kernel.11.cloned.1.call-start
scs
__scs_entry_jumppad:
0x0: {  	(pc) =	sbr.rel $0x88, $3  }
0x1: {  	(tag) =	ssettag $0x0;
	lr =	simm.s32 $0x1  }
0x2: {  	[smem:$0x3F95] =	sst lr;
	_ =	strace $0xD0000000  }
0x3: {  	_ = 	snop  }
0x4: {  	_ = 	snop  }
0x5: {  	_ = 	snop  }
0x6: {  	_ = 	snop  }
0x7: {  	_ = 	snop  }
__scs_overlays_trampoline_lowered:
0x8: {  	[smem:$0x3FA4] =	sst s0  }
0x9: {  	[smem:$0x3FA5] =	sst s1  }
0xa: {  	[smem:$0x3FA6] =	sst s2  }
0xb: {  	[smem:$0x3FA7] =	sst s3  }
0xc: {  	[smem:$0x3FA8] =	sst s4  }
0xd: {  	[smem:$0x3FA9] =	sst s5  }
0xe: {  	[smem:$0x3FAA] =	sst s6  }
0xf: {  	[smem:$0x3FAB] =	sst s7  }
0x10: {  	[smem:$0x3FAC] =	sst s8  }
0x11: {  	[smem:$0x3FAD] =	sst s9;
	s0 =	simm.s32 @!p0 $0x0  }
0x12: {  	s1 =	sld [smem:$0x3F93];
	s0 =	simm.s32 @p0 $0x1  }
0x13: {  	[smem:$0x3FAE] =	sst s0;
	s0 =	simm.s32 @!p1 $0x0  }
0x14: {  	s2 =	sld [smem:$0x3F92];
	s0 =	simm.s32 @p1 $0x1  }
0x15: {  	[smem:$0x3FAF] =	sst s0;
	s0 =	simm.s32 @!p2 $0x0  }
0x16: {  	s3 =	sld [smem:$0x3FDB];
	s0 =	simm.s32 @p2 $0x1  }
0x17: {  	s4 =	simm.s32 $0x1BF5;
	[smem:$0x3FB1] =	sst s0  }
0x18: {  	s0 =	sld [smem:$0x3F94];
	_ =	swait.ge [sflag:s4], $0x0  }
0x19: {  	s7 =	sld [smem:$0x3F95]  }
0x1a: {  	s8 =	sadd.s32 $0xFFFFE003, lr  }
0x1b: {  	s9 =	sadd.s32 $0xFFFFFEF7, lr;
	s5 =	simm.s32 $0xFFFFFFFF;
	p2 =	slt.u32 s8, $0xFFFFF086  }
0x1c: {  	p1 =	slt.u32 s9, $0xF7A;
	s5 =	simm.s32 @!p2 $0x0  }
0x1d: {  	s5 =	simm.s32 @p1 $0x1;
	p0 =	seq.s32 s7, s2  }
0x1e: {  	s7 =	smul.u32 @!p0 $0xF7A, s2;
	p2 =	seq.s32 @!p0 s5, $0x0  }
0x1f: {  	s9 =	smul.u32 $0xF7A, s1;
	s8 =	simm.s32 @!p0 $0x1BF5;
	p2 =	por !p2, p0  }
0x20: {  	[sflag:s8] =	ssyncset.s32 @!p0 $0xFFFFF086;
	s6 =	sadd.s32 @!p0 s3, s7;
	s7 =	simm.s32 @!p0 $0x108  }
0x21: {  	s3 =	sadd.s32 s3, s9;
	s6 =	sadd.s32 @!p0 $0x88, s6;
	s7 =	simm.s32 @p2 $0x1082  }
0x22: {  	[simem:s7], [sflag:s8] =	dma.local @!p0 [hbm:s6], $0xF7A  }
0x23: {  	s9 =	sor.u32 $0xD0000000, s2;
	s6 =	simm.s32 $0x108;
	_ =	swait.ge @!p0 [sflag:s8], $0x0  }
0x24: {  	s3 =	sadd.s32 $0x88, s3;
	s6 =	simm.s32 @!p1 $0x1082;
	[sflag:s4] =	ssyncset.s32 $0xFFFFF086  }
0x25: {  	[simem:s6], [sflag:s4] =	dma.local [hbm:s3], $0xF7A  }
0x26: {  	[smem:$0x3F95] =	sst s1;
	(tag) =	ssettag s2;
	_ =	strace s9  }
0x27: {  	s1 =	sld [smem:$0x3FA5]  }
0x28: {  	s2 =	sld [smem:$0x3FA6]  }
0x29: {  	s4 =	sld [smem:$0x3FA8]  }
0x2a: {  	p0 =	seq.s32 s5, $0x0;
	s5 =	sld [smem:$0x3FA9]  }
0x2b: {  	s6 =	sld [smem:$0x3FAA]  }
0x2c: {  	s7 =	sld [smem:$0x3FAB]  }
0x2d: {  	s3 =	simm.s32 $0x108;
	s8 =	sld [smem:$0x3FAC]  }
0x2e: {  	s3 =	simm.s32 @!p0 $0x1082;
	s9 =	sld [smem:$0x3FAD]  }
0x2f: {  	lr =	sadd.s32 s0, s3;
	s0 =	sld [smem:$0x3FA4]  }
0x30: {  	s3 =	sld [smem:$0x3FA7]  }
0x31: {  	[smem:$0x3FB0] =	sst s10  }
0x32: {  	s10 =	sld [smem:$0x3FAE];
	_ =	sdelay $0x3  }
0x33: {  	p0 =	seq.s32 s10, $0x1;
	s10 =	sld [smem:$0x3FB0];
	_ =	sdelay $0x3  }
0x34: {  	[smem:$0x3FB0] =	sst s10  }
0x35: {  	s10 =	sld [smem:$0x3FAF];
	_ =	sdelay $0x3  }
0x36: {  	p1 =	seq.s32 s10, $0x1;
	s10 =	sld [smem:$0x3FB0];
	_ =	sdelay $0x3  }
0x37: {  	[smem:$0x3FB0] =	sst s10  }
0x38: {  	s10 =	sld [smem:$0x3FB1]  }
0x39: {  	_ = 	snop;
	(pc) =	sbr.ind lr, $3  }
0x3a: {  	_ = 	snop  }
0x3b: {  	_ = 	snop  }
0x3c: {  	p2 =	seq.s32 s10, $0x1;
	s10 =	sld [smem:$0x3FB0]  }
0x3d: {  	_ =	shalt  }
0x3e: {  	_ =	shalt  }
0x3f: {  	_ =	shalt  }
0x40: {  	_ =	shalt  }
0x41: {  	_ =	shalt  }
0x42: {  	_ =	shalt  }
0x43: {  	_ =	shalt  }
0x44: {  	_ =	shalt  }
0x45: {  	_ =	shalt  }
0x46: {  	_ =	shalt  }
0x47: {  	_ =	shalt  }
0x48: {  	_ =	shalt  }
0x49: {  	_ =	shalt  }
0x4a: {  	_ =	shalt  }
0x4b: {  	_ =	shalt  }
0x4c: {  	_ =	shalt  }
0x4d: {  	_ =	shalt  }
0x4e: {  	_ =	shalt  }
0x4f: {  	_ =	shalt  }
0x50: {  	_ =	shalt  }
0x51: {  	_ =	shalt  }
0x52: {  	_ =	shalt  }
0x53: {  	_ =	shalt  }
0x54: {  	_ =	shalt  }
0x55: {  	_ =	shalt  }
0x56: {  	_ =	shalt  }
0x57: {  	_ =	shalt  }
0x58: {  	_ =	shalt  }
0x59: {  	_ =	shalt  }
0x5a: {  	_ =	shalt  }
0x5b: {  	_ =	shalt  }
0x5c: {  	_ =	shalt  }
0x5d: {  	_ =	shalt  }
0x5e: {  	_ =	shalt  }
0x5f: {  	_ =	shalt  }
0x60: {  	_ =	shalt  }
0x61: {  	_ =	shalt  }
0x62: {  	_ =	shalt  }
0x63: {  	_ =	shalt  }
0x64: {  	_ =	shalt  }
0x65: {  	_ =	shalt  }
0x66: {  	_ =	shalt  }
0x67: {  	_ =	shalt  }
0x68: {  	_ =	shalt  }
0x69: {  	_ =	shalt  }
0x6a: {  	_ =	shalt  }
0x6b: {  	_ =	shalt  }
0x6c: {  	_ =	shalt  }
0x6d: {  	_ =	shalt  }
0x6e: {  	_ =	shalt  }
0x6f: {  	_ =	shalt  }
0x70: {  	_ =	shalt  }
0x71: {  	_ =	shalt  }
0x72: {  	_ =	shalt  }
0x73: {  	_ =	shalt  }
0x74: {  	_ =	shalt  }
0x75: {  	_ =	shalt  }
0x76: {  	_ =	shalt  }
0x77: {  	_ =	shalt  }
0x78: {  	_ =	shalt  }
0x79: {  	_ =	shalt  }
0x7a: {  	_ =	shalt  }
0x7b: {  	_ =	shalt  }
0x7c: {  	_ =	shalt  }
0x7d: {  	_ =	shalt  }
0x7e: {  	_ =	shalt  }
0x7f: {  	_ =	shalt  }
0x80: {  	_ =	shalt  }
0x81: {  	_ =	shalt  }
0x82: {  	_ =	shalt  }
0x83: {  	_ =	shalt  }
0x84: {  	_ =	shalt  }
0x85: {  	_ =	shalt  }
0x86: {  	_ =	shalt  }
0x87: {  	_ =	shalt  }
.Lfunc_end0:
.L_simem_size_0:
called_computation.1_lowered:
.L_overlay_start_0:
0x88: {  	s2 =	sld [smem:$0x3FD9]  }
0x89: {  	s3 =	sld [smem:$0x3FFE];
	_ =	sdelay $0x1  }
0x8a: {  	s1 =	srdreg.scid  }
0x8b: {  	s0 =	sand.u32 $0x1, s1  }
0x8c: {  	s16 =	sshll.u32 s0, $0xA;
	s2 =	sadd.s32 s3, s2  }
0x8d: {  	s2 =	sadd.s32 s2, s16  }
0x8e: {  	[smem:$0x3FBC] =	sst s2  }
0x8f: {  	_ = 	snop  }
0x90: {  	(tm) =	ssettm $0x1  }
0x91: {  	s17 =	sld [smem:$0x3FFB];
	_ =	sdelay $0x3  }
0x92: {  	_ =	strace s17  }
0x93: {  	s2 =	sld [smem:$0x3FFC];
	_ =	sdelay $0x3  }
0x94: {  	_ =	strace s2  }
0x95: {  	s2 =	sld [smem:$0x3FFD];
	_ =	sdelay $0x3  }
0x96: {  	_ =	strace s2  }
0x97: {  	_ =	strace $0x8FFFFFFF  }
0x98: {  	s18 =	sld [smem:$0x3FDB];
	_ =	sdelay $0x1  }
0x99: {  	s19 =	simm.s32 $_scs_section_size  }
0x9a: {  	s4 =	simm.s32 $_size__tile_overlayer_lowered;
	s5 =	simm.s32 $_tile_overlayer_lowered  }
0x9b: {  	s22 =	simm.s32 $0x1BFF;
	s21 =	sshll.u32 s5, $0x1;
	s2 =	sadd.s32 s19, s18  }
0x9c: {  	s6 =	simm.s32 $0x0;
	s20 =	sshll.u32 s4, $0x1;
	s4 =	sadd.s32 s21, s2  }
0x9d: {  	[timem:s6], [sflag:s22] =	dma.local [hbm:s4], s20  }
0x9e: {  	_ =	swait.ge [sflag:s22], s20  }
0x9f: {  	s3 =	ssub.s32 $0x0, s20;
	[sflag:s22] =	ssyncset.done $0x0  }
0xa0: {  	[sflag:s22] =	ssyncadd.s32 s3;
	_ =	sdelay $0x1  }
0xa1: {  	s23 =	simm.s32 $0x1B8B  }
0xa2: {  	_ =	swait.ge [sflag:s23], $0x1  }
0xa3: {  	[sflag:s23] =	ssyncset.done $0x0  }
0xa4: {  	s25 =	simm.s32 $0x1B8E;
	s24 =	sld [smem:$0x3FFE];
	[sflag:s23] =	ssyncadd.s32 $0xFFFFFFFF  }
0xa5: {  	s26 =	simm.s32 $execute0_lowered;
	[smem:$0x3FD2] =	sst s25  }
0xa6: {  	s4 =	sshll.u32 s26, $0x1;
	_ =	strace $0x80000049;
	[dreg:$0x1] =	wrdreg $0xFFFFFFFF  }
0xa7: {  	s28 =	simm.s32 $_size_execute0_lowered;
	s2 =	sadd.s32 s2, s4;
	[dreg:$0x0] =	wrdreg $0x0  }
0xa8: {  	s4 =	sshll.u32 s28, $0x1;
	[dreg:$0x2] =	wrdreg s2  }
0xa9: {  	[dreg:$0x3] =	wrdreg s4  }
0xaa: {  	[dreg:$0x4] =	wrdreg $0xC0  }
0xab: {  	_ =	task [dreg:s6], $0x5FFFF  }
0xac: {  	[dreg:$0x1] =	wrdreg $0xFFFFFFFF  }
0xad: {  	[dreg:$0x0] =	wrdreg $0x60  }
0xae: {  	[dreg:$0x2] =	wrdreg s24  }
0xaf: {  	[dreg:$0x3] =	wrdreg $0x7C000  }
0xb0: {  	[dreg:$0x4] =	wrdreg $0x9  }
0xb1: {  	_ =	task.clear_ibuf [dreg:s6], $0x5FFFF;
	_ =	strace $0x90000049  }
0xb2: {  	s29 =	simm.s32 $0x9;
	_ =	strace $0x8000004B  }
0xb3: {  	_ =	swait.ge [sflag:s29], $0x1  }
0xb4: {  	[sflag:s29] =	ssyncadd.s32 $0xFFFFFFFF  }
0xb5: {  	_ =	strace $0x9000004B  }
0xb6: {  	_ =	sfence  }
0xb7: {  	s30 =	sld [smem:$0x0];
	_ =	sdelay $0x2  }
0xb8: {  	s31 =	sshll.u32 s1, $0xD;
	s1 =	sshrl.u32 s1, $0x2  }
0xb9: {  	s3 =	sand.u32 $0x4000, s31;
	s1 =	sadd.s32 s1, s30  }
0xba: {  	s0 =	sor.u32 s3, s0;
	s1 =	sshll.u32 s1, $0x11  }
0xbb: {  	s0 =	sor.u32 s1, s0  }
0xbc: {  	s0 =	sadd.s32 $0x8F2B, s0  }
0xbd: {  	[sflag:s0] =	ssyncadd.remote.s32 $0x1  }
0xbe: {  	_ =	sfence.sel $0xFFFF  }
0xbf: {  	[dreg:$0x0] =	wrdreg $0xFFFFFFFF;
	(pc) =	sbr.abs _section_cstart, $3  }
0xc0: {  	[dreg:$0x1] =	wrdreg $0xFFFFFFFF  }
0xc1: {  	_ =	task.clear_ibuf [dreg:s6], $0x2FFFF;
	_ =	strace $0x9FFFFFFF  }
0xc2: {  	(tm) =	ssettm $0x7FFFFFFF  }
0xc3: {  	_ =	shalt  }
tec
execute0_lowered:
.L_overlay_start_1:
0x0: {  	(tag) =	ssettag $0x1  }
0x1: {  	s0 =	rddreg [dreg:$0x0]  }
0x2: {  	s2 =	rddreg [dreg:$0x1]  }
0x3: {  	s3 =	simm.s32 $0x0;
	s1 =	stileid.u32;
	s4 =	srdreg.scid  }
0x4: {  	[smem:$0x7FF] =	sst s3;
	s5 =	smul.u32 $0x4E200, s1  }
0x5: {  	s6 =	sand.u32 $0x1, s4;
	s7 =	sshll.u32 s1, $0xC;
	s9 =	smul.u32 $0x1F400, s1  }
0x6: {  	s17 =	smul.u32 $0x7D000, s1;
	p0 =	sgt.u32 s1, $0x9;
	_ =	strace $0x8000004A  }
0x7: {  	s4 =	smul.u32 $0x138800, s6;
	s8 =	sshll.u32 s6, $0xB;
	s18 =	ssub.s32 $0x2, s6  }
0x8: {  	s6 =	smul.u32 $0x27100, s6;
	s5 =	sadd.s32 s5, s0;
	s7 =	sor.u32 s8, s7  }
0x9: {  	s10 =	sshrl.u32 s18, $0x1;
	s8 =	sshrl.u32 s17, $0x2;
	s7 =	sadd.s32 s7, s0  }
0xa: {  	s4 =	sadd.s32 s9, s4;
	s9 =	ssub.s32 s18, s10;
	s5 =	sadd.s32 s6, s5  }
0xb: {  	s6 =	simm.s32 $0x6800;
	s10 =	simm.s32 $0x0;
	s4 =	sshrl.u32 s4, $0x3  }
0xc: {  	s12 =	sadd.s32 $0xABCE00, s5;
	s0 =	sadd.s32 s4, s0;
	s4 =	sadd.s32 s8, s2  }
0xd: {  	s8 =	sadd.s32 $0x1400, s4;
	s19 =	sadd.s32 $0x2800, s4;
	s20 =	sadd.s32 $0x3C00, s4  }
0xe: {  	s21 =	sadd.s32 $0x5000, s4;
	s22 =	sadd.s32 $0x6400, s4;
	[dreg:$0x3] =	wrdreg s8  }
0xf: {  	s23 =	sadd.s32 $0x7800, s4;
	s24 =	sadd.s32 $0x8C00, s4;
	[dreg:$0x4] =	wrdreg s19  }
0x10: {  	s25 =	sadd.s32 $0xA000, s4;
	s26 =	sadd.s32 $0xB400, s4;
	[dreg:$0x5] =	wrdreg s20  }
0x11: {  	s14 =	sadd.s32 $0xC800, s4;
	s15 =	sadd.s32 $0xDC00, s4;
	[dreg:$0x6] =	wrdreg s21  }
0x12: {  	s16 =	sadd.s32 $0xF000, s4;
	s17 =	sadd.s32 $0x10400, s4;
	[dreg:$0x7] =	wrdreg s22  }
0x13: {  	s18 =	sadd.s32 $0x11800, s4;
	s28 =	sadd.s32 $0x17C00, s4;
	[dreg:$0x8] =	wrdreg s23  }
0x14: {  	s29 =	sadd.s32 $0x19000, s4;
	s30 =	sadd.s32 $0x1A400, s4;
	[dreg:$0x9] =	wrdreg s24  }
0x15: {  	s31 =	sadd.s32 $0x1B800, s4;
	s5 =	sadd.s32 $0x1E000, s4;
	[dreg:$0xa] =	wrdreg s25  }
0x16: {  	[dreg:$0xb] =	wrdreg s26;
	s19 =	sadd.s32 $0x12C00, s4;
	s20 =	sadd.s32 $0x14000, s4  }
0x17: {  	s21 =	sadd.s32 $0x15400, s4;
	s22 =	sadd.s32 $0xAACE00, s7;
	s23 =	sadd.s32 $0x2C00, s0  }
0x18: {  	s24 =	smax.u32 s9, $0x1;
	s26 =	sadd.s32 $0x16800, s4;
	s0 =	sadd.s32 $0x1CC00, s4  }
0x19: {  	v0 =	vimm.f32 $0.0e+00;
	s7 =	simm.s32 $0x1;
	s8 =	simm.s32 $0x4000;
	s9 =	simm.s32 $0x50  }
.LBB2_1:
0x1a: {  	s11 =	simm.s32 $0x0;
	s25 =	simm.s32 $0x200  }
.LBB2_2:
0x1b: {  	p1 =	sne.s32 s25, $0x4E00;
	[tilespmem:s11+$0x6870] =	vst v0  }
0x1c: {  	[tilespmem:s11+$0x6800] =	vst v0  }
0x1d: {  	[tilespmem:s11+$0x6810] =	vst v0  }
.Ltmp0:
0x1e: {  	[tilespmem:s11+$0x6820] =	vst v0;
	(pc) =	sbr.rel @p1 .LBB2_2-.Ltmp0, $4  }
0x1f: {  	[tilespmem:s11+$0x6830] =	vst v0  }
0x20: {  	[tilespmem:s11+$0x6840] =	vst v0  }
0x21: {  	[tilespmem:s11+$0x6850] =	vst v0  }
0x22: {  	[tilespmem:s11+$0x6860] =	vst v0;
	s11 =	sshra.s32 s25, $0x2;
	s25 =	sadd.s32 $0x200, s25  }
0x23: {  	[tilespmem:s11+$0x6870] =	vst v0  }
0x24: {  	[tilespmem:s11+$0x6800] =	vst v0  }
0x25: {  	[tilespmem:s11+$0x6810] =	vst v0  }
.Ltmp1:
0x26: {  	[tilespmem:s11+$0x6820] =	vst v0;
	(pc) =	sbr.rel @p0 .LBB2_5-.Ltmp1, $4  }
0x27: {  	[tilespmem:s11+$0x6830] =	vst v0  }
0x28: {  	[tilespmem:s11+$0x6840] =	vst v0  }
0x29: {  	[tilespmem:s11+$0x6850] =	vst v0  }
0x2a: {  	[tilespmem:s11+$0x6860] =	vst v0  }
0x2b: {  	[spmem:s4] =	stream.linear.scatter [tilespmem:s6], [sflag:$0x1], $0x1400, $0x38;
	[tilespmem:$0x1B480] =	vst v63  }
0x2c: {  	_ =	swait.ge [sflag:s7], $0x1400  }
0x2d: {  	[sflag:s7] =	ssyncset.done $0x0  }
0x2e: {  	s11 =	rddreg [dreg:$0x3];
	[sflag:s7] =	ssyncadd.s32 $0xFFFFEC00  }
0x2f: {  	[spmem:s11] =	stream.linear.scatter [tilespmem:s6], [sflag:$0x1], $0x1400, $0x38;
	[tilespmem:$0x1B480] =	vst v63  }
0x30: {  	_ =	swait.ge [sflag:s7], $0x1400  }
0x31: {  	[sflag:s7] =	ssyncset.done $0x0  }
0x32: {  	s13 =	rddreg [dreg:$0x4];
	[sflag:s7] =	ssyncadd.s32 $0xFFFFEC00  }
0x33: {  	[spmem:s13] =	stream.linear.scatter [tilespmem:s6], [sflag:$0x1], $0x1400, $0x38;
	[tilespmem:$0x1B480] =	vst v63  }
0x34: {  	_ =	swait.ge [sflag:s7], $0x1400  }
0x35: {  	[sflag:s7] =	ssyncset.done $0x0  }
0x36: {  	s25 =	rddreg [dreg:$0x5];
	[sflag:s7] =	ssyncadd.s32 $0xFFFFEC00  }
0x37: {  	[spmem:s25] =	stream.linear.scatter [tilespmem:s6], [sflag:$0x1], $0x1400, $0x38;
	[tilespmem:$0x1B480] =	vst v63  }
0x38: {  	_ =	swait.ge [sflag:s7], $0x1400  }
0x39: {  	[sflag:s7] =	ssyncset.done $0x0  }
0x3a: {  	s13 =	rddreg [dreg:$0x6];
	[sflag:s7] =	ssyncadd.s32 $0xFFFFEC00  }
0x3b: {  	[spmem:s13] =	stream.linear.scatter [tilespmem:s6], [sflag:$0x1], $0x1400, $0x38;
	[tilespmem:$0x1B480] =	vst v63  }
0x3c: {  	_ =	swait.ge [sflag:s7], $0x1400  }
0x3d: {  	[sflag:s7] =	ssyncset.done $0x0  }
0x3e: {  	s25 =	rddreg [dreg:$0x7];
	[sflag:s7] =	ssyncadd.s32 $0xFFFFEC00  }
0x3f: {  	[spmem:s25] =	stream.linear.scatter [tilespmem:s6], [sflag:$0x1], $0x1400, $0x38;
	[tilespmem:$0x1B480] =	vst v63  }
0x40: {  	_ =	swait.ge [sflag:s7], $0x1400  }
0x41: {  	[sflag:s7] =	ssyncset.done $0x0  }
0x42: {  	s13 =	rddreg [dreg:$0x8];
	[sflag:s7] =	ssyncadd.s32 $0xFFFFEC00  }
0x43: {  	[spmem:s13] =	stream.linear.scatter [tilespmem:s6], [sflag:$0x1], $0x1400, $0x38;
	[tilespmem:$0x1B480] =	vst v63  }
0x44: {  	_ =	swait.ge [sflag:s7], $0x1400  }
0x45: {  	[sflag:s7] =	ssyncset.done $0x0  }
0x46: {  	s25 =	rddreg [dreg:$0x9];
	[sflag:s7] =	ssyncadd.s32 $0xFFFFEC00  }
0x47: {  	[spmem:s25] =	stream.linear.scatter [tilespmem:s6], [sflag:$0x1], $0x1400, $0x38;
	[tilespmem:$0x1B480] =	vst v63  }
0x48: {  	_ =	swait.ge [sflag:s7], $0x1400  }
0x49: {  	[sflag:s7] =	ssyncset.done $0x0  }
0x4a: {  	s13 =	rddreg [dreg:$0xa];
	[sflag:s7] =	ssyncadd.s32 $0xFFFFEC00  }
0x4b: {  	[spmem:s13] =	stream.linear.scatter [tilespmem:s6], [sflag:$0x1], $0x1400, $0x38;
	[tilespmem:$0x1B480] =	vst v63  }
0x4c: {  	_ =	swait.ge [sflag:s7], $0x1400  }
0x4d: {  	[sflag:s7] =	ssyncset.done $0x0  }
0x4e: {  	s25 =	rddreg [dreg:$0xb];
	[sflag:s7] =	ssyncadd.s32 $0xFFFFEC00  }
0x4f: {  	[spmem:s25] =	stream.linear.scatter [tilespmem:s6], [sflag:$0x1], $0x1400, $0x38;
	[tilespmem:$0x1B480] =	vst v63  }
0x50: {  	_ =	swait.ge [sflag:s7], $0x1400  }
0x51: {  	[sflag:s7] =	ssyncset.done $0x0  }
0x52: {  	[sflag:s7] =	ssyncadd.s32 $0xFFFFEC00  }
0x53: {  	[spmem:s14] =	stream.linear.scatter [tilespmem:s6], [sflag:$0x1], $0x1400, $0x38;
	[tilespmem:$0x1B480] =	vst v63  }
0x54: {  	_ =	swait.ge [sflag:s7], $0x1400  }
0x55: {  	[sflag:s7] =	ssyncset.done $0x0  }
0x56: {  	[sflag:s7] =	ssyncadd.s32 $0xFFFFEC00  }
0x57: {  	[spmem:s15] =	stream.linear.scatter [tilespmem:s6], [sflag:$0x1], $0x1400, $0x38;
	[tilespmem:$0x1B480] =	vst v63  }
0x58: {  	_ =	swait.ge [sflag:s7], $0x1400  }
0x59: {  	[sflag:s7] =	ssyncset.done $0x0  }
0x5a: {  	[sflag:s7] =	ssyncadd.s32 $0xFFFFEC00  }
0x5b: {  	[spmem:s16] =	stream.linear.scatter [tilespmem:s6], [sflag:$0x1], $0x1400, $0x38;
	[tilespmem:$0x1B480] =	vst v63  }
0x5c: {  	_ =	swait.ge [sflag:s7], $0x1400  }
0x5d: {  	[sflag:s7] =	ssyncset.done $0x0  }
0x5e: {  	[sflag:s7] =	ssyncadd.s32 $0xFFFFEC00  }
0x5f: {  	[spmem:s17] =	stream.linear.scatter [tilespmem:s6], [sflag:$0x1], $0x1400, $0x38;
	[tilespmem:$0x1B480] =	vst v63  }
0x60: {  	_ =	swait.ge [sflag:s7], $0x1400  }
0x61: {  	[sflag:s7] =	ssyncset.done $0x0  }
0x62: {  	[sflag:s7] =	ssyncadd.s32 $0xFFFFEC00  }
0x63: {  	[spmem:s18] =	stream.linear.scatter [tilespmem:s6], [sflag:$0x1], $0x1400, $0x38;
	[tilespmem:$0x1B480] =	vst v63  }
0x64: {  	_ =	swait.ge [sflag:s7], $0x1400  }
0x65: {  	[sflag:s7] =	ssyncset.done $0x0  }
0x66: {  	[sflag:s7] =	ssyncadd.s32 $0xFFFFEC00  }
0x67: {  	[spmem:s19] =	stream.linear.scatter [tilespmem:s6], [sflag:$0x1], $0x1400, $0x38;
	[tilespmem:$0x1B480] =	vst v63  }
0x68: {  	_ =	swait.ge [sflag:s7], $0x1400  }
0x69: {  	[sflag:s7] =	ssyncset.done $0x0  }
0x6a: {  	[sflag:s7] =	ssyncadd.s32 $0xFFFFEC00  }
0x6b: {  	[spmem:s20] =	stream.linear.scatter [tilespmem:s6], [sflag:$0x1], $0x1400, $0x38;
	[tilespmem:$0x1B480] =	vst v63  }
0x6c: {  	_ =	swait.ge [sflag:s7], $0x1400  }
0x6d: {  	[sflag:s7] =	ssyncset.done $0x0  }
0x6e: {  	[sflag:s7] =	ssyncadd.s32 $0xFFFFEC00  }
0x6f: {  	[spmem:s21] =	stream.linear.scatter [tilespmem:s6], [sflag:$0x1], $0x1400, $0x38;
	[tilespmem:$0x1B480] =	vst v63  }
0x70: {  	_ =	swait.ge [sflag:s7], $0x1400  }
0x71: {  	[sflag:s7] =	ssyncset.done $0x0  }
0x72: {  	[sflag:s7] =	ssyncadd.s32 $0xFFFFEC00  }
0x73: {  	[spmem:s26] =	stream.linear.scatter [tilespmem:s6], [sflag:$0x1], $0x1400, $0x38;
	[tilespmem:$0x1B480] =	vst v63  }
0x74: {  	_ =	swait.ge [sflag:s7], $0x1400  }
0x75: {  	[sflag:s7] =	ssyncset.done $0x0  }
0x76: {  	[sflag:s7] =	ssyncadd.s32 $0xFFFFEC00  }
0x77: {  	[spmem:s28] =	stream.linear.scatter [tilespmem:s6], [sflag:$0x1], $0x1400, $0x38;
	[tilespmem:$0x1B480] =	vst v63  }
0x78: {  	_ =	swait.ge [sflag:s7], $0x1400  }
0x79: {  	[sflag:s7] =	ssyncset.done $0x0  }
0x7a: {  	[sflag:s7] =	ssyncadd.s32 $0xFFFFEC00  }
0x7b: {  	[spmem:s29] =	stream.linear.scatter [tilespmem:s6], [sflag:$0x1], $0x1400, $0x38;
	[tilespmem:$0x1B480] =	vst v63  }
0x7c: {  	_ =	swait.ge [sflag:s7], $0x1400  }
0x7d: {  	[sflag:s7] =	ssyncset.done $0x0  }
0x7e: {  	[sflag:s7] =	ssyncadd.s32 $0xFFFFEC00  }
0x7f: {  	[spmem:s30] =	stream.linear.scatter [tilespmem:s6], [sflag:$0x1], $0x1400, $0x38;
	[tilespmem:$0x1B480] =	vst v63  }
0x80: {  	_ =	swait.ge [sflag:s7], $0x1400  }
0x81: {  	[sflag:s7] =	ssyncset.done $0x0  }
0x82: {  	[sflag:s7] =	ssyncadd.s32 $0xFFFFEC00  }
0x83: {  	[spmem:s31] =	stream.linear.scatter [tilespmem:s6], [sflag:$0x1], $0x1400, $0x38;
	[tilespmem:$0x1B480] =	vst v63  }
0x84: {  	_ =	swait.ge [sflag:s7], $0x1400  }
0x85: {  	[sflag:s7] =	ssyncset.done $0x0  }
0x86: {  	[sflag:s7] =	ssyncadd.s32 $0xFFFFEC00  }
0x87: {  	[spmem:s0] =	stream.linear.scatter [tilespmem:s6], [sflag:$0x1], $0x1400, $0x38;
	[tilespmem:$0x1B480] =	vst v63  }
0x88: {  	_ =	swait.ge [sflag:s7], $0x1400  }
0x89: {  	[sflag:s7] =	ssyncset.done $0x0  }
0x8a: {  	[sflag:s7] =	ssyncadd.s32 $0xFFFFEC00  }
0x8b: {  	[spmem:s5] =	stream.linear.scatter [tilespmem:s6], [sflag:$0x1], $0x1400, $0x38;
	[tilespmem:$0x1B480] =	vst v63  }
0x8c: {  	_ =	swait.ge [sflag:s7], $0x1400  }
0x8d: {  	[sflag:s7] =	ssyncset.done $0x0  }
0x8e: {  	[sflag:s7] =	ssyncadd.s32 $0xFFFFEC00  }
.LBB2_5:
0x8f: {  	[bflag:$0x0] =	sbarrier.arrive $0xFFFF;
	s11 =	simm.s32 $0x0  }
0x90: {  	[tilespmem:s11], [sflag:$0x1] =	stream.linear.gather [hbm4b:s22+s11], $0x3E80, $0x38;
	[tilespmem:$0x1B480] =	vst v63  }
0x91: {  	_ =	swait.ge [sflag:s7], $0x3E80  }
0x92: {  	[sflag:s7] =	ssyncset.done $0x0  }
0x93: {  	[sflag:s7] =	ssyncadd.s32 $0xFFFFC180  }
0x94: {  	[tilespmem:s8], [sflag:$0x1] =	stream.linear.gather [hbm4b:s12+s3], $0x2800, $0x38;
	[tilespmem:$0x1B480] =	vst v63  }
0x95: {  	_ =	swait.ge [sflag:s7], $0x2800  }
0x96: {  	[sflag:s7] =	ssyncset.done $0x0  }
0x97: {  	s25 =	simm.s32 $0x0;
	[sflag:s7] =	ssyncadd.s32 $0xFFFFD800  }
0x98: {  	[spmem:s2] =	stream.indirect.scatter.add.f32 [tilespmem:s8], [sflag:$0x1], $0x80, s25, s9, $0xb8;
	[tilespmem:$0x1B480] =	vst v63  }
0x99: {  	_ =	swait.ge [sflag:s7], $0x2800  }
0x9a: {  	s11 =	simm.s32 $0x200;
	s25 =	smov.u32 s12;
	[sflag:s7] =	ssyncset.done $0x0  }
.LBB2_6:
0x9b: {  	p1 =	sne.s32 s11, $0xF800;
	[sflag:s7] =	ssyncadd.s32 $0xFFFFD800;
	s25 =	sadd.s32 $0x500, s25  }
0x9c: {  	[tilespmem:s8], [sflag:$0x1] =	stream.linear.gather [hbm4b:s25+s3], $0x2800, $0x38;
	[tilespmem:$0x1B480] =	vst v63  }
0x9d: {  	s13 =	smov.u32 s11;
	s11 =	sadd.s32 $0x200, s11;
	_ =	swait.ge [sflag:s7], $0x2800  }
.Ltmp2:
0x9e: {  	[sflag:s7] =	ssyncset.done $0x0;
	(pc) =	sbr.rel @p1 .LBB2_6-.Ltmp2, $4  }
0x9f: {  	s13 =	sshra.s32 s13, $0x2;
	[sflag:s7] =	ssyncadd.s32 $0xFFFFD800  }
0xa0: {  	[spmem:s2] =	stream.indirect.scatter.add.f32 [tilespmem:s8], [sflag:$0x1], $0x80, s13, s9, $0xb8;
	[tilespmem:$0x1B480] =	vst v63  }
0xa1: {  	_ =	swait.ge [sflag:s7], $0x2800  }
0xa2: {  	[sflag:s7] =	ssyncset.done $0x0  }
0xa3: {  	[sflag:s7] =	ssyncadd.s32 $0xFFFFD800  }
0xa4: {  	s11 =	sshll.u32 @!p0 s1, $0x6;
	s13 =	sshrl.u32 @!p0 s4, $0x3;
	s10 =	sadd.s32 $0x1, s10  }
0xa5: {  	[bflag:$0x0] =	sbarrier.arrive $0xFFFF;
	s11 =	sor.u32 @!p0 $0x1C01, s11;
	p1 =	sne.s32 s10, s24  }
0xa6: {  	[hbm:s23], [sflag:s11] =	dma.local @!p0 [spmem:s13], $0x3E80  }
.Ltmp3:
0xa7: {  	_ = 	snop;
	(pc) =	sbr.rel @p1 .LBB2_1-.Ltmp3, $4  }
0xa8: {  	s11 =	simm.s32 @!p0 $0x1  }
0xa9: {  	_ =	swait.ge @!p0 [sflag:s11], $0x3E80  }
0xaa: {  	[sflag:s11] =	ssyncset.done @!p0 $0x0  }
0xab: {  	[sflag:s11] =	ssyncadd.s32 @!p0 $0xFFFFC180  }
0xac: {  	_ =	sfence.sel $0x180000  }
0xad: {  	[bflag:$0x0] =	sbarrier.arrive $0xFFFF  }
0xae: {  	_ =	strace $0x9000004A  }
0xaf: {  	[bflag:$0x2] =	sbarrier.arrive $0xFFFF  }
0xb0: {  	p0 =	sne.s32 s1, $0x0;
	s0 =	rddreg [dreg:$0x2]  }
0xb1: {  	s0 =	sadd.s32 @!p0 $0x100000, s0  }
0xb2: {  	[sflag:s0] =	ssyncadd.tile.s32 @!p0 $0x1;
	_ =	shalt  }
.Lfunc_end2:
_tile_overlayer_lowered:
.L_overlay_start_2:
0xb3: {  	(tag) =	ssettag $0x2  }
0xb4: {  	s0 =	rddreg [dreg:$0x0];
	s2 =	stileid.u32  }
0xb5: {  	s1 =	rddreg [dreg:$0x1];
	p0 =	sne.s32 s2, $0x0  }
0xb6: {  	s3 =	rddreg [dreg:$0x2];
	[bflag:$0x3] =	sbarrier.arrive $0xFFFF;
	s2 =	simm.s32 @!p0 $0x1C01  }
0xb7: {  	[timem:s3], [sflag:s2] =	dma.local @!p0 [hbm:s0], s1  }
0xb8: {  	s0 =	simm.s32 @!p0 $0x1  }
0xb9: {  	_ =	swait.ge @!p0 [sflag:s0], s1  }
0xba: {  	s1 =	ssub.s32 @!p0 $0x0, s1;
	[sflag:s0] =	ssyncset.done @!p0 $0x0  }
0xbb: {  	[sflag:s0] =	ssyncadd.s32 @!p0 s1  }
0xbc: {  	[bflag:$0x3] =	sbarrier.arrive $0xFFFF  }
0xbd: {  	_ =	shalt  }

// kernel: kernel.8.cloned.1.call-start
scs
__scs_entry_jumppad:
0x0: {  	(pc) =	sbr.rel $0x88, $3  }
0x1: {  	(tag) =	ssettag $0x0;
	lr =	simm.s32 $0x1  }
0x2: {  	[smem:$0x3F95] =	sst lr;
	_ =	strace $0xD0000000  }
0x3: {  	_ = 	snop  }
0x4: {  	_ = 	snop  }
0x5: {  	_ = 	snop  }
0x6: {  	_ = 	snop  }
0x7: {  	_ = 	snop  }
__scs_overlays_trampoline_lowered:
0x8: {  	[smem:$0x3FA4] =	sst s0  }
0x9: {  	[smem:$0x3FA5] =	sst s1  }
0xa: {  	[smem:$0x3FA6] =	sst s2  }
0xb: {  	[smem:$0x3FA7] =	sst s3  }
0xc: {  	[smem:$0x3FA8] =	sst s4  }
0xd: {  	[smem:$0x3FA9] =	sst s5  }
0xe: {  	[smem:$0x3FAA] =	sst s6  }
0xf: {  	[smem:$0x3FAB] =	sst s7  }
0x10: {  	[smem:$0x3FAC] =	sst s8  }
0x11: {  	[smem:$0x3FAD] =	sst s9;
	s0 =	simm.s32 @!p0 $0x0  }
0x12: {  	s1 =	sld [smem:$0x3F93];
	s0 =	simm.s32 @p0 $0x1  }
0x13: {  	[smem:$0x3FAE] =	sst s0;
	s0 =	simm.s32 @!p1 $0x0  }
0x14: {  	s2 =	sld [smem:$0x3F92];
	s0 =	simm.s32 @p1 $0x1  }
0x15: {  	[smem:$0x3FAF] =	sst s0;
	s0 =	simm.s32 @!p2 $0x0  }
0x16: {  	s3 =	sld [smem:$0x3FDB];
	s0 =	simm.s32 @p2 $0x1  }
0x17: {  	s4 =	simm.s32 $0x1BF5;
	[smem:$0x3FB1] =	sst s0  }
0x18: {  	s0 =	sld [smem:$0x3F94];
	_ =	swait.ge [sflag:s4], $0x0  }
0x19: {  	s7 =	sld [smem:$0x3F95]  }
0x1a: {  	s8 =	sadd.s32 $0xFFFFE003, lr  }
0x1b: {  	s9 =	sadd.s32 $0xFFFFFEF7, lr;
	s5 =	simm.s32 $0xFFFFFFFF;
	p2 =	slt.u32 s8, $0xFFFFF086  }
0x1c: {  	p1 =	slt.u32 s9, $0xF7A;
	s5 =	simm.s32 @!p2 $0x0  }
0x1d: {  	s5 =	simm.s32 @p1 $0x1;
	p0 =	seq.s32 s7, s2  }
0x1e: {  	s7 =	smul.u32 @!p0 $0xF7A, s2;
	p2 =	seq.s32 @!p0 s5, $0x0  }
0x1f: {  	s9 =	smul.u32 $0xF7A, s1;
	s8 =	simm.s32 @!p0 $0x1BF5;
	p2 =	por !p2, p0  }
0x20: {  	[sflag:s8] =	ssyncset.s32 @!p0 $0xFFFFF086;
	s6 =	sadd.s32 @!p0 s3, s7;
	s7 =	simm.s32 @!p0 $0x108  }
0x21: {  	s3 =	sadd.s32 s3, s9;
	s6 =	sadd.s32 @!p0 $0x88, s6;
	s7 =	simm.s32 @p2 $0x1082  }
0x22: {  	[simem:s7], [sflag:s8] =	dma.local @!p0 [hbm:s6], $0xF7A  }
0x23: {  	s9 =	sor.u32 $0xD0000000, s2;
	s6 =	simm.s32 $0x108;
	_ =	swait.ge @!p0 [sflag:s8], $0x0  }
0x24: {  	s3 =	sadd.s32 $0x88, s3;
	s6 =	simm.s32 @!p1 $0x1082;
	[sflag:s4] =	ssyncset.s32 $0xFFFFF086  }
0x25: {  	[simem:s6], [sflag:s4] =	dma.local [hbm:s3], $0xF7A  }
0x26: {  	[smem:$0x3F95] =	sst s1;
	(tag) =	ssettag s2;
	_ =	strace s9  }
0x27: {  	s1 =	sld [smem:$0x3FA5]  }
0x28: {  	s2 =	sld [smem:$0x3FA6]  }
0x29: {  	s4 =	sld [smem:$0x3FA8]  }
0x2a: {  	p0 =	seq.s32 s5, $0x0;
	s5 =	sld [smem:$0x3FA9]  }
0x2b: {  	s6 =	sld [smem:$0x3FAA]  }
0x2c: {  	s7 =	sld [smem:$0x3FAB]  }
0x2d: {  	s3 =	simm.s32 $0x108;
	s8 =	sld [smem:$0x3FAC]  }
0x2e: {  	s3 =	simm.s32 @!p0 $0x1082;
	s9 =	sld [smem:$0x3FAD]  }
0x2f: {  	lr =	sadd.s32 s0, s3;
	s0 =	sld [smem:$0x3FA4]  }
0x30: {  	s3 =	sld [smem:$0x3FA7]  }
0x31: {  	[smem:$0x3FB0] =	sst s10  }
0x32: {  	s10 =	sld [smem:$0x3FAE];
	_ =	sdelay $0x3  }
0x33: {  	p0 =	seq.s32 s10, $0x1;
	s10 =	sld [smem:$0x3FB0];
	_ =	sdelay $0x3  }
0x34: {  	[smem:$0x3FB0] =	sst s10  }
0x35: {  	s10 =	sld [smem:$0x3FAF];
	_ =	sdelay $0x3  }
0x36: {  	p1 =	seq.s32 s10, $0x1;
	s10 =	sld [smem:$0x3FB0];
	_ =	sdelay $0x3  }
0x37: {  	[smem:$0x3FB0] =	sst s10  }
0x38: {  	s10 =	sld [smem:$0x3FB1]  }
0x39: {  	_ = 	snop;
	(pc) =	sbr.ind lr, $3  }
0x3a: {  	_ = 	snop  }
0x3b: {  	_ = 	snop  }
0x3c: {  	p2 =	seq.s32 s10, $0x1;
	s10 =	sld [smem:$0x3FB0]  }
0x3d: {  	_ =	shalt  }
0x3e: {  	_ =	shalt  }
0x3f: {  	_ =	shalt  }
0x40: {  	_ =	shalt  }
0x41: {  	_ =	shalt  }
0x42: {  	_ =	shalt  }
0x43: {  	_ =	shalt  }
0x44: {  	_ =	shalt  }
0x45: {  	_ =	shalt  }
0x46: {  	_ =	shalt  }
0x47: {  	_ =	shalt  }
0x48: {  	_ =	shalt  }
0x49: {  	_ =	shalt  }
0x4a: {  	_ =	shalt  }
0x4b: {  	_ =	shalt  }
0x4c: {  	_ =	shalt  }
0x4d: {  	_ =	shalt  }
0x4e: {  	_ =	shalt  }
0x4f: {  	_ =	shalt  }
0x50: {  	_ =	shalt  }
0x51: {  	_ =	shalt  }
0x52: {  	_ =	shalt  }
0x53: {  	_ =	shalt  }
0x54: {  	_ =	shalt  }
0x55: {  	_ =	shalt  }
0x56: {  	_ =	shalt  }
0x57: {  	_ =	shalt  }
0x58: {  	_ =	shalt  }
0x59: {  	_ =	shalt  }
0x5a: {  	_ =	shalt  }
0x5b: {  	_ =	shalt  }
0x5c: {  	_ =	shalt  }
0x5d: {  	_ =	shalt  }
0x5e: {  	_ =	shalt  }
0x5f: {  	_ =	shalt  }
0x60: {  	_ =	shalt  }
0x61: {  	_ =	shalt  }
0x62: {  	_ =	shalt  }
0x63: {  	_ =	shalt  }
0x64: {  	_ =	shalt  }
0x65: {  	_ =	shalt  }
0x66: {  	_ =	shalt  }
0x67: {  	_ =	shalt  }
0x68: {  	_ =	shalt  }
0x69: {  	_ =	shalt  }
0x6a: {  	_ =	shalt  }
0x6b: {  	_ =	shalt  }
0x6c: {  	_ =	shalt  }
0x6d: {  	_ =	shalt  }
0x6e: {  	_ =	shalt  }
0x6f: {  	_ =	shalt  }
0x70: {  	_ =	shalt  }
0x71: {  	_ =	shalt  }
0x72: {  	_ =	shalt  }
0x73: {  	_ =	shalt  }
0x74: {  	_ =	shalt  }
0x75: {  	_ =	shalt  }
0x76: {  	_ =	shalt  }
0x77: {  	_ =	shalt  }
0x78: {  	_ =	shalt  }
0x79: {  	_ =	shalt  }
0x7a: {  	_ =	shalt  }
0x7b: {  	_ =	shalt  }
0x7c: {  	_ =	shalt  }
0x7d: {  	_ =	shalt  }
0x7e: {  	_ =	shalt  }
0x7f: {  	_ =	shalt  }
0x80: {  	_ =	shalt  }
0x81: {  	_ =	shalt  }
0x82: {  	_ =	shalt  }
0x83: {  	_ =	shalt  }
0x84: {  	_ =	shalt  }
0x85: {  	_ =	shalt  }
0x86: {  	_ =	shalt  }
0x87: {  	_ =	shalt  }
.Lfunc_end0:
.L_simem_size_0:
called_computation_lowered:
.L_overlay_start_0:
0x88: {  	s2 =	sld [smem:$0x3FD9]  }
0x89: {  	s3 =	sld [smem:$0x3FFE];
	_ =	sdelay $0x1  }
0x8a: {  	s1 =	srdreg.scid  }
0x8b: {  	s0 =	sand.u32 $0x1, s1  }
0x8c: {  	s16 =	sshll.u32 s0, $0xA;
	s2 =	sadd.s32 s3, s2  }
0x8d: {  	s2 =	sadd.s32 s2, s16  }
0x8e: {  	[smem:$0x3FBC] =	sst s2  }
0x8f: {  	_ = 	snop  }
0x90: {  	(tm) =	ssettm $0x1  }
0x91: {  	s17 =	sld [smem:$0x3FFB];
	_ =	sdelay $0x3  }
0x92: {  	_ =	strace s17  }
0x93: {  	s2 =	sld [smem:$0x3FFC];
	_ =	sdelay $0x3  }
0x94: {  	_ =	strace s2  }
0x95: {  	s2 =	sld [smem:$0x3FFD];
	_ =	sdelay $0x3  }
0x96: {  	_ =	strace s2  }
0x97: {  	_ =	strace $0x8FFFFFFF  }
0x98: {  	s18 =	sld [smem:$0x3FDB];
	_ =	sdelay $0x1  }
0x99: {  	s19 =	simm.s32 $_scs_section_size  }
0x9a: {  	s4 =	simm.s32 $_size__tile_overlayer_lowered;
	s5 =	simm.s32 $_tile_overlayer_lowered  }
0x9b: {  	s22 =	simm.s32 $0x1BFF;
	s21 =	sshll.u32 s5, $0x1;
	s2 =	sadd.s32 s19, s18  }
0x9c: {  	s6 =	simm.s32 $0x0;
	s20 =	sshll.u32 s4, $0x1;
	s4 =	sadd.s32 s21, s2  }
0x9d: {  	[timem:s6], [sflag:s22] =	dma.local [hbm:s4], s20  }
0x9e: {  	_ =	swait.ge [sflag:s22], s20  }
0x9f: {  	s3 =	ssub.s32 $0x0, s20;
	[sflag:s22] =	ssyncset.done $0x0  }
0xa0: {  	[sflag:s22] =	ssyncadd.s32 s3;
	_ =	sdelay $0x1  }
0xa1: {  	s23 =	simm.s32 $0x1B8B  }
0xa2: {  	_ =	swait.ge [sflag:s23], $0x1  }
0xa3: {  	[sflag:s23] =	ssyncset.done $0x0  }
0xa4: {  	s25 =	simm.s32 $0x1B8E;
	s24 =	sld [smem:$0x3FFE];
	[sflag:s23] =	ssyncadd.s32 $0xFFFFFFFF  }
0xa5: {  	s26 =	simm.s32 $execute0_lowered;
	[smem:$0x3FD2] =	sst s25  }
0xa6: {  	s4 =	sshll.u32 s26, $0x1;
	_ =	strace $0x80000046;
	[dreg:$0x1] =	wrdreg $0xFFFFFFFF  }
0xa7: {  	s28 =	simm.s32 $_size_execute0_lowered;
	s2 =	sadd.s32 s2, s4;
	[dreg:$0x0] =	wrdreg $0x0  }
0xa8: {  	s4 =	sshll.u32 s28, $0x1;
	[dreg:$0x2] =	wrdreg s2  }
0xa9: {  	[dreg:$0x3] =	wrdreg s4  }
0xaa: {  	[dreg:$0x4] =	wrdreg $0xC0  }
0xab: {  	_ =	task [dreg:s6], $0x5FFFF  }
0xac: {  	[dreg:$0x1] =	wrdreg $0xFFFFFFFF  }
0xad: {  	[dreg:$0x0] =	wrdreg $0x60  }
0xae: {  	[dreg:$0x2] =	wrdreg s24  }
0xaf: {  	[dreg:$0x3] =	wrdreg $0x9  }
0xb0: {  	_ =	task.clear_ibuf [dreg:s6], $0x4FFFF;
	_ =	strace $0x90000046  }
0xb1: {  	s29 =	simm.s32 $0x9;
	_ =	strace $0x80000048  }
0xb2: {  	_ =	swait.ge [sflag:s29], $0x1  }
0xb3: {  	[sflag:s29] =	ssyncadd.s32 $0xFFFFFFFF  }
0xb4: {  	_ =	strace $0x90000048  }
0xb5: {  	_ =	sfence  }
0xb6: {  	s30 =	sld [smem:$0x0];
	_ =	sdelay $0x2  }
0xb7: {  	s31 =	sshll.u32 s1, $0xD;
	s1 =	sshrl.u32 s1, $0x2  }
0xb8: {  	s3 =	sand.u32 $0x4000, s31;
	s1 =	sadd.s32 s1, s30  }
0xb9: {  	s0 =	sor.u32 s3, s0;
	s1 =	sshll.u32 s1, $0x11  }
0xba: {  	s0 =	sor.u32 s1, s0  }
0xbb: {  	s0 =	sadd.s32 $0x8F2B, s0  }
0xbc: {  	[sflag:s0] =	ssyncadd.remote.s32 $0x1  }
0xbd: {  	_ =	sfence.sel $0xFFFF  }
0xbe: {  	[dreg:$0x0] =	wrdreg $0xFFFFFFFF;
	(pc) =	sbr.abs _section_cstart, $3  }
0xbf: {  	[dreg:$0x1] =	wrdreg $0xFFFFFFFF  }
0xc0: {  	_ =	task.clear_ibuf [dreg:s6], $0x2FFFF;
	_ =	strace $0x9FFFFFFF  }
0xc1: {  	(tm) =	ssettm $0x7FFFFFFF  }
tec
execute0_lowered:
.L_overlay_start_1:
0x0: {  	(tag) =	ssettag $0x1  }
0x1: {  	s0 =	rddreg [dreg:$0x0];
	s2 =	simm.s32 $0x0;
	s1 =	srdreg.scid  }
0x2: {  	s3 =	stileid.u32;
	s14 =	simm.s32 $0x10000;
	s24 =	simm.s32 $0x12800  }
0x3: {  	s15 =	simm.s32 $0x17000;
	s16 =	simm.s32 $0x1C800;
	s17 =	simm.s32 $0x1D000  }
0x4: {  	s18 =	simm.s32 $0x1D800;
	s19 =	simm.s32 $0x1E000;
	s20 =	simm.s32 $0x1E800  }
0x5: {  	s21 =	simm.s32 $0x2;
	s22 =	simm.s32 $0x4;
	s23 =	simm.s32 $0x3  }
0x6: {  	s25 =	simm.s32 $0x5;
	[smem:$0x7FF] =	sst s2;
	s1 =	sand.u32 $0x1, s1  }
0x7: {  	s5 =	sshll.u32 s3, $0x1;
	s3 =	sadd.s32 $0x9AC00, s0;
	s4 =	sadd.s32 $0x4CA00, s0  }
0x8: {  	_ =	strace $0x80000047;
	s6 =	sor.u32 s1, s5;
	s1 =	ssub.s32 $0x2, s1  }
0x9: {  	s5 =	sshll.u32 s6, $0xC;
	s7 =	smul.u32 $0x271000, s6;
	s28 =	sshrl.u32 s1, $0x1  }
0xa: {  	s6 =	smul.u32 $0x2710, s6;
	s8 =	sadd.s32 s5, s0;
	s5 =	sadd.s32 $0xE8E00, s0  }
0xb: {  	s0 =	ssub.s32 s1, s28;
	s29 =	sshrl.u32 s7, $0x3;
	s30 =	sadd.s32 $0xCA00, s8  }
0xc: {  	s31 =	sadd.s32 $0x2CA00, s8;
	s9 =	sadd.s32 $0x28, s6;
	[dreg:$0x2] =	wrdreg s30  }
0xd: {  	v2 =	vlaneseq.u32;
	s0 =	smax.u32 s0, $0x1;
	[dreg:$0x3] =	wrdreg s31;
	s1 =	sadd.s32 s5, s29  }
0xe: {  	vm0 =	vmmov $0xffff;
	v1 =	vshrl.u32 v2, $0x3;
	s7 =	simm.s32 $0x1;
	[dreg:$0x5] =	wrdreg s0;
	s1 =	sadd.s32 $0x4DD00, s1  }
0xf: {  	v0 =	vand.u32 $0x7, v2;
	v2 =	vor.u32 $0x8, v2;
	v1 =	vmul.u32 $0x8, v1;
	s8 =	simm.s32 $0x15000;
	[dreg:$0x4] =	wrdreg s1;
	s1 =	simm.s32 $0x0  }
.LBB2_1:
0x10: {  	[dreg:$0x6] =	wrdreg s1  }
0x11: {  	s0 =	rddreg [dreg:$0x2];
	s30 =	simm.s32 $0x7  }
0x12: {  	[tilespmem:s2], [sflag:$0x7] =	stream.linear.gather [hbm4b:s0+s2], $0x7D00, $0x38;
	[tilespmem:$0x1F000] =	vst v63  }
0x13: {  	_ =	swait.ge [sflag:s30], $0x7D00  }
0x14: {  	[sflag:s30] =	ssyncset.done $0x0  }
0x15: {  	s10 =	simm.s32 $0x8000;
	s31 =	rddreg [dreg:$0x3];
	[sflag:s30] =	ssyncadd.s32 $0xFFFF8300  }
0x16: {  	[tilespmem:s10], [sflag:$0x7] =	stream.linear.gather [hbm4b:s31+s2], $0x7D00, $0x38;
	[tilespmem:$0x1F000] =	vst v63  }
0x17: {  	_ =	swait.ge [sflag:s30], $0x7D00  }
0x18: {  	[sflag:s30] =	ssyncset.done $0x0  }
0x19: {  	[sflag:s30] =	ssyncadd.s32 $0xFFFF8300  }
0x1a: {  	v3 =	vld [tilespmem:$0x0];
	_ =	sdelay $0x4  }
0x1b: {  	v4 =	vshll.u32 v3, $0x1  }
0x1c: {  	v3 =	vand.u32 $0x7, v3;
	v4 =	vand.u32 $0xFFFFFFF0, v4  }
0x1d: {  	v3 =	vor.u32 v3, v4  }
0x1e: {  	v4 =	vperm.xlane v3, v0;
	_ =	sdelay $0x1  }
0x1f: {  	v3 =	vperm.xlane v3, v2;
	v4 =	vadd.s32 v1, v4;
	_ =	sdelay $0x1  }
0x20: {  	v3 =	vadd.s32 v1, v3;
	_ =	sdelay $0x2  }
0x21: {  	[tilespmem:s14], [sflag:$0x1] =	stream.indirect_vreg.gather [hbm4b:s3+s2], $0x80, v4, vm0, $0xb8;
	[tilespmem:$0x1F000] =	vst v63  }
0x22: {  	s11 =	simm.s32 $0x10800  }
0x23: {  	[tilespmem:s11], [sflag:$0x1] =	stream.indirect_vreg.gather [hbm4b:s3+s2], $0x80, v3, vm0, $0xb8;
	[tilespmem:$0x1F000] =	vst v63  }
0x24: {  	v3 =	vld [tilespmem:$0x10];
	_ =	sdelay $0x4  }
0x25: {  	v53 =	vshll.u32 v3, $0x1  }
0x26: {  	v3 =	vand.u32 $0x7, v3;
	v4 =	vand.u32 $0xFFFFFFF0, v53  }
0x27: {  	v3 =	vor.u32 v3, v4  }
0x28: {  	v4 =	vperm.xlane v3, v0;
	_ =	sdelay $0x1  }
0x29: {  	v3 =	vperm.xlane v3, v2;
	v4 =	vadd.s32 v1, v4;
	_ =	sdelay $0x1  }
0x2a: {  	v3 =	vadd.s32 v1, v3;
	_ =	sdelay $0x1  }
0x2b: {  	s12 =	simm.s32 $0x11000  }
0x2c: {  	[tilespmem:s12], [sflag:$0x1] =	stream.indirect_vreg.gather [hbm4b:s3+s2], $0x80, v4, vm0, $0xb8;
	[tilespmem:$0x1F000] =	vst v63  }
0x2d: {  	s13 =	simm.s32 $0x11800  }
0x2e: {  	[tilespmem:s13], [sflag:$0x1] =	stream.indirect_vreg.gather [hbm4b:s3+s2], $0x80, v3, vm0, $0xb8;
	[tilespmem:$0x1F000] =	vst v63  }
0x2f: {  	v3 =	vld.msk [tilespmem:$0x20], $0xff;
	_ =	sdelay $0x4  }
0x30: {  	v54 =	vshll.u32 v3, $0x1  }
0x31: {  	v3 =	vand.u32 $0x7, v3;
	v4 =	vand.u32 $0xFFFFFFF0, v54  }
0x32: {  	v3 =	vor.u32 v3, v4  }
0x33: {  	v3 =	vperm.xlane v3, v0;
	_ =	sdelay $0x1  }
0x34: {  	v3 =	vadd.s32 v1, v3;
	_ =	sdelay $0x3  }
0x35: {  	s26 =	simm.s32 $0x12000  }
0x36: {  	[tilespmem:s26], [sflag:$0x1] =	stream.indirect_vreg.gather [hbm4b:s3+s2], $0x80, v3, vm0, $0xb8;
	[tilespmem:$0x1F000] =	vst v63  }
0x37: {  	v3 =	vld [tilespmem:$0x8000];
	_ =	sdelay $0x4  }
0x38: {  	v55 =	vshll.u32 v3, $0x1  }
0x39: {  	v3 =	vand.u32 $0x7, v3;
	v4 =	vand.u32 $0xFFFFFFF0, v55  }
0x3a: {  	v3 =	vor.u32 v3, v4  }
0x3b: {  	v4 =	vperm.xlane v3, v0;
	_ =	sdelay $0x1  }
0x3c: {  	v3 =	vperm.xlane v3, v2;
	v4 =	vadd.s32 v1, v4;
	_ =	sdelay $0x1  }
0x3d: {  	v3 =	vadd.s32 v1, v3;
	_ =	sdelay $0x1  }
0x3e: {  	s28 =	simm.s32 $0x17800  }
0x3f: {  	[tilespmem:s28], [sflag:$0x1] =	stream.indirect_vreg.gather [hbm4b:s4+s2], $0x80, v4, vm0, $0xb8;
	[tilespmem:$0x1F000] =	vst v63  }
0x40: {  	s29 =	simm.s32 $0x18000  }
0x41: {  	[tilespmem:s29], [sflag:$0x1] =	stream.indirect_vreg.gather [hbm4b:s4+s2], $0x80, v3, vm0, $0xb8;
	[tilespmem:$0x1F000] =	vst v63  }
0x42: {  	v3 =	vld [tilespmem:$0x8010];
	_ =	sdelay $0x4  }
0x43: {  	v56 =	vshll.u32 v3, $0x1  }
0x44: {  	v3 =	vand.u32 $0x7, v3;
	v4 =	vand.u32 $0xFFFFFFF0, v56  }
0x45: {  	v3 =	vor.u32 v3, v4  }
0x46: {  	v4 =	vperm.xlane v3, v0;
	_ =	sdelay $0x1  }
0x47: {  	v3 =	vperm.xlane v3, v2;
	v4 =	vadd.s32 v1, v4;
	_ =	sdelay $0x1  }
0x48: {  	v3 =	vadd.s32 v1, v3;
	_ =	sdelay $0x1  }
0x49: {  	s30 =	simm.s32 $0x18800  }
0x4a: {  	[tilespmem:s30], [sflag:$0x1] =	stream.indirect_vreg.gather [hbm4b:s4+s2], $0x80, v4, vm0, $0xb8;
	[tilespmem:$0x1F000] =	vst v63  }
0x4b: {  	s31 =	simm.s32 $0x19000  }
0x4c: {  	[tilespmem:s31], [sflag:$0x1] =	stream.indirect_vreg.gather [hbm4b:s4+s2], $0x80, v3, vm0, $0xb8;
	[tilespmem:$0x1F000] =	vst v63  }
0x4d: {  	v3 =	vld.msk [tilespmem:$0x8020], $0xff;
	_ =	sdelay $0x4  }
0x4e: {  	v57 =	vshll.u32 v3, $0x1  }
0x4f: {  	v3 =	vand.u32 $0x7, v3;
	v4 =	vand.u32 $0xFFFFFFF0, v57  }
0x50: {  	v3 =	vor.u32 v3, v4  }
0x51: {  	v3 =	vperm.xlane v3, v0;
	_ =	sdelay $0x1  }
0x52: {  	v3 =	vadd.s32 v1, v3;
	_ =	sdelay $0x3  }
0x53: {  	s1 =	simm.s32 $0x19800  }
0x54: {  	[tilespmem:s1], [sflag:$0x1] =	stream.indirect_vreg.gather [hbm4b:s4+s2], $0x80, v3, vm0, $0xb8;
	[tilespmem:$0x1F000] =	vst v63  }
0x55: {  	v3 =	vld [tilespmem:$0x80];
	_ =	sdelay $0x4  }
0x56: {  	v58 =	vshll.u32 v3, $0x1  }
0x57: {  	v3 =	vand.u32 $0x7, v3;
	v4 =	vand.u32 $0xFFFFFFF0, v58  }
0x58: {  	v3 =	vor.u32 v3, v4  }
0x59: {  	v4 =	vperm.xlane v3, v0;
	_ =	sdelay $0x1  }
0x5a: {  	v3 =	vperm.xlane v3, v2;
	v4 =	vadd.s32 v1, v4;
	_ =	sdelay $0x1  }
0x5b: {  	v3 =	vadd.s32 v1, v3;
	_ =	sdelay $0x2  }
0x5c: {  	[tilespmem:s24], [sflag:$0x2] =	stream.indirect_vreg.gather [hbm4b:s3+s2], $0x80, v4, vm0, $0xb8;
	[tilespmem:$0x1F000] =	vst v63  }
0x5d: {  	s10 =	simm.s32 $0x13000  }
0x5e: {  	[tilespmem:s10], [sflag:$0x2] =	stream.indirect_vreg.gather [hbm4b:s3+s2], $0x80, v3, vm0, $0xb8;
	[tilespmem:$0x1F000] =	vst v63  }
0x5f: {  	v3 =	vld [tilespmem:$0x90];
	_ =	sdelay $0x4  }
0x60: {  	v59 =	vshll.u32 v3, $0x1  }
0x61: {  	v3 =	vand.u32 $0x7, v3;
	v4 =	vand.u32 $0xFFFFFFF0, v59  }
0x62: {  	v3 =	vor.u32 v3, v4  }
0x63: {  	v4 =	vperm.xlane v3, v0;
	_ =	sdelay $0x1  }
0x64: {  	v3 =	vperm.xlane v3, v2;
	v4 =	vadd.s32 v1, v4;
	_ =	sdelay $0x1  }
0x65: {  	v3 =	vadd.s32 v1, v3;
	_ =	sdelay $0x1  }
0x66: {  	s11 =	simm.s32 $0x13800  }
0x67: {  	[tilespmem:s11], [sflag:$0x2] =	stream.indirect_vreg.gather [hbm4b:s3+s2], $0x80, v4, vm0, $0xb8;
	[tilespmem:$0x1F000] =	vst v63  }
0x68: {  	s12 =	simm.s32 $0x14000  }
0x69: {  	[tilespmem:s12], [sflag:$0x2] =	stream.indirect_vreg.gather [hbm4b:s3+s2], $0x80, v3, vm0, $0xb8;
	[tilespmem:$0x1F000] =	vst v63  }
0x6a: {  	v3 =	vld.msk [tilespmem:$0xA0], $0xff;
	_ =	sdelay $0x4  }
0x6b: {  	v60 =	vshll.u32 v3, $0x1  }
0x6c: {  	v3 =	vand.u32 $0x7, v3;
	v4 =	vand.u32 $0xFFFFFFF0, v60  }
0x6d: {  	v3 =	vor.u32 v3, v4  }
0x6e: {  	v3 =	vperm.xlane v3, v0;
	_ =	sdelay $0x1  }
0x6f: {  	v3 =	vadd.s32 v1, v3;
	_ =	sdelay $0x3  }
0x70: {  	s13 =	simm.s32 $0x14800  }
0x71: {  	[tilespmem:s13], [sflag:$0x2] =	stream.indirect_vreg.gather [hbm4b:s3+s2], $0x80, v3, vm0, $0xb8;
	[tilespmem:$0x1F000] =	vst v63  }
0x72: {  	v3 =	vld [tilespmem:$0x8080];
	_ =	sdelay $0x4  }
0x73: {  	v61 =	vshll.u32 v3, $0x1  }
0x74: {  	v3 =	vand.u32 $0x7, v3;
	v4 =	vand.u32 $0xFFFFFFF0, v61  }
0x75: {  	v3 =	vor.u32 v3, v4  }
0x76: {  	v4 =	vperm.xlane v3, v0;
	_ =	sdelay $0x1  }
0x77: {  	v3 =	vperm.xlane v3, v2;
	v4 =	vadd.s32 v1, v4;
	_ =	sdelay $0x1  }
0x78: {  	v3 =	vadd.s32 v1, v3;
	_ =	sdelay $0x1  }
0x79: {  	s26 =	simm.s32 $0x1A000  }
0x7a: {  	[tilespmem:s26], [sflag:$0x2] =	stream.indirect_vreg.gather [hbm4b:s4+s2], $0x80, v4, vm0, $0xb8;
	[tilespmem:$0x1F000] =	vst v63  }
0x7b: {  	s28 =	simm.s32 $0x1A800  }
0x7c: {  	[tilespmem:s28], [sflag:$0x2] =	stream.indirect_vreg.gather [hbm4b:s4+s2], $0x80, v3, vm0, $0xb8;
	[tilespmem:$0x1F000] =	vst v63  }
0x7d: {  	v3 =	vld [tilespmem:$0x8090];
	_ =	sdelay $0x4  }
0x7e: {  	v62 =	vshll.u32 v3, $0x1  }
0x7f: {  	v3 =	vand.u32 $0x7, v3;
	v4 =	vand.u32 $0xFFFFFFF0, v62  }
0x80: {  	v3 =	vor.u32 v3, v4  }
0x81: {  	v4 =	vperm.xlane v3, v0;
	_ =	sdelay $0x1  }
0x82: {  	v3 =	vperm.xlane v3, v2;
	v4 =	vadd.s32 v1, v4;
	_ =	sdelay $0x1  }
0x83: {  	v3 =	vadd.s32 v1, v3;
	_ =	sdelay $0x1  }
0x84: {  	s29 =	simm.s32 $0x1B000  }
0x85: {  	[tilespmem:s29], [sflag:$0x2] =	stream.indirect_vreg.gather [hbm4b:s4+s2], $0x80, v4, vm0, $0xb8;
	[tilespmem:$0x1F000] =	vst v63  }
0x86: {  	s30 =	simm.s32 $0x1B800  }
0x87: {  	[tilespmem:s30], [sflag:$0x2] =	stream.indirect_vreg.gather [hbm4b:s4+s2], $0x80, v3, vm0, $0xb8;
	[tilespmem:$0x1F000] =	vst v63  }
0x88: {  	v3 =	vld.msk [tilespmem:$0x80A0], $0xff;
	_ =	sdelay $0x4  }
0x89: {  	v63 =	vshll.u32 v3, $0x1  }
0x8a: {  	v3 =	vand.u32 $0x7, v3;
	v4 =	vand.u32 $0xFFFFFFF0, v63  }
0x8b: {  	v3 =	vor.u32 v3, v4  }
0x8c: {  	v3 =	vperm.xlane v3, v0;
	_ =	sdelay $0x1  }
0x8d: {  	v3 =	vadd.s32 v1, v3;
	_ =	sdelay $0x3  }
0x8e: {  	s31 =	simm.s32 $0x1C000;
	s26 =	simm.s32 $0x0  }
0x8f: {  	[tilespmem:s31], [sflag:$0x2] =	stream.indirect_vreg.gather [hbm4b:s4+s2], $0x80, v3, vm0, $0xb8;
	[tilespmem:$0x1F000] =	vst v63  }
.LBB2_2:
0x90: {  	_ =	swait.ge [sflag:s7], $0x2800  }
0x91: {  	[sflag:s7] =	ssyncset.done $0x0  }
0x92: {  	[sflag:s7] =	ssyncadd.s32 $0xFFFFD800  }
0x93: {  	s0 =	simm.s32 $0x0;
	_ =	swait.ge [sflag:s7], $0x2800  }
0x94: {  	s1 =	sand.u32 $0x3800, s0;
	s0 =	sand.u32 $0x300, s0;
	[sflag:s7] =	ssyncset.done $0x0  }
0x95: {  	s28 =	sor.u32 s0, s1;
	[sflag:s7] =	ssyncadd.s32 $0xFFFFD800  }
0x96: {  	v9 =	vld [tilespmem:s28+$0x17800]  }
0x97: {  	v10 =	vld [tilespmem:s28+$0x17810]  }
0x98: {  	v11 =	vld [tilespmem:s28+$0x17820]  }
0x99: {  	v12 =	vld [tilespmem:s28+$0x17830]  }
0x9a: {  	v13 =	vld [tilespmem:s28+$0x17840]  }
0x9b: {  	v14 =	vld [tilespmem:s28+$0x17850]  }
0x9c: {  	v15 =	vld [tilespmem:s28+$0x17860]  }
0x9d: {  	v16 =	vld [tilespmem:s28+$0x17870]  }
0x9e: {  	v17 =	vld [tilespmem:s28+$0x17C00]  }
0x9f: {  	v18 =	vld [tilespmem:s28+$0x17C10]  }
0xa0: {  	v19 =	vld [tilespmem:s28+$0x17C20]  }
0xa1: {  	v20 =	vld [tilespmem:s28+$0x17C30]  }
0xa2: {  	v21 =	vld [tilespmem:s28+$0x17C40]  }
0xa3: {  	v22 =	vld [tilespmem:s28+$0x17C50]  }
0xa4: {  	v23 =	vld [tilespmem:s28+$0x17C60]  }
0xa5: {  	v24 =	vld [tilespmem:s28+$0x17C70]  }
0xa6: {  	v25 =	vld [tilespmem:s28+$0x17880]  }
0xa7: {  	v26 =	vld [tilespmem:s28+$0x17890]  }
0xa8: {  	v27 =	vld [tilespmem:s28+$0x178A0]  }
0xa9: {  	v28 =	vld [tilespmem:s28+$0x178B0]  }
0xaa: {  	v29 =	vld [tilespmem:s28+$0x178C0]  }
0xab: {  	v30 =	vld [tilespmem:s28+$0x178D0]  }
0xac: {  	v31 =	vld [tilespmem:s28+$0x178E0]  }
0xad: {  	v32 =	vld [tilespmem:s28+$0x178F0]  }
0xae: {  	v33 =	vld [tilespmem:s28+$0x17C80]  }
0xaf: {  	v34 =	vld [tilespmem:s28+$0x17C90]  }
0xb0: {  	v8 =	vld [tilespmem:s28+$0x17CA0]  }
0xb1: {  	v7 =	vld [tilespmem:s28+$0x17CB0]  }
0xb2: {  	v6 =	vld [tilespmem:s28+$0x17CC0]  }
0xb3: {  	v5 =	vld [tilespmem:s28+$0x17CD0]  }
0xb4: {  	v4 =	vld [tilespmem:s28+$0x17CE0]  }
0xb5: {  	v3 =	vld [tilespmem:s28+$0x17CF0]  }
0xb6: {  	v35 =	vld [tilespmem:s28+$0x10000]  }
0xb7: {  	v36 =	vld [tilespmem:s28+$0x10010]  }
0xb8: {  	v37 =	vld [tilespmem:s28+$0x10020]  }
0xb9: {  	v38 =	vld [tilespmem:s28+$0x10030]  }
0xba: {  	v39 =	vld [tilespmem:s28+$0x10040]  }
0xbb: {  	v62 =	vld [tilespmem:s28+$0x10050];
	v9 =	vadd.f32 v9, v35  }
0xbc: {  	v63 =	vld [tilespmem:s28+$0x10060];
	v10 =	vadd.f32 v10, v36  }
0xbd: {  	[tilespmem:s28+$0x10000] =	vst v9;
	v9 =	vadd.f32 v11, v37;
	v11 =	vld [tilespmem:s28+$0x10070]  }
0xbe: {  	[tilespmem:s28+$0x10010] =	vst v10;
	v10 =	vadd.f32 v12, v38;
	v12 =	vld [tilespmem:s28+$0x10400]  }
0xbf: {  	[tilespmem:s28+$0x10020] =	vst v9;
	v9 =	vadd.f32 v13, v39;
	v13 =	vld [tilespmem:s28+$0x10410]  }
0xc0: {  	[tilespmem:s28+$0x10030] =	vst v10;
	v10 =	vadd.f32 v14, v62;
	v14 =	vld [tilespmem:s28+$0x10420]  }
0xc1: {  	[tilespmem:s28+$0x10040] =	vst v9;
	v9 =	vadd.f32 v15, v63;
	v15 =	vld [tilespmem:s28+$0x10430]  }
0xc2: {  	[tilespmem:s28+$0x10050] =	vst v10;
	v10 =	vadd.f32 v16, v11;
	v11 =	vld [tilespmem:s28+$0x10440]  }
0xc3: {  	[tilespmem:s28+$0x10060] =	vst v9;
	v9 =	vadd.f32 v17, v12;
	v12 =	vld [tilespmem:s28+$0x10450]  }
0xc4: {  	[tilespmem:s28+$0x10070] =	vst v10;
	v10 =	vadd.f32 v18, v13;
	v13 =	vld [tilespmem:s28+$0x10460]  }
0xc5: {  	[tilespmem:s28+$0x10400] =	vst v9;
	v9 =	vadd.f32 v19, v14;
	v14 =	vld [tilespmem:s28+$0x10470]  }
0xc6: {  	[tilespmem:s28+$0x10410] =	vst v10;
	v10 =	vadd.f32 v20, v15;
	v15 =	vld [tilespmem:s28+$0x10080]  }
0xc7: {  	[tilespmem:s28+$0x10420] =	vst v9;
	v9 =	vadd.f32 v21, v11;
	v11 =	vld [tilespmem:s28+$0x10090]  }
0xc8: {  	[tilespmem:s28+$0x10430] =	vst v10;
	v10 =	vadd.f32 v22, v12;
	v12 =	vld [tilespmem:s28+$0x100A0]  }
0xc9: {  	[tilespmem:s28+$0x10440] =	vst v9;
	v9 =	vadd.f32 v23, v13;
	v13 =	vld [tilespmem:s28+$0x100B0]  }
0xca: {  	[tilespmem:s28+$0x10450] =	vst v10;
	v10 =	vadd.f32 v24, v14;
	v14 =	vld [tilespmem:s28+$0x100C0]  }
0xcb: {  	[tilespmem:s28+$0x10460] =	vst v9;
	v9 =	vadd.f32 v25, v15;
	v15 =	vld [tilespmem:s28+$0x100D0]  }
0xcc: {  	[tilespmem:s28+$0x10470] =	vst v10;
	v10 =	vadd.f32 v26, v11;
	v11 =	vld [tilespmem:s28+$0x100E0]  }
0xcd: {  	[tilespmem:s28+$0x10080] =	vst v9;
	v9 =	vadd.f32 v27, v12;
	v12 =	vld [tilespmem:s28+$0x100F0]  }
0xce: {  	[tilespmem:s28+$0x10090] =	vst v10;
	v10 =	vadd.f32 v28, v13;
	v13 =	vld [tilespmem:s28+$0x10480]  }
0xcf: {  	v16 =	vld [tilespmem:s28+$0x10490];
	[tilespmem:s28+$0x100A0] =	vst v9;
	v9 =	vadd.f32 v29, v14  }
0xd0: {  	[tilespmem:s28+$0x100B0] =	vst v10;
	v14 =	vadd.f32 v30, v15;
	v10 =	vld [tilespmem:s28+$0x104A0]  }
0xd1: {  	[tilespmem:s28+$0x100C0] =	vst v9;
	v15 =	vadd.f32 v31, v11;
	v9 =	vld [tilespmem:s28+$0x104B0]  }
0xd2: {  	v11 =	vld [tilespmem:s28+$0x104C0];
	[tilespmem:s28+$0x100D0] =	vst v14;
	v17 =	vadd.f32 v32, v12  }
0xd3: {  	v12 =	vld [tilespmem:s28+$0x104D0];
	[tilespmem:s28+$0x100E0] =	vst v15;
	v14 =	vadd.f32 v33, v13  }
0xd4: {  	s29 =	simm.s32 $0x0;
	s30 =	simm.s32 $0x100;
	s31 =	simm.s32 $0x200;
	v15 =	vadd.f32 v34, v16;
	v13 =	vld [tilespmem:s28+$0x104E0];
	[tilespmem:s28+$0x100F0] =	vst v17  }
.LBB2_3:
0xd5: {  	s0 =	sand.u32 $0x3800, s31;
	s1 =	sand.u32 $0x300, s30;
	[tilespmem:s28+$0x10480] =	vst v14;
	v8 =	vadd.f32 v8, v10;
	v10 =	vld [tilespmem:s28+$0x104F0]  }
0xd6: {  	s0 =	sor.u32 s1, s0;
	[tilespmem:s28+$0x10490] =	vst v15;
	v7 =	vadd.f32 v7, v9  }
0xd7: {  	v9 =	vld [tilespmem:s0+$0x17800];
	[tilespmem:s28+$0x104A0] =	vst v8;
	v6 =	vadd.f32 v6, v11  }
0xd8: {  	v11 =	vld [tilespmem:s0+$0x17810];
	[tilespmem:s28+$0x104B0] =	vst v7;
	v5 =	vadd.f32 v5, v12  }
0xd9: {  	v12 =	vld [tilespmem:s0+$0x17820];
	[tilespmem:s28+$0x104C0] =	vst v6;
	v4 =	vadd.f32 v4, v13  }
0xda: {  	v13 =	vld [tilespmem:s0+$0x17830];
	[tilespmem:s28+$0x104D0] =	vst v5;
	v3 =	vadd.f32 v3, v10  }
0xdb: {  	v10 =	vld [tilespmem:s0+$0x17840];
	[tilespmem:s28+$0x104E0] =	vst v4  }
0xdc: {  	v14 =	vld [tilespmem:s0+$0x17850];
	[tilespmem:s28+$0x104F0] =	vst v3;
	s28 =	smov.u32 s0  }
0xdd: {  	v15 =	vld [tilespmem:s28+$0x17860]  }
0xde: {  	v16 =	vld [tilespmem:s28+$0x17870]  }
0xdf: {  	v17 =	vld [tilespmem:s28+$0x17C00]  }
0xe0: {  	v18 =	vld [tilespmem:s28+$0x17C10]  }
0xe1: {  	v19 =	vld [tilespmem:s28+$0x17C20]  }
0xe2: {  	v20 =	vld [tilespmem:s28+$0x17C30]  }
0xe3: {  	v21 =	vld [tilespmem:s28+$0x17C40]  }
0xe4: {  	v22 =	vld [tilespmem:s28+$0x17C50]  }
0xe5: {  	v23 =	vld [tilespmem:s28+$0x17C60]  }
0xe6: {  	v24 =	vld [tilespmem:s28+$0x17C70]  }
0xe7: {  	v25 =	vld [tilespmem:s28+$0x17880]  }
0xe8: {  	v26 =	vld [tilespmem:s28+$0x17890]  }
0xe9: {  	v27 =	vld [tilespmem:s28+$0x178A0]  }
0xea: {  	v28 =	vld [tilespmem:s28+$0x178B0]  }
0xeb: {  	v29 =	vld [tilespmem:s28+$0x178C0]  }
0xec: {  	v30 =	vld [tilespmem:s28+$0x178D0]  }
0xed: {  	v31 =	vld [tilespmem:s28+$0x178E0]  }
0xee: {  	v32 =	vld [tilespmem:s28+$0x178F0]  }
0xef: {  	v33 =	vld [tilespmem:s28+$0x17C80]  }
0xf0: {  	v34 =	vld [tilespmem:s28+$0x17C90]  }
0xf1: {  	v8 =	vld [tilespmem:s28+$0x17CA0]  }
0xf2: {  	v7 =	vld [tilespmem:s28+$0x17CB0]  }
0xf3: {  	v6 =	vld [tilespmem:s28+$0x17CC0]  }
0xf4: {  	v5 =	vld [tilespmem:s28+$0x17CD0]  }
0xf5: {  	v4 =	vld [tilespmem:s28+$0x17CE0]  }
0xf6: {  	v3 =	vld [tilespmem:s28+$0x17CF0]  }
0xf7: {  	v35 =	vld [tilespmem:s28+$0x10000]  }
0xf8: {  	v36 =	vld [tilespmem:s28+$0x10010]  }
0xf9: {  	v37 =	vld [tilespmem:s28+$0x10020]  }
0xfa: {  	v38 =	vld [tilespmem:s28+$0x10030]  }
0xfb: {  	v39 =	vld [tilespmem:s28+$0x10040]  }
0xfc: {  	v9 =	vadd.f32 v9, v35;
	v35 =	vld [tilespmem:s28+$0x10050]  }
0xfd: {  	v11 =	vadd.f32 v11, v36;
	v36 =	vld [tilespmem:s28+$0x10060]  }
0xfe: {  	[tilespmem:s28+$0x10000] =	vst v9;
	v9 =	vadd.f32 v12, v37;
	v12 =	vld [tilespmem:s28+$0x10070]  }
0xff: {  	[tilespmem:s28+$0x10010] =	vst v11;
	v11 =	vadd.f32 v13, v38;
	v13 =	vld [tilespmem:s28+$0x10400]  }
0x100: {  	[tilespmem:s28+$0x10020] =	vst v9;
	v9 =	vadd.f32 v10, v39;
	v10 =	vld [tilespmem:s28+$0x10410]  }
0x101: {  	[tilespmem:s28+$0x10030] =	vst v11;
	v11 =	vadd.f32 v14, v35;
	v14 =	vld [tilespmem:s28+$0x10420]  }
0x102: {  	[tilespmem:s28+$0x10040] =	vst v9;
	v9 =	vadd.f32 v15, v36;
	v15 =	vld [tilespmem:s28+$0x10430]  }
0x103: {  	[tilespmem:s28+$0x10050] =	vst v11;
	v11 =	vadd.f32 v16, v12;
	v12 =	vld [tilespmem:s28+$0x10440]  }
0x104: {  	[tilespmem:s28+$0x10060] =	vst v9;
	v9 =	vadd.f32 v17, v13;
	v13 =	vld [tilespmem:s28+$0x10450]  }
0x105: {  	[tilespmem:s28+$0x10070] =	vst v11;
	v10 =	vadd.f32 v18, v10;
	v11 =	vld [tilespmem:s28+$0x10460]  }
0x106: {  	[tilespmem:s28+$0x10400] =	vst v9;
	v9 =	vadd.f32 v19, v14;
	v14 =	vld [tilespmem:s28+$0x10470]  }
0x107: {  	[tilespmem:s28+$0x10410] =	vst v10;
	v10 =	vadd.f32 v20, v15;
	v15 =	vld [tilespmem:s28+$0x10080]  }
0x108: {  	[tilespmem:s28+$0x10420] =	vst v9;
	v9 =	vadd.f32 v21, v12;
	v12 =	vld [tilespmem:s28+$0x10090]  }
0x109: {  	[tilespmem:s28+$0x10430] =	vst v10;
	v10 =	vadd.f32 v22, v13;
	v13 =	vld [tilespmem:s28+$0x100A0]  }
0x10a: {  	[tilespmem:s28+$0x10440] =	vst v9;
	v9 =	vadd.f32 v23, v11;
	v11 =	vld [tilespmem:s28+$0x100B0]  }
0x10b: {  	[tilespmem:s28+$0x10450] =	vst v10;
	v10 =	vadd.f32 v24, v14;
	v14 =	vld [tilespmem:s28+$0x100C0]  }
0x10c: {  	[tilespmem:s28+$0x10460] =	vst v9;
	v9 =	vadd.f32 v25, v15;
	v15 =	vld [tilespmem:s28+$0x100D0]  }
0x10d: {  	[tilespmem:s28+$0x10470] =	vst v10;
	v10 =	vadd.f32 v26, v12;
	v12 =	vld [tilespmem:s28+$0x100E0]  }
0x10e: {  	[tilespmem:s28+$0x10080] =	vst v9;
	v9 =	vadd.f32 v27, v13;
	v13 =	vld [tilespmem:s28+$0x100F0]  }
0x10f: {  	s29 =	sadd.s32 $0x2, s29;
	[tilespmem:s28+$0x10090] =	vst v10;
	v10 =	vadd.f32 v28, v11;
	v16 =	vld [tilespmem:s28+$0x10480]  }
0x110: {  	p0 =	slt.u32 s29, $0x26;
	[tilespmem:s28+$0x100A0] =	vst v9;
	v9 =	vadd.f32 v29, v14;
	v17 =	vld [tilespmem:s28+$0x10490]  }
.Ltmp0:
0x111: {  	[tilespmem:s28+$0x100B0] =	vst v10;
	v11 =	vadd.f32 v30, v15;
	v10 =	vld [tilespmem:s28+$0x104A0];
	(pc) =	sbr.rel @p0 .LBB2_3-.Ltmp0, $4  }
0x112: {  	[tilespmem:s28+$0x100C0] =	vst v9;
	v12 =	vadd.f32 v31, v12;
	v9 =	vld [tilespmem:s28+$0x104B0]  }
0x113: {  	[tilespmem:s28+$0x100D0] =	vst v11;
	v13 =	vadd.f32 v32, v13;
	v11 =	vld [tilespmem:s28+$0x104C0]  }
0x114: {  	[tilespmem:s28+$0x100E0] =	vst v12;
	v14 =	vadd.f32 v33, v16;
	v12 =	vld [tilespmem:s28+$0x104D0]  }
0x115: {  	s30 =	sadd.s32 $0x100, s30;
	s31 =	sadd.s32 $0x200, s31;
	[tilespmem:s28+$0x100F0] =	vst v13;
	v15 =	vadd.f32 v34, v17;
	v13 =	vld [tilespmem:s28+$0x104E0]  }
0x116: {  	[tilespmem:s28+$0x10480] =	vst v14;
	v8 =	vadd.f32 v8, v10;
	v57 =	vld [tilespmem:s28+$0x104F0]  }
0x117: {  	[tilespmem:s28+$0x10490] =	vst v15;
	v7 =	vadd.f32 v7, v9  }
0x118: {  	[tilespmem:s28+$0x104A0] =	vst v8;
	v6 =	vadd.f32 v6, v11  }
0x119: {  	s29 =	smul.u32 $0x78, s26;
	[tilespmem:s28+$0x104B0] =	vst v7;
	v5 =	vadd.f32 v5, v12  }
0x11a: {  	[tilespmem:s28+$0x104C0] =	vst v6;
	v4 =	vadd.f32 v4, v13  }
0x11b: {  	s0 =	sadd.s32 s6, s29;
	[tilespmem:s28+$0x104D0] =	vst v5;
	v3 =	vadd.f32 v3, v57  }
0x11c: {  	p0 =	seq.s32 s26, $0x0;
	s0 =	sshll.u32 s0, $0x5;
	[tilespmem:s28+$0x104E0] =	vst v4  }
0x11d: {  	s13 =	smul.u32 $0x3, s26;
	s1 =	simm.s32 @!p0 $0x6;
	s0 =	sadd.s32 s5, s0;
	[tilespmem:s28+$0x104F0] =	vst v3  }
0x11e: {  	[hbm4b:s0+s2] =	stream.linear.scatter [tilespmem:s14], [sflag:$0x4], $0x2800, $0x38;
	[tilespmem:$0x1F000] =	vst v63  }
0x11f: {  	_ =	swait.ge @!p0 [sflag:s1], $0x2800  }
0x120: {  	s28 =	sadd.s32 $0x2, s13;
	[sflag:s1] =	ssyncset.done @!p0 $0x0  }
0x121: {  	s0 =	sshll.u32 s28, $0x7;
	[sflag:s1] =	ssyncadd.s32 @!p0 $0xFFFFD800  }
0x122: {  	v3 =	vld [tilespmem:s0+$0x0];
	_ =	sdelay $0x4  }
0x123: {  	v58 =	vshll.u32 v3, $0x1  }
0x124: {  	v3 =	vand.u32 $0x7, v3;
	v4 =	vand.u32 $0xFFFFFFF0, v58  }
0x125: {  	v3 =	vor.u32 v3, v4  }
0x126: {  	v4 =	vperm.xlane v3, v0;
	_ =	sdelay $0x1  }
0x127: {  	v3 =	vperm.xlane v3, v2;
	v4 =	vadd.s32 v1, v4;
	_ =	sdelay $0x1  }
0x128: {  	v3 =	vadd.s32 v1, v3;
	_ =	sdelay $0x1  }
0x129: {  	s30 =	simm.s32 $0x0  }
0x12a: {  	[tilespmem:s8], [sflag:$0x3] =	stream.indirect_vreg.gather [hbm4b:s3+s30], $0x80, v4, vm0, $0xb8;
	[tilespmem:$0x1F000] =	vst v63  }
0x12b: {  	s10 =	simm.s32 $0x15800  }
0x12c: {  	[tilespmem:s10], [sflag:$0x3] =	stream.indirect_vreg.gather [hbm4b:s3+s30], $0x80, v3, vm0, $0xb8;
	[tilespmem:$0x1F000] =	vst v63  }
0x12d: {  	v3 =	vld [tilespmem:s0+$0x10];
	_ =	sdelay $0x4  }
0x12e: {  	v59 =	vshll.u32 v3, $0x1  }
0x12f: {  	v3 =	vand.u32 $0x7, v3;
	v4 =	vand.u32 $0xFFFFFFF0, v59  }
0x130: {  	v3 =	vor.u32 v3, v4  }
0x131: {  	v4 =	vperm.xlane v3, v0;
	_ =	sdelay $0x1  }
0x132: {  	v3 =	vperm.xlane v3, v2;
	v4 =	vadd.s32 v1, v4;
	_ =	sdelay $0x1  }
0x133: {  	v3 =	vadd.s32 v1, v3;
	_ =	sdelay $0x1  }
0x134: {  	s11 =	simm.s32 $0x16000  }
0x135: {  	[tilespmem:s11], [sflag:$0x3] =	stream.indirect_vreg.gather [hbm4b:s3+s30], $0x80, v4, vm0, $0xb8;
	[tilespmem:$0x1F000] =	vst v63  }
0x136: {  	s12 =	simm.s32 $0x16800;
	s13 =	sor.u32 $0x20, s0  }
0x137: {  	[tilespmem:s12], [sflag:$0x3] =	stream.indirect_vreg.gather [hbm4b:s3+s30], $0x80, v3, vm0, $0xb8;
	[tilespmem:$0x1F000] =	vst v63  }
0x138: {  	v3 =	vld.msk [tilespmem:s13+$0x0], $0xff;
	_ =	sdelay $0x4  }
0x139: {  	v60 =	vshll.u32 v3, $0x1  }
0x13a: {  	v3 =	vand.u32 $0x7, v3;
	v4 =	vand.u32 $0xFFFFFFF0, v60  }
0x13b: {  	v3 =	vor.u32 v3, v4  }
0x13c: {  	v3 =	vperm.xlane v3, v0;
	_ =	sdelay $0x1  }
0x13d: {  	v3 =	vadd.s32 v1, v3;
	_ =	sdelay $0x4  }
0x13e: {  	[tilespmem:s15], [sflag:$0x3] =	stream.indirect_vreg.gather [hbm4b:s3+s30], $0x80, v3, vm0, $0xb8;
	[tilespmem:$0x1F000] =	vst v63  }
0x13f: {  	v3 =	vld [tilespmem:s0+$0x8000];
	_ =	sdelay $0x4  }
0x140: {  	v61 =	vshll.u32 v3, $0x1  }
0x141: {  	v3 =	vand.u32 $0x7, v3;
	v4 =	vand.u32 $0xFFFFFFF0, v61  }
0x142: {  	v3 =	vor.u32 v3, v4  }
0x143: {  	v4 =	vperm.xlane v3, v0;
	_ =	sdelay $0x1  }
0x144: {  	v3 =	vperm.xlane v3, v2;
	v4 =	vadd.s32 v1, v4;
	_ =	sdelay $0x1  }
0x145: {  	v3 =	vadd.s32 v1, v3;
	_ =	sdelay $0x2  }
0x146: {  	[tilespmem:s16], [sflag:$0x3] =	stream.indirect_vreg.gather [hbm4b:s4+s30], $0x80, v4, vm0, $0xb8;
	[tilespmem:$0x1F000] =	vst v63  }
0x147: {  	_ = 	snop  }
0x148: {  	[tilespmem:s17], [sflag:$0x3] =	stream.indirect_vreg.gather [hbm4b:s4+s30], $0x80, v3, vm0, $0xb8;
	[tilespmem:$0x1F000] =	vst v63  }
0x149: {  	v3 =	vld [tilespmem:s0+$0x8010];
	_ =	sdelay $0x4  }
0x14a: {  	v62 =	vshll.u32 v3, $0x1  }
0x14b: {  	v3 =	vand.u32 $0x7, v3;
	v4 =	vand.u32 $0xFFFFFFF0, v62  }
0x14c: {  	v3 =	vor.u32 v3, v4  }
0x14d: {  	v4 =	vperm.xlane v3, v0;
	_ =	sdelay $0x1  }
0x14e: {  	v3 =	vperm.xlane v3, v2;
	v4 =	vadd.s32 v1, v4;
	_ =	sdelay $0x1  }
0x14f: {  	v3 =	vadd.s32 v1, v3;
	_ =	sdelay $0x2  }
0x150: {  	[tilespmem:s18], [sflag:$0x3] =	stream.indirect_vreg.gather [hbm4b:s4+s30], $0x80, v4, vm0, $0xb8;
	[tilespmem:$0x1F000] =	vst v63  }
0x151: {  	_ = 	snop  }
0x152: {  	[tilespmem:s19], [sflag:$0x3] =	stream.indirect_vreg.gather [hbm4b:s4+s30], $0x80, v3, vm0, $0xb8;
	[tilespmem:$0x1F000] =	vst v63  }
0x153: {  	v3 =	vld.msk [tilespmem:s0+$0x8020], $0xff;
	_ =	sdelay $0x4  }
0x154: {  	v63 =	vshll.u32 v3, $0x1  }
0x155: {  	v3 =	vand.u32 $0x7, v3;
	v4 =	vand.u32 $0xFFFFFFF0, v63  }
0x156: {  	v3 =	vor.u32 v3, v4  }
0x157: {  	v3 =	vperm.xlane v3, v0;
	_ =	sdelay $0x1  }
0x158: {  	v3 =	vadd.s32 v1, v3;
	_ =	sdelay $0x4  }
0x159: {  	[tilespmem:s20], [sflag:$0x3] =	stream.indirect_vreg.gather [hbm4b:s4+s30], $0x80, v3, vm0, $0xb8;
	[tilespmem:$0x1F000] =	vst v63  }
0x15a: {  	_ =	swait.ge [sflag:s21], $0x2800  }
0x15b: {  	[sflag:s21] =	ssyncset.done $0x0  }
0x15c: {  	[sflag:s21] =	ssyncadd.s32 $0xFFFFD800  }
0x15d: {  	_ =	swait.ge [sflag:s21], $0x2800  }
0x15e: {  	[sflag:s21] =	ssyncset.done $0x0  }
0x15f: {  	s31 =	simm.s32 $0xFFFFFFFE;
	s0 =	simm.s32 $0x0;
	[sflag:s21] =	ssyncadd.s32 $0xFFFFD800  }
.LBB2_5:
0x160: {  	s13 =	sand.u32 $0x3800, s30  }
0x161: {  	s10 =	sand.u32 $0x300, s0;
	s1 =	sadd.s32 $0x2800, s13  }
0x162: {  	s11 =	sor.u32 s10, s1  }
0x163: {  	v3 =	vld [tilespmem:s11+$0x10000]  }
0x164: {  	v4 =	vld [tilespmem:s11+$0x17800]  }
0x165: {  	v5 =	vld [tilespmem:s11+$0x10010]  }
0x166: {  	v6 =	vld [tilespmem:s11+$0x17810]  }
0x167: {  	v7 =	vld [tilespmem:s11+$0x10020]  }
0x168: {  	v8 =	vld [tilespmem:s11+$0x17820]  }
0x169: {  	v9 =	vld [tilespmem:s11+$0x10030]  }
0x16a: {  	v10 =	vld [tilespmem:s11+$0x17830]  }
0x16b: {  	v11 =	vld [tilespmem:s11+$0x10040]  }
0x16c: {  	v12 =	vld [tilespmem:s11+$0x17840]  }
0x16d: {  	v13 =	vld [tilespmem:s11+$0x10050]  }
0x16e: {  	v14 =	vld [tilespmem:s11+$0x17850]  }
0x16f: {  	v15 =	vld [tilespmem:s11+$0x10060]  }
0x170: {  	v56 =	vld [tilespmem:s11+$0x10070];
	v3 =	vadd.f32 v4, v3  }
0x171: {  	v57 =	vld [tilespmem:s11+$0x17870];
	v5 =	vadd.f32 v6, v5  }
0x172: {  	v55 =	vld [tilespmem:s11+$0x17860];
	[tilespmem:s11+$0x10000] =	vst v3;
	v3 =	vadd.f32 v8, v7  }
0x173: {  	v58 =	vadd.f32 v10, v9;
	[tilespmem:s11+$0x10010] =	vst v5  }
0x174: {  	[tilespmem:s11+$0x10020] =	vst v3;
	v3 =	vadd.f32 v12, v11  }
0x175: {  	s13 =	sadd.s32 $0x2C00, s13;
	v59 =	vadd.f32 v14, v13;
	[tilespmem:s11+$0x10030] =	vst v58  }
0x176: {  	s12 =	sor.u32 s10, s13;
	v60 =	vadd.f32 v57, v56;
	[tilespmem:s11+$0x10040] =	vst v3  }
0x177: {  	[tilespmem:s11+$0x10050] =	vst v59;
	v3 =	vadd.f32 v55, v15;
	v61 =	vld [tilespmem:s12+$0x10010]  }
0x178: {  	[tilespmem:s11+$0x10070] =	vst v60;
	v63 =	vld [tilespmem:s12+$0x10020]  }
0x179: {  	[tilespmem:s11+$0x10060] =	vst v3;
	v3 =	vld [tilespmem:s12+$0x10000]  }
0x17a: {  	v4 =	vld [tilespmem:s12+$0x17800]  }
0x17b: {  	v62 =	vld [tilespmem:s12+$0x17810]  }
0x17c: {  	v18 =	vld [tilespmem:s12+$0x17820]  }
0x17d: {  	v19 =	vld [tilespmem:s12+$0x10030]  }
0x17e: {  	v20 =	vld [tilespmem:s12+$0x17830]  }
0x17f: {  	v21 =	vld [tilespmem:s12+$0x10040]  }
0x180: {  	v22 =	vld [tilespmem:s12+$0x10050]  }
0x181: {  	v23 =	vld [tilespmem:s12+$0x17850]  }
0x182: {  	v24 =	vld [tilespmem:s12+$0x10060]  }
0x183: {  	v25 =	vld [tilespmem:s12+$0x17860]  }
0x184: {  	v26 =	vld [tilespmem:s12+$0x10070];
	v3 =	vadd.f32 v4, v3  }
0x185: {  	v28 =	vld [tilespmem:s12+$0x17840];
	v5 =	vadd.f32 v62, v61  }
0x186: {  	v27 =	vld [tilespmem:s12+$0x17870];
	v29 =	vadd.f32 v20, v19;
	[tilespmem:s12+$0x10000] =	vst v3  }
0x187: {  	v3 =	vadd.f32 v18, v63;
	[tilespmem:s12+$0x10010] =	vst v5  }
0x188: {  	v30 =	vadd.f32 v25, v24;
	[tilespmem:s12+$0x10030] =	vst v29  }
0x189: {  	[tilespmem:s12+$0x10020] =	vst v3;
	v3 =	vadd.f32 v23, v22  }
0x18a: {  	v31 =	vadd.f32 v28, v21;
	[tilespmem:s12+$0x10060] =	vst v30  }
0x18b: {  	s10 =	sor.u32 $0x80, s10;
	[tilespmem:s12+$0x10050] =	vst v3;
	v3 =	vadd.f32 v27, v26  }
0x18c: {  	s1 =	sor.u32 s10, s1;
	[tilespmem:s12+$0x10040] =	vst v31  }
0x18d: {  	v35 =	vld [tilespmem:s1+$0x10030];
	[tilespmem:s12+$0x10070] =	vst v3  }
0x18e: {  	v3 =	vld [tilespmem:s1+$0x10000]  }
0x18f: {  	v4 =	vld [tilespmem:s1+$0x17800]  }
0x190: {  	v5 =	vld [tilespmem:s1+$0x10010]  }
0x191: {  	v32 =	vld [tilespmem:s1+$0x17810]  }
0x192: {  	v33 =	vld [tilespmem:s1+$0x10020]  }
0x193: {  	v34 =	vld [tilespmem:s1+$0x17820]  }
0x194: {  	v36 =	vld [tilespmem:s1+$0x17830]  }
0x195: {  	v37 =	vld [tilespmem:s1+$0x10040]  }
0x196: {  	v38 =	vld [tilespmem:s1+$0x10050]  }
0x197: {  	v39 =	vld [tilespmem:s1+$0x17850]  }
0x198: {  	v40 =	vld [tilespmem:s1+$0x10060]  }
0x199: {  	v41 =	vld [tilespmem:s1+$0x17860]  }
0x19a: {  	v42 =	vld [tilespmem:s1+$0x10070];
	v3 =	vadd.f32 v4, v3  }
0x19b: {  	v44 =	vld [tilespmem:s1+$0x17840];
	v5 =	vadd.f32 v32, v5  }
0x19c: {  	v43 =	vld [tilespmem:s1+$0x17870];
	v45 =	vadd.f32 v36, v35;
	[tilespmem:s1+$0x10000] =	vst v3  }
0x19d: {  	v3 =	vadd.f32 v34, v33;
	[tilespmem:s1+$0x10010] =	vst v5  }
0x19e: {  	v46 =	vadd.f32 v41, v40;
	[tilespmem:s1+$0x10030] =	vst v45  }
0x19f: {  	[tilespmem:s1+$0x10020] =	vst v3;
	v3 =	vadd.f32 v39, v38  }
0x1a0: {  	v47 =	vadd.f32 v44, v37;
	[tilespmem:s1+$0x10060] =	vst v46  }
0x1a1: {  	[tilespmem:s1+$0x10050] =	vst v3;
	v3 =	vadd.f32 v43, v42  }
0x1a2: {  	s10 =	sor.u32 s10, s13;
	[tilespmem:s1+$0x10040] =	vst v47  }
0x1a3: {  	v51 =	vld [tilespmem:s10+$0x10030];
	[tilespmem:s1+$0x10070] =	vst v3  }
0x1a4: {  	v3 =	vld [tilespmem:s10+$0x10000]  }
0x1a5: {  	v4 =	vld [tilespmem:s10+$0x17800]  }
0x1a6: {  	v5 =	vld [tilespmem:s10+$0x10010]  }
0x1a7: {  	v48 =	vld [tilespmem:s10+$0x17810]  }
0x1a8: {  	v49 =	vld [tilespmem:s10+$0x10020]  }
0x1a9: {  	v50 =	vld [tilespmem:s10+$0x17820]  }
0x1aa: {  	v52 =	vld [tilespmem:s10+$0x17830]  }
0x1ab: {  	v53 =	vld [tilespmem:s10+$0x10040]  }
0x1ac: {  	v54 =	vld [tilespmem:s10+$0x17840]  }
0x1ad: {  	v55 =	vld [tilespmem:s10+$0x10050]  }
0x1ae: {  	v56 =	vld [tilespmem:s10+$0x17850]  }
0x1af: {  	v57 =	vld [tilespmem:s10+$0x10060]  }
0x1b0: {  	v59 =	vld [tilespmem:s10+$0x10070];
	v3 =	vadd.f32 v4, v3  }
0x1b1: {  	v60 =	vld [tilespmem:s10+$0x17870];
	v5 =	vadd.f32 v48, v5  }
0x1b2: {  	v58 =	vld [tilespmem:s10+$0x17860];
	v61 =	vadd.f32 v52, v51;
	[tilespmem:s10+$0x10000] =	vst v3  }
0x1b3: {  	s31 =	sadd.s32 $0x2, s31;
	v3 =	vadd.f32 v50, v49;
	[tilespmem:s10+$0x10010] =	vst v5  }
0x1b4: {  	p0 =	slt.u32 s31, $0x26;
	v62 =	vadd.f32 v56, v55;
	[tilespmem:s10+$0x10030] =	vst v61  }
.Ltmp1:
0x1b5: {  	[tilespmem:s10+$0x10020] =	vst v3;
	v3 =	vadd.f32 v54, v53;
	(pc) =	sbr.rel @p0 .LBB2_5-.Ltmp1, $4  }
0x1b6: {  	v63 =	vadd.f32 v60, v59;
	[tilespmem:s10+$0x10050] =	vst v62  }
0x1b7: {  	[tilespmem:s10+$0x10040] =	vst v3;
	v3 =	vadd.f32 v58, v57  }
0x1b8: {  	[tilespmem:s10+$0x10070] =	vst v63  }
0x1b9: {  	s0 =	sadd.s32 $0x100, s0;
	s30 =	sadd.s32 $0x200, s30;
	[tilespmem:s10+$0x10060] =	vst v3  }
0x1ba: {  	s0 =	sadd.s32 s29, s9  }
0x1bb: {  	p0 =	seq.s32 s26, $0x52;
	s0 =	sshll.u32 s0, $0x5  }
.Ltmp2:
0x1bc: {  	s0 =	sadd.s32 s5, s0;
	(pc) =	sbr.rel @p0 .LBB2_8-.Ltmp2, $4  }
0x1bd: {  	[hbm4b:s0+s2] =	stream.linear.scatter [tilespmem:s24], [sflag:$0x5], $0x2800, $0x38;
	[tilespmem:$0x1F000] =	vst v63  }
0x1be: {  	_ =	swait.ge [sflag:s22], $0x2800  }
0x1bf: {  	[sflag:s22] =	ssyncset.done $0x0  }
0x1c0: {  	[sflag:s22] =	ssyncadd.s32 $0xFFFFD800  }
0x1c1: {  	s0 =	smul.u32 $0x180, s26;
	_ =	sdelay $0x1  }
0x1c2: {  	v3 =	vld [tilespmem:s0+$0x180];
	_ =	sdelay $0x4  }
0x1c3: {  	v4 =	vshll.u32 v3, $0x1  }
0x1c4: {  	v3 =	vand.u32 $0x7, v3;
	v4 =	vand.u32 $0xFFFFFFF0, v4  }
0x1c5: {  	v3 =	vor.u32 v3, v4  }
0x1c6: {  	v4 =	vperm.xlane v3, v0;
	_ =	sdelay $0x1  }
0x1c7: {  	v3 =	vperm.xlane v3, v2;
	v4 =	vadd.s32 v1, v4;
	_ =	sdelay $0x1  }
0x1c8: {  	v3 =	vadd.s32 v1, v3;
	_ =	sdelay $0x2  }
0x1c9: {  	[tilespmem:s14], [sflag:$0x1] =	stream.indirect_vreg.gather [hbm4b:s3+s2], $0x80, v4, vm0, $0xb8;
	[tilespmem:$0x1F000] =	vst v63  }
0x1ca: {  	s1 =	simm.s32 $0x10800  }
0x1cb: {  	[tilespmem:s1], [sflag:$0x1] =	stream.indirect_vreg.gather [hbm4b:s3+s2], $0x80, v3, vm0, $0xb8;
	[tilespmem:$0x1F000] =	vst v63  }
0x1cc: {  	v3 =	vld [tilespmem:s0+$0x190];
	_ =	sdelay $0x4  }
0x1cd: {  	v59 =	vshll.u32 v3, $0x1  }
0x1ce: {  	v3 =	vand.u32 $0x7, v3;
	v4 =	vand.u32 $0xFFFFFFF0, v59  }
0x1cf: {  	v3 =	vor.u32 v3, v4  }
0x1d0: {  	v4 =	vperm.xlane v3, v0;
	_ =	sdelay $0x1  }
0x1d1: {  	v3 =	vperm.xlane v3, v2;
	v4 =	vadd.s32 v1, v4;
	_ =	sdelay $0x1  }
0x1d2: {  	v3 =	vadd.s32 v1, v3;
	_ =	sdelay $0x1  }
0x1d3: {  	s31 =	simm.s32 $0x11000  }
0x1d4: {  	[tilespmem:s31], [sflag:$0x1] =	stream.indirect_vreg.gather [hbm4b:s3+s2], $0x80, v4, vm0, $0xb8;
	[tilespmem:$0x1F000] =	vst v63  }
0x1d5: {  	s10 =	simm.s32 $0x11800  }
0x1d6: {  	[tilespmem:s10], [sflag:$0x1] =	stream.indirect_vreg.gather [hbm4b:s3+s2], $0x80, v3, vm0, $0xb8;
	[tilespmem:$0x1F000] =	vst v63  }
0x1d7: {  	v3 =	vld.msk [tilespmem:s0+$0x1A0], $0xff;
	_ =	sdelay $0x4  }
0x1d8: {  	v60 =	vshll.u32 v3, $0x1  }
0x1d9: {  	v3 =	vand.u32 $0x7, v3;
	v4 =	vand.u32 $0xFFFFFFF0, v60  }
0x1da: {  	v3 =	vor.u32 v3, v4  }
0x1db: {  	v3 =	vperm.xlane v3, v0;
	_ =	sdelay $0x1  }
0x1dc: {  	v3 =	vadd.s32 v1, v3;
	_ =	sdelay $0x3  }
0x1dd: {  	s11 =	simm.s32 $0x12000  }
0x1de: {  	[tilespmem:s11], [sflag:$0x1] =	stream.indirect_vreg.gather [hbm4b:s3+s2], $0x80, v3, vm0, $0xb8;
	[tilespmem:$0x1F000] =	vst v63  }
0x1df: {  	v3 =	vld [tilespmem:s0+$0x8180];
	_ =	sdelay $0x4  }
0x1e0: {  	v61 =	vshll.u32 v3, $0x1  }
0x1e1: {  	v3 =	vand.u32 $0x7, v3;
	v4 =	vand.u32 $0xFFFFFFF0, v61  }
0x1e2: {  	v3 =	vor.u32 v3, v4  }
0x1e3: {  	v4 =	vperm.xlane v3, v0;
	_ =	sdelay $0x1  }
0x1e4: {  	v3 =	vperm.xlane v3, v2;
	v4 =	vadd.s32 v1, v4;
	_ =	sdelay $0x1  }
0x1e5: {  	v3 =	vadd.s32 v1, v3;
	_ =	sdelay $0x1  }
0x1e6: {  	s12 =	simm.s32 $0x17800  }
0x1e7: {  	[tilespmem:s12], [sflag:$0x1] =	stream.indirect_vreg.gather [hbm4b:s4+s2], $0x80, v4, vm0, $0xb8;
	[tilespmem:$0x1F000] =	vst v63  }
0x1e8: {  	s13 =	simm.s32 $0x18000  }
0x1e9: {  	[tilespmem:s13], [sflag:$0x1] =	stream.indirect_vreg.gather [hbm4b:s4+s2], $0x80, v3, vm0, $0xb8;
	[tilespmem:$0x1F000] =	vst v63  }
0x1ea: {  	v3 =	vld [tilespmem:s0+$0x8190];
	_ =	sdelay $0x4  }
0x1eb: {  	v62 =	vshll.u32 v3, $0x1  }
0x1ec: {  	v3 =	vand.u32 $0x7, v3;
	v4 =	vand.u32 $0xFFFFFFF0, v62  }
0x1ed: {  	v3 =	vor.u32 v3, v4  }
0x1ee: {  	v4 =	vperm.xlane v3, v0;
	_ =	sdelay $0x1  }
0x1ef: {  	v3 =	vperm.xlane v3, v2;
	v4 =	vadd.s32 v1, v4;
	_ =	sdelay $0x1  }
0x1f0: {  	v3 =	vadd.s32 v1, v3;
	_ =	sdelay $0x1  }
0x1f1: {  	s29 =	simm.s32 $0x18800  }
0x1f2: {  	[tilespmem:s29], [sflag:$0x1] =	stream.indirect_vreg.gather [hbm4b:s4+s2], $0x80, v4, vm0, $0xb8;
	[tilespmem:$0x1F000] =	vst v63  }
0x1f3: {  	s30 =	simm.s32 $0x19000  }
0x1f4: {  	[tilespmem:s30], [sflag:$0x1] =	stream.indirect_vreg.gather [hbm4b:s4+s2], $0x80, v3, vm0, $0xb8;
	[tilespmem:$0x1F000] =	vst v63  }
0x1f5: {  	v3 =	vld.msk [tilespmem:s0+$0x81A0], $0xff;
	_ =	sdelay $0x4  }
0x1f6: {  	v63 =	vshll.u32 v3, $0x1  }
0x1f7: {  	v3 =	vand.u32 $0x7, v3;
	v4 =	vand.u32 $0xFFFFFFF0, v63  }
0x1f8: {  	v3 =	vor.u32 v3, v4  }
0x1f9: {  	v3 =	vperm.xlane v3, v0;
	_ =	sdelay $0x1  }
0x1fa: {  	v3 =	vadd.s32 v1, v3;
	_ =	sdelay $0x3  }
0x1fb: {  	s31 =	simm.s32 $0x19800  }
0x1fc: {  	[tilespmem:s31], [sflag:$0x1] =	stream.indirect_vreg.gather [hbm4b:s4+s2], $0x80, v3, vm0, $0xb8;
	[tilespmem:$0x1F000] =	vst v63  }
.LBB2_8:
0x1fd: {  	_ =	swait.ge [sflag:s23], $0x2800  }
0x1fe: {  	[sflag:s23] =	ssyncset.done $0x0  }
0x1ff: {  	[sflag:s23] =	ssyncadd.s32 $0xFFFFD800  }
0x200: {  	_ =	swait.ge [sflag:s23], $0x2800  }
0x201: {  	s29 =	simm.s32 $0xFFFFFFFE;
	[sflag:s23] =	ssyncset.done $0x0  }
0x202: {  	s30 =	simm.s32 $0x0;
	s0 =	simm.s32 $0x0;
	[sflag:s23] =	ssyncadd.s32 $0xFFFFD800  }
.LBB2_9:
0x203: {  	s11 =	sand.u32 $0x3800, s30  }
0x204: {  	s10 =	sand.u32 $0x300, s0;
	s1 =	sadd.s32 $0x5000, s11  }
0x205: {  	s12 =	sor.u32 s10, s1  }
0x206: {  	v3 =	vld [tilespmem:s12+$0x10000]  }
0x207: {  	v4 =	vld [tilespmem:s12+$0x17800]  }
0x208: {  	v5 =	vld [tilespmem:s12+$0x10010]  }
0x209: {  	v6 =	vld [tilespmem:s12+$0x17810]  }
0x20a: {  	v7 =	vld [tilespmem:s12+$0x10020]  }
0x20b: {  	v8 =	vld [tilespmem:s12+$0x17820]  }
0x20c: {  	v9 =	vld [tilespmem:s12+$0x10030]  }
0x20d: {  	v10 =	vld [tilespmem:s12+$0x17830]  }
0x20e: {  	v11 =	vld [tilespmem:s12+$0x10040]  }
0x20f: {  	v12 =	vld [tilespmem:s12+$0x17840]  }
0x210: {  	v13 =	vld [tilespmem:s12+$0x10050]  }
0x211: {  	v14 =	vld [tilespmem:s12+$0x17850]  }
0x212: {  	v15 =	vld [tilespmem:s12+$0x10060]  }
0x213: {  	v56 =	vld [tilespmem:s12+$0x10070];
	v3 =	vadd.f32 v4, v3  }
0x214: {  	v57 =	vld [tilespmem:s12+$0x17870];
	v5 =	vadd.f32 v6, v5  }
0x215: {  	v55 =	vld [tilespmem:s12+$0x17860];
	[tilespmem:s12+$0x10000] =	vst v3;
	v3 =	vadd.f32 v8, v7  }
0x216: {  	v58 =	vadd.f32 v10, v9;
	[tilespmem:s12+$0x10010] =	vst v5  }
0x217: {  	[tilespmem:s12+$0x10020] =	vst v3;
	v3 =	vadd.f32 v12, v11  }
0x218: {  	s13 =	sadd.s32 $0x5400, s11;
	v59 =	vadd.f32 v14, v13;
	[tilespmem:s12+$0x10030] =	vst v58  }
0x219: {  	s11 =	sor.u32 s10, s13;
	v60 =	vadd.f32 v57, v56;
	[tilespmem:s12+$0x10040] =	vst v3  }
0x21a: {  	[tilespmem:s12+$0x10050] =	vst v59;
	v3 =	vadd.f32 v55, v15;
	v61 =	vld [tilespmem:s11+$0x10010]  }
0x21b: {  	[tilespmem:s12+$0x10070] =	vst v60;
	v63 =	vld [tilespmem:s11+$0x10020]  }
0x21c: {  	[tilespmem:s12+$0x10060] =	vst v3;
	v3 =	vld [tilespmem:s11+$0x10000]  }
0x21d: {  	v4 =	vld [tilespmem:s11+$0x17800]  }
0x21e: {  	v62 =	vld [tilespmem:s11+$0x17810]  }
0x21f: {  	v18 =	vld [tilespmem:s11+$0x17820]  }
0x220: {  	v19 =	vld [tilespmem:s11+$0x10030]  }
0x221: {  	v20 =	vld [tilespmem:s11+$0x17830]  }
0x222: {  	v21 =	vld [tilespmem:s11+$0x10040]  }
0x223: {  	v22 =	vld [tilespmem:s11+$0x10050]  }
0x224: {  	v23 =	vld [tilespmem:s11+$0x17850]  }
0x225: {  	v24 =	vld [tilespmem:s11+$0x10060]  }
0x226: {  	v25 =	vld [tilespmem:s11+$0x17860]  }
0x227: {  	v26 =	vld [tilespmem:s11+$0x10070];
	v3 =	vadd.f32 v4, v3  }
0x228: {  	v28 =	vld [tilespmem:s11+$0x17840];
	v5 =	vadd.f32 v62, v61  }
0x229: {  	v27 =	vld [tilespmem:s11+$0x17870];
	v29 =	vadd.f32 v20, v19;
	[tilespmem:s11+$0x10000] =	vst v3  }
0x22a: {  	v3 =	vadd.f32 v18, v63;
	[tilespmem:s11+$0x10010] =	vst v5  }
0x22b: {  	v30 =	vadd.f32 v25, v24;
	[tilespmem:s11+$0x10030] =	vst v29  }
0x22c: {  	[tilespmem:s11+$0x10020] =	vst v3;
	v3 =	vadd.f32 v23, v22  }
0x22d: {  	v31 =	vadd.f32 v28, v21;
	[tilespmem:s11+$0x10060] =	vst v30  }
0x22e: {  	s10 =	sor.u32 $0x80, s10;
	[tilespmem:s11+$0x10050] =	vst v3;
	v3 =	vadd.f32 v27, v26  }
0x22f: {  	s1 =	sor.u32 s10, s1;
	[tilespmem:s11+$0x10040] =	vst v31  }
0x230: {  	v35 =	vld [tilespmem:s1+$0x10030];
	[tilespmem:s11+$0x10070] =	vst v3  }
0x231: {  	v3 =	vld [tilespmem:s1+$0x10000]  }
0x232: {  	v4 =	vld [tilespmem:s1+$0x17800]  }
0x233: {  	v5 =	vld [tilespmem:s1+$0x10010]  }
0x234: {  	v32 =	vld [tilespmem:s1+$0x17810]  }
0x235: {  	v33 =	vld [tilespmem:s1+$0x10020]  }
0x236: {  	v34 =	vld [tilespmem:s1+$0x17820]  }
0x237: {  	v36 =	vld [tilespmem:s1+$0x17830]  }
0x238: {  	v37 =	vld [tilespmem:s1+$0x10040]  }
0x239: {  	v38 =	vld [tilespmem:s1+$0x10050]  }
0x23a: {  	v39 =	vld [tilespmem:s1+$0x17850]  }
0x23b: {  	v40 =	vld [tilespmem:s1+$0x10060]  }
0x23c: {  	v41 =	vld [tilespmem:s1+$0x17860]  }
0x23d: {  	v42 =	vld [tilespmem:s1+$0x10070];
	v3 =	vadd.f32 v4, v3  }
0x23e: {  	v44 =	vld [tilespmem:s1+$0x17840];
	v5 =	vadd.f32 v32, v5  }
0x23f: {  	v43 =	vld [tilespmem:s1+$0x17870];
	v45 =	vadd.f32 v36, v35;
	[tilespmem:s1+$0x10000] =	vst v3  }
0x240: {  	v3 =	vadd.f32 v34, v33;
	[tilespmem:s1+$0x10010] =	vst v5  }
0x241: {  	v46 =	vadd.f32 v41, v40;
	[tilespmem:s1+$0x10030] =	vst v45  }
0x242: {  	[tilespmem:s1+$0x10020] =	vst v3;
	v3 =	vadd.f32 v39, v38  }
0x243: {  	v47 =	vadd.f32 v44, v37;
	[tilespmem:s1+$0x10060] =	vst v46  }
0x244: {  	[tilespmem:s1+$0x10050] =	vst v3;
	v3 =	vadd.f32 v43, v42  }
0x245: {  	s10 =	sor.u32 s10, s13;
	[tilespmem:s1+$0x10040] =	vst v47  }
0x246: {  	v51 =	vld [tilespmem:s10+$0x10030];
	[tilespmem:s1+$0x10070] =	vst v3  }
0x247: {  	v3 =	vld [tilespmem:s10+$0x10000]  }
0x248: {  	v4 =	vld [tilespmem:s10+$0x17800]  }
0x249: {  	v5 =	vld [tilespmem:s10+$0x10010]  }
0x24a: {  	v48 =	vld [tilespmem:s10+$0x17810]  }
0x24b: {  	v49 =	vld [tilespmem:s10+$0x10020]  }
0x24c: {  	v50 =	vld [tilespmem:s10+$0x17820]  }
0x24d: {  	v52 =	vld [tilespmem:s10+$0x17830]  }
0x24e: {  	v53 =	vld [tilespmem:s10+$0x10040]  }
0x24f: {  	v54 =	vld [tilespmem:s10+$0x17840]  }
0x250: {  	v55 =	vld [tilespmem:s10+$0x10050]  }
0x251: {  	v56 =	vld [tilespmem:s10+$0x17850]  }
0x252: {  	v57 =	vld [tilespmem:s10+$0x10060]  }
0x253: {  	v59 =	vld [tilespmem:s10+$0x10070];
	v3 =	vadd.f32 v4, v3  }
0x254: {  	v60 =	vld [tilespmem:s10+$0x17870];
	v5 =	vadd.f32 v48, v5  }
0x255: {  	v58 =	vld [tilespmem:s10+$0x17860];
	v61 =	vadd.f32 v52, v51;
	[tilespmem:s10+$0x10000] =	vst v3  }
0x256: {  	s29 =	sadd.s32 $0x2, s29;
	v3 =	vadd.f32 v50, v49;
	[tilespmem:s10+$0x10010] =	vst v5  }
0x257: {  	p1 =	slt.u32 s29, $0x26;
	v62 =	vadd.f32 v56, v55;
	[tilespmem:s10+$0x10030] =	vst v61  }
.Ltmp3:
0x258: {  	[tilespmem:s10+$0x10020] =	vst v3;
	v3 =	vadd.f32 v54, v53;
	(pc) =	sbr.rel @p1 .LBB2_9-.Ltmp3, $4  }
0x259: {  	v63 =	vadd.f32 v60, v59;
	[tilespmem:s10+$0x10050] =	vst v62  }
0x25a: {  	[tilespmem:s10+$0x10040] =	vst v3;
	v3 =	vadd.f32 v58, v57  }
0x25b: {  	[tilespmem:s10+$0x10070] =	vst v63  }
0x25c: {  	s0 =	sadd.s32 $0x100, s0;
	s30 =	sadd.s32 $0x200, s30;
	[tilespmem:s10+$0x10060] =	vst v3  }
0x25d: {  	s0 =	smul.u32 $0x28, s28;
	_ =	sdelay $0x1  }
0x25e: {  	s0 =	sadd.s32 s6, s0  }
0x25f: {  	s0 =	sshll.u32 s0, $0x5  }
.Ltmp4:
0x260: {  	s0 =	sadd.s32 s5, s0;
	(pc) =	sbr.rel @p0 .LBB2_12-.Ltmp4, $4  }
0x261: {  	[hbm4b:s0+s2] =	stream.linear.scatter [tilespmem:s8], [sflag:$0x6], $0x2800, $0x38;
	[tilespmem:$0x1F000] =	vst v63  }
0x262: {  	_ =	swait.ge [sflag:s25], $0x2800  }
0x263: {  	[sflag:s25] =	ssyncset.done $0x0  }
0x264: {  	[sflag:s25] =	ssyncadd.s32 $0xFFFFD800  }
0x265: {  	s0 =	smul.u32 $0x180, s26;
	_ =	sdelay $0x1  }
0x266: {  	v3 =	vld [tilespmem:s0+$0x200];
	_ =	sdelay $0x4  }
0x267: {  	v4 =	vshll.u32 v3, $0x1  }
0x268: {  	v3 =	vand.u32 $0x7, v3;
	v4 =	vand.u32 $0xFFFFFFF0, v4  }
0x269: {  	v3 =	vor.u32 v3, v4  }
0x26a: {  	v4 =	vperm.xlane v3, v0;
	_ =	sdelay $0x1  }
0x26b: {  	v3 =	vperm.xlane v3, v2;
	v4 =	vadd.s32 v1, v4;
	_ =	sdelay $0x1  }
0x26c: {  	v3 =	vadd.s32 v1, v3;
	_ =	sdelay $0x2  }
0x26d: {  	[tilespmem:s24], [sflag:$0x2] =	stream.indirect_vreg.gather [hbm4b:s3+s2], $0x80, v4, vm0, $0xb8;
	[tilespmem:$0x1F000] =	vst v63  }
0x26e: {  	s1 =	simm.s32 $0x13000  }
0x26f: {  	[tilespmem:s1], [sflag:$0x2] =	stream.indirect_vreg.gather [hbm4b:s3+s2], $0x80, v3, vm0, $0xb8;
	[tilespmem:$0x1F000] =	vst v63  }
0x270: {  	v3 =	vld [tilespmem:s0+$0x210];
	_ =	sdelay $0x4  }
0x271: {  	v59 =	vshll.u32 v3, $0x1  }
0x272: {  	v3 =	vand.u32 $0x7, v3;
	v4 =	vand.u32 $0xFFFFFFF0, v59  }
0x273: {  	v3 =	vor.u32 v3, v4  }
0x274: {  	v4 =	vperm.xlane v3, v0;
	_ =	sdelay $0x1  }
0x275: {  	v3 =	vperm.xlane v3, v2;
	v4 =	vadd.s32 v1, v4;
	_ =	sdelay $0x1  }
0x276: {  	v3 =	vadd.s32 v1, v3;
	_ =	sdelay $0x1  }
0x277: {  	s10 =	simm.s32 $0x13800  }
0x278: {  	[tilespmem:s10], [sflag:$0x2] =	stream.indirect_vreg.gather [hbm4b:s3+s2], $0x80, v4, vm0, $0xb8;
	[tilespmem:$0x1F000] =	vst v63  }
0x279: {  	s11 =	simm.s32 $0x14000  }
0x27a: {  	[tilespmem:s11], [sflag:$0x2] =	stream.indirect_vreg.gather [hbm4b:s3+s2], $0x80, v3, vm0, $0xb8;
	[tilespmem:$0x1F000] =	vst v63  }
0x27b: {  	v3 =	vld.msk [tilespmem:s0+$0x220], $0xff;
	_ =	sdelay $0x4  }
0x27c: {  	v60 =	vshll.u32 v3, $0x1  }
0x27d: {  	v3 =	vand.u32 $0x7, v3;
	v4 =	vand.u32 $0xFFFFFFF0, v60  }
0x27e: {  	v3 =	vor.u32 v3, v4  }
0x27f: {  	v3 =	vperm.xlane v3, v0;
	_ =	sdelay $0x1  }
0x280: {  	v3 =	vadd.s32 v1, v3;
	_ =	sdelay $0x3  }
0x281: {  	s12 =	simm.s32 $0x14800  }
0x282: {  	[tilespmem:s12], [sflag:$0x2] =	stream.indirect_vreg.gather [hbm4b:s3+s2], $0x80, v3, vm0, $0xb8;
	[tilespmem:$0x1F000] =	vst v63  }
0x283: {  	v3 =	vld [tilespmem:s0+$0x8200];
	_ =	sdelay $0x4  }
0x284: {  	v61 =	vshll.u32 v3, $0x1  }
0x285: {  	v3 =	vand.u32 $0x7, v3;
	v4 =	vand.u32 $0xFFFFFFF0, v61  }
0x286: {  	v3 =	vor.u32 v3, v4  }
0x287: {  	v4 =	vperm.xlane v3, v0;
	_ =	sdelay $0x1  }
0x288: {  	v3 =	vperm.xlane v3, v2;
	v4 =	vadd.s32 v1, v4;
	_ =	sdelay $0x1  }
0x289: {  	v3 =	vadd.s32 v1, v3;
	_ =	sdelay $0x1  }
0x28a: {  	s13 =	simm.s32 $0x1A000  }
0x28b: {  	[tilespmem:s13], [sflag:$0x2] =	stream.indirect_vreg.gather [hbm4b:s4+s2], $0x80, v4, vm0, $0xb8;
	[tilespmem:$0x1F000] =	vst v63  }
0x28c: {  	s28 =	simm.s32 $0x1A800  }
0x28d: {  	[tilespmem:s28], [sflag:$0x2] =	stream.indirect_vreg.gather [hbm4b:s4+s2], $0x80, v3, vm0, $0xb8;
	[tilespmem:$0x1F000] =	vst v63  }
0x28e: {  	v3 =	vld [tilespmem:s0+$0x8210];
	_ =	sdelay $0x4  }
0x28f: {  	v62 =	vshll.u32 v3, $0x1  }
0x290: {  	v3 =	vand.u32 $0x7, v3;
	v4 =	vand.u32 $0xFFFFFFF0, v62  }
0x291: {  	v3 =	vor.u32 v3, v4  }
0x292: {  	v4 =	vperm.xlane v3, v0;
	_ =	sdelay $0x1  }
0x293: {  	v3 =	vperm.xlane v3, v2;
	v4 =	vadd.s32 v1, v4;
	_ =	sdelay $0x1  }
0x294: {  	v3 =	vadd.s32 v1, v3;
	_ =	sdelay $0x1  }
0x295: {  	s29 =	simm.s32 $0x1B000  }
0x296: {  	[tilespmem:s29], [sflag:$0x2] =	stream.indirect_vreg.gather [hbm4b:s4+s2], $0x80, v4, vm0, $0xb8;
	[tilespmem:$0x1F000] =	vst v63  }
0x297: {  	s30 =	simm.s32 $0x1B800  }
0x298: {  	[tilespmem:s30], [sflag:$0x2] =	stream.indirect_vreg.gather [hbm4b:s4+s2], $0x80, v3, vm0, $0xb8;
	[tilespmem:$0x1F000] =	vst v63  }
0x299: {  	v3 =	vld.msk [tilespmem:s0+$0x8220], $0xff;
	_ =	sdelay $0x4  }
0x29a: {  	v63 =	vshll.u32 v3, $0x1  }
0x29b: {  	v3 =	vand.u32 $0x7, v3;
	v4 =	vand.u32 $0xFFFFFFF0, v63  }
0x29c: {  	v3 =	vor.u32 v3, v4  }
0x29d: {  	v3 =	vperm.xlane v3, v0;
	_ =	sdelay $0x1  }
0x29e: {  	v3 =	vadd.s32 v1, v3  }
.Ltmp5:
0x29f: {  	_ = 	snop;
	(pc) =	sbr.rel .LBB2_2-.Ltmp5, $3  }
0x2a0: {  	_ =	sdelay $0x1  }
0x2a1: {  	s31 =	simm.s32 $0x1C000;
	s26 =	sadd.s32 $0x1, s26  }
0x2a2: {  	[tilespmem:s31], [sflag:$0x2] =	stream.indirect_vreg.gather [hbm4b:s4+s2], $0x80, v3, vm0, $0xb8;
	[tilespmem:$0x1F000] =	vst v63  }
.LBB2_12:
0x2a3: {  	s0 =	simm.s32 $0x6  }
0x2a4: {  	_ =	swait.ge [sflag:s0], $0x2800  }
0x2a5: {  	[sflag:s0] =	ssyncset.done $0x0  }
0x2a6: {  	[sflag:s0] =	ssyncadd.s32 $0xFFFFD800  }
0x2a7: {  	v3 =	vld [tilespmem:$0x7C80];
	_ =	sdelay $0x4  }
0x2a8: {  	v4 =	vshll.u32 v3, $0x1  }
0x2a9: {  	v3 =	vand.u32 $0x7, v3;
	v4 =	vand.u32 $0xFFFFFFF0, v4  }
0x2aa: {  	v3 =	vor.u32 v3, v4  }
0x2ab: {  	v4 =	vperm.xlane v3, v0;
	_ =	sdelay $0x1  }
0x2ac: {  	v3 =	vperm.xlane v3, v2;
	v4 =	vadd.s32 v1, v4;
	_ =	sdelay $0x1  }
0x2ad: {  	v3 =	vadd.s32 v1, v3;
	_ =	sdelay $0x1  }
0x2ae: {  	s0 =	simm.s32 $0x0  }
0x2af: {  	[tilespmem:s14], [sflag:$0x1] =	stream.indirect_vreg.gather [hbm4b:s3+s0], $0x80, v4, vm0, $0xb8;
	[tilespmem:$0x1F000] =	vst v63  }
0x2b0: {  	s1 =	simm.s32 $0x10800  }
0x2b1: {  	[tilespmem:s1], [sflag:$0x1] =	stream.indirect_vreg.gather [hbm4b:s3+s0], $0x80, v3, vm0, $0xb8;
	[tilespmem:$0x1F000] =	vst v63  }
0x2b2: {  	v3 =	vld [tilespmem:$0x7C90];
	_ =	sdelay $0x4  }
0x2b3: {  	v4 =	vshll.u32 v3, $0x1  }
0x2b4: {  	v3 =	vand.u32 $0x7, v3;
	v4 =	vand.u32 $0xFFFFFFF0, v4  }
0x2b5: {  	v3 =	vor.u32 v3, v4  }
0x2b6: {  	v4 =	vperm.xlane v3, v0;
	_ =	sdelay $0x1  }
0x2b7: {  	v3 =	vperm.xlane v3, v2;
	v4 =	vadd.s32 v1, v4;
	_ =	sdelay $0x1  }
0x2b8: {  	v3 =	vadd.s32 v1, v3;
	_ =	sdelay $0x1  }
0x2b9: {  	s13 =	simm.s32 $0x11000  }
0x2ba: {  	[tilespmem:s13], [sflag:$0x1] =	stream.indirect_vreg.gather [hbm4b:s3+s0], $0x80, v4, vm0, $0xb8;
	[tilespmem:$0x1F000] =	vst v63  }
0x2bb: {  	s26 =	simm.s32 $0x11800  }
0x2bc: {  	[tilespmem:s26], [sflag:$0x1] =	stream.indirect_vreg.gather [hbm4b:s3+s0], $0x80, v3, vm0, $0xb8;
	[tilespmem:$0x1F000] =	vst v63  }
0x2bd: {  	v3 =	vld.msk [tilespmem:$0x7CA0], $0xff;
	_ =	sdelay $0x4  }
0x2be: {  	v4 =	vshll.u32 v3, $0x1  }
0x2bf: {  	v3 =	vand.u32 $0x7, v3;
	v4 =	vand.u32 $0xFFFFFFF0, v4  }
0x2c0: {  	v3 =	vor.u32 v3, v4  }
0x2c1: {  	v3 =	vperm.xlane v3, v0;
	_ =	sdelay $0x1  }
0x2c2: {  	v3 =	vadd.s32 v1, v3;
	_ =	sdelay $0x3  }
0x2c3: {  	s31 =	simm.s32 $0x12000  }
0x2c4: {  	[tilespmem:s31], [sflag:$0x1] =	stream.indirect_vreg.gather [hbm4b:s3+s0], $0x80, v3, vm0, $0xb8;
	[tilespmem:$0x1F000] =	vst v63  }
0x2c5: {  	v3 =	vld [tilespmem:$0xFC80];
	_ =	sdelay $0x4  }
0x2c6: {  	v4 =	vshll.u32 v3, $0x1  }
0x2c7: {  	v3 =	vand.u32 $0x7, v3;
	v4 =	vand.u32 $0xFFFFFFF0, v4  }
0x2c8: {  	v3 =	vor.u32 v3, v4  }
0x2c9: {  	v4 =	vperm.xlane v3, v0;
	_ =	sdelay $0x1  }
0x2ca: {  	v3 =	vperm.xlane v3, v2;
	v4 =	vadd.s32 v1, v4;
	_ =	sdelay $0x1  }
0x2cb: {  	v3 =	vadd.s32 v1, v3;
	_ =	sdelay $0x1  }
0x2cc: {  	s10 =	simm.s32 $0x17800  }
0x2cd: {  	[tilespmem:s10], [sflag:$0x1] =	stream.indirect_vreg.gather [hbm4b:s4+s0], $0x80, v4, vm0, $0xb8;
	[tilespmem:$0x1F000] =	vst v63  }
0x2ce: {  	s11 =	simm.s32 $0x18000  }
0x2cf: {  	[tilespmem:s11], [sflag:$0x1] =	stream.indirect_vreg.gather [hbm4b:s4+s0], $0x80, v3, vm0, $0xb8;
	[tilespmem:$0x1F000] =	vst v63  }
0x2d0: {  	v3 =	vld [tilespmem:$0xFC90];
	_ =	sdelay $0x4  }
0x2d1: {  	v4 =	vshll.u32 v3, $0x1  }
0x2d2: {  	v3 =	vand.u32 $0x7, v3;
	v4 =	vand.u32 $0xFFFFFFF0, v4  }
0x2d3: {  	v3 =	vor.u32 v3, v4  }
0x2d4: {  	v4 =	vperm.xlane v3, v0;
	_ =	sdelay $0x1  }
0x2d5: {  	v3 =	vperm.xlane v3, v2;
	v4 =	vadd.s32 v1, v4;
	_ =	sdelay $0x1  }
0x2d6: {  	v3 =	vadd.s32 v1, v3;
	_ =	sdelay $0x1  }
0x2d7: {  	s12 =	simm.s32 $0x18800  }
0x2d8: {  	[tilespmem:s12], [sflag:$0x1] =	stream.indirect_vreg.gather [hbm4b:s4+s0], $0x80, v4, vm0, $0xb8;
	[tilespmem:$0x1F000] =	vst v63  }
0x2d9: {  	s13 =	simm.s32 $0x19000  }
0x2da: {  	[tilespmem:s13], [sflag:$0x1] =	stream.indirect_vreg.gather [hbm4b:s4+s0], $0x80, v3, vm0, $0xb8;
	[tilespmem:$0x1F000] =	vst v63  }
0x2db: {  	v3 =	vld.msk [tilespmem:$0xFCA0], $0xff;
	_ =	sdelay $0x4  }
0x2dc: {  	v4 =	vshll.u32 v3, $0x1  }
0x2dd: {  	v3 =	vand.u32 $0x7, v3;
	v4 =	vand.u32 $0xFFFFFFF0, v4  }
0x2de: {  	v3 =	vor.u32 v3, v4  }
0x2df: {  	v3 =	vperm.xlane v3, v0;
	_ =	sdelay $0x1  }
0x2e0: {  	v3 =	vadd.s32 v1, v3;
	_ =	sdelay $0x3  }
0x2e1: {  	s26 =	simm.s32 $0x19800  }
0x2e2: {  	[tilespmem:s26], [sflag:$0x1] =	stream.indirect_vreg.gather [hbm4b:s4+s0], $0x80, v3, vm0, $0xb8;
	[tilespmem:$0x1F000] =	vst v63  }
0x2e3: {  	_ =	swait.ge [sflag:s7], $0x2800  }
0x2e4: {  	[sflag:s7] =	ssyncset.done $0x0  }
0x2e5: {  	[sflag:s7] =	ssyncadd.s32 $0xFFFFD800  }
0x2e6: {  	_ =	swait.ge [sflag:s7], $0x2800  }
0x2e7: {  	s31 =	sand.u32 $0x3800, s0;
	s0 =	sand.u32 $0x300, s0;
	[sflag:s7] =	ssyncset.done $0x0  }
0x2e8: {  	s26 =	sor.u32 s0, s31;
	[sflag:s7] =	ssyncadd.s32 $0xFFFFD800  }
0x2e9: {  	v9 =	vld [tilespmem:s26+$0x17800]  }
0x2ea: {  	v10 =	vld [tilespmem:s26+$0x17810]  }
0x2eb: {  	v11 =	vld [tilespmem:s26+$0x17820]  }
0x2ec: {  	v12 =	vld [tilespmem:s26+$0x17830]  }
0x2ed: {  	v13 =	vld [tilespmem:s26+$0x17840]  }
0x2ee: {  	v14 =	vld [tilespmem:s26+$0x17850]  }
0x2ef: {  	v15 =	vld [tilespmem:s26+$0x17860]  }
0x2f0: {  	v16 =	vld [tilespmem:s26+$0x17870]  }
0x2f1: {  	v17 =	vld [tilespmem:s26+$0x17C00]  }
0x2f2: {  	v18 =	vld [tilespmem:s26+$0x17C10]  }
0x2f3: {  	v19 =	vld [tilespmem:s26+$0x17C20]  }
0x2f4: {  	v20 =	vld [tilespmem:s26+$0x17C30]  }
0x2f5: {  	v21 =	vld [tilespmem:s26+$0x17C40]  }
0x2f6: {  	v22 =	vld [tilespmem:s26+$0x17C50]  }
0x2f7: {  	v23 =	vld [tilespmem:s26+$0x17C60]  }
0x2f8: {  	v24 =	vld [tilespmem:s26+$0x17C70]  }
0x2f9: {  	v25 =	vld [tilespmem:s26+$0x17880]  }
0x2fa: {  	v26 =	vld [tilespmem:s26+$0x17890]  }
0x2fb: {  	v27 =	vld [tilespmem:s26+$0x178A0]  }
0x2fc: {  	v28 =	vld [tilespmem:s26+$0x178B0]  }
0x2fd: {  	v29 =	vld [tilespmem:s26+$0x178C0]  }
0x2fe: {  	v30 =	vld [tilespmem:s26+$0x178D0]  }
0x2ff: {  	v31 =	vld [tilespmem:s26+$0x178E0]  }
0x300: {  	v32 =	vld [tilespmem:s26+$0x178F0]  }
0x301: {  	v33 =	vld [tilespmem:s26+$0x17C80]  }
0x302: {  	v34 =	vld [tilespmem:s26+$0x17C90]  }
0x303: {  	v8 =	vld [tilespmem:s26+$0x17CA0]  }
0x304: {  	v7 =	vld [tilespmem:s26+$0x17CB0]  }
0x305: {  	v6 =	vld [tilespmem:s26+$0x17CC0]  }
0x306: {  	v5 =	vld [tilespmem:s26+$0x17CD0]  }
0x307: {  	v4 =	vld [tilespmem:s26+$0x17CE0]  }
0x308: {  	v3 =	vld [tilespmem:s26+$0x17CF0]  }
0x309: {  	v35 =	vld [tilespmem:s26+$0x10000]  }
0x30a: {  	v36 =	vld [tilespmem:s26+$0x10010]  }
0x30b: {  	v37 =	vld [tilespmem:s26+$0x10020]  }
0x30c: {  	v38 =	vld [tilespmem:s26+$0x10030]  }
0x30d: {  	v39 =	vld [tilespmem:s26+$0x10040]  }
0x30e: {  	v62 =	vld [tilespmem:s26+$0x10050];
	v9 =	vadd.f32 v9, v35  }
0x30f: {  	v63 =	vld [tilespmem:s26+$0x10060];
	v10 =	vadd.f32 v10, v36  }
0x310: {  	[tilespmem:s26+$0x10000] =	vst v9;
	v9 =	vadd.f32 v11, v37;
	v11 =	vld [tilespmem:s26+$0x10070]  }
0x311: {  	[tilespmem:s26+$0x10010] =	vst v10;
	v10 =	vadd.f32 v12, v38;
	v12 =	vld [tilespmem:s26+$0x10400]  }
0x312: {  	[tilespmem:s26+$0x10020] =	vst v9;
	v9 =	vadd.f32 v13, v39;
	v13 =	vld [tilespmem:s26+$0x10410]  }
0x313: {  	[tilespmem:s26+$0x10030] =	vst v10;
	v10 =	vadd.f32 v14, v62;
	v14 =	vld [tilespmem:s26+$0x10420]  }
0x314: {  	[tilespmem:s26+$0x10040] =	vst v9;
	v9 =	vadd.f32 v15, v63;
	v15 =	vld [tilespmem:s26+$0x10430]  }
0x315: {  	[tilespmem:s26+$0x10050] =	vst v10;
	v10 =	vadd.f32 v16, v11;
	v11 =	vld [tilespmem:s26+$0x10440]  }
0x316: {  	[tilespmem:s26+$0x10060] =	vst v9;
	v9 =	vadd.f32 v17, v12;
	v12 =	vld [tilespmem:s26+$0x10450]  }
0x317: {  	[tilespmem:s26+$0x10070] =	vst v10;
	v10 =	vadd.f32 v18, v13;
	v13 =	vld [tilespmem:s26+$0x10460]  }
0x318: {  	[tilespmem:s26+$0x10400] =	vst v9;
	v9 =	vadd.f32 v19, v14;
	v14 =	vld [tilespmem:s26+$0x10470]  }
0x319: {  	[tilespmem:s26+$0x10410] =	vst v10;
	v10 =	vadd.f32 v20, v15;
	v15 =	vld [tilespmem:s26+$0x10080]  }
0x31a: {  	[tilespmem:s26+$0x10420] =	vst v9;
	v9 =	vadd.f32 v21, v11;
	v11 =	vld [tilespmem:s26+$0x10090]  }
0x31b: {  	[tilespmem:s26+$0x10430] =	vst v10;
	v10 =	vadd.f32 v22, v12;
	v12 =	vld [tilespmem:s26+$0x100A0]  }
0x31c: {  	[tilespmem:s26+$0x10440] =	vst v9;
	v9 =	vadd.f32 v23, v13;
	v13 =	vld [tilespmem:s26+$0x100B0]  }
0x31d: {  	[tilespmem:s26+$0x10450] =	vst v10;
	v10 =	vadd.f32 v24, v14;
	v14 =	vld [tilespmem:s26+$0x100C0]  }
0x31e: {  	[tilespmem:s26+$0x10460] =	vst v9;
	v9 =	vadd.f32 v25, v15;
	v15 =	vld [tilespmem:s26+$0x100D0]  }
0x31f: {  	[tilespmem:s26+$0x10470] =	vst v10;
	v10 =	vadd.f32 v26, v11;
	v11 =	vld [tilespmem:s26+$0x100E0]  }
0x320: {  	[tilespmem:s26+$0x10080] =	vst v9;
	v9 =	vadd.f32 v27, v12;
	v12 =	vld [tilespmem:s26+$0x100F0]  }
0x321: {  	[tilespmem:s26+$0x10090] =	vst v10;
	v10 =	vadd.f32 v28, v13;
	v13 =	vld [tilespmem:s26+$0x10480]  }
0x322: {  	v16 =	vld [tilespmem:s26+$0x10490];
	[tilespmem:s26+$0x100A0] =	vst v9;
	v9 =	vadd.f32 v29, v14  }
0x323: {  	[tilespmem:s26+$0x100B0] =	vst v10;
	v14 =	vadd.f32 v30, v15;
	v10 =	vld [tilespmem:s26+$0x104A0]  }
0x324: {  	[tilespmem:s26+$0x100C0] =	vst v9;
	v15 =	vadd.f32 v31, v11;
	v9 =	vld [tilespmem:s26+$0x104B0]  }
0x325: {  	v11 =	vld [tilespmem:s26+$0x104C0];
	[tilespmem:s26+$0x100D0] =	vst v14;
	v17 =	vadd.f32 v32, v12  }
0x326: {  	v12 =	vld [tilespmem:s26+$0x104D0];
	[tilespmem:s26+$0x100E0] =	vst v15;
	v14 =	vadd.f32 v33, v13  }
0x327: {  	s28 =	simm.s32 $0x0;
	s29 =	simm.s32 $0x100;
	s30 =	simm.s32 $0x200;
	v15 =	vadd.f32 v34, v16;
	v13 =	vld [tilespmem:s26+$0x104E0];
	[tilespmem:s26+$0x100F0] =	vst v17  }
.LBB2_13:
0x328: {  	s0 =	sand.u32 $0x3800, s30;
	s1 =	sand.u32 $0x300, s29;
	[tilespmem:s26+$0x10480] =	vst v14;
	v8 =	vadd.f32 v8, v10;
	v10 =	vld [tilespmem:s26+$0x104F0]  }
0x329: {  	s0 =	sor.u32 s1, s0;
	[tilespmem:s26+$0x10490] =	vst v15;
	v7 =	vadd.f32 v7, v9  }
0x32a: {  	v9 =	vld [tilespmem:s0+$0x17800];
	[tilespmem:s26+$0x104A0] =	vst v8;
	v6 =	vadd.f32 v6, v11  }
0x32b: {  	v11 =	vld [tilespmem:s0+$0x17810];
	[tilespmem:s26+$0x104B0] =	vst v7;
	v5 =	vadd.f32 v5, v12  }
0x32c: {  	v12 =	vld [tilespmem:s0+$0x17820];
	[tilespmem:s26+$0x104C0] =	vst v6;
	v4 =	vadd.f32 v4, v13  }
0x32d: {  	v13 =	vld [tilespmem:s0+$0x17830];
	[tilespmem:s26+$0x104D0] =	vst v5;
	v3 =	vadd.f32 v3, v10  }
0x32e: {  	v10 =	vld [tilespmem:s0+$0x17840];
	[tilespmem:s26+$0x104E0] =	vst v4  }
0x32f: {  	v14 =	vld [tilespmem:s0+$0x17850];
	[tilespmem:s26+$0x104F0] =	vst v3;
	s26 =	smov.u32 s0  }
0x330: {  	v15 =	vld [tilespmem:s26+$0x17860]  }
0x331: {  	v16 =	vld [tilespmem:s26+$0x17870]  }
0x332: {  	v17 =	vld [tilespmem:s26+$0x17C00]  }
0x333: {  	v18 =	vld [tilespmem:s26+$0x17C10]  }
0x334: {  	v19 =	vld [tilespmem:s26+$0x17C20]  }
0x335: {  	v20 =	vld [tilespmem:s26+$0x17C30]  }
0x336: {  	v21 =	vld [tilespmem:s26+$0x17C40]  }
0x337: {  	v22 =	vld [tilespmem:s26+$0x17C50]  }
0x338: {  	v23 =	vld [tilespmem:s26+$0x17C60]  }
0x339: {  	v24 =	vld [tilespmem:s26+$0x17C70]  }
0x33a: {  	v25 =	vld [tilespmem:s26+$0x17880]  }
0x33b: {  	v26 =	vld [tilespmem:s26+$0x17890]  }
0x33c: {  	v27 =	vld [tilespmem:s26+$0x178A0]  }
0x33d: {  	v28 =	vld [tilespmem:s26+$0x178B0]  }
0x33e: {  	v29 =	vld [tilespmem:s26+$0x178C0]  }
0x33f: {  	v30 =	vld [tilespmem:s26+$0x178D0]  }
0x340: {  	v31 =	vld [tilespmem:s26+$0x178E0]  }
0x341: {  	v32 =	vld [tilespmem:s26+$0x178F0]  }
0x342: {  	v33 =	vld [tilespmem:s26+$0x17C80]  }
0x343: {  	v34 =	vld [tilespmem:s26+$0x17C90]  }
0x344: {  	v8 =	vld [tilespmem:s26+$0x17CA0]  }
0x345: {  	v7 =	vld [tilespmem:s26+$0x17CB0]  }
0x346: {  	v6 =	vld [tilespmem:s26+$0x17CC0]  }
0x347: {  	v5 =	vld [tilespmem:s26+$0x17CD0]  }
0x348: {  	v4 =	vld [tilespmem:s26+$0x17CE0]  }
0x349: {  	v3 =	vld [tilespmem:s26+$0x17CF0]  }
0x34a: {  	v35 =	vld [tilespmem:s26+$0x10000]  }
0x34b: {  	v36 =	vld [tilespmem:s26+$0x10010]  }
0x34c: {  	v37 =	vld [tilespmem:s26+$0x10020]  }
0x34d: {  	v38 =	vld [tilespmem:s26+$0x10030]  }
0x34e: {  	v39 =	vld [tilespmem:s26+$0x10040]  }
0x34f: {  	v9 =	vadd.f32 v9, v35;
	v35 =	vld [tilespmem:s26+$0x10050]  }
0x350: {  	v11 =	vadd.f32 v11, v36;
	v36 =	vld [tilespmem:s26+$0x10060]  }
0x351: {  	[tilespmem:s26+$0x10000] =	vst v9;
	v9 =	vadd.f32 v12, v37;
	v12 =	vld [tilespmem:s26+$0x10070]  }
0x352: {  	[tilespmem:s26+$0x10010] =	vst v11;
	v11 =	vadd.f32 v13, v38;
	v13 =	vld [tilespmem:s26+$0x10400]  }
0x353: {  	[tilespmem:s26+$0x10020] =	vst v9;
	v9 =	vadd.f32 v10, v39;
	v10 =	vld [tilespmem:s26+$0x10410]  }
0x354: {  	[tilespmem:s26+$0x10030] =	vst v11;
	v11 =	vadd.f32 v14, v35;
	v14 =	vld [tilespmem:s26+$0x10420]  }
0x355: {  	[tilespmem:s26+$0x10040] =	vst v9;
	v9 =	vadd.f32 v15, v36;
	v15 =	vld [tilespmem:s26+$0x10430]  }
0x356: {  	[tilespmem:s26+$0x10050] =	vst v11;
	v11 =	vadd.f32 v16, v12;
	v12 =	vld [tilespmem:s26+$0x10440]  }
0x357: {  	[tilespmem:s26+$0x10060] =	vst v9;
	v9 =	vadd.f32 v17, v13;
	v13 =	vld [tilespmem:s26+$0x10450]  }
0x358: {  	[tilespmem:s26+$0x10070] =	vst v11;
	v10 =	vadd.f32 v18, v10;
	v11 =	vld [tilespmem:s26+$0x10460]  }
0x359: {  	[tilespmem:s26+$0x10400] =	vst v9;
	v9 =	vadd.f32 v19, v14;
	v14 =	vld [tilespmem:s26+$0x10470]  }
0x35a: {  	[tilespmem:s26+$0x10410] =	vst v10;
	v10 =	vadd.f32 v20, v15;
	v15 =	vld [tilespmem:s26+$0x10080]  }
0x35b: {  	[tilespmem:s26+$0x10420] =	vst v9;
	v9 =	vadd.f32 v21, v12;
	v12 =	vld [tilespmem:s26+$0x10090]  }
0x35c: {  	[tilespmem:s26+$0x10430] =	vst v10;
	v10 =	vadd.f32 v22, v13;
	v13 =	vld [tilespmem:s26+$0x100A0]  }
0x35d: {  	[tilespmem:s26+$0x10440] =	vst v9;
	v9 =	vadd.f32 v23, v11;
	v11 =	vld [tilespmem:s26+$0x100B0]  }
0x35e: {  	[tilespmem:s26+$0x10450] =	vst v10;
	v10 =	vadd.f32 v24, v14;
	v14 =	vld [tilespmem:s26+$0x100C0]  }
0x35f: {  	[tilespmem:s26+$0x10460] =	vst v9;
	v9 =	vadd.f32 v25, v15;
	v15 =	vld [tilespmem:s26+$0x100D0]  }
0x360: {  	[tilespmem:s26+$0x10470] =	vst v10;
	v10 =	vadd.f32 v26, v12;
	v12 =	vld [tilespmem:s26+$0x100E0]  }
0x361: {  	[tilespmem:s26+$0x10080] =	vst v9;
	v9 =	vadd.f32 v27, v13;
	v13 =	vld [tilespmem:s26+$0x100F0]  }
0x362: {  	s28 =	sadd.s32 $0x2, s28;
	[tilespmem:s26+$0x10090] =	vst v10;
	v10 =	vadd.f32 v28, v11;
	v16 =	vld [tilespmem:s26+$0x10480]  }
0x363: {  	p0 =	slt.u32 s28, $0x26;
	[tilespmem:s26+$0x100A0] =	vst v9;
	v9 =	vadd.f32 v29, v14;
	v17 =	vld [tilespmem:s26+$0x10490]  }
.Ltmp6:
0x364: {  	[tilespmem:s26+$0x100B0] =	vst v10;
	v11 =	vadd.f32 v30, v15;
	v10 =	vld [tilespmem:s26+$0x104A0];
	(pc) =	sbr.rel @p0 .LBB2_13-.Ltmp6, $4  }
0x365: {  	[tilespmem:s26+$0x100C0] =	vst v9;
	v12 =	vadd.f32 v31, v12;
	v9 =	vld [tilespmem:s26+$0x104B0]  }
0x366: {  	[tilespmem:s26+$0x100D0] =	vst v11;
	v13 =	vadd.f32 v32, v13;
	v11 =	vld [tilespmem:s26+$0x104C0]  }
0x367: {  	[tilespmem:s26+$0x100E0] =	vst v12;
	v14 =	vadd.f32 v33, v16;
	v12 =	vld [tilespmem:s26+$0x104D0]  }
0x368: {  	s29 =	sadd.s32 $0x100, s29;
	s30 =	sadd.s32 $0x200, s30;
	[tilespmem:s26+$0x100F0] =	vst v13;
	v15 =	vadd.f32 v34, v17;
	v13 =	vld [tilespmem:s26+$0x104E0]  }
0x369: {  	[tilespmem:s26+$0x10480] =	vst v14;
	v8 =	vadd.f32 v8, v10;
	v63 =	vld [tilespmem:s26+$0x104F0]  }
0x36a: {  	[tilespmem:s26+$0x10490] =	vst v15;
	v7 =	vadd.f32 v7, v9  }
0x36b: {  	[tilespmem:s26+$0x104A0] =	vst v8;
	v6 =	vadd.f32 v6, v11  }
0x36c: {  	[tilespmem:s26+$0x104B0] =	vst v7;
	v5 =	vadd.f32 v5, v12  }
0x36d: {  	[tilespmem:s26+$0x104C0] =	vst v6;
	v4 =	vadd.f32 v4, v13  }
0x36e: {  	[tilespmem:s26+$0x104D0] =	vst v5;
	v3 =	vadd.f32 v3, v63  }
0x36f: {  	[tilespmem:s26+$0x104E0] =	vst v4  }
0x370: {  	s0 =	rddreg [dreg:$0x4];
	[tilespmem:s26+$0x104F0] =	vst v3  }
0x371: {  	[hbm4b:s0+s2] =	stream.linear.scatter [tilespmem:s14], [sflag:$0x4], $0x2800, $0x38;
	[tilespmem:$0x1F000] =	vst v63  }
0x372: {  	_ =	swait.ge [sflag:s22], $0x2800  }
0x373: {  	s1 =	rddreg [dreg:$0x6]  }
0x374: {  	s31 =	rddreg [dreg:$0x5];
	s1 =	sadd.s32 $0x1, s1  }
0x375: {  	p0 =	sne.s32 s1, s31  }
.Ltmp7:
0x376: {  	_ = 	snop;
	(pc) =	sbr.rel @p0 .LBB2_1-.Ltmp7, $3  }
0x377: {  	_ =	sdelay $0x1  }
0x378: {  	[sflag:s22] =	ssyncset.done $0x0  }
0x379: {  	[sflag:s22] =	ssyncadd.s32 $0xFFFFD800  }
0x37a: {  	_ =	sfence.sel $0x180000  }
0x37b: {  	[bflag:$0x0] =	sbarrier.arrive $0xFFFF  }
0x37c: {  	_ =	strace $0x90000047  }
0x37d: {  	s0 =	stileid.u32;
	[bflag:$0x2] =	sbarrier.arrive $0xFFFF  }
0x37e: {  	p0 =	sne.s32 s0, $0x0;
	s0 =	rddreg [dreg:$0x1]  }
0x37f: {  	s0 =	sadd.s32 @!p0 $0x100000, s0  }
0x380: {  	[sflag:s0] =	ssyncadd.tile.s32 @!p0 $0x1;
	_ =	shalt  }
.Lfunc_end2:
_tile_overlayer_lowered:
.L_overlay_start_2:
0x381: {  	(tag) =	ssettag $0x2  }
0x382: {  	s0 =	rddreg [dreg:$0x0];
	s2 =	stileid.u32  }
0x383: {  	s1 =	rddreg [dreg:$0x1];
	p0 =	sne.s32 s2, $0x0  }
0x384: {  	s3 =	rddreg [dreg:$0x2];
	[bflag:$0x3] =	sbarrier.arrive $0xFFFF;
	s2 =	simm.s32 @!p0 $0x1C07  }
0x385: {  	[timem:s3], [sflag:s2] =	dma.local @!p0 [hbm:s0], s1  }
0x386: {  	s0 =	simm.s32 @!p0 $0x7  }
0x387: {  	_ =	swait.ge @!p0 [sflag:s0], s1  }
0x388: {  	s1 =	ssub.s32 @!p0 $0x0, s1;
	[sflag:s0] =	ssyncset.done @!p0 $0x0  }
0x389: {  	[sflag:s0] =	ssyncadd.s32 @!p0 s1  }
0x38a: {  	[bflag:$0x3] =	sbarrier.arrive $0xFFFF  }
0x38b: {  	_ =	shalt  }

</sc_bundles>
